<compile_context>
chip_gen: v7x
topology: tpu7x:2x2x1
jax: 0.10.2.dev20260603
libtpu: 0.0.44.dev20260713+nightly
codegen_flags: <defaults>
</compile_context>

<pallas_src>
import functools

import jax
import jax.numpy as jnp
from jax import lax
from jax.experimental import pallas as pl
from jax.experimental.pallas import tpu as pltpu
from jax.experimental.pallas import tpu_sc as plsc

N = 10000
E = 160000
D = 128
H = 256

_BF = jnp.bfloat16

_NC = 2
_NS = 16
_NW = _NC * _NS

_CH = 200
_CHS = 40
_EPW = E // _NW
_EPT = E // _NC // _NS
_NPT = 624
_NTAIL = N - _NS * _NPT


def _pack2(x):
    rb = x.astype(_BF).astype(jnp.float32)
    bu = jax.lax.bitcast_convert_type(rb, jnp.uint32)
    pk = (bu[:, 0:D] >> 16) | (bu[:, D:2 * D] & jnp.uint32(0xFFFF0000))
    return jax.lax.bitcast_convert_type(pk, jnp.int32)


def _unpk2(p):
    pu = jax.lax.bitcast_convert_type(p, jnp.uint32)
    lo = jax.lax.bitcast_convert_type(pu << 16, jnp.float32)
    hi = jax.lax.bitcast_convert_type(pu & jnp.uint32(0xFFFF0000), jnp.float32)
    return lo, hi


def _sc_gather_body(tabs_hbm, tabr_hbm, s_hbm, r_hbm, out_hbm,
                    s_all, r_all, rs0, rr0, rs1, rr1, sg0, sg1, sw0, sw1):
    wid = lax.axis_index("s") * _NC + lax.axis_index("c")
    base = wid * _EPW
    n_ch = _EPW // _CH

    pltpu.sync_copy(s_hbm.at[pl.ds(base, _EPW)], s_all)
    pltpu.sync_copy(r_hbm.at[pl.ds(base, _EPW)], r_all)

    def start_gather(j, rs, rr, sg):
        off = j * _CH
        pltpu.async_copy(tabs_hbm.at[s_all.at[pl.ds(off, _CH)]], rs, sg)
        pltpu.async_copy(tabr_hbm.at[r_all.at[pl.ds(off, _CH)]], rr, sg)

    def wait_gather(rs, rr, sg):
        pltpu.make_async_copy(tabs_hbm.at[pl.ds(0, _CH)], rs, sg).wait()
        pltpu.make_async_copy(tabr_hbm.at[pl.ds(0, _CH)], rr, sg).wait()

    def start_wb(j, rs, rr, sw):
        off = base + j * _CH
        pltpu.async_copy(rs, out_hbm.at[0, pl.ds(off, _CH)], sw)
        pltpu.async_copy(rr, out_hbm.at[1, pl.ds(off, _CH)], sw)

    def wait_wb(rs, rr, sw):
        pltpu.make_async_copy(rs, out_hbm.at[0, pl.ds(base, _CH)], sw).wait()
        pltpu.make_async_copy(rr, out_hbm.at[1, pl.ds(base, _CH)], sw).wait()

    def _iter(j, rs, rr, sg, sw, ors, orr, osg, osw):
        @pl.when(j + 1 < n_ch)
        def _():
            @pl.when(j >= 1)
            def _():
                wait_wb(ors, orr, osw)
            start_gather(j + 1, ors, orr, osg)
        wait_gather(rs, rr, sg)
        start_wb(j, rs, rr, sw)

    start_gather(0, rs0, rr0, sg0)

    def body(j, _):
        @pl.when(j % 2 == 0)
        def _():
            _iter(j, rs0, rr0, sg0, sw0, rs1, rr1, sg1, sw1)

        @pl.when(j % 2 == 1)
        def _():
            _iter(j, rs1, rr1, sg1, sw1, rs0, rr0, sg0, sw0)

        return 0

    lax.fori_loop(0, n_ch, body, 0)
    wait_wb(rs0, rr0, sw0)
    wait_wb(rs1, rr1, sw1)


def _sc_gather(tabs, tabr, senders, receivers):
    kfn = functools.partial(
        pl.kernel,
        out_type=jax.ShapeDtypeStruct((2, E, D), jnp.int32),
        mesh=plsc.VectorSubcoreMesh(core_axis_name="c", subcore_axis_name="s"),
        scratch_types=[
            pltpu.VMEM((_EPW,), jnp.int32),
            pltpu.VMEM((_EPW,), jnp.int32),
            pltpu.VMEM((_CH, D), jnp.int32),
            pltpu.VMEM((_CH, D), jnp.int32),
            pltpu.VMEM((_CH, D), jnp.int32),
            pltpu.VMEM((_CH, D), jnp.int32),
            pltpu.SemaphoreType.DMA,
            pltpu.SemaphoreType.DMA,
            pltpu.SemaphoreType.DMA,
            pltpu.SemaphoreType.DMA,
        ],
    )(_sc_gather_body)
    return kfn(tabs, tabr, senders, receivers)


def _sc_scatter_body(e_hbm, r_hbm, z_hbm, out_hbm,
                     rv0, ev0, rv1, ev1, acc_sh, sl0, sl1, ss0, ss1):
    cid = lax.axis_index("c")
    sid = lax.axis_index("s")
    nbase = sid * _NPT
    base = cid * (E // _NC) + sid * _EPT
    n_ch = _EPT // _CHS

    def start_load(j, rv, ev, sl):
        off = base + j * _CHS
        pltpu.async_copy(r_hbm.at[pl.ds(off, _CHS)], rv, sl)
        pltpu.async_copy(e_hbm.at[pl.ds(off, _CHS)], ev, sl)

    def wait_load(rv, ev, sl):
        pltpu.make_async_copy(r_hbm.at[pl.ds(0, _CHS)], rv, sl).wait()
        pltpu.make_async_copy(e_hbm.at[pl.ds(0, _CHS)], ev, sl).wait()

    def start_scat(rv, ev, ss):
        pltpu.async_copy(ev, acc_sh.at[rv], ss, add=True)

    def wait_scat(rv, ev, ss):
        pltpu.make_async_copy(ev, acc_sh.at[rv], ss).wait()

    start_load(0, rv0, ev0, sl0)

    pltpu.sync_copy(z_hbm.at[pl.ds(nbase, _NPT)], acc_sh.at[pl.ds(nbase, _NPT)])

    @pl.when(sid == _NS - 1)
    def _():
        pltpu.sync_copy(z_hbm.at[pl.ds(_NS * _NPT, _NTAIL)],
                        acc_sh.at[pl.ds(_NS * _NPT, _NTAIL)])

    plsc.subcore_barrier()

    def _iter(j, rv, ev, sl, ss, orv, oev, osl, oss):
        @pl.when(j + 1 < n_ch)
        def _():
            @pl.when(j >= 1)
            def _():
                wait_scat(orv, oev, oss)
            start_load(j + 1, orv, oev, osl)
        wait_load(rv, ev, sl)
        start_scat(rv, ev, ss)

    def body(j, _):
        @pl.when(j % 2 == 0)
        def _():
            _iter(j, rv0, ev0, sl0, ss0, rv1, ev1, sl1, ss1)

        @pl.when(j % 2 == 1)
        def _():
            _iter(j, rv1, ev1, sl1, ss1, rv0, ev0, sl0, ss0)

        return 0

    lax.fori_loop(0, n_ch, body, 0)
    wait_scat(rv0, ev0, ss0)
    wait_scat(rv1, ev1, ss1)
    plsc.subcore_barrier()
    pltpu.sync_copy(acc_sh.at[pl.ds(nbase, _NPT)],
                    out_hbm.at[cid, pl.ds(nbase, _NPT)])

    @pl.when(sid == _NS - 1)
    def _():
        pltpu.sync_copy(acc_sh.at[pl.ds(_NS * _NPT, _NTAIL)],
                        out_hbm.at[cid, pl.ds(_NS * _NPT, _NTAIL)])


def _sc_scatter(e_hat, receivers, zeros_nd):
    kfn = functools.partial(
        pl.kernel,
        out_type=jax.ShapeDtypeStruct((2, N, D), jnp.float32),
        mesh=plsc.VectorSubcoreMesh(core_axis_name="c", subcore_axis_name="s"),
        scratch_types=[
            pltpu.VMEM((_CHS,), jnp.int32),
            pltpu.VMEM((_CHS, D), jnp.float32),
            pltpu.VMEM((_CHS,), jnp.int32),
            pltpu.VMEM((_CHS, D), jnp.float32),
            pltpu.VMEM_SHARED((N, D), jnp.float32),
            pltpu.SemaphoreType.DMA,
            pltpu.SemaphoreType.DMA,
            pltpu.SemaphoreType.DMA,
            pltpu.SemaphoreType.DMA,
        ],
    )(_sc_scatter_body)
    return kfn(e_hat, receivers, zeros_nd)


_BE = 4000
_BN = 2000


def _dot(a, b):
    return jax.lax.dot_general(a, b, (((1,), (0,)), ((), ())),
                               preferred_element_type=jnp.float32)


def _full(shape):
    return pl.BlockSpec(shape, lambda i: (0,) * len(shape))


def _prologue_body(obj_ref, ow1_ref, ob1_ref, ow2_ref, ob2_ref,
                   ea_w1a_ref, ea_b1_ref, wa_ref, wb_ref,
                   op_ref, qs_ref, qr_ref):
    o = obj_ref[...]
    h = jnp.maximum(_dot(o, ow1_ref[...]) + ob1_ref[...], 0.0)
    enc = _dot(h, ow2_ref[...]) + ob2_ref[...]
    op_ref[...] = _dot(enc, ea_w1a_ref[...]) + ea_b1_ref[...]
    ob = o.astype(_BF)
    qs_ref[...] = _pack2(_dot(ob, wa_ref[...]))
    qr_ref[...] = _pack2(_dot(ob, wb_ref[...]))


def _prologue(obj, oe_W1, oe_b1, oe_W2, oe_b2, ea_W1a, ea_b1, wAb, wBb):
    return pl.pallas_call(
        _prologue_body,
        grid=(N // _BN,),
        in_specs=[
            pl.BlockSpec((_BN, D), lambda i: (i, 0)),
            _full((D, H)),
            _full((1, H)),
            _full((H, D)),
            _full((1, D)),
            _full((D, H)),
            _full((1, H)),
            _full((D, H)),
            _full((D, H)),
        ],
        out_specs=[
            pl.BlockSpec((_BN, H), lambda i: (i, 0)),
            pl.BlockSpec((_BN, D), lambda i: (i, 0)),
            pl.BlockSpec((_BN, D), lambda i: (i, 0)),
        ],
        out_shape=[
            jax.ShapeDtypeStruct((N, H), jnp.float32),
            jax.ShapeDtypeStruct((N, D), jnp.int32),
            jax.ShapeDtypeStruct((N, D), jnp.int32),
        ],
    )(obj, oe_W1, oe_b1.reshape(1, H), oe_W2, oe_b2.reshape(1, D),
      ea_W1a, ea_b1.reshape(1, H), wAb, wBb)


def _pass0_body(g_ref, rel_ref, wc_ref, wa_ref, b1_ref, w2_ref, b2_ref,
                rp_ref, e1_ref):
    relc = _dot(rel_ref[...].astype(_BF), wc_ref[...]) + b1_ref[...]
    loS, hiS = _unpk2(g_ref[0])
    loR, hiR = _unpk2(g_ref[1])
    hL = jnp.maximum(relc[:, 0:D] + loS + loR, 0.0)
    hR = jnp.maximum(relc[:, D:2 * D] + hiS + hiR, 0.0)
    renc = (_dot(hL.astype(_BF), w2_ref[0:D]) +
            _dot(hR.astype(_BF), w2_ref[D:2 * D]) + b2_ref[...])
    rp = _dot(renc.astype(_BF), wa_ref[...]) + b1_ref[...]
    rp_ref[...] = _pack2(rp)
    e1_ref[...] = _dot(jnp.maximum(rp, 0.0).astype(_BF), w2_ref[...]) + b2_ref[...]


def _pass0(g0, rel, wCb, wAb, re_b1, re_W2b, re_b2):
    return pl.pallas_call(
        _pass0_body,
        grid=(E // _BE,),
        in_specs=[
            pl.BlockSpec((2, _BE, D), lambda i: (0, i, 0)),
            pl.BlockSpec((_BE, D), lambda i: (i, 0)),
            _full((D, H)),
            _full((D, H)),
            _full((1, H)),
            _full((H, D)),
            _full((1, D)),
        ],
        out_specs=[
            pl.BlockSpec((_BE, D), lambda i: (i, 0)),
            pl.BlockSpec((_BE, D), lambda i: (i, 0)),
        ],
        out_shape=[
            jax.ShapeDtypeStruct((E, D), jnp.int32),
            jax.ShapeDtypeStruct((E, D), jnp.float32),
        ],
    )(g0, rel, wCb, wAb, re_b1.reshape(1, H), re_W2b, re_b2.reshape(1, D))


def _edge_body(rp_ref, g_ref, w2_ref, b2_ref, out_ref):
    loS, hiS = _unpk2(g_ref[0])
    loR, hiR = _unpk2(g_ref[1])
    loP, hiP = _unpk2(rp_ref[...])
    hL = jnp.maximum(loP + loS + loR, 0.0)
    hR = jnp.maximum(hiP + hiS + hiR, 0.0)
    out_ref[...] = (_dot(hL.astype(_BF), w2_ref[0:D]) +
                    _dot(hR.astype(_BF), w2_ref[D:2 * D]) + b2_ref[...])


def _edge(rel_part, g, re_W2b, re_b2):
    return pl.pallas_call(
        _edge_body,
        grid=(E // _BE,),
        in_specs=[
            pl.BlockSpec((_BE, D), lambda i: (i, 0)),
            pl.BlockSpec((2, _BE, D), lambda i: (0, i, 0)),
            _full((H, D)),
            _full((1, D)),
        ],
        out_specs=pl.BlockSpec((_BE, D), lambda i: (i, 0)),
        out_shape=jax.ShapeDtypeStruct((E, D), jnp.float32),
    )(rel_part, g, re_W2b, re_b2.reshape(1, D))


def _node_body(op_ref, agg_ref, v_ref, w1_ref, w2_ref, b2_ref,
               wb_ref, wc_ref, v_out, ps_ref, pr_ref, *, with_v):
    agg = agg_ref[0] + agg_ref[1]
    h = op_ref[...] + _dot(agg, w1_ref[0:D])
    if with_v:
        h = h + _dot(v_ref[...], w1_ref[D:2 * D])
    h = jnp.maximum(h, 0.0)
    v = _dot(h, w2_ref[...]) + b2_ref[...]
    v_out[...] = v
    vb = v.astype(_BF)
    ps_ref[...] = _pack2(_dot(vb, wb_ref[...]))
    pr_ref[...] = _pack2(_dot(vb, wc_ref[...]))


def _node(obj_part, agg, v, ea_W1bc, ea_W2, ea_b2, wBb, wCb, with_v):
    return pl.pallas_call(
        functools.partial(_node_body, with_v=with_v),
        grid=(N // _BN,),
        in_specs=[
            pl.BlockSpec((_BN, H), lambda i: (i, 0)),
            pl.BlockSpec((2, _BN, D), lambda i: (0, i, 0)),
            pl.BlockSpec((_BN, D), lambda i: (i, 0)),
            _full((2 * D, H)),
            _full((H, D)),
            _full((1, D)),
            _full((D, H)),
            _full((D, H)),
        ],
        out_specs=[
            pl.BlockSpec((_BN, D), lambda i: (i, 0)),
            pl.BlockSpec((_BN, D), lambda i: (i, 0)),
            pl.BlockSpec((_BN, D), lambda i: (i, 0)),
        ],
        out_shape=[
            jax.ShapeDtypeStruct((N, D), jnp.float32),
            jax.ShapeDtypeStruct((N, D), jnp.int32),
            jax.ShapeDtypeStruct((N, D), jnp.int32),
        ],
    )(obj_part, agg, v, ea_W1bc, ea_W2, ea_b2.reshape(1, D), wBb, wCb)


def _node_final_body(op_ref, agg_ref, v_ref, w1_ref, w2_ref, b2_ref,
                     dw1_ref, db1_ref, dw2_ref, db2_ref, out_ref):
    agg = agg_ref[0] + agg_ref[1]
    h = op_ref[...] + _dot(agg, w1_ref[0:D]) + _dot(v_ref[...], w1_ref[D:2 * D])
    h = jnp.maximum(h, 0.0)
    v = _dot(h, w2_ref[...]) + b2_ref[...]
    h2 = jnp.maximum(_dot(v, dw1_ref[...]) + db1_ref[...], 0.0)
    out_ref[...] = _dot(h2, dw2_ref[...]) + db2_ref[...]


def _node_final(obj_part, agg, v, ea_W1bc, ea_W2, ea_b2,
                od_W1, od_b1, od_W2, od_b2):
    return pl.pallas_call(
        _node_final_body,
        grid=(N // _BN,),
        in_specs=[
            pl.BlockSpec((_BN, H), lambda i: (i, 0)),
            pl.BlockSpec((2, _BN, D), lambda i: (0, i, 0)),
            pl.BlockSpec((_BN, D), lambda i: (i, 0)),
            _full((2 * D, H)),
            _full((H, D)),
            _full((1, D)),
            _full((D, H)),
            _full((1, H)),
            _full((H, D)),
            _full((1, D)),
        ],
        out_specs=pl.BlockSpec((_BN, D), lambda i: (i, 0)),
        out_shape=jax.ShapeDtypeStruct((N, D), jnp.float32),
    )(obj_part, agg, v, ea_W1bc, ea_W2, ea_b2.reshape(1, D),
      od_W1, od_b1.reshape(1, H), od_W2, od_b2.reshape(1, D))


def kernel(objects, relations, senders, receivers,
           re_W1, re_b1, re_W2, re_b2,
           oe_W1, oe_b1, oe_W2, oe_b2,
           ea_W1, ea_b1, ea_W2, ea_b2,
           od_W1, od_b1, od_W2, od_b2):
    assert objects.shape == (1, N, D) and relations.shape == (1, E, D)
    obj = objects[0]
    rel = relations[0]

    wAb = re_W1[0:D].astype(_BF)
    wBb = re_W1[D:2 * D].astype(_BF)
    wCb = re_W1[2 * D:3 * D].astype(_BF)
    re_W2b = re_W2.astype(_BF)
    ea_W1bc = ea_W1[D:3 * D]

    obj_part, qs_p, qr_p = _prologue(obj, oe_W1, oe_b1, oe_W2, oe_b2,
                                     ea_W1[0:D], ea_b1, wAb, wBb)
    g0 = _sc_gather(qs_p, qr_p, senders, receivers)
    rel_part, e_hat = _pass0(g0, rel, wCb, wAb, re_b1, re_W2b, re_b2)

    zeros_nd = jnp.zeros((N, D), jnp.float32)

    agg = _sc_scatter(e_hat, receivers, zeros_nd)
    v, ps_p, pr_p = _node(obj_part, agg, zeros_nd, ea_W1bc, ea_W2, ea_b2,
                          wBb, wCb, with_v=False)

    g = _sc_gather(ps_p, pr_p, senders, receivers)
    e_hat = _edge(rel_part, g, re_W2b, re_b2)
    agg = _sc_scatter(e_hat, receivers, zeros_nd)
    v, ps_p, pr_p = _node(obj_part, agg, v, ea_W1bc, ea_W2, ea_b2,
                          wBb, wCb, with_v=True)

    g = _sc_gather(ps_p, pr_p, senders, receivers)
    e_hat = _edge(rel_part, g, re_W2b, re_b2)
    agg = _sc_scatter(e_hat, receivers, zeros_nd)
    out = _node_final(obj_part, agg, v, ea_W1bc, ea_W2, ea_b2,
                      od_W1, od_b1, od_W2, od_b2)
    return out[None]

# --- scband reference (transcript-rebuilt; emitter-appended) ---
"""Pipeline reference for scband-propagation-network-37220186587416 (READ-ONLY COPY).

The authoritative reference and input builder live on the scoring server;
editing this copy changes nothing except your own understanding.
"""

import jax, jax.numpy as jnp
import numpy as np

B, N, E, D, H = 1, 10000, 160000, 128, 256


def _mlp(x, W1, b1, W2, b2):
    return jax.nn.relu(x @ W1 + b1) @ W2 + b2


def _init_mlp(key, din, dh, dout):
    k1, k2 = jax.random.split(key, 2)
    W1 = jax.random.normal(k1, (din, dh), dtype=jnp.float32) * (1.0 / np.sqrt(din))
    b1 = jnp.zeros((dh,), dtype=jnp.float32)
    W2 = jax.random.normal(k2, (dh, dout), dtype=jnp.float32) * (1.0 / np.sqrt(dh))
    b2 = jnp.zeros((dout,), dtype=jnp.float32)
    return W1, b1, W2, b2


def setup_inputs(seed: int = 0) -> dict:
    key = jax.random.key(seed)
    ks = jax.random.split(key, 8)
    objects = jax.random.normal(ks[0], (B, N, D), dtype=jnp.float32)
    relations = jax.random.normal(ks[1], (B, E, D), dtype=jnp.float32)
    senders = jax.random.randint(ks[2], (E,), 0, N, dtype=jnp.int32)
    receivers = jax.random.randint(ks[3], (E,), 0, N, dtype=jnp.int32)
    re_W1, re_b1, re_W2, re_b2 = _init_mlp(ks[4], 2 * D + D, H, D)
    oe_W1, oe_b1, oe_W2, oe_b2 = _init_mlp(ks[5], D, H, D)
    ea_W1, ea_b1, ea_W2, ea_b2 = _init_mlp(ks[6], D + 2 * D, H, D)
    od_W1, od_b1, od_W2, od_b2 = _init_mlp(ks[7], D, H, D)
    return {
        "objects": objects, "relations": relations,
        "senders": senders, "receivers": receivers,
        "re_W1": re_W1, "re_b1": re_b1, "re_W2": re_W2, "re_b2": re_b2,
        "oe_W1": oe_W1, "oe_b1": oe_b1, "oe_W2": oe_W2, "oe_b2": oe_b2,
        "ea_W1": ea_W1, "ea_b1": ea_b1, "ea_W2": ea_W2, "ea_b2": ea_b2,
        "od_W1": od_W1, "od_b1": od_b1, "od_W2": od_W2, "od_b2": od_b2,
    }


def reference(objects, relations, senders, receivers,
              re_W1, re_b1, re_W2, re_b2,
              oe_W1, oe_b1, oe_W2, oe_b2,
              ea_W1, ea_b1, ea_W2, ea_b2,
              od_W1, od_b1, od_W2, od_b2):
    L = 3
    v_hat = jnp.zeros_like(objects)
    obj_enc = _mlp(objects, oe_W1, oe_b1, oe_W2, oe_b2)
    rel_enc = _mlp(
        jnp.concatenate([objects[:, senders], objects[:, receivers], relations], axis=-1),
        re_W1, re_b1, re_W2, re_b2)
    for _ in range(L):
        rel_inputs = jnp.concatenate([rel_enc, v_hat[:, senders], v_hat[:, receivers]], axis=-1)
        e_hat = _mlp(rel_inputs, re_W1, re_b1, re_W2, re_b2)
        agg_e = jnp.zeros_like(objects).at[:, receivers].add(e_hat)
        obj_inputs = jnp.concatenate([obj_enc, agg_e, v_hat], axis=-1)
        v_hat = _mlp(obj_inputs, ea_W1, ea_b1, ea_W2, ea_b2)
    return _mlp(v_hat, od_W1, od_b1, od_W2, od_b2)

if __name__ == "__main__":
    import jax
    _d = setup_inputs()
    print(jax.jit(kernel)(*tuple(_d.values())))

</pallas_src>

<mosaic_0001>
#map = affine_map<(d0, d1) -> (0, 0)>
#map1 = affine_map<(d0, d1) -> (0)>
#map2 = affine_map<(d0, d1) -> (0, 0, 0)>
module attributes {stable_mosaic.version = 14 : i64} {
  func.func @_sc_scatter_body(%arg0: i32, %arg1: i32, %arg2: memref<160000x128xf32, #tpu.memory_space<hbm>>, %arg3: memref<160000xi32, #tpu.memory_space<hbm>>, %arg4: memref<10000x128xf32, #tpu.memory_space<hbm>>, %arg5: memref<2x10000x128xf32, #tpu.memory_space<hbm>>, %arg6: memref<40xi32, #tpu.memory_space<vmem>>, %arg7: memref<40x128xf32, #tpu.memory_space<vmem>>, %arg8: memref<40xi32, #tpu.memory_space<vmem>>, %arg9: memref<40x128xf32, #tpu.memory_space<vmem>>, %arg10: memref<10000x128xf32, #tpu.memory_space<vmem_shared>>, %arg11: memref<!tpu.dma_semaphore, #tpu.memory_space<semaphore_mem>>, %arg12: memref<!tpu.dma_semaphore, #tpu.memory_space<semaphore_mem>>, %arg13: memref<!tpu.dma_semaphore, #tpu.memory_space<semaphore_mem>>, %arg14: memref<!tpu.dma_semaphore, #tpu.memory_space<semaphore_mem>>) attributes {dimension_semantics = [#tpu.dimension_semantics<core_parallel>, #tpu.dimension_semantics<subcore_parallel>], iteration_bounds = array<i64: 2, 16>, scalar_prefetch = 0 : i64, scratch_operands = 9 : i64, tpu.core_type = #tpu.core_type<sc_vector_subcore>, window_params = [{transform_indices = #map}, {transform_indices = #map1}, {transform_indices = #map}, {transform_indices = #map2}]} {
    %mul3A = arith.constant 624 : i32
    %mul3A_0 = arith.muli %arg1, %mul3A : i32
    %mul3A_1 = arith.constant 80000 : i32
    %mul3A_2 = arith.muli %arg0, %mul3A_1 : i32
    %mul3A_3 = arith.constant 5000 : i32
    %mul3A_4 = arith.muli %arg1, %mul3A_3 : i32
    %add3A = arith.addi %mul3A_2, %mul3A_4 : i32
    %add3A_5 = arith.constant 0 : i32
    %add3A_6 = arith.addi %add3A, %add3A_5 : i32
    %dma_start3A = tpu.memref_slice %arg3[%add3A_6] : memref<160000xi32, #tpu.memory_space<hbm>> -> memref<40xi32, #tpu.memory_space<hbm>>
    %dma_start3A_7 = tpu.memref_slice %arg3[%add3A_6] : memref<160000xi32, #tpu.memory_space<hbm>> -> memref<40xi32, #tpu.memory_space<hbm>>
    tpu.enqueue_dma source(%dma_start3A_7 : memref<40xi32, #tpu.memory_space<hbm>>) target(%arg6 : memref<40xi32, #tpu.memory_space<vmem>>) target_semaphore(%arg11 : memref<!tpu.dma_semaphore, #tpu.memory_space<semaphore_mem>>)
    %dma_start3A_8 = arith.constant 0 : i32
    %dma_start3A_9 = tpu.memref_slice %arg2[%add3A_6, %dma_start3A_8] : memref<160000x128xf32, #tpu.memory_space<hbm>> -> memref<40x128xf32, #tpu.memory_space<hbm>>
    %dma_start3A_10 = arith.constant 0 : i32
    %dma_start3A_11 = tpu.memref_slice %arg2[%add3A_6, %dma_start3A_10] : memref<160000x128xf32, #tpu.memory_space<hbm>> -> memref<40x128xf32, #tpu.memory_space<hbm>>
    tpu.enqueue_dma source(%dma_start3A_11 : memref<40x128xf32, #tpu.memory_space<hbm>>) target(%arg7 : memref<40x128xf32, #tpu.memory_space<vmem>>) target_semaphore(%arg11 : memref<!tpu.dma_semaphore, #tpu.memory_space<semaphore_mem>>)
    "tpu.region"() ({
      %run_scoped3A = tpu.sem_alloc : memref<!tpu.dma_semaphore, #tpu.memory_space<semaphore_mem>>
      %dma_start3A_31 = arith.constant 0 : i32
      %dma_start3A_32 = tpu.memref_slice %arg10[%mul3A_0, %dma_start3A_31] : memref<10000x128xf32, #tpu.memory_space<vmem_shared>> -> memref<624x128xf32, #tpu.memory_space<vmem_shared>>
      %dma_start3A_33 = arith.constant 0 : i32
      %dma_start3A_34 = tpu.memref_slice %arg4[%mul3A_0, %dma_start3A_33] : memref<10000x128xf32, #tpu.memory_space<hbm>> -> memref<624x128xf32, #tpu.memory_space<hbm>>
      tpu.enqueue_dma source(%dma_start3A_34 : memref<624x128xf32, #tpu.memory_space<hbm>>) target(%dma_start3A_32 : memref<624x128xf32, #tpu.memory_space<vmem_shared>>) target_semaphore(%run_scoped3A : memref<!tpu.dma_semaphore, #tpu.memory_space<semaphore_mem>>)
      %dma_wait3A_35 = arith.constant 0 : i32
      %dma_wait3A_36 = tpu.memref_slice %arg10[%mul3A_0, %dma_wait3A_35] : memref<10000x128xf32, #tpu.memory_space<vmem_shared>> -> memref<624x128xf32, #tpu.memory_space<vmem_shared>>
      %dma_wait3A_37 = arith.constant 0 : i32
      %dma_wait3A_38 = tpu.memref_slice %arg4[%mul3A_0, %dma_wait3A_37] : memref<10000x128xf32, #tpu.memory_space<hbm>> -> memref<624x128xf32, #tpu.memory_space<hbm>>
      tpu.wait_dma2 semaphore(%run_scoped3A : memref<!tpu.dma_semaphore, #tpu.memory_space<semaphore_mem>>) src(%dma_wait3A_38 : memref<624x128xf32, #tpu.memory_space<hbm>>) dst(%dma_wait3A_36 : memref<624x128xf32, #tpu.memory_space<vmem_shared>>)
      tpu.yield
    }) : () -> ()
    %eq3A = arith.constant 15 : i32
    %eq3A_12 = arith.cmpi eq, %arg1, %eq3A : i32
    %convert_element_type3A = arith.extui %eq3A_12 : i1 to i32
    %cond3A = arith.constant 0 : i32
    %cond3A_13 = arith.cmpi ne, %convert_element_type3A, %cond3A : i32
    scf.if %cond3A_13 {
      "tpu.region"() ({
        %run_scoped3A = tpu.sem_alloc : memref<!tpu.dma_semaphore, #tpu.memory_space<semaphore_mem>>
        %dma_start3A_31 = arith.constant 9984 : i32
        %dma_start3A_32 = arith.constant 0 : i32
        %dma_start3A_33 = tpu.memref_slice %arg10[%dma_start3A_31, %dma_start3A_32] : memref<10000x128xf32, #tpu.memory_space<vmem_shared>> -> memref<16x128xf32, #tpu.memory_space<vmem_shared>>
        %dma_start3A_34 = arith.constant 9984 : i32
        %dma_start3A_35 = arith.constant 0 : i32
        %dma_start3A_36 = tpu.memref_slice %arg4[%dma_start3A_34, %dma_start3A_35] : memref<10000x128xf32, #tpu.memory_space<hbm>> -> memref<16x128xf32, #tpu.memory_space<hbm>>
        tpu.enqueue_dma source(%dma_start3A_36 : memref<16x128xf32, #tpu.memory_space<hbm>>) target(%dma_start3A_33 : memref<16x128xf32, #tpu.memory_space<vmem_shared>>) target_semaphore(%run_scoped3A : memref<!tpu.dma_semaphore, #tpu.memory_space<semaphore_mem>>)
        %dma_wait3A_37 = arith.constant 9984 : i32
        %dma_wait3A_38 = arith.constant 0 : i32
        %dma_wait3A_39 = tpu.memref_slice %arg10[%dma_wait3A_37, %dma_wait3A_38] : memref<10000x128xf32, #tpu.memory_space<vmem_shared>> -> memref<16x128xf32, #tpu.memory_space<vmem_shared>>
        %dma_wait3A_40 = arith.constant 9984 : i32
        %dma_wait3A_41 = arith.constant 0 : i32
        %dma_wait3A_42 = tpu.memref_slice %arg4[%dma_wait3A_40, %dma_wait3A_41] : memref<10000x128xf32, #tpu.memory_space<hbm>> -> memref<16x128xf32, #tpu.memory_space<hbm>>
        tpu.wait_dma2 semaphore(%run_scoped3A : memref<!tpu.dma_semaphore, #tpu.memory_space<semaphore_mem>>) src(%dma_wait3A_42 : memref<16x128xf32, #tpu.memory_space<hbm>>) dst(%dma_wait3A_39 : memref<16x128xf32, #tpu.memory_space<vmem_shared>>)
        tpu.yield
      }) : () -> ()
    } else {
    }
    %barrier3A = arith.constant 0 : index
    tpu.barrier barrier_id(%barrier3A)
    %scan3A = arith.constant 0 : i32
    %scan3A_14 = arith.constant 0 : i32
    %scan3A_15 = arith.constant 125 : i32
    %scan3A_16 = arith.addi %scan3A_14, %scan3A_15 : i32
    %scan3A_17 = arith.constant 1 : i32
    %scan3A_18 = scf.for %scan3A_31 = %scan3A_14 to %scan3A_16 step %scan3A_17 iter_args(%scan3A_32 = %scan3A) -> (i32)  : i32 {
      %jit3A = arith.constant 2 : i32
      %eq3A_33 = arith.constant 0 : i32
      %eq3A_34 = arith.cmpi eq, %jit3A, %eq3A_33 : i32
      %jit3A_35 = arith.constant 1 : i32
      %select_n3A = arith.select %eq3A_34, %jit3A_35, %jit3A : i32
      %rem3A = arith.remsi %scan3A_31, %select_n3A : i32
      %ne3A = arith.constant 0 : i32
      %ne3A_36 = arith.cmpi ne, %rem3A, %ne3A : i32
      %lt3A = arith.constant 0 : i32
      %lt3A_37 = arith.cmpi slt, %rem3A, %lt3A : i32
      %lt3A_38 = arith.constant 0 : i32
      %lt3A_39 = arith.cmpi slt, %select_n3A, %lt3A_38 : i32
      %ne3A_40 = arith.xori %lt3A_37, %lt3A_39 : i1
      %and3A = arith.andi %ne3A_40, %ne3A_36 : i1
      %add3A_41 = arith.addi %rem3A, %select_n3A : i32
      %select_n3A_42 = arith.select %and3A, %add3A_41, %rem3A : i32
      %eq3A_43 = arith.constant 0 : i32
      %eq3A_44 = arith.cmpi eq, %select_n3A_42, %eq3A_43 : i32
      %convert_element_type3A_45 = arith.extui %eq3A_44 : i1 to i32
      %cond3A_46 = arith.constant 0 : i32
      %cond3A_47 = arith.cmpi ne, %convert_element_type3A_45, %cond3A_46 : i32
      scf.if %cond3A_47 {
        %add3A_70 = arith.constant 1 : i32
        %add3A_71 = arith.addi %scan3A_31, %add3A_70 : i32
        %lt3A_72 = arith.constant 125 : i32
        %lt3A_73 = arith.cmpi slt, %add3A_71, %lt3A_72 : i32
        %convert_element_type3A_74 = arith.extui %lt3A_73 : i1 to i32
        %cond3A_75 = arith.constant 0 : i32
        %cond3A_76 = arith.cmpi ne, %convert_element_type3A_74, %cond3A_75 : i32
        scf.if %cond3A_76 {
          %ge3A = arith.constant 1 : i32
          %ge3A_90 = arith.cmpi sge, %scan3A_31, %ge3A : i32
          %convert_element_type3A_91 = arith.extui %ge3A_90 : i1 to i32
          %cond3A_92 = arith.constant 0 : i32
          %cond3A_93 = arith.cmpi ne, %convert_element_type3A_91, %cond3A_92 : i32
          scf.if %cond3A_93 {
            %dma_wait3A_105 = arith.constant 0 : i32
            %dma_wait3A_106 = arith.constant 0 : i32
            %dma_wait3A_107 = tpu.memref_slice %arg10[%dma_wait3A_105, %dma_wait3A_106] : memref<10000x128xf32, #tpu.memory_space<vmem_shared>> -> memref<10000x128xf32, #tpu.memory_space<vmem_shared>>
            tpu.wait_indirect_dma semaphore(%arg14 : memref<!tpu.dma_semaphore, #tpu.memory_space<semaphore_mem>>) src(%arg9 : memref<40x128xf32, #tpu.memory_space<vmem>>) dst(%dma_wait3A_107 : memref<10000x128xf32, #tpu.memory_space<vmem_shared>>)
          } else {
          }
          %add3A_94 = arith.constant 1 : i32
          %add3A_95 = arith.addi %scan3A_31, %add3A_94 : i32
          %mul3A_96 = arith.constant 40 : i32
          %mul3A_97 = arith.muli %add3A_95, %mul3A_96 : i32
          %add3A_98 = arith.addi %add3A, %mul3A_97 : i32
          %dma_start3A_99 = tpu.memref_slice %arg3[%add3A_98] : memref<160000xi32, #tpu.memory_space<hbm>> -> memref<40xi32, #tpu.memory_space<hbm>>
          %dma_start3A_100 = tpu.memref_slice %arg3[%add3A_98] : memref<160000xi32, #tpu.memory_space<hbm>> -> memref<40xi32, #tpu.memory_space<hbm>>
          tpu.enqueue_dma source(%dma_start3A_100 : memref<40xi32, #tpu.memory_space<hbm>>) target(%arg8 : memref<40xi32, #tpu.memory_space<vmem>>) target_semaphore(%arg12 : memref<!tpu.dma_semaphore, #tpu.memory_space<semaphore_mem>>)
          %dma_start3A_101 = arith.constant 0 : i32
          %dma_start3A_102 = tpu.memref_slice %arg2[%add3A_98, %dma_start3A_101] : memref<160000x128xf32, #tpu.memory_space<hbm>> -> memref<40x128xf32, #tpu.memory_space<hbm>>
          %dma_start3A_103 = arith.constant 0 : i32
          %dma_start3A_104 = tpu.memref_slice %arg2[%add3A_98, %dma_start3A_103] : memref<160000x128xf32, #tpu.memory_space<hbm>> -> memref<40x128xf32, #tpu.memory_space<hbm>>
          tpu.enqueue_dma source(%dma_start3A_104 : memref<40x128xf32, #tpu.memory_space<hbm>>) target(%arg9 : memref<40x128xf32, #tpu.memory_space<vmem>>) target_semaphore(%arg12 : memref<!tpu.dma_semaphore, #tpu.memory_space<semaphore_mem>>)
        } else {
        }
        %dma_wait3A_77 = arith.constant 0 : i32
        %dma_wait3A_78 = tpu.memref_slice %arg3[%dma_wait3A_77] : memref<160000xi32, #tpu.memory_space<hbm>> -> memref<40xi32, #tpu.memory_space<hbm>>
        %dma_wait3A_79 = arith.constant 0 : i32
        %dma_wait3A_80 = tpu.memref_slice %arg3[%dma_wait3A_79] : memref<160000xi32, #tpu.memory_space<hbm>> -> memref<40xi32, #tpu.memory_space<hbm>>
        tpu.wait_dma2 semaphore(%arg11 : memref<!tpu.dma_semaphore, #tpu.memory_space<semaphore_mem>>) src(%dma_wait3A_80 : memref<40xi32, #tpu.memory_space<hbm>>) dst(%arg6 : memref<40xi32, #tpu.memory_space<vmem>>)
        %dma_wait3A_81 = arith.constant 0 : i32
        %dma_wait3A_82 = arith.constant 0 : i32
        %dma_wait3A_83 = tpu.memref_slice %arg2[%dma_wait3A_81, %dma_wait3A_82] : memref<160000x128xf32, #tpu.memory_space<hbm>> -> memref<40x128xf32, #tpu.memory_space<hbm>>
        %dma_wait3A_84 = arith.constant 0 : i32
        %dma_wait3A_85 = arith.constant 0 : i32
        %dma_wait3A_86 = tpu.memref_slice %arg2[%dma_wait3A_84, %dma_wait3A_85] : memref<160000x128xf32, #tpu.memory_space<hbm>> -> memref<40x128xf32, #tpu.memory_space<hbm>>
        tpu.wait_dma2 semaphore(%arg11 : memref<!tpu.dma_semaphore, #tpu.memory_space<semaphore_mem>>) src(%dma_wait3A_86 : memref<40x128xf32, #tpu.memory_space<hbm>>) dst(%arg7 : memref<40x128xf32, #tpu.memory_space<vmem>>)
        %dma_start3A_87 = arith.constant 0 : i32
        %dma_start3A_88 = arith.constant 0 : i32
        %dma_start3A_89 = tpu.memref_slice %arg10[%dma_start3A_87, %dma_start3A_88] : memref<10000x128xf32, #tpu.memory_space<vmem_shared>> -> memref<10000x128xf32, #tpu.memory_space<vmem_shared>>
        tpu.enqueue_indirect_dma source(%arg7 : memref<40x128xf32, #tpu.memory_space<vmem>>) target(%dma_start3A_89 : memref<10000x128xf32, #tpu.memory_space<vmem_shared>>) offsets(%arg6 : memref<40xi32, #tpu.memory_space<vmem>>) semaphore(%arg13 : memref<!tpu.dma_semaphore, #tpu.memory_space<semaphore_mem>>) {add = true}
      } else {
      }
      %jit3A_48 = arith.constant 2 : i32
      %eq3A_49 = arith.constant 0 : i32
      %eq3A_50 = arith.cmpi eq, %jit3A_48, %eq3A_49 : i32
      %jit3A_51 = arith.constant 1 : i32
      %select_n3A_52 = arith.select %eq3A_50, %jit3A_51, %jit3A_48 : i32
      %rem3A_53 = arith.remsi %scan3A_31, %select_n3A_52 : i32
      %ne3A_54 = arith.constant 0 : i32
      %ne3A_55 = arith.cmpi ne, %rem3A_53, %ne3A_54 : i32
      %lt3A_56 = arith.constant 0 : i32
      %lt3A_57 = arith.cmpi slt, %rem3A_53, %lt3A_56 : i32
      %lt3A_58 = arith.constant 0 : i32
      %lt3A_59 = arith.cmpi slt, %select_n3A_52, %lt3A_58 : i32
      %ne3A_60 = arith.xori %lt3A_57, %lt3A_59 : i1
      %and3A_61 = arith.andi %ne3A_60, %ne3A_55 : i1
      %add3A_62 = arith.addi %rem3A_53, %select_n3A_52 : i32
      %select_n3A_63 = arith.select %and3A_61, %add3A_62, %rem3A_53 : i32
      %eq3A_64 = arith.constant 1 : i32
      %eq3A_65 = arith.cmpi eq, %select_n3A_63, %eq3A_64 : i32
      %convert_element_type3A_66 = arith.extui %eq3A_65 : i1 to i32
      %cond3A_67 = arith.constant 0 : i32
      %cond3A_68 = arith.cmpi ne, %convert_element_type3A_66, %cond3A_67 : i32
      scf.if %cond3A_68 {
        %add3A_70 = arith.constant 1 : i32
        %add3A_71 = arith.addi %scan3A_31, %add3A_70 : i32
        %lt3A_72 = arith.constant 125 : i32
        %lt3A_73 = arith.cmpi slt, %add3A_71, %lt3A_72 : i32
        %convert_element_type3A_74 = arith.extui %lt3A_73 : i1 to i32
        %cond3A_75 = arith.constant 0 : i32
        %cond3A_76 = arith.cmpi ne, %convert_element_type3A_74, %cond3A_75 : i32
        scf.if %cond3A_76 {
          %ge3A = arith.constant 1 : i32
          %ge3A_90 = arith.cmpi sge, %scan3A_31, %ge3A : i32
          %convert_element_type3A_91 = arith.extui %ge3A_90 : i1 to i32
          %cond3A_92 = arith.constant 0 : i32
          %cond3A_93 = arith.cmpi ne, %convert_element_type3A_91, %cond3A_92 : i32
          scf.if %cond3A_93 {
            %dma_wait3A_105 = arith.constant 0 : i32
            %dma_wait3A_106 = arith.constant 0 : i32
            %dma_wait3A_107 = tpu.memref_slice %arg10[%dma_wait3A_105, %dma_wait3A_106] : memref<10000x128xf32, #tpu.memory_space<vmem_shared>> -> memref<10000x128xf32, #tpu.memory_space<vmem_shared>>
            tpu.wait_indirect_dma semaphore(%arg13 : memref<!tpu.dma_semaphore, #tpu.memory_space<semaphore_mem>>) src(%arg7 : memref<40x128xf32, #tpu.memory_space<vmem>>) dst(%dma_wait3A_107 : memref<10000x128xf32, #tpu.memory_space<vmem_shared>>)
          } else {
          }
          %add3A_94 = arith.constant 1 : i32
          %add3A_95 = arith.addi %scan3A_31, %add3A_94 : i32
          %mul3A_96 = arith.constant 40 : i32
          %mul3A_97 = arith.muli %add3A_95, %mul3A_96 : i32
          %add3A_98 = arith.addi %add3A, %mul3A_97 : i32
          %dma_start3A_99 = tpu.memref_slice %arg3[%add3A_98] : memref<160000xi32, #tpu.memory_space<hbm>> -> memref<40xi32, #tpu.memory_space<hbm>>
          %dma_start3A_100 = tpu.memref_slice %arg3[%add3A_98] : memref<160000xi32, #tpu.memory_space<hbm>> -> memref<40xi32, #tpu.memory_space<hbm>>
          tpu.enqueue_dma source(%dma_start3A_100 : memref<40xi32, #tpu.memory_space<hbm>>) target(%arg6 : memref<40xi32, #tpu.memory_space<vmem>>) target_semaphore(%arg11 : memref<!tpu.dma_semaphore, #tpu.memory_space<semaphore_mem>>)
          %dma_start3A_101 = arith.constant 0 : i32
          %dma_start3A_102 = tpu.memref_slice %arg2[%add3A_98, %dma_start3A_101] : memref<160000x128xf32, #tpu.memory_space<hbm>> -> memref<40x128xf32, #tpu.memory_space<hbm>>
          %dma_start3A_103 = arith.constant 0 : i32
          %dma_start3A_104 = tpu.memref_slice %arg2[%add3A_98, %dma_start3A_103] : memref<160000x128xf32, #tpu.memory_space<hbm>> -> memref<40x128xf32, #tpu.memory_space<hbm>>
          tpu.enqueue_dma source(%dma_start3A_104 : memref<40x128xf32, #tpu.memory_space<hbm>>) target(%arg7 : memref<40x128xf32, #tpu.memory_space<vmem>>) target_semaphore(%arg11 : memref<!tpu.dma_semaphore, #tpu.memory_space<semaphore_mem>>)
        } else {
        }
        %dma_wait3A_77 = arith.constant 0 : i32
        %dma_wait3A_78 = tpu.memref_slice %arg3[%dma_wait3A_77] : memref<160000xi32, #tpu.memory_space<hbm>> -> memref<40xi32, #tpu.memory_space<hbm>>
        %dma_wait3A_79 = arith.constant 0 : i32
        %dma_wait3A_80 = tpu.memref_slice %arg3[%dma_wait3A_79] : memref<160000xi32, #tpu.memory_space<hbm>> -> memref<40xi32, #tpu.memory_space<hbm>>
        tpu.wait_dma2 semaphore(%arg12 : memref<!tpu.dma_semaphore, #tpu.memory_space<semaphore_mem>>) src(%dma_wait3A_80 : memref<40xi32, #tpu.memory_space<hbm>>) dst(%arg8 : memref<40xi32, #tpu.memory_space<vmem>>)
        %dma_wait3A_81 = arith.constant 0 : i32
        %dma_wait3A_82 = arith.constant 0 : i32
        %dma_wait3A_83 = tpu.memref_slice %arg2[%dma_wait3A_81, %dma_wait3A_82] : memref<160000x128xf32, #tpu.memory_space<hbm>> -> memref<40x128xf32, #tpu.memory_space<hbm>>
        %dma_wait3A_84 = arith.constant 0 : i32
        %dma_wait3A_85 = arith.constant 0 : i32
        %dma_wait3A_86 = tpu.memref_slice %arg2[%dma_wait3A_84, %dma_wait3A_85] : memref<160000x128xf32, #tpu.memory_space<hbm>> -> memref<40x128xf32, #tpu.memory_space<hbm>>
        tpu.wait_dma2 semaphore(%arg12 : memref<!tpu.dma_semaphore, #tpu.memory_space<semaphore_mem>>) src(%dma_wait3A_86 : memref<40x128xf32, #tpu.memory_space<hbm>>) dst(%arg9 : memref<40x128xf32, #tpu.memory_space<vmem>>)
        %dma_start3A_87 = arith.constant 0 : i32
        %dma_start3A_88 = arith.constant 0 : i32
        %dma_start3A_89 = tpu.memref_slice %arg10[%dma_start3A_87, %dma_start3A_88] : memref<10000x128xf32, #tpu.memory_space<vmem_shared>> -> memref<10000x128xf32, #tpu.memory_space<vmem_shared>>
        tpu.enqueue_indirect_dma source(%arg9 : memref<40x128xf32, #tpu.memory_space<vmem>>) target(%dma_start3A_89 : memref<10000x128xf32, #tpu.memory_space<vmem_shared>>) offsets(%arg8 : memref<40xi32, #tpu.memory_space<vmem>>) semaphore(%arg14 : memref<!tpu.dma_semaphore, #tpu.memory_space<semaphore_mem>>) {add = true}
      } else {
      }
      %scan3A_69 = arith.constant 0 : i32
      scf.yield %scan3A_69 : i32
    }
    %scan3A_19 = arith.constant 125 : i32
    %dma_wait3A = arith.constant 0 : i32
    %dma_wait3A_20 = arith.constant 0 : i32
    %dma_wait3A_21 = tpu.memref_slice %arg10[%dma_wait3A, %dma_wait3A_20] : memref<10000x128xf32, #tpu.memory_space<vmem_shared>> -> memref<10000x128xf32, #tpu.memory_space<vmem_shared>>
    tpu.wait_indirect_dma semaphore(%arg13 : memref<!tpu.dma_semaphore, #tpu.memory_space<semaphore_mem>>) src(%arg7 : memref<40x128xf32, #tpu.memory_space<vmem>>) dst(%dma_wait3A_21 : memref<10000x128xf32, #tpu.memory_space<vmem_shared>>)
    %dma_wait3A_22 = arith.constant 0 : i32
    %dma_wait3A_23 = arith.constant 0 : i32
    %dma_wait3A_24 = tpu.memref_slice %arg10[%dma_wait3A_22, %dma_wait3A_23] : memref<10000x128xf32, #tpu.memory_space<vmem_shared>> -> memref<10000x128xf32, #tpu.memory_space<vmem_shared>>
    tpu.wait_indirect_dma semaphore(%arg14 : memref<!tpu.dma_semaphore, #tpu.memory_space<semaphore_mem>>) src(%arg9 : memref<40x128xf32, #tpu.memory_space<vmem>>) dst(%dma_wait3A_24 : memref<10000x128xf32, #tpu.memory_space<vmem_shared>>)
    %barrier3A_25 = arith.constant 0 : index
    tpu.barrier barrier_id(%barrier3A_25)
    "tpu.region"() ({
      %run_scoped3A = tpu.sem_alloc : memref<!tpu.dma_semaphore, #tpu.memory_space<semaphore_mem>>
      %dma_start3A_31 = arith.constant 0 : i32
      %dma_start3A_32 = tpu.memref_slice %arg5[%arg0, %mul3A_0, %dma_start3A_31] : memref<2x10000x128xf32, #tpu.memory_space<hbm>> -> memref<1x624x128xf32, #tpu.memory_space<hbm>>
      %dma_start3A_33 = tpu.memref_squeeze %dma_start3A_32 : memref<1x624x128xf32, #tpu.memory_space<hbm>> -> memref<624x128xf32, #tpu.memory_space<hbm>>
      %dma_start3A_34 = arith.constant 0 : i32
      %dma_start3A_35 = tpu.memref_slice %arg10[%mul3A_0, %dma_start3A_34] : memref<10000x128xf32, #tpu.memory_space<vmem_shared>> -> memref<624x128xf32, #tpu.memory_space<vmem_shared>>
      tpu.enqueue_dma source(%dma_start3A_35 : memref<624x128xf32, #tpu.memory_space<vmem_shared>>) target(%dma_start3A_33 : memref<624x128xf32, #tpu.memory_space<hbm>>) target_semaphore(%run_scoped3A : memref<!tpu.dma_semaphore, #tpu.memory_space<semaphore_mem>>)
      %dma_wait3A_36 = arith.constant 0 : i32
      %dma_wait3A_37 = tpu.memref_slice %arg5[%arg0, %mul3A_0, %dma_wait3A_36] : memref<2x10000x128xf32, #tpu.memory_space<hbm>> -> memref<1x624x128xf32, #tpu.memory_space<hbm>>
      %dma_wait3A_38 = tpu.memref_squeeze %dma_wait3A_37 : memref<1x624x128xf32, #tpu.memory_space<hbm>> -> memref<624x128xf32, #tpu.memory_space<hbm>>
      %dma_wait3A_39 = arith.constant 0 : i32
      %dma_wait3A_40 = tpu.memref_slice %arg10[%mul3A_0, %dma_wait3A_39] : memref<10000x128xf32, #tpu.memory_space<vmem_shared>> -> memref<624x128xf32, #tpu.memory_space<vmem_shared>>
      tpu.wait_dma2 semaphore(%run_scoped3A : memref<!tpu.dma_semaphore, #tpu.memory_space<semaphore_mem>>) src(%dma_wait3A_40 : memref<624x128xf32, #tpu.memory_space<vmem_shared>>) dst(%dma_wait3A_38 : memref<624x128xf32, #tpu.memory_space<hbm>>)
      tpu.yield
    }) : () -> ()
    %eq3A_26 = arith.constant 15 : i32
    %eq3A_27 = arith.cmpi eq, %arg1, %eq3A_26 : i32
    %convert_element_type3A_28 = arith.extui %eq3A_27 : i1 to i32
    %cond3A_29 = arith.constant 0 : i32
    %cond3A_30 = arith.cmpi ne, %convert_element_type3A_28, %cond3A_29 : i32
    scf.if %cond3A_30 {
      "tpu.region"() ({
        %run_scoped3A = tpu.sem_alloc : memref<!tpu.dma_semaphore, #tpu.memory_space<semaphore_mem>>
        %dma_start3A_31 = arith.constant 9984 : i32
        %dma_start3A_32 = arith.constant 0 : i32
        %dma_start3A_33 = tpu.memref_slice %arg5[%arg0, %dma_start3A_31, %dma_start3A_32] : memref<2x10000x128xf32, #tpu.memory_space<hbm>> -> memref<1x16x128xf32, #tpu.memory_space<hbm>>
        %dma_start3A_34 = tpu.memref_squeeze %dma_start3A_33 : memref<1x16x128xf32, #tpu.memory_space<hbm>> -> memref<16x128xf32, #tpu.memory_space<hbm>>
        %dma_start3A_35 = arith.constant 9984 : i32
        %dma_start3A_36 = arith.constant 0 : i32
        %dma_start3A_37 = tpu.memref_slice %arg10[%dma_start3A_35, %dma_start3A_36] : memref<10000x128xf32, #tpu.memory_space<vmem_shared>> -> memref<16x128xf32, #tpu.memory_space<vmem_shared>>
        tpu.enqueue_dma source(%dma_start3A_37 : memref<16x128xf32, #tpu.memory_space<vmem_shared>>) target(%dma_start3A_34 : memref<16x128xf32, #tpu.memory_space<hbm>>) target_semaphore(%run_scoped3A : memref<!tpu.dma_semaphore, #tpu.memory_space<semaphore_mem>>)
        %dma_wait3A_38 = arith.constant 9984 : i32
        %dma_wait3A_39 = arith.constant 0 : i32
        %dma_wait3A_40 = tpu.memref_slice %arg5[%arg0, %dma_wait3A_38, %dma_wait3A_39] : memref<2x10000x128xf32, #tpu.memory_space<hbm>> -> memref<1x16x128xf32, #tpu.memory_space<hbm>>
        %dma_wait3A_41 = tpu.memref_squeeze %dma_wait3A_40 : memref<1x16x128xf32, #tpu.memory_space<hbm>> -> memref<16x128xf32, #tpu.memory_space<hbm>>
        %dma_wait3A_42 = arith.constant 9984 : i32
        %dma_wait3A_43 = arith.constant 0 : i32
        %dma_wait3A_44 = tpu.memref_slice %arg10[%dma_wait3A_42, %dma_wait3A_43] : memref<10000x128xf32, #tpu.memory_space<vmem_shared>> -> memref<16x128xf32, #tpu.memory_space<vmem_shared>>
        tpu.wait_dma2 semaphore(%run_scoped3A : memref<!tpu.dma_semaphore, #tpu.memory_space<semaphore_mem>>) src(%dma_wait3A_44 : memref<16x128xf32, #tpu.memory_space<vmem_shared>>) dst(%dma_wait3A_41 : memref<16x128xf32, #tpu.memory_space<hbm>>)
        tpu.yield
      }) : () -> ()
    } else {
    }
    return
  }
}

#map = affine_map<(d0, d1) -> (0, 0)>
#map1 = affine_map<(d0, d1) -> (0)>
#map2 = affine_map<(d0, d1) -> (0, 0, 0)>
module attributes {stable_mosaic.version = 14 : i64} {
  func.func @_sc_gather_body(%arg0: i32, %arg1: i32, %arg2: memref<10000x128xi32, #tpu.memory_space<hbm>>, %arg3: memref<10000x128xi32, #tpu.memory_space<hbm>>, %arg4: memref<160000xi32, #tpu.memory_space<hbm>>, %arg5: memref<160000xi32, #tpu.memory_space<hbm>>, %arg6: memref<2x160000x128xi32, #tpu.memory_space<hbm>>, %arg7: memref<5000xi32, #tpu.memory_space<vmem>>, %arg8: memref<5000xi32, #tpu.memory_space<vmem>>, %arg9: memref<200x128xi32, #tpu.memory_space<vmem>>, %arg10: memref<200x128xi32, #tpu.memory_space<vmem>>, %arg11: memref<200x128xi32, #tpu.memory_space<vmem>>, %arg12: memref<200x128xi32, #tpu.memory_space<vmem>>, %arg13: memref<!tpu.dma_semaphore, #tpu.memory_space<semaphore_mem>>, %arg14: memref<!tpu.dma_semaphore, #tpu.memory_space<semaphore_mem>>, %arg15: memref<!tpu.dma_semaphore, #tpu.memory_space<semaphore_mem>>, %arg16: memref<!tpu.dma_semaphore, #tpu.memory_space<semaphore_mem>>) attributes {dimension_semantics = [#tpu.dimension_semantics<core_parallel>, #tpu.dimension_semantics<subcore_parallel>], iteration_bounds = array<i64: 2, 16>, scalar_prefetch = 0 : i64, scratch_operands = 10 : i64, tpu.core_type = #tpu.core_type<sc_vector_subcore>, window_params = [{transform_indices = #map}, {transform_indices = #map}, {transform_indices = #map1}, {transform_indices = #map1}, {transform_indices = #map2}]} {
    %mul3A = arith.constant 2 : i32
    %mul3A_0 = arith.muli %arg1, %mul3A : i32
    %add3A = arith.addi %mul3A_0, %arg0 : i32
    %mul3A_1 = arith.constant 5000 : i32
    %mul3A_2 = arith.muli %add3A, %mul3A_1 : i32
    "tpu.region"() ({
      %run_scoped3A = tpu.sem_alloc : memref<!tpu.dma_semaphore, #tpu.memory_space<semaphore_mem>>
      %dma_start3A_45 = tpu.memref_slice %arg4[%mul3A_2] : memref<160000xi32, #tpu.memory_space<hbm>> -> memref<5000xi32, #tpu.memory_space<hbm>>
      %dma_start3A_46 = tpu.memref_slice %arg4[%mul3A_2] : memref<160000xi32, #tpu.memory_space<hbm>> -> memref<5000xi32, #tpu.memory_space<hbm>>
      tpu.enqueue_dma source(%dma_start3A_46 : memref<5000xi32, #tpu.memory_space<hbm>>) target(%arg7 : memref<5000xi32, #tpu.memory_space<vmem>>) target_semaphore(%run_scoped3A : memref<!tpu.dma_semaphore, #tpu.memory_space<semaphore_mem>>)
      %dma_wait3A_47 = tpu.memref_slice %arg4[%mul3A_2] : memref<160000xi32, #tpu.memory_space<hbm>> -> memref<5000xi32, #tpu.memory_space<hbm>>
      %dma_wait3A_48 = tpu.memref_slice %arg4[%mul3A_2] : memref<160000xi32, #tpu.memory_space<hbm>> -> memref<5000xi32, #tpu.memory_space<hbm>>
      tpu.wait_dma2 semaphore(%run_scoped3A : memref<!tpu.dma_semaphore, #tpu.memory_space<semaphore_mem>>) src(%dma_wait3A_48 : memref<5000xi32, #tpu.memory_space<hbm>>) dst(%arg7 : memref<5000xi32, #tpu.memory_space<vmem>>)
      tpu.yield
    }) : () -> ()
    "tpu.region"() ({
      %run_scoped3A = tpu.sem_alloc : memref<!tpu.dma_semaphore, #tpu.memory_space<semaphore_mem>>
      %dma_start3A_45 = tpu.memref_slice %arg5[%mul3A_2] : memref<160000xi32, #tpu.memory_space<hbm>> -> memref<5000xi32, #tpu.memory_space<hbm>>
      %dma_start3A_46 = tpu.memref_slice %arg5[%mul3A_2] : memref<160000xi32, #tpu.memory_space<hbm>> -> memref<5000xi32, #tpu.memory_space<hbm>>
      tpu.enqueue_dma source(%dma_start3A_46 : memref<5000xi32, #tpu.memory_space<hbm>>) target(%arg8 : memref<5000xi32, #tpu.memory_space<vmem>>) target_semaphore(%run_scoped3A : memref<!tpu.dma_semaphore, #tpu.memory_space<semaphore_mem>>)
      %dma_wait3A_47 = tpu.memref_slice %arg5[%mul3A_2] : memref<160000xi32, #tpu.memory_space<hbm>> -> memref<5000xi32, #tpu.memory_space<hbm>>
      %dma_wait3A_48 = tpu.memref_slice %arg5[%mul3A_2] : memref<160000xi32, #tpu.memory_space<hbm>> -> memref<5000xi32, #tpu.memory_space<hbm>>
      tpu.wait_dma2 semaphore(%run_scoped3A : memref<!tpu.dma_semaphore, #tpu.memory_space<semaphore_mem>>) src(%dma_wait3A_48 : memref<5000xi32, #tpu.memory_space<hbm>>) dst(%arg8 : memref<5000xi32, #tpu.memory_space<vmem>>)
      tpu.yield
    }) : () -> ()
    %dma_start3A = arith.constant 0 : i32
    %dma_start3A_3 = tpu.memref_slice %arg7[%dma_start3A] : memref<5000xi32, #tpu.memory_space<vmem>> -> memref<200xi32, #tpu.memory_space<vmem>>
    %dma_start3A_4 = arith.constant 0 : i32
    %dma_start3A_5 = arith.constant 0 : i32
    %dma_start3A_6 = tpu.memref_slice %arg2[%dma_start3A_4, %dma_start3A_5] : memref<10000x128xi32, #tpu.memory_space<hbm>> -> memref<10000x128xi32, #tpu.memory_space<hbm>>
    tpu.enqueue_indirect_dma source(%dma_start3A_6 : memref<10000x128xi32, #tpu.memory_space<hbm>>) target(%arg9 : memref<200x128xi32, #tpu.memory_space<vmem>>) offsets(%dma_start3A_3 : memref<200xi32, #tpu.memory_space<vmem>>) semaphore(%arg13 : memref<!tpu.dma_semaphore, #tpu.memory_space<semaphore_mem>>)
    %dma_start3A_7 = arith.constant 0 : i32
    %dma_start3A_8 = tpu.memref_slice %arg8[%dma_start3A_7] : memref<5000xi32, #tpu.memory_space<vmem>> -> memref<200xi32, #tpu.memory_space<vmem>>
    %dma_start3A_9 = arith.constant 0 : i32
    %dma_start3A_10 = arith.constant 0 : i32
    %dma_start3A_11 = tpu.memref_slice %arg3[%dma_start3A_9, %dma_start3A_10] : memref<10000x128xi32, #tpu.memory_space<hbm>> -> memref<10000x128xi32, #tpu.memory_space<hbm>>
    tpu.enqueue_indirect_dma source(%dma_start3A_11 : memref<10000x128xi32, #tpu.memory_space<hbm>>) target(%arg10 : memref<200x128xi32, #tpu.memory_space<vmem>>) offsets(%dma_start3A_8 : memref<200xi32, #tpu.memory_space<vmem>>) semaphore(%arg13 : memref<!tpu.dma_semaphore, #tpu.memory_space<semaphore_mem>>)
    %scan3A = arith.constant 0 : i32
    %scan3A_12 = arith.constant 0 : i32
    %scan3A_13 = arith.constant 25 : i32
    %scan3A_14 = arith.addi %scan3A_12, %scan3A_13 : i32
    %scan3A_15 = arith.constant 1 : i32
    %scan3A_16 = scf.for %scan3A_45 = %scan3A_12 to %scan3A_14 step %scan3A_15 iter_args(%scan3A_46 = %scan3A) -> (i32)  : i32 {
      %jit3A = arith.constant 2 : i32
      %eq3A = arith.constant 0 : i32
      %eq3A_47 = arith.cmpi eq, %jit3A, %eq3A : i32
      %jit3A_48 = arith.constant 1 : i32
      %select_n3A = arith.select %eq3A_47, %jit3A_48, %jit3A : i32
      %rem3A = arith.remsi %scan3A_45, %select_n3A : i32
      %ne3A = arith.constant 0 : i32
      %ne3A_49 = arith.cmpi ne, %rem3A, %ne3A : i32
      %lt3A = arith.constant 0 : i32
      %lt3A_50 = arith.cmpi slt, %rem3A, %lt3A : i32
      %lt3A_51 = arith.constant 0 : i32
      %lt3A_52 = arith.cmpi slt, %select_n3A, %lt3A_51 : i32
      %ne3A_53 = arith.xori %lt3A_50, %lt3A_52 : i1
      %and3A = arith.andi %ne3A_53, %ne3A_49 : i1
      %add3A_54 = arith.addi %rem3A, %select_n3A : i32
      %select_n3A_55 = arith.select %and3A, %add3A_54, %rem3A : i32
      %eq3A_56 = arith.constant 0 : i32
      %eq3A_57 = arith.cmpi eq, %select_n3A_55, %eq3A_56 : i32
      %convert_element_type3A = arith.extui %eq3A_57 : i1 to i32
      %cond3A = arith.constant 0 : i32
      %cond3A_58 = arith.cmpi ne, %convert_element_type3A, %cond3A : i32
      scf.if %cond3A_58 {
        %add3A_81 = arith.constant 1 : i32
        %add3A_82 = arith.addi %scan3A_45, %add3A_81 : i32
        %lt3A_83 = arith.constant 25 : i32
        %lt3A_84 = arith.cmpi slt, %add3A_82, %lt3A_83 : i32
        %convert_element_type3A_85 = arith.extui %lt3A_84 : i1 to i32
        %cond3A_86 = arith.constant 0 : i32
        %cond3A_87 = arith.cmpi ne, %convert_element_type3A_85, %cond3A_86 : i32
        scf.if %cond3A_87 {
          %ge3A = arith.constant 1 : i32
          %ge3A_117 = arith.cmpi sge, %scan3A_45, %ge3A : i32
          %convert_element_type3A_118 = arith.extui %ge3A_117 : i1 to i32
          %cond3A_119 = arith.constant 0 : i32
          %cond3A_120 = arith.cmpi ne, %convert_element_type3A_118, %cond3A_119 : i32
          scf.if %cond3A_120 {
            %dma_wait3A_133 = arith.constant 0 : i32
            %dma_wait3A_134 = arith.constant 0 : i32
            %dma_wait3A_135 = tpu.memref_slice %arg6[%dma_wait3A_133, %mul3A_2, %dma_wait3A_134] : memref<2x160000x128xi32, #tpu.memory_space<hbm>> -> memref<1x200x128xi32, #tpu.memory_space<hbm>>
            %dma_wait3A_136 = tpu.memref_squeeze %dma_wait3A_135 : memref<1x200x128xi32, #tpu.memory_space<hbm>> -> memref<200x128xi32, #tpu.memory_space<hbm>>
            %dma_wait3A_137 = arith.constant 0 : i32
            %dma_wait3A_138 = tpu.memref_slice %arg6[%dma_wait3A_133, %mul3A_2, %dma_wait3A_137] : memref<2x160000x128xi32, #tpu.memory_space<hbm>> -> memref<1x200x128xi32, #tpu.memory_space<hbm>>
            %dma_wait3A_139 = tpu.memref_squeeze %dma_wait3A_138 : memref<1x200x128xi32, #tpu.memory_space<hbm>> -> memref<200x128xi32, #tpu.memory_space<hbm>>
            tpu.wait_dma2 semaphore(%arg16 : memref<!tpu.dma_semaphore, #tpu.memory_space<semaphore_mem>>) src(%arg11 : memref<200x128xi32, #tpu.memory_space<vmem>>) dst(%dma_wait3A_139 : memref<200x128xi32, #tpu.memory_space<hbm>>)
            %dma_wait3A_140 = arith.constant 1 : i32
            %dma_wait3A_141 = arith.constant 0 : i32
            %dma_wait3A_142 = tpu.memref_slice %arg6[%dma_wait3A_140, %mul3A_2, %dma_wait3A_141] : memref<2x160000x128xi32, #tpu.memory_space<hbm>> -> memref<1x200x128xi32, #tpu.memory_space<hbm>>
            %dma_wait3A_143 = tpu.memref_squeeze %dma_wait3A_142 : memref<1x200x128xi32, #tpu.memory_space<hbm>> -> memref<200x128xi32, #tpu.memory_space<hbm>>
            %dma_wait3A_144 = arith.constant 0 : i32
            %dma_wait3A_145 = tpu.memref_slice %arg6[%dma_wait3A_140, %mul3A_2, %dma_wait3A_144] : memref<2x160000x128xi32, #tpu.memory_space<hbm>> -> memref<1x200x128xi32, #tpu.memory_space<hbm>>
            %dma_wait3A_146 = tpu.memref_squeeze %dma_wait3A_145 : memref<1x200x128xi32, #tpu.memory_space<hbm>> -> memref<200x128xi32, #tpu.memory_space<hbm>>
            tpu.wait_dma2 semaphore(%arg16 : memref<!tpu.dma_semaphore, #tpu.memory_space<semaphore_mem>>) src(%arg12 : memref<200x128xi32, #tpu.memory_space<vmem>>) dst(%dma_wait3A_146 : memref<200x128xi32, #tpu.memory_space<hbm>>)
          } else {
          }
          %add3A_121 = arith.constant 1 : i32
          %add3A_122 = arith.addi %scan3A_45, %add3A_121 : i32
          %mul3A_123 = arith.constant 200 : i32
          %mul3A_124 = arith.muli %add3A_122, %mul3A_123 : i32
          %dma_start3A_125 = tpu.memref_slice %arg7[%mul3A_124] : memref<5000xi32, #tpu.memory_space<vmem>> -> memref<200xi32, #tpu.memory_space<vmem>>
          %dma_start3A_126 = arith.constant 0 : i32
          %dma_start3A_127 = arith.constant 0 : i32
          %dma_start3A_128 = tpu.memref_slice %arg2[%dma_start3A_126, %dma_start3A_127] : memref<10000x128xi32, #tpu.memory_space<hbm>> -> memref<10000x128xi32, #tpu.memory_space<hbm>>
          tpu.enqueue_indirect_dma source(%dma_start3A_128 : memref<10000x128xi32, #tpu.memory_space<hbm>>) target(%arg11 : memref<200x128xi32, #tpu.memory_space<vmem>>) offsets(%dma_start3A_125 : memref<200xi32, #tpu.memory_space<vmem>>) semaphore(%arg14 : memref<!tpu.dma_semaphore, #tpu.memory_space<semaphore_mem>>)
          %dma_start3A_129 = tpu.memref_slice %arg8[%mul3A_124] : memref<5000xi32, #tpu.memory_space<vmem>> -> memref<200xi32, #tpu.memory_space<vmem>>
          %dma_start3A_130 = arith.constant 0 : i32
          %dma_start3A_131 = arith.constant 0 : i32
          %dma_start3A_132 = tpu.memref_slice %arg3[%dma_start3A_130, %dma_start3A_131] : memref<10000x128xi32, #tpu.memory_space<hbm>> -> memref<10000x128xi32, #tpu.memory_space<hbm>>
          tpu.enqueue_indirect_dma source(%dma_start3A_132 : memref<10000x128xi32, #tpu.memory_space<hbm>>) target(%arg12 : memref<200x128xi32, #tpu.memory_space<vmem>>) offsets(%dma_start3A_129 : memref<200xi32, #tpu.memory_space<vmem>>) semaphore(%arg14 : memref<!tpu.dma_semaphore, #tpu.memory_space<semaphore_mem>>)
        } else {
        }
        %dma_wait3A_88 = arith.constant 0 : i32
        %dma_wait3A_89 = arith.constant 0 : i32
        %dma_wait3A_90 = tpu.memref_slice %arg2[%dma_wait3A_88, %dma_wait3A_89] : memref<10000x128xi32, #tpu.memory_space<hbm>> -> memref<200x128xi32, #tpu.memory_space<hbm>>
        %dma_wait3A_91 = arith.constant 0 : i32
        %dma_wait3A_92 = arith.constant 0 : i32
        %dma_wait3A_93 = tpu.memref_slice %arg2[%dma_wait3A_91, %dma_wait3A_92] : memref<10000x128xi32, #tpu.memory_space<hbm>> -> memref<200x128xi32, #tpu.memory_space<hbm>>
        tpu.wait_dma2 semaphore(%arg13 : memref<!tpu.dma_semaphore, #tpu.memory_space<semaphore_mem>>) src(%dma_wait3A_93 : memref<200x128xi32, #tpu.memory_space<hbm>>) dst(%arg9 : memref<200x128xi32, #tpu.memory_space<vmem>>)
        %dma_wait3A_94 = arith.constant 0 : i32
        %dma_wait3A_95 = arith.constant 0 : i32
        %dma_wait3A_96 = tpu.memref_slice %arg3[%dma_wait3A_94, %dma_wait3A_95] : memref<10000x128xi32, #tpu.memory_space<hbm>> -> memref<200x128xi32, #tpu.memory_space<hbm>>
        %dma_wait3A_97 = arith.constant 0 : i32
        %dma_wait3A_98 = arith.constant 0 : i32
        %dma_wait3A_99 = tpu.memref_slice %arg3[%dma_wait3A_97, %dma_wait3A_98] : memref<10000x128xi32, #tpu.memory_space<hbm>> -> memref<200x128xi32, #tpu.memory_space<hbm>>
        tpu.wait_dma2 semaphore(%arg13 : memref<!tpu.dma_semaphore, #tpu.memory_space<semaphore_mem>>) src(%dma_wait3A_99 : memref<200x128xi32, #tpu.memory_space<hbm>>) dst(%arg10 : memref<200x128xi32, #tpu.memory_space<vmem>>)
        %mul3A_100 = arith.constant 200 : i32
        %mul3A_101 = arith.muli %scan3A_45, %mul3A_100 : i32
        %add3A_102 = arith.addi %mul3A_2, %mul3A_101 : i32
        %dma_start3A_103 = arith.constant 0 : i32
        %dma_start3A_104 = arith.constant 0 : i32
        %dma_start3A_105 = tpu.memref_slice %arg6[%dma_start3A_103, %add3A_102, %dma_start3A_104] : memref<2x160000x128xi32, #tpu.memory_space<hbm>> -> memref<1x200x128xi32, #tpu.memory_space<hbm>>
        %dma_start3A_106 = tpu.memref_squeeze %dma_start3A_105 : memref<1x200x128xi32, #tpu.memory_space<hbm>> -> memref<200x128xi32, #tpu.memory_space<hbm>>
        %dma_start3A_107 = arith.constant 0 : i32
        %dma_start3A_108 = tpu.memref_slice %arg6[%dma_start3A_103, %add3A_102, %dma_start3A_107] : memref<2x160000x128xi32, #tpu.memory_space<hbm>> -> memref<1x200x128xi32, #tpu.memory_space<hbm>>
        %dma_start3A_109 = tpu.memref_squeeze %dma_start3A_108 : memref<1x200x128xi32, #tpu.memory_space<hbm>> -> memref<200x128xi32, #tpu.memory_space<hbm>>
        tpu.enqueue_dma source(%arg9 : memref<200x128xi32, #tpu.memory_space<vmem>>) target(%dma_start3A_109 : memref<200x128xi32, #tpu.memory_space<hbm>>) target_semaphore(%arg15 : memref<!tpu.dma_semaphore, #tpu.memory_space<semaphore_mem>>)
        %dma_start3A_110 = arith.constant 1 : i32
        %dma_start3A_111 = arith.constant 0 : i32
        %dma_start3A_112 = tpu.memref_slice %arg6[%dma_start3A_110, %add3A_102, %dma_start3A_111] : memref<2x160000x128xi32, #tpu.memory_space<hbm>> -> memref<1x200x128xi32, #tpu.memory_space<hbm>>
        %dma_start3A_113 = tpu.memref_squeeze %dma_start3A_112 : memref<1x200x128xi32, #tpu.memory_space<hbm>> -> memref<200x128xi32, #tpu.memory_space<hbm>>
        %dma_start3A_114 = arith.constant 0 : i32
        %dma_start3A_115 = tpu.memref_slice %arg6[%dma_start3A_110, %add3A_102, %dma_start3A_114] : memref<2x160000x128xi32, #tpu.memory_space<hbm>> -> memref<1x200x128xi32, #tpu.memory_space<hbm>>
        %dma_start3A_116 = tpu.memref_squeeze %dma_start3A_115 : memref<1x200x128xi32, #tpu.memory_space<hbm>> -> memref<200x128xi32, #tpu.memory_space<hbm>>
        tpu.enqueue_dma source(%arg10 : memref<200x128xi32, #tpu.memory_space<vmem>>) target(%dma_start3A_116 : memref<200x128xi32, #tpu.memory_space<hbm>>) target_semaphore(%arg15 : memref<!tpu.dma_semaphore, #tpu.memory_space<semaphore_mem>>)
      } else {
      }
      %jit3A_59 = arith.constant 2 : i32
      %eq3A_60 = arith.constant 0 : i32
      %eq3A_61 = arith.cmpi eq, %jit3A_59, %eq3A_60 : i32
      %jit3A_62 = arith.constant 1 : i32
      %select_n3A_63 = arith.select %eq3A_61, %jit3A_62, %jit3A_59 : i32
      %rem3A_64 = arith.remsi %scan3A_45, %select_n3A_63 : i32
      %ne3A_65 = arith.constant 0 : i32
      %ne3A_66 = arith.cmpi ne, %rem3A_64, %ne3A_65 : i32
      %lt3A_67 = arith.constant 0 : i32
      %lt3A_68 = arith.cmpi slt, %rem3A_64, %lt3A_67 : i32
      %lt3A_69 = arith.constant 0 : i32
      %lt3A_70 = arith.cmpi slt, %select_n3A_63, %lt3A_69 : i32
      %ne3A_71 = arith.xori %lt3A_68, %lt3A_70 : i1
      %and3A_72 = arith.andi %ne3A_71, %ne3A_66 : i1
      %add3A_73 = arith.addi %rem3A_64, %select_n3A_63 : i32
      %select_n3A_74 = arith.select %and3A_72, %add3A_73, %rem3A_64 : i32
      %eq3A_75 = arith.constant 1 : i32
      %eq3A_76 = arith.cmpi eq, %select_n3A_74, %eq3A_75 : i32
      %convert_element_type3A_77 = arith.extui %eq3A_76 : i1 to i32
      %cond3A_78 = arith.constant 0 : i32
      %cond3A_79 = arith.cmpi ne, %convert_element_type3A_77, %cond3A_78 : i32
      scf.if %cond3A_79 {
        %add3A_81 = arith.constant 1 : i32
        %add3A_82 = arith.addi %scan3A_45, %add3A_81 : i32
        %lt3A_83 = arith.constant 25 : i32
        %lt3A_84 = arith.cmpi slt, %add3A_82, %lt3A_83 : i32
        %convert_element_type3A_85 = arith.extui %lt3A_84 : i1 to i32
        %cond3A_86 = arith.constant 0 : i32
        %cond3A_87 = arith.cmpi ne, %convert_element_type3A_85, %cond3A_86 : i32
        scf.if %cond3A_87 {
          %ge3A = arith.constant 1 : i32
          %ge3A_117 = arith.cmpi sge, %scan3A_45, %ge3A : i32
          %convert_element_type3A_118 = arith.extui %ge3A_117 : i1 to i32
          %cond3A_119 = arith.constant 0 : i32
          %cond3A_120 = arith.cmpi ne, %convert_element_type3A_118, %cond3A_119 : i32
          scf.if %cond3A_120 {
            %dma_wait3A_133 = arith.constant 0 : i32
            %dma_wait3A_134 = arith.constant 0 : i32
            %dma_wait3A_135 = tpu.memref_slice %arg6[%dma_wait3A_133, %mul3A_2, %dma_wait3A_134] : memref<2x160000x128xi32, #tpu.memory_space<hbm>> -> memref<1x200x128xi32, #tpu.memory_space<hbm>>
            %dma_wait3A_136 = tpu.memref_squeeze %dma_wait3A_135 : memref<1x200x128xi32, #tpu.memory_space<hbm>> -> memref<200x128xi32, #tpu.memory_space<hbm>>
            %dma_wait3A_137 = arith.constant 0 : i32
            %dma_wait3A_138 = tpu.memref_slice %arg6[%dma_wait3A_133, %mul3A_2, %dma_wait3A_137] : memref<2x160000x128xi32, #tpu.memory_space<hbm>> -> memref<1x200x128xi32, #tpu.memory_space<hbm>>
            %dma_wait3A_139 = tpu.memref_squeeze %dma_wait3A_138 : memref<1x200x128xi32, #tpu.memory_space<hbm>> -> memref<200x128xi32, #tpu.memory_space<hbm>>
            tpu.wait_dma2 semaphore(%arg15 : memref<!tpu.dma_semaphore, #tpu.memory_space<semaphore_mem>>) src(%arg9 : memref<200x128xi32, #tpu.memory_space<vmem>>) dst(%dma_wait3A_139 : memref<200x128xi32, #tpu.memory_space<hbm>>)
            %dma_wait3A_140 = arith.constant 1 : i32
            %dma_wait3A_141 = arith.constant 0 : i32
            %dma_wait3A_142 = tpu.memref_slice %arg6[%dma_wait3A_140, %mul3A_2, %dma_wait3A_141] : memref<2x160000x128xi32, #tpu.memory_space<hbm>> -> memref<1x200x128xi32, #tpu.memory_space<hbm>>
            %dma_wait3A_143 = tpu.memref_squeeze %dma_wait3A_142 : memref<1x200x128xi32, #tpu.memory_space<hbm>> -> memref<200x128xi32, #tpu.memory_space<hbm>>
            %dma_wait3A_144 = arith.constant 0 : i32
            %dma_wait3A_145 = tpu.memref_slice %arg6[%dma_wait3A_140, %mul3A_2, %dma_wait3A_144] : memref<2x160000x128xi32, #tpu.memory_space<hbm>> -> memref<1x200x128xi32, #tpu.memory_space<hbm>>
            %dma_wait3A_146 = tpu.memref_squeeze %dma_wait3A_145 : memref<1x200x128xi32, #tpu.memory_space<hbm>> -> memref<200x128xi32, #tpu.memory_space<hbm>>
            tpu.wait_dma2 semaphore(%arg15 : memref<!tpu.dma_semaphore, #tpu.memory_space<semaphore_mem>>) src(%arg10 : memref<200x128xi32, #tpu.memory_space<vmem>>) dst(%dma_wait3A_146 : memref<200x128xi32, #tpu.memory_space<hbm>>)
          } else {
          }
          %add3A_121 = arith.constant 1 : i32
          %add3A_122 = arith.addi %scan3A_45, %add3A_121 : i32
          %mul3A_123 = arith.constant 200 : i32
          %mul3A_124 = arith.muli %add3A_122, %mul3A_123 : i32
          %dma_start3A_125 = tpu.memref_slice %arg7[%mul3A_124] : memref<5000xi32, #tpu.memory_space<vmem>> -> memref<200xi32, #tpu.memory_space<vmem>>
          %dma_start3A_126 = arith.constant 0 : i32
          %dma_start3A_127 = arith.constant 0 : i32
          %dma_start3A_128 = tpu.memref_slice %arg2[%dma_start3A_126, %dma_start3A_127] : memref<10000x128xi32, #tpu.memory_space<hbm>> -> memref<10000x128xi32, #tpu.memory_space<hbm>>
          tpu.enqueue_indirect_dma source(%dma_start3A_128 : memref<10000x128xi32, #tpu.memory_space<hbm>>) target(%arg9 : memref<200x128xi32, #tpu.memory_space<vmem>>) offsets(%dma_start3A_125 : memref<200xi32, #tpu.memory_space<vmem>>) semaphore(%arg13 : memref<!tpu.dma_semaphore, #tpu.memory_space<semaphore_mem>>)
          %dma_start3A_129 = tpu.memref_slice %arg8[%mul3A_124] : memref<5000xi32, #tpu.memory_space<vmem>> -> memref<200xi32, #tpu.memory_space<vmem>>
          %dma_start3A_130 = arith.constant 0 : i32
          %dma_start3A_131 = arith.constant 0 : i32
          %dma_start3A_132 = tpu.memref_slice %arg3[%dma_start3A_130, %dma_start3A_131] : memref<10000x128xi32, #tpu.memory_space<hbm>> -> memref<10000x128xi32, #tpu.memory_space<hbm>>
          tpu.enqueue_indirect_dma source(%dma_start3A_132 : memref<10000x128xi32, #tpu.memory_space<hbm>>) target(%arg10 : memref<200x128xi32, #tpu.memory_space<vmem>>) offsets(%dma_start3A_129 : memref<200xi32, #tpu.memory_space<vmem>>) semaphore(%arg13 : memref<!tpu.dma_semaphore, #tpu.memory_space<semaphore_mem>>)
        } else {
        }
        %dma_wait3A_88 = arith.constant 0 : i32
        %dma_wait3A_89 = arith.constant 0 : i32
        %dma_wait3A_90 = tpu.memref_slice %arg2[%dma_wait3A_88, %dma_wait3A_89] : memref<10000x128xi32, #tpu.memory_space<hbm>> -> memref<200x128xi32, #tpu.memory_space<hbm>>
        %dma_wait3A_91 = arith.constant 0 : i32
        %dma_wait3A_92 = arith.constant 0 : i32
        %dma_wait3A_93 = tpu.memref_slice %arg2[%dma_wait3A_91, %dma_wait3A_92] : memref<10000x128xi32, #tpu.memory_space<hbm>> -> memref<200x128xi32, #tpu.memory_space<hbm>>
        tpu.wait_dma2 semaphore(%arg14 : memref<!tpu.dma_semaphore, #tpu.memory_space<semaphore_mem>>) src(%dma_wait3A_93 : memref<200x128xi32, #tpu.memory_space<hbm>>) dst(%arg11 : memref<200x128xi32, #tpu.memory_space<vmem>>)
        %dma_wait3A_94 = arith.constant 0 : i32
        %dma_wait3A_95 = arith.constant 0 : i32
        %dma_wait3A_96 = tpu.memref_slice %arg3[%dma_wait3A_94, %dma_wait3A_95] : memref<10000x128xi32, #tpu.memory_space<hbm>> -> memref<200x128xi32, #tpu.memory_space<hbm>>
        %dma_wait3A_97 = arith.constant 0 : i32
        %dma_wait3A_98 = arith.constant 0 : i32
        %dma_wait3A_99 = tpu.memref_slice %arg3[%dma_wait3A_97, %dma_wait3A_98] : memref<10000x128xi32, #tpu.memory_space<hbm>> -> memref<200x128xi32, #tpu.memory_space<hbm>>
        tpu.wait_dma2 semaphore(%arg14 : memref<!tpu.dma_semaphore, #tpu.memory_space<semaphore_mem>>) src(%dma_wait3A_99 : memref<200x128xi32, #tpu.memory_space<hbm>>) dst(%arg12 : memref<200x128xi32, #tpu.memory_space<vmem>>)
        %mul3A_100 = arith.constant 200 : i32
        %mul3A_101 = arith.muli %scan3A_45, %mul3A_100 : i32
        %add3A_102 = arith.addi %mul3A_2, %mul3A_101 : i32
        %dma_start3A_103 = arith.constant 0 : i32
        %dma_start3A_104 = arith.constant 0 : i32
        %dma_start3A_105 = tpu.memref_slice %arg6[%dma_start3A_103, %add3A_102, %dma_start3A_104] : memref<2x160000x128xi32, #tpu.memory_space<hbm>> -> memref<1x200x128xi32, #tpu.memory_space<hbm>>
        %dma_start3A_106 = tpu.memref_squeeze %dma_start3A_105 : memref<1x200x128xi32, #tpu.memory_space<hbm>> -> memref<200x128xi32, #tpu.memory_space<hbm>>
        %dma_start3A_107 = arith.constant 0 : i32
        %dma_start3A_108 = tpu.memref_slice %arg6[%dma_start3A_103, %add3A_102, %dma_start3A_107] : memref<2x160000x128xi32, #tpu.memory_space<hbm>> -> memref<1x200x128xi32, #tpu.memory_space<hbm>>
        %dma_start3A_109 = tpu.memref_squeeze %dma_start3A_108 : memref<1x200x128xi32, #tpu.memory_space<hbm>> -> memref<200x128xi32, #tpu.memory_space<hbm>>
        tpu.enqueue_dma source(%arg11 : memref<200x128xi32, #tpu.memory_space<vmem>>) target(%dma_start3A_109 : memref<200x128xi32, #tpu.memory_space<hbm>>) target_semaphore(%arg16 : memref<!tpu.dma_semaphore, #tpu.memory_space<semaphore_mem>>)
        %dma_start3A_110 = arith.constant 1 : i32
        %dma_start3A_111 = arith.constant 0 : i32
        %dma_start3A_112 = tpu.memref_slice %arg6[%dma_start3A_110, %add3A_102, %dma_start3A_111] : memref<2x160000x128xi32, #tpu.memory_space<hbm>> -> memref<1x200x128xi32, #tpu.memory_space<hbm>>
        %dma_start3A_113 = tpu.memref_squeeze %dma_start3A_112 : memref<1x200x128xi32, #tpu.memory_space<hbm>> -> memref<200x128xi32, #tpu.memory_space<hbm>>
        %dma_start3A_114 = arith.constant 0 : i32
        %dma_start3A_115 = tpu.memref_slice %arg6[%dma_start3A_110, %add3A_102, %dma_start3A_114] : memref<2x160000x128xi32, #tpu.memory_space<hbm>> -> memref<1x200x128xi32, #tpu.memory_space<hbm>>
        %dma_start3A_116 = tpu.memref_squeeze %dma_start3A_115 : memref<1x200x128xi32, #tpu.memory_space<hbm>> -> memref<200x128xi32, #tpu.memory_space<hbm>>
        tpu.enqueue_dma source(%arg12 : memref<200x128xi32, #tpu.memory_space<vmem>>) target(%dma_start3A_116 : memref<200x128xi32, #tpu.memory_space<hbm>>) target_semaphore(%arg16 : memref<!tpu.dma_semaphore, #tpu.memory_space<semaphore_mem>>)
      } else {
      }
      %scan3A_80 = arith.constant 0 : i32
      scf.yield %scan3A_80 : i32
    }
    %scan3A_17 = arith.constant 25 : i32
    %dma_wait3A = arith.constant 0 : i32
    %dma_wait3A_18 = arith.constant 0 : i32
    %dma_wait3A_19 = tpu.memref_slice %arg6[%dma_wait3A, %mul3A_2, %dma_wait3A_18] : memref<2x160000x128xi32, #tpu.memory_space<hbm>> -> memref<1x200x128xi32, #tpu.memory_space<hbm>>
    %dma_wait3A_20 = tpu.memref_squeeze %dma_wait3A_19 : memref<1x200x128xi32, #tpu.memory_space<hbm>> -> memref<200x128xi32, #tpu.memory_space<hbm>>
    %dma_wait3A_21 = arith.constant 0 : i32
    %dma_wait3A_22 = tpu.memref_slice %arg6[%dma_wait3A, %mul3A_2, %dma_wait3A_21] : memref<2x160000x128xi32, #tpu.memory_space<hbm>> -> memref<1x200x128xi32, #tpu.memory_space<hbm>>
    %dma_wait3A_23 = tpu.memref_squeeze %dma_wait3A_22 : memref<1x200x128xi32, #tpu.memory_space<hbm>> -> memref<200x128xi32, #tpu.memory_space<hbm>>
    tpu.wait_dma2 semaphore(%arg15 : memref<!tpu.dma_semaphore, #tpu.memory_space<semaphore_mem>>) src(%arg9 : memref<200x128xi32, #tpu.memory_space<vmem>>) dst(%dma_wait3A_23 : memref<200x128xi32, #tpu.memory_space<hbm>>)
    %dma_wait3A_24 = arith.constant 1 : i32
    %dma_wait3A_25 = arith.constant 0 : i32
    %dma_wait3A_26 = tpu.memref_slice %arg6[%dma_wait3A_24, %mul3A_2, %dma_wait3A_25] : memref<2x160000x128xi32, #tpu.memory_space<hbm>> -> memref<1x200x128xi32, #tpu.memory_space<hbm>>
    %dma_wait3A_27 = tpu.memref_squeeze %dma_wait3A_26 : memref<1x200x128xi32, #tpu.memory_space<hbm>> -> memref<200x128xi32, #tpu.memory_space<hbm>>
    %dma_wait3A_28 = arith.constant 0 : i32
    %dma_wait3A_29 = tpu.memref_slice %arg6[%dma_wait3A_24, %mul3A_2, %dma_wait3A_28] : memref<2x160000x128xi32, #tpu.memory_space<hbm>> -> memref<1x200x128xi32, #tpu.memory_space<hbm>>
    %dma_wait3A_30 = tpu.memref_squeeze %dma_wait3A_29 : memref<1x200x128xi32, #tpu.memory_space<hbm>> -> memref<200x128xi32, #tpu.memory_space<hbm>>
    tpu.wait_dma2 semaphore(%arg15 : memref<!tpu.dma_semaphore, #tpu.memory_space<semaphore_mem>>) src(%arg10 : memref<200x128xi32, #tpu.memory_space<vmem>>) dst(%dma_wait3A_30 : memref<200x128xi32, #tpu.memory_space<hbm>>)
    %dma_wait3A_31 = arith.constant 0 : i32
    %dma_wait3A_32 = arith.constant 0 : i32
    %dma_wait3A_33 = tpu.memref_slice %arg6[%dma_wait3A_31, %mul3A_2, %dma_wait3A_32] : memref<2x160000x128xi32, #tpu.memory_space<hbm>> -> memref<1x200x128xi32, #tpu.memory_space<hbm>>
    %dma_wait3A_34 = tpu.memref_squeeze %dma_wait3A_33 : memref<1x200x128xi32, #tpu.memory_space<hbm>> -> memref<200x128xi32, #tpu.memory_space<hbm>>
    %dma_wait3A_35 = arith.constant 0 : i32
    %dma_wait3A_36 = tpu.memref_slice %arg6[%dma_wait3A_31, %mul3A_2, %dma_wait3A_35] : memref<2x160000x128xi32, #tpu.memory_space<hbm>> -> memref<1x200x128xi32, #tpu.memory_space<hbm>>
    %dma_wait3A_37 = tpu.memref_squeeze %dma_wait3A_36 : memref<1x200x128xi32, #tpu.memory_space<hbm>> -> memref<200x128xi32, #tpu.memory_space<hbm>>
    tpu.wait_dma2 semaphore(%arg16 : memref<!tpu.dma_semaphore, #tpu.memory_space<semaphore_mem>>) src(%arg11 : memref<200x128xi32, #tpu.memory_space<vmem>>) dst(%dma_wait3A_37 : memref<200x128xi32, #tpu.memory_space<hbm>>)
    %dma_wait3A_38 = arith.constant 1 : i32
    %dma_wait3A_39 = arith.constant 0 : i32
    %dma_wait3A_40 = tpu.memref_slice %arg6[%dma_wait3A_38, %mul3A_2, %dma_wait3A_39] : memref<2x160000x128xi32, #tpu.memory_space<hbm>> -> memref<1x200x128xi32, #tpu.memory_space<hbm>>
    %dma_wait3A_41 = tpu.memref_squeeze %dma_wait3A_40 : memref<1x200x128xi32, #tpu.memory_space<hbm>> -> memref<200x128xi32, #tpu.memory_space<hbm>>
    %dma_wait3A_42 = arith.constant 0 : i32
    %dma_wait3A_43 = tpu.memref_slice %arg6[%dma_wait3A_38, %mul3A_2, %dma_wait3A_42] : memref<2x160000x128xi32, #tpu.memory_space<hbm>> -> memref<1x200x128xi32, #tpu.memory_space<hbm>>
    %dma_wait3A_44 = tpu.memref_squeeze %dma_wait3A_43 : memref<1x200x128xi32, #tpu.memory_space<hbm>> -> memref<200x128xi32, #tpu.memory_space<hbm>>
    tpu.wait_dma2 semaphore(%arg16 : memref<!tpu.dma_semaphore, #tpu.memory_space<semaphore_mem>>) src(%arg12 : memref<200x128xi32, #tpu.memory_space<vmem>>) dst(%dma_wait3A_44 : memref<200x128xi32, #tpu.memory_space<hbm>>)
    return
  }
}

#map = affine_map<(d0, d1) -> (0, 0)>
#map1 = affine_map<(d0, d1) -> (0)>
#map2 = affine_map<(d0, d1) -> (0, 0, 0)>
module attributes {stable_mosaic.version = 14 : i64} {
  func.func @_sc_scatter_body(%arg0: i32, %arg1: i32, %arg2: memref<160000x128xf32, #tpu.memory_space<hbm>>, %arg3: memref<160000xi32, #tpu.memory_space<hbm>>, %arg4: memref<10000x128xf32, #tpu.memory_space<hbm>>, %arg5: memref<2x10000x128xf32, #tpu.memory_space<hbm>>, %arg6: memref<40xi32, #tpu.memory_space<vmem>>, %arg7: memref<40x128xf32, #tpu.memory_space<vmem>>, %arg8: memref<40xi32, #tpu.memory_space<vmem>>, %arg9: memref<40x128xf32, #tpu.memory_space<vmem>>, %arg10: memref<10000x128xf32, #tpu.memory_space<vmem_shared>>, %arg11: memref<!tpu.dma_semaphore, #tpu.memory_space<semaphore_mem>>, %arg12: memref<!tpu.dma_semaphore, #tpu.memory_space<semaphore_mem>>, %arg13: memref<!tpu.dma_semaphore, #tpu.memory_space<semaphore_mem>>, %arg14: memref<!tpu.dma_semaphore, #tpu.memory_space<semaphore_mem>>) attributes {dimension_semantics = [#tpu.dimension_semantics<core_parallel>, #tpu.dimension_semantics<subcore_parallel>], iteration_bounds = array<i64: 2, 16>, scalar_prefetch = 0 : i64, scratch_operands = 9 : i64, tpu.core_type = #tpu.core_type<sc_vector_subcore>, window_params = [{transform_indices = #map}, {transform_indices = #map1}, {transform_indices = #map}, {transform_indices = #map2}]} {
    %mul3A = arith.constant 624 : i32
    %mul3A_0 = arith.muli %arg1, %mul3A : i32
    %mul3A_1 = arith.constant 80000 : i32
    %mul3A_2 = arith.muli %arg0, %mul3A_1 : i32
    %mul3A_3 = arith.constant 5000 : i32
    %mul3A_4 = arith.muli %arg1, %mul3A_3 : i32
    %add3A = arith.addi %mul3A_2, %mul3A_4 : i32
    %add3A_5 = arith.constant 0 : i32
    %add3A_6 = arith.addi %add3A, %add3A_5 : i32
    %dma_start3A = tpu.memref_slice %arg3[%add3A_6] : memref<160000xi32, #tpu.memory_space<hbm>> -> memref<40xi32, #tpu.memory_space<hbm>>
    %dma_start3A_7 = tpu.memref_slice %arg3[%add3A_6] : memref<160000xi32, #tpu.memory_space<hbm>> -> memref<40xi32, #tpu.memory_space<hbm>>
    tpu.enqueue_dma source(%dma_start3A_7 : memref<40xi32, #tpu.memory_space<hbm>>) target(%arg6 : memref<40xi32, #tpu.memory_space<vmem>>) target_semaphore(%arg11 : memref<!tpu.dma_semaphore, #tpu.memory_space<semaphore_mem>>)
    %dma_start3A_8 = arith.constant 0 : i32
    %dma_start3A_9 = tpu.memref_slice %arg2[%add3A_6, %dma_start3A_8] : memref<160000x128xf32, #tpu.memory_space<hbm>> -> memref<40x128xf32, #tpu.memory_space<hbm>>
    %dma_start3A_10 = arith.constant 0 : i32
    %dma_start3A_11 = tpu.memref_slice %arg2[%add3A_6, %dma_start3A_10] : memref<160000x128xf32, #tpu.memory_space<hbm>> -> memref<40x128xf32, #tpu.memory_space<hbm>>
    tpu.enqueue_dma source(%dma_start3A_11 : memref<40x128xf32, #tpu.memory_space<hbm>>) target(%arg7 : memref<40x128xf32, #tpu.memory_space<vmem>>) target_semaphore(%arg11 : memref<!tpu.dma_semaphore, #tpu.memory_space<semaphore_mem>>)
    "tpu.region"() ({
      %run_scoped3A = tpu.sem_alloc : memref<!tpu.dma_semaphore, #tpu.memory_space<semaphore_mem>>
      %dma_start3A_31 = arith.constant 0 : i32
      %dma_start3A_32 = tpu.memref_slice %arg10[%mul3A_0, %dma_start3A_31] : memref<10000x128xf32, #tpu.memory_space<vmem_shared>> -> memref<624x128xf32, #tpu.memory_space<vmem_shared>>
      %dma_start3A_33 = arith.constant 0 : i32
      %dma_start3A_34 = tpu.memref_slice %arg4[%mul3A_0, %dma_start3A_33] : memref<10000x128xf32, #tpu.memory_space<hbm>> -> memref<624x128xf32, #tpu.memory_space<hbm>>
      tpu.enqueue_dma source(%dma_start3A_34 : memref<624x128xf32, #tpu.memory_space<hbm>>) target(%dma_start3A_32 : memref<624x128xf32, #tpu.memory_space<vmem_shared>>) target_semaphore(%run_scoped3A : memref<!tpu.dma_semaphore, #tpu.memory_space<semaphore_mem>>)
      %dma_wait3A_35 = arith.constant 0 : i32
      %dma_wait3A_36 = tpu.memref_slice %arg10[%mul3A_0, %dma_wait3A_35] : memref<10000x128xf32, #tpu.memory_space<vmem_shared>> -> memref<624x128xf32, #tpu.memory_space<vmem_shared>>
      %dma_wait3A_37 = arith.constant 0 : i32
      %dma_wait3A_38 = tpu.memref_slice %arg4[%mul3A_0, %dma_wait3A_37] : memref<10000x128xf32, #tpu.memory_space<hbm>> -> memref<624x128xf32, #tpu.memory_space<hbm>>
      tpu.wait_dma2 semaphore(%run_scoped3A : memref<!tpu.dma_semaphore, #tpu.memory_space<semaphore_mem>>) src(%dma_wait3A_38 : memref<624x128xf32, #tpu.memory_space<hbm>>) dst(%dma_wait3A_36 : memref<624x128xf32, #tpu.memory_space<vmem_shared>>)
      tpu.yield
    }) : () -> ()
    %eq3A = arith.constant 15 : i32
    %eq3A_12 = arith.cmpi eq, %arg1, %eq3A : i32
    %convert_element_type3A = arith.extui %eq3A_12 : i1 to i32
    %cond3A = arith.constant 0 : i32
    %cond3A_13 = arith.cmpi ne, %convert_element_type3A, %cond3A : i32
    scf.if %cond3A_13 {
      "tpu.region"() ({
        %run_scoped3A = tpu.sem_alloc : memref<!tpu.dma_semaphore, #tpu.memory_space<semaphore_mem>>
        %dma_start3A_31 = arith.constant 9984 : i32
        %dma_start3A_32 = arith.constant 0 : i32
        %dma_start3A_33 = tpu.memref_slice %arg10[%dma_start3A_31, %dma_start3A_32] : memref<10000x128xf32, #tpu.memory_space<vmem_shared>> -> memref<16x128xf32, #tpu.memory_space<vmem_shared>>
        %dma_start3A_34 = arith.constant 9984 : i32
        %dma_start3A_35 = arith.constant 0 : i32
        %dma_start3A_36 = tpu.memref_slice %arg4[%dma_start3A_34, %dma_start3A_35] : memref<10000x128xf32, #tpu.memory_space<hbm>> -> memref<16x128xf32, #tpu.memory_space<hbm>>
        tpu.enqueue_dma source(%dma_start3A_36 : memref<16x128xf32, #tpu.memory_space<hbm>>) target(%dma_start3A_33 : memref<16x128xf32, #tpu.memory_space<vmem_shared>>) target_semaphore(%run_scoped3A : memref<!tpu.dma_semaphore, #tpu.memory_space<semaphore_mem>>)
        %dma_wait3A_37 = arith.constant 9984 : i32
        %dma_wait3A_38 = arith.constant 0 : i32
        %dma_wait3A_39 = tpu.memref_slice %arg10[%dma_wait3A_37, %dma_wait3A_38] : memref<10000x128xf32, #tpu.memory_space<vmem_shared>> -> memref<16x128xf32, #tpu.memory_space<vmem_shared>>
        %dma_wait3A_40 = arith.constant 9984 : i32
        %dma_wait3A_41 = arith.constant 0 : i32
        %dma_wait3A_42 = tpu.memref_slice %arg4[%dma_wait3A_40, %dma_wait3A_41] : memref<10000x128xf32, #tpu.memory_space<hbm>> -> memref<16x128xf32, #tpu.memory_space<hbm>>
        tpu.wait_dma2 semaphore(%run_scoped3A : memref<!tpu.dma_semaphore, #tpu.memory_space<semaphore_mem>>) src(%dma_wait3A_42 : memref<16x128xf32, #tpu.memory_space<hbm>>) dst(%dma_wait3A_39 : memref<16x128xf32, #tpu.memory_space<vmem_shared>>)
        tpu.yield
      }) : () -> ()
    } else {
    }
    %barrier3A = arith.constant 0 : index
    tpu.barrier barrier_id(%barrier3A)
    %scan3A = arith.constant 0 : i32
    %scan3A_14 = arith.constant 0 : i32
    %scan3A_15 = arith.constant 125 : i32
    %scan3A_16 = arith.addi %scan3A_14, %scan3A_15 : i32
    %scan3A_17 = arith.constant 1 : i32
    %scan3A_18 = scf.for %scan3A_31 = %scan3A_14 to %scan3A_16 step %scan3A_17 iter_args(%scan3A_32 = %scan3A) -> (i32)  : i32 {
      %jit3A = arith.constant 2 : i32
      %eq3A_33 = arith.constant 0 : i32
      %eq3A_34 = arith.cmpi eq, %jit3A, %eq3A_33 : i32
      %jit3A_35 = arith.constant 1 : i32
      %select_n3A = arith.select %eq3A_34, %jit3A_35, %jit3A : i32
      %rem3A = arith.remsi %scan3A_31, %select_n3A : i32
      %ne3A = arith.constant 0 : i32
      %ne3A_36 = arith.cmpi ne, %rem3A, %ne3A : i32
      %lt3A = arith.constant 0 : i32
      %lt3A_37 = arith.cmpi slt, %rem3A, %lt3A : i32
      %lt3A_38 = arith.constant 0 : i32
      %lt3A_39 = arith.cmpi slt, %select_n3A, %lt3A_38 : i32
      %ne3A_40 = arith.xori %lt3A_37, %lt3A_39 : i1
      %and3A = arith.andi %ne3A_40, %ne3A_36 : i1
      %add3A_41 = arith.addi %rem3A, %select_n3A : i32
      %select_n3A_42 = arith.select %and3A, %add3A_41, %rem3A : i32
      %eq3A_43 = arith.constant 0 : i32
      %eq3A_44 = arith.cmpi eq, %select_n3A_42, %eq3A_43 : i32
      %convert_element_type3A_45 = arith.extui %eq3A_44 : i1 to i32
      %cond3A_46 = arith.constant 0 : i32
      %cond3A_47 = arith.cmpi ne, %convert_element_type3A_45, %cond3A_46 : i32
      scf.if %cond3A_47 {
        %add3A_70 = arith.constant 1 : i32
        %add3A_71 = arith.addi %scan3A_31, %add3A_70 : i32
        %lt3A_72 = arith.constant 125 : i32
        %lt3A_73 = arith.cmpi slt, %add3A_71, %lt3A_72 : i32
        %convert_element_type3A_74 = arith.extui %lt3A_73 : i1 to i32
        %cond3A_75 = arith.constant 0 : i32
        %cond3A_76 = arith.cmpi ne, %convert_element_type3A_74, %cond3A_75 : i32
        scf.if %cond3A_76 {
          %ge3A = arith.constant 1 : i32
          %ge3A_90 = arith.cmpi sge, %scan3A_31, %ge3A : i32
          %convert_element_type3A_91 = arith.extui %ge3A_90 : i1 to i32
          %cond3A_92 = arith.constant 0 : i32
          %cond3A_93 = arith.cmpi ne, %convert_element_type3A_91, %cond3A_92 : i32
          scf.if %cond3A_93 {
            %dma_wait3A_105 = arith.constant 0 : i32
            %dma_wait3A_106 = arith.constant 0 : i32
            %dma_wait3A_107 = tpu.memref_slice %arg10[%dma_wait3A_105, %dma_wait3A_106] : memref<10000x128xf32, #tpu.memory_space<vmem_shared>> -> memref<10000x128xf32, #tpu.memory_space<vmem_shared>>
            tpu.wait_indirect_dma semaphore(%arg14 : memref<!tpu.dma_semaphore, #tpu.memory_space<semaphore_mem>>) src(%arg9 : memref<40x128xf32, #tpu.memory_space<vmem>>) dst(%dma_wait3A_107 : memref<10000x128xf32, #tpu.memory_space<vmem_shared>>)
          } else {
          }
          %add3A_94 = arith.constant 1 : i32
          %add3A_95 = arith.addi %scan3A_31, %add3A_94 : i32
          %mul3A_96 = arith.constant 40 : i32
          %mul3A_97 = arith.muli %add3A_95, %mul3A_96 : i32
          %add3A_98 = arith.addi %add3A, %mul3A_97 : i32
          %dma_start3A_99 = tpu.memref_slice %arg3[%add3A_98] : memref<160000xi32, #tpu.memory_space<hbm>> -> memref<40xi32, #tpu.memory_space<hbm>>
          %dma_start3A_100 = tpu.memref_slice %arg3[%add3A_98] : memref<160000xi32, #tpu.memory_space<hbm>> -> memref<40xi32, #tpu.memory_space<hbm>>
          tpu.enqueue_dma source(%dma_start3A_100 : memref<40xi32, #tpu.memory_space<hbm>>) target(%arg8 : memref<40xi32, #tpu.memory_space<vmem>>) target_semaphore(%arg12 : memref<!tpu.dma_semaphore, #tpu.memory_space<semaphore_mem>>)
          %dma_start3A_101 = arith.constant 0 : i32
          %dma_start3A_102 = tpu.memref_slice %arg2[%add3A_98, %dma_start3A_101] : memref<160000x128xf32, #tpu.memory_space<hbm>> -> memref<40x128xf32, #tpu.memory_space<hbm>>
          %dma_start3A_103 = arith.constant 0 : i32
          %dma_start3A_104 = tpu.memref_slice %arg2[%add3A_98, %dma_start3A_103] : memref<160000x128xf32, #tpu.memory_space<hbm>> -> memref<40x128xf32, #tpu.memory_space<hbm>>
          tpu.enqueue_dma source(%dma_start3A_104 : memref<40x128xf32, #tpu.memory_space<hbm>>) target(%arg9 : memref<40x128xf32, #tpu.memory_space<vmem>>) target_semaphore(%arg12 : memref<!tpu.dma_semaphore, #tpu.memory_space<semaphore_mem>>)
        } else {
        }
        %dma_wait3A_77 = arith.constant 0 : i32
        %dma_wait3A_78 = tpu.memref_slice %arg3[%dma_wait3A_77] : memref<160000xi32, #tpu.memory_space<hbm>> -> memref<40xi32, #tpu.memory_space<hbm>>
        %dma_wait3A_79 = arith.constant 0 : i32
        %dma_wait3A_80 = tpu.memref_slice %arg3[%dma_wait3A_79] : memref<160000xi32, #tpu.memory_space<hbm>> -> memref<40xi32, #tpu.memory_space<hbm>>
        tpu.wait_dma2 semaphore(%arg11 : memref<!tpu.dma_semaphore, #tpu.memory_space<semaphore_mem>>) src(%dma_wait3A_80 : memref<40xi32, #tpu.memory_space<hbm>>) dst(%arg6 : memref<40xi32, #tpu.memory_space<vmem>>)
        %dma_wait3A_81 = arith.constant 0 : i32
        %dma_wait3A_82 = arith.constant 0 : i32
        %dma_wait3A_83 = tpu.memref_slice %arg2[%dma_wait3A_81, %dma_wait3A_82] : memref<160000x128xf32, #tpu.memory_space<hbm>> -> memref<40x128xf32, #tpu.memory_space<hbm>>
        %dma_wait3A_84 = arith.constant 0 : i32
        %dma_wait3A_85 = arith.constant 0 : i32
        %dma_wait3A_86 = tpu.memref_slice %arg2[%dma_wait3A_84, %dma_wait3A_85] : memref<160000x128xf32, #tpu.memory_space<hbm>> -> memref<40x128xf32, #tpu.memory_space<hbm>>
        tpu.wait_dma2 semaphore(%arg11 : memref<!tpu.dma_semaphore, #tpu.memory_space<semaphore_mem>>) src(%dma_wait3A_86 : memref<40x128xf32, #tpu.memory_space<hbm>>) dst(%arg7 : memref<40x128xf32, #tpu.memory_space<vmem>>)
        %dma_start3A_87 = arith.constant 0 : i32
        %dma_start3A_88 = arith.constant 0 : i32
        %dma_start3A_89 = tpu.memref_slice %arg10[%dma_start3A_87, %dma_start3A_88] : memref<10000x128xf32, #tpu.memory_space<vmem_shared>> -> memref<10000x128xf32, #tpu.memory_space<vmem_shared>>
        tpu.enqueue_indirect_dma source(%arg7 : memref<40x128xf32, #tpu.memory_space<vmem>>) target(%dma_start3A_89 : memref<10000x128xf32, #tpu.memory_space<vmem_shared>>) offsets(%arg6 : memref<40xi32, #tpu.memory_space<vmem>>) semaphore(%arg13 : memref<!tpu.dma_semaphore, #tpu.memory_space<semaphore_mem>>) {add = true}
      } else {
      }
      %jit3A_48 = arith.constant 2 : i32
      %eq3A_49 = arith.constant 0 : i32
      %eq3A_50 = arith.cmpi eq, %jit3A_48, %eq3A_49 : i32
      %jit3A_51 = arith.constant 1 : i32
      %select_n3A_52 = arith.select %eq3A_50, %jit3A_51, %jit3A_48 : i32
      %rem3A_53 = arith.remsi %scan3A_31, %select_n3A_52 : i32
      %ne3A_54 = arith.constant 0 : i32
      %ne3A_55 = arith.cmpi ne, %rem3A_53, %ne3A_54 : i32
      %lt3A_56 = arith.constant 0 : i32
      %lt3A_57 = arith.cmpi slt, %rem3A_53, %lt3A_56 : i32
      %lt3A_58 = arith.constant 0 : i32
      %lt3A_59 = arith.cmpi slt, %select_n3A_52, %lt3A_58 : i32
      %ne3A_60 = arith.xori %lt3A_57, %lt3A_59 : i1
      %and3A_61 = arith.andi %ne3A_60, %ne3A_55 : i1
      %add3A_62 = arith.addi %rem3A_53, %select_n3A_52 : i32
      %select_n3A_63 = arith.select %and3A_61, %add3A_62, %rem3A_53 : i32
      %eq3A_64 = arith.constant 1 : i32
      %eq3A_65 = arith.cmpi eq, %select_n3A_63, %eq3A_64 : i32
      %convert_element_type3A_66 = arith.extui %eq3A_65 : i1 to i32
      %cond3A_67 = arith.constant 0 : i32
      %cond3A_68 = arith.cmpi ne, %convert_element_type3A_66, %cond3A_67 : i32
      scf.if %cond3A_68 {
        %add3A_70 = arith.constant 1 : i32
        %add3A_71 = arith.addi %scan3A_31, %add3A_70 : i32
        %lt3A_72 = arith.constant 125 : i32
        %lt3A_73 = arith.cmpi slt, %add3A_71, %lt3A_72 : i32
        %convert_element_type3A_74 = arith.extui %lt3A_73 : i1 to i32
        %cond3A_75 = arith.constant 0 : i32
        %cond3A_76 = arith.cmpi ne, %convert_element_type3A_74, %cond3A_75 : i32
        scf.if %cond3A_76 {
          %ge3A = arith.constant 1 : i32
          %ge3A_90 = arith.cmpi sge, %scan3A_31, %ge3A : i32
          %convert_element_type3A_91 = arith.extui %ge3A_90 : i1 to i32
          %cond3A_92 = arith.constant 0 : i32
          %cond3A_93 = arith.cmpi ne, %convert_element_type3A_91, %cond3A_92 : i32
          scf.if %cond3A_93 {
            %dma_wait3A_105 = arith.constant 0 : i32
            %dma_wait3A_106 = arith.constant 0 : i32
            %dma_wait3A_107 = tpu.memref_slice %arg10[%dma_wait3A_105, %dma_wait3A_106] : memref<10000x128xf32, #tpu.memory_space<vmem_shared>> -> memref<10000x128xf32, #tpu.memory_space<vmem_shared>>
            tpu.wait_indirect_dma semaphore(%arg13 : memref<!tpu.dma_semaphore, #tpu.memory_space<semaphore_mem>>) src(%arg7 : memref<40x128xf32, #tpu.memory_space<vmem>>) dst(%dma_wait3A_107 : memref<10000x128xf32, #tpu.memory_space<vmem_shared>>)
          } else {
          }
          %add3A_94 = arith.constant 1 : i32
          %add3A_95 = arith.addi %scan3A_31, %add3A_94 : i32
          %mul3A_96 = arith.constant 40 : i32
          %mul3A_97 = arith.muli %add3A_95, %mul3A_96 : i32
          %add3A_98 = arith.addi %add3A, %mul3A_97 : i32
          %dma_start3A_99 = tpu.memref_slice %arg3[%add3A_98] : memref<160000xi32, #tpu.memory_space<hbm>> -> memref<40xi32, #tpu.memory_space<hbm>>
          %dma_start3A_100 = tpu.memref_slice %arg3[%add3A_98] : memref<160000xi32, #tpu.memory_space<hbm>> -> memref<40xi32, #tpu.memory_space<hbm>>
          tpu.enqueue_dma source(%dma_start3A_100 : memref<40xi32, #tpu.memory_space<hbm>>) target(%arg6 : memref<40xi32, #tpu.memory_space<vmem>>) target_semaphore(%arg11 : memref<!tpu.dma_semaphore, #tpu.memory_space<semaphore_mem>>)
          %dma_start3A_101 = arith.constant 0 : i32
          %dma_start3A_102 = tpu.memref_slice %arg2[%add3A_98, %dma_start3A_101] : memref<160000x128xf32, #tpu.memory_space<hbm>> -> memref<40x128xf32, #tpu.memory_space<hbm>>
          %dma_start3A_103 = arith.constant 0 : i32
          %dma_start3A_104 = tpu.memref_slice %arg2[%add3A_98, %dma_start3A_103] : memref<160000x128xf32, #tpu.memory_space<hbm>> -> memref<40x128xf32, #tpu.memory_space<hbm>>
          tpu.enqueue_dma source(%dma_start3A_104 : memref<40x128xf32, #tpu.memory_space<hbm>>) target(%arg7 : memref<40x128xf32, #tpu.memory_space<vmem>>) target_semaphore(%arg11 : memref<!tpu.dma_semaphore, #tpu.memory_space<semaphore_mem>>)
        } else {
        }
        %dma_wait3A_77 = arith.constant 0 : i32
        %dma_wait3A_78 = tpu.memref_slice %arg3[%dma_wait3A_77] : memref<160000xi32, #tpu.memory_space<hbm>> -> memref<40xi32, #tpu.memory_space<hbm>>
        %dma_wait3A_79 = arith.constant 0 : i32
        %dma_wait3A_80 = tpu.memref_slice %arg3[%dma_wait3A_79] : memref<160000xi32, #tpu.memory_space<hbm>> -> memref<40xi32, #tpu.memory_space<hbm>>
        tpu.wait_dma2 semaphore(%arg12 : memref<!tpu.dma_semaphore, #tpu.memory_space<semaphore_mem>>) src(%dma_wait3A_80 : memref<40xi32, #tpu.memory_space<hbm>>) dst(%arg8 : memref<40xi32, #tpu.memory_space<vmem>>)
        %dma_wait3A_81 = arith.constant 0 : i32
        %dma_wait3A_82 = arith.constant 0 : i32
        %dma_wait3A_83 = tpu.memref_slice %arg2[%dma_wait3A_81, %dma_wait3A_82] : memref<160000x128xf32, #tpu.memory_space<hbm>> -> memref<40x128xf32, #tpu.memory_space<hbm>>
        %dma_wait3A_84 = arith.constant 0 : i32
        %dma_wait3A_85 = arith.constant 0 : i32
        %dma_wait3A_86 = tpu.memref_slice %arg2[%dma_wait3A_84, %dma_wait3A_85] : memref<160000x128xf32, #tpu.memory_space<hbm>> -> memref<40x128xf32, #tpu.memory_space<hbm>>
        tpu.wait_dma2 semaphore(%arg12 : memref<!tpu.dma_semaphore, #tpu.memory_space<semaphore_mem>>) src(%dma_wait3A_86 : memref<40x128xf32, #tpu.memory_space<hbm>>) dst(%arg9 : memref<40x128xf32, #tpu.memory_space<vmem>>)
        %dma_start3A_87 = arith.constant 0 : i32
        %dma_start3A_88 = arith.constant 0 : i32
        %dma_start3A_89 = tpu.memref_slice %arg10[%dma_start3A_87, %dma_start3A_88] : memref<10000x128xf32, #tpu.memory_space<vmem_shared>> -> memref<10000x128xf32, #tpu.memory_space<vmem_shared>>
        tpu.enqueue_indirect_dma source(%arg9 : memref<40x128xf32, #tpu.memory_space<vmem>>) target(%dma_start3A_89 : memref<10000x128xf32, #tpu.memory_space<vmem_shared>>) offsets(%arg8 : memref<40xi32, #tpu.memory_space<vmem>>) semaphore(%arg14 : memref<!tpu.dma_semaphore, #tpu.memory_space<semaphore_mem>>) {add = true}
      } else {
      }
      %scan3A_69 = arith.constant 0 : i32
      scf.yield %scan3A_69 : i32
    }
    %scan3A_19 = arith.constant 125 : i32
    %dma_wait3A = arith.constant 0 : i32
    %dma_wait3A_20 = arith.constant 0 : i32
    %dma_wait3A_21 = tpu.memref_slice %arg10[%dma_wait3A, %dma_wait3A_20] : memref<10000x128xf32, #tpu.memory_space<vmem_shared>> -> memref<10000x128xf32, #tpu.memory_space<vmem_shared>>
    tpu.wait_indirect_dma semaphore(%arg13 : memref<!tpu.dma_semaphore, #tpu.memory_space<semaphore_mem>>) src(%arg7 : memref<40x128xf32, #tpu.memory_space<vmem>>) dst(%dma_wait3A_21 : memref<10000x128xf32, #tpu.memory_space<vmem_shared>>)
    %dma_wait3A_22 = arith.constant 0 : i32
    %dma_wait3A_23 = arith.constant 0 : i32
    %dma_wait3A_24 = tpu.memref_slice %arg10[%dma_wait3A_22, %dma_wait3A_23] : memref<10000x128xf32, #tpu.memory_space<vmem_shared>> -> memref<10000x128xf32, #tpu.memory_space<vmem_shared>>
    tpu.wait_indirect_dma semaphore(%arg14 : memref<!tpu.dma_semaphore, #tpu.memory_space<semaphore_mem>>) src(%arg9 : memref<40x128xf32, #tpu.memory_space<vmem>>) dst(%dma_wait3A_24 : memref<10000x128xf32, #tpu.memory_space<vmem_shared>>)
    %barrier3A_25 = arith.constant 0 : index
    tpu.barrier barrier_id(%barrier3A_25)
    "tpu.region"() ({
      %run_scoped3A = tpu.sem_alloc : memref<!tpu.dma_semaphore, #tpu.memory_space<semaphore_mem>>
      %dma_start3A_31 = arith.constant 0 : i32
      %dma_start3A_32 = tpu.memref_slice %arg5[%arg0, %mul3A_0, %dma_start3A_31] : memref<2x10000x128xf32, #tpu.memory_space<hbm>> -> memref<1x624x128xf32, #tpu.memory_space<hbm>>
      %dma_start3A_33 = tpu.memref_squeeze %dma_start3A_32 : memref<1x624x128xf32, #tpu.memory_space<hbm>> -> memref<624x128xf32, #tpu.memory_space<hbm>>
      %dma_start3A_34 = arith.constant 0 : i32
      %dma_start3A_35 = tpu.memref_slice %arg10[%mul3A_0, %dma_start3A_34] : memref<10000x128xf32, #tpu.memory_space<vmem_shared>> -> memref<624x128xf32, #tpu.memory_space<vmem_shared>>
      tpu.enqueue_dma source(%dma_start3A_35 : memref<624x128xf32, #tpu.memory_space<vmem_shared>>) target(%dma_start3A_33 : memref<624x128xf32, #tpu.memory_space<hbm>>) target_semaphore(%run_scoped3A : memref<!tpu.dma_semaphore, #tpu.memory_space<semaphore_mem>>)
      %dma_wait3A_36 = arith.constant 0 : i32
      %dma_wait3A_37 = tpu.memref_slice %arg5[%arg0, %mul3A_0, %dma_wait3A_36] : memref<2x10000x128xf32, #tpu.memory_space<hbm>> -> memref<1x624x128xf32, #tpu.memory_space<hbm>>
      %dma_wait3A_38 = tpu.memref_squeeze %dma_wait3A_37 : memref<1x624x128xf32, #tpu.memory_space<hbm>> -> memref<624x128xf32, #tpu.memory_space<hbm>>
      %dma_wait3A_39 = arith.constant 0 : i32
      %dma_wait3A_40 = tpu.memref_slice %arg10[%mul3A_0, %dma_wait3A_39] : memref<10000x128xf32, #tpu.memory_space<vmem_shared>> -> memref<624x128xf32, #tpu.memory_space<vmem_shared>>
      tpu.wait_dma2 semaphore(%run_scoped3A : memref<!tpu.dma_semaphore, #tpu.memory_space<semaphore_mem>>) src(%dma_wait3A_40 : memref<624x128xf32, #tpu.memory_space<vmem_shared>>) dst(%dma_wait3A_38 : memref<624x128xf32, #tpu.memory_space<hbm>>)
      tpu.yield
    }) : () -> ()
    %eq3A_26 = arith.constant 15 : i32
    %eq3A_27 = arith.cmpi eq, %arg1, %eq3A_26 : i32
    %convert_element_type3A_28 = arith.extui %eq3A_27 : i1 to i32
    %cond3A_29 = arith.constant 0 : i32
    %cond3A_30 = arith.cmpi ne, %convert_element_type3A_28, %cond3A_29 : i32
    scf.if %cond3A_30 {
      "tpu.region"() ({
        %run_scoped3A = tpu.sem_alloc : memref<!tpu.dma_semaphore, #tpu.memory_space<semaphore_mem>>
        %dma_start3A_31 = arith.constant 9984 : i32
        %dma_start3A_32 = arith.constant 0 : i32
        %dma_start3A_33 = tpu.memref_slice %arg5[%arg0, %dma_start3A_31, %dma_start3A_32] : memref<2x10000x128xf32, #tpu.memory_space<hbm>> -> memref<1x16x128xf32, #tpu.memory_space<hbm>>
        %dma_start3A_34 = tpu.memref_squeeze %dma_start3A_33 : memref<1x16x128xf32, #tpu.memory_space<hbm>> -> memref<16x128xf32, #tpu.memory_space<hbm>>
        %dma_start3A_35 = arith.constant 9984 : i32
        %dma_start3A_36 = arith.constant 0 : i32
        %dma_start3A_37 = tpu.memref_slice %arg10[%dma_start3A_35, %dma_start3A_36] : memref<10000x128xf32, #tpu.memory_space<vmem_shared>> -> memref<16x128xf32, #tpu.memory_space<vmem_shared>>
        tpu.enqueue_dma source(%dma_start3A_37 : memref<16x128xf32, #tpu.memory_space<vmem_shared>>) target(%dma_start3A_34 : memref<16x128xf32, #tpu.memory_space<hbm>>) target_semaphore(%run_scoped3A : memref<!tpu.dma_semaphore, #tpu.memory_space<semaphore_mem>>)
        %dma_wait3A_38 = arith.constant 9984 : i32
        %dma_wait3A_39 = arith.constant 0 : i32
        %dma_wait3A_40 = tpu.memref_slice %arg5[%arg0, %dma_wait3A_38, %dma_wait3A_39] : memref<2x10000x128xf32, #tpu.memory_space<hbm>> -> memref<1x16x128xf32, #tpu.memory_space<hbm>>
        %dma_wait3A_41 = tpu.memref_squeeze %dma_wait3A_40 : memref<1x16x128xf32, #tpu.memory_space<hbm>> -> memref<16x128xf32, #tpu.memory_space<hbm>>
        %dma_wait3A_42 = arith.constant 9984 : i32
        %dma_wait3A_43 = arith.constant 0 : i32
        %dma_wait3A_44 = tpu.memref_slice %arg10[%dma_wait3A_42, %dma_wait3A_43] : memref<10000x128xf32, #tpu.memory_space<vmem_shared>> -> memref<16x128xf32, #tpu.memory_space<vmem_shared>>
        tpu.wait_dma2 semaphore(%run_scoped3A : memref<!tpu.dma_semaphore, #tpu.memory_space<semaphore_mem>>) src(%dma_wait3A_44 : memref<16x128xf32, #tpu.memory_space<vmem_shared>>) dst(%dma_wait3A_41 : memref<16x128xf32, #tpu.memory_space<hbm>>)
        tpu.yield
      }) : () -> ()
    } else {
    }
    return
  }
}

#map = affine_map<(d0, d1) -> (0, 0)>
#map1 = affine_map<(d0, d1) -> (0)>
#map2 = affine_map<(d0, d1) -> (0, 0, 0)>
module attributes {stable_mosaic.version = 14 : i64} {
  func.func @_sc_gather_body(%arg0: i32, %arg1: i32, %arg2: memref<10000x128xi32, #tpu.memory_space<hbm>>, %arg3: memref<10000x128xi32, #tpu.memory_space<hbm>>, %arg4: memref<160000xi32, #tpu.memory_space<hbm>>, %arg5: memref<160000xi32, #tpu.memory_space<hbm>>, %arg6: memref<2x160000x128xi32, #tpu.memory_space<hbm>>, %arg7: memref<5000xi32, #tpu.memory_space<vmem>>, %arg8: memref<5000xi32, #tpu.memory_space<vmem>>, %arg9: memref<200x128xi32, #tpu.memory_space<vmem>>, %arg10: memref<200x128xi32, #tpu.memory_space<vmem>>, %arg11: memref<200x128xi32, #tpu.memory_space<vmem>>, %arg12: memref<200x128xi32, #tpu.memory_space<vmem>>, %arg13: memref<!tpu.dma_semaphore, #tpu.memory_space<semaphore_mem>>, %arg14: memref<!tpu.dma_semaphore, #tpu.memory_space<semaphore_mem>>, %arg15: memref<!tpu.dma_semaphore, #tpu.memory_space<semaphore_mem>>, %arg16: memref<!tpu.dma_semaphore, #tpu.memory_space<semaphore_mem>>) attributes {dimension_semantics = [#tpu.dimension_semantics<core_parallel>, #tpu.dimension_semantics<subcore_parallel>], iteration_bounds = array<i64: 2, 16>, scalar_prefetch = 0 : i64, scratch_operands = 10 : i64, tpu.core_type = #tpu.core_type<sc_vector_subcore>, window_params = [{transform_indices = #map}, {transform_indices = #map}, {transform_indices = #map1}, {transform_indices = #map1}, {transform_indices = #map2}]} {
    %mul3A = arith.constant 2 : i32
    %mul3A_0 = arith.muli %arg1, %mul3A : i32
    %add3A = arith.addi %mul3A_0, %arg0 : i32
    %mul3A_1 = arith.constant 5000 : i32
    %mul3A_2 = arith.muli %add3A, %mul3A_1 : i32
    "tpu.region"() ({
      %run_scoped3A = tpu.sem_alloc : memref<!tpu.dma_semaphore, #tpu.memory_space<semaphore_mem>>
      %dma_start3A_45 = tpu.memref_slice %arg4[%mul3A_2] : memref<160000xi32, #tpu.memory_space<hbm>> -> memref<5000xi32, #tpu.memory_space<hbm>>
      %dma_start3A_46 = tpu.memref_slice %arg4[%mul3A_2] : memref<160000xi32, #tpu.memory_space<hbm>> -> memref<5000xi32, #tpu.memory_space<hbm>>
      tpu.enqueue_dma source(%dma_start3A_46 : memref<5000xi32, #tpu.memory_space<hbm>>) target(%arg7 : memref<5000xi32, #tpu.memory_space<vmem>>) target_semaphore(%run_scoped3A : memref<!tpu.dma_semaphore, #tpu.memory_space<semaphore_mem>>)
      %dma_wait3A_47 = tpu.memref_slice %arg4[%mul3A_2] : memref<160000xi32, #tpu.memory_space<hbm>> -> memref<5000xi32, #tpu.memory_space<hbm>>
      %dma_wait3A_48 = tpu.memref_slice %arg4[%mul3A_2] : memref<160000xi32, #tpu.memory_space<hbm>> -> memref<5000xi32, #tpu.memory_space<hbm>>
      tpu.wait_dma2 semaphore(%run_scoped3A : memref<!tpu.dma_semaphore, #tpu.memory_space<semaphore_mem>>) src(%dma_wait3A_48 : memref<5000xi32, #tpu.memory_space<hbm>>) dst(%arg7 : memref<5000xi32, #tpu.memory_space<vmem>>)
      tpu.yield
    }) : () -> ()
    "tpu.region"() ({
      %run_scoped3A = tpu.sem_alloc : memref<!tpu.dma_semaphore, #tpu.memory_space<semaphore_mem>>
      %dma_start3A_45 = tpu.memref_slice %arg5[%mul3A_2] : memref<160000xi32, #tpu.memory_space<hbm>> -> memref<5000xi32, #tpu.memory_space<hbm>>
      %dma_start3A_46 = tpu.memref_slice %arg5[%mul3A_2] : memref<160000xi32, #tpu.memory_space<hbm>> -> memref<5000xi32, #tpu.memory_space<hbm>>
      tpu.enqueue_dma source(%dma_start3A_46 : memref<5000xi32, #tpu.memory_space<hbm>>) target(%arg8 : memref<5000xi32, #tpu.memory_space<vmem>>) target_semaphore(%run_scoped3A : memref<!tpu.dma_semaphore, #tpu.memory_space<semaphore_mem>>)
      %dma_wait3A_47 = tpu.memref_slice %arg5[%mul3A_2] : memref<160000xi32, #tpu.memory_space<hbm>> -> memref<5000xi32, #tpu.memory_space<hbm>>
      %dma_wait3A_48 = tpu.memref_slice %arg5[%mul3A_2] : memref<160000xi32, #tpu.memory_space<hbm>> -> memref<5000xi32, #tpu.memory_space<hbm>>
      tpu.wait_dma2 semaphore(%run_scoped3A : memref<!tpu.dma_semaphore, #tpu.memory_space<semaphore_mem>>) src(%dma_wait3A_48 : memref<5000xi32, #tpu.memory_space<hbm>>) dst(%arg8 : memref<5000xi32, #tpu.memory_space<vmem>>)
      tpu.yield
    }) : () -> ()
    %dma_start3A = arith.constant 0 : i32
    %dma_start3A_3 = tpu.memref_slice %arg7[%dma_start3A] : memref<5000xi32, #tpu.memory_space<vmem>> -> memref<200xi32, #tpu.memory_space<vmem>>
    %dma_start3A_4 = arith.constant 0 : i32
    %dma_start3A_5 = arith.constant 0 : i32
    %dma_start3A_6 = tpu.memref_slice %arg2[%dma_start3A_4, %dma_start3A_5] : memref<10000x128xi32, #tpu.memory_space<hbm>> -> memref<10000x128xi32, #tpu.memory_space<hbm>>
    tpu.enqueue_indirect_dma source(%dma_start3A_6 : memref<10000x128xi32, #tpu.memory_space<hbm>>) target(%arg9 : memref<200x128xi32, #tpu.memory_space<vmem>>) offsets(%dma_start3A_3 : memref<200xi32, #tpu.memory_space<vmem>>) semaphore(%arg13 : memref<!tpu.dma_semaphore, #tpu.memory_space<semaphore_mem>>)
    %dma_start3A_7 = arith.constant 0 : i32
    %dma_start3A_8 = tpu.memref_slice %arg8[%dma_start3A_7] : memref<5000xi32, #tpu.memory_space<vmem>> -> memref<200xi32, #tpu.memory_space<vmem>>
    %dma_start3A_9 = arith.constant 0 : i32
    %dma_start3A_10 = arith.constant 0 : i32
    %dma_start3A_11 = tpu.memref_slice %arg3[%dma_start3A_9, %dma_start3A_10] : memref<10000x128xi32, #tpu.memory_space<hbm>> -> memref<10000x128xi32, #tpu.memory_space<hbm>>
    tpu.enqueue_indirect_dma source(%dma_start3A_11 : memref<10000x128xi32, #tpu.memory_space<hbm>>) target(%arg10 : memref<200x128xi32, #tpu.memory_space<vmem>>) offsets(%dma_start3A_8 : memref<200xi32, #tpu.memory_space<vmem>>) semaphore(%arg13 : memref<!tpu.dma_semaphore, #tpu.memory_space<semaphore_mem>>)
    %scan3A = arith.constant 0 : i32
    %scan3A_12 = arith.constant 0 : i32
    %scan3A_13 = arith.constant 25 : i32
    %scan3A_14 = arith.addi %scan3A_12, %scan3A_13 : i32
    %scan3A_15 = arith.constant 1 : i32
    %scan3A_16 = scf.for %scan3A_45 = %scan3A_12 to %scan3A_14 step %scan3A_15 iter_args(%scan3A_46 = %scan3A) -> (i32)  : i32 {
      %jit3A = arith.constant 2 : i32
      %eq3A = arith.constant 0 : i32
      %eq3A_47 = arith.cmpi eq, %jit3A, %eq3A : i32
      %jit3A_48 = arith.constant 1 : i32
      %select_n3A = arith.select %eq3A_47, %jit3A_48, %jit3A : i32
      %rem3A = arith.remsi %scan3A_45, %select_n3A : i32
      %ne3A = arith.constant 0 : i32
      %ne3A_49 = arith.cmpi ne, %rem3A, %ne3A : i32
      %lt3A = arith.constant 0 : i32
      %lt3A_50 = arith.cmpi slt, %rem3A, %lt3A : i32
      %lt3A_51 = arith.constant 0 : i32
      %lt3A_52 = arith.cmpi slt, %select_n3A, %lt3A_51 : i32
      %ne3A_53 = arith.xori %lt3A_50, %lt3A_52 : i1
      %and3A = arith.andi %ne3A_53, %ne3A_49 : i1
      %add3A_54 = arith.addi %rem3A, %select_n3A : i32
      %select_n3A_55 = arith.select %and3A, %add3A_54, %rem3A : i32
      %eq3A_56 = arith.constant 0 : i32
      %eq3A_57 = arith.cmpi eq, %select_n3A_55, %eq3A_56 : i32
      %convert_element_type3A = arith.extui %eq3A_57 : i1 to i32
      %cond3A = arith.constant 0 : i32
      %cond3A_58 = arith.cmpi ne, %convert_element_type3A, %cond3A : i32
      scf.if %cond3A_58 {
        %add3A_81 = arith.constant 1 : i32
        %add3A_82 = arith.addi %scan3A_45, %add3A_81 : i32
        %lt3A_83 = arith.constant 25 : i32
        %lt3A_84 = arith.cmpi slt, %add3A_82, %lt3A_83 : i32
        %convert_element_type3A_85 = arith.extui %lt3A_84 : i1 to i32
        %cond3A_86 = arith.constant 0 : i32
        %cond3A_87 = arith.cmpi ne, %convert_element_type3A_85, %cond3A_86 : i32
        scf.if %cond3A_87 {
          %ge3A = arith.constant 1 : i32
          %ge3A_117 = arith.cmpi sge, %scan3A_45, %ge3A : i32
          %convert_element_type3A_118 = arith.extui %ge3A_117 : i1 to i32
          %cond3A_119 = arith.constant 0 : i32
          %cond3A_120 = arith.cmpi ne, %convert_element_type3A_118, %cond3A_119 : i32
          scf.if %cond3A_120 {
            %dma_wait3A_133 = arith.constant 0 : i32
            %dma_wait3A_134 = arith.constant 0 : i32
            %dma_wait3A_135 = tpu.memref_slice %arg6[%dma_wait3A_133, %mul3A_2, %dma_wait3A_134] : memref<2x160000x128xi32, #tpu.memory_space<hbm>> -> memref<1x200x128xi32, #tpu.memory_space<hbm>>
            %dma_wait3A_136 = tpu.memref_squeeze %dma_wait3A_135 : memref<1x200x128xi32, #tpu.memory_space<hbm>> -> memref<200x128xi32, #tpu.memory_space<hbm>>
            %dma_wait3A_137 = arith.constant 0 : i32
            %dma_wait3A_138 = tpu.memref_slice %arg6[%dma_wait3A_133, %mul3A_2, %dma_wait3A_137] : memref<2x160000x128xi32, #tpu.memory_space<hbm>> -> memref<1x200x128xi32, #tpu.memory_space<hbm>>
            %dma_wait3A_139 = tpu.memref_squeeze %dma_wait3A_138 : memref<1x200x128xi32, #tpu.memory_space<hbm>> -> memref<200x128xi32, #tpu.memory_space<hbm>>
            tpu.wait_dma2 semaphore(%arg16 : memref<!tpu.dma_semaphore, #tpu.memory_space<semaphore_mem>>) src(%arg11 : memref<200x128xi32, #tpu.memory_space<vmem>>) dst(%dma_wait3A_139 : memref<200x128xi32, #tpu.memory_space<hbm>>)
            %dma_wait3A_140 = arith.constant 1 : i32
            %dma_wait3A_141 = arith.constant 0 : i32
            %dma_wait3A_142 = tpu.memref_slice %arg6[%dma_wait3A_140, %mul3A_2, %dma_wait3A_141] : memref<2x160000x128xi32, #tpu.memory_space<hbm>> -> memref<1x200x128xi32, #tpu.memory_space<hbm>>
            %dma_wait3A_143 = tpu.memref_squeeze %dma_wait3A_142 : memref<1x200x128xi32, #tpu.memory_space<hbm>> -> memref<200x128xi32, #tpu.memory_space<hbm>>
            %dma_wait3A_144 = arith.constant 0 : i32
            %dma_wait3A_145 = tpu.memref_slice %arg6[%dma_wait3A_140, %mul3A_2, %dma_wait3A_144] : memref<2x160000x128xi32, #tpu.memory_space<hbm>> -> memref<1x200x128xi32, #tpu.memory_space<hbm>>
            %dma_wait3A_146 = tpu.memref_squeeze %dma_wait3A_145 : memref<1x200x128xi32, #tpu.memory_space<hbm>> -> memref<200x128xi32, #tpu.memory_space<hbm>>
            tpu.wait_dma2 semaphore(%arg16 : memref<!tpu.dma_semaphore, #tpu.memory_space<semaphore_mem>>) src(%arg12 : memref<200x128xi32, #tpu.memory_space<vmem>>) dst(%dma_wait3A_146 : memref<200x128xi32, #tpu.memory_space<hbm>>)
          } else {
          }
          %add3A_121 = arith.constant 1 : i32
          %add3A_122 = arith.addi %scan3A_45, %add3A_121 : i32
          %mul3A_123 = arith.constant 200 : i32
          %mul3A_124 = arith.muli %add3A_122, %mul3A_123 : i32
          %dma_start3A_125 = tpu.memref_slice %arg7[%mul3A_124] : memref<5000xi32, #tpu.memory_space<vmem>> -> memref<200xi32, #tpu.memory_space<vmem>>
          %dma_start3A_126 = arith.constant 0 : i32
          %dma_start3A_127 = arith.constant 0 : i32
          %dma_start3A_128 = tpu.memref_slice %arg2[%dma_start3A_126, %dma_start3A_127] : memref<10000x128xi32, #tpu.memory_space<hbm>> -> memref<10000x128xi32, #tpu.memory_space<hbm>>
          tpu.enqueue_indirect_dma source(%dma_start3A_128 : memref<10000x128xi32, #tpu.memory_space<hbm>>) target(%arg11 : memref<200x128xi32, #tpu.memory_space<vmem>>) offsets(%dma_start3A_125 : memref<200xi32, #tpu.memory_space<vmem>>) semaphore(%arg14 : memref<!tpu.dma_semaphore, #tpu.memory_space<semaphore_mem>>)
          %dma_start3A_129 = tpu.memref_slice %arg8[%mul3A_124] : memref<5000xi32, #tpu.memory_space<vmem>> -> memref<200xi32, #tpu.memory_space<vmem>>
          %dma_start3A_130 = arith.constant 0 : i32
          %dma_start3A_131 = arith.constant 0 : i32
          %dma_start3A_132 = tpu.memref_slice %arg3[%dma_start3A_130, %dma_start3A_131] : memref<10000x128xi32, #tpu.memory_space<hbm>> -> memref<10000x128xi32, #tpu.memory_space<hbm>>
          tpu.enqueue_indirect_dma source(%dma_start3A_132 : memref<10000x128xi32, #tpu.memory_space<hbm>>) target(%arg12 : memref<200x128xi32, #tpu.memory_space<vmem>>) offsets(%dma_start3A_129 : memref<200xi32, #tpu.memory_space<vmem>>) semaphore(%arg14 : memref<!tpu.dma_semaphore, #tpu.memory_space<semaphore_mem>>)
        } else {
        }
        %dma_wait3A_88 = arith.constant 0 : i32
        %dma_wait3A_89 = arith.constant 0 : i32
        %dma_wait3A_90 = tpu.memref_slice %arg2[%dma_wait3A_88, %dma_wait3A_89] : memref<10000x128xi32, #tpu.memory_space<hbm>> -> memref<200x128xi32, #tpu.memory_space<hbm>>
        %dma_wait3A_91 = arith.constant 0 : i32
        %dma_wait3A_92 = arith.constant 0 : i32
        %dma_wait3A_93 = tpu.memref_slice %arg2[%dma_wait3A_91, %dma_wait3A_92] : memref<10000x128xi32, #tpu.memory_space<hbm>> -> memref<200x128xi32, #tpu.memory_space<hbm>>
        tpu.wait_dma2 semaphore(%arg13 : memref<!tpu.dma_semaphore, #tpu.memory_space<semaphore_mem>>) src(%dma_wait3A_93 : memref<200x128xi32, #tpu.memory_space<hbm>>) dst(%arg9 : memref<200x128xi32, #tpu.memory_space<vmem>>)
        %dma_wait3A_94 = arith.constant 0 : i32
        %dma_wait3A_95 = arith.constant 0 : i32
        %dma_wait3A_96 = tpu.memref_slice %arg3[%dma_wait3A_94, %dma_wait3A_95] : memref<10000x128xi32, #tpu.memory_space<hbm>> -> memref<200x128xi32, #tpu.memory_space<hbm>>
        %dma_wait3A_97 = arith.constant 0 : i32
        %dma_wait3A_98 = arith.constant 0 : i32
        %dma_wait3A_99 = tpu.memref_slice %arg3[%dma_wait3A_97, %dma_wait3A_98] : memref<10000x128xi32, #tpu.memory_space<hbm>> -> memref<200x128xi32, #tpu.memory_space<hbm>>
        tpu.wait_dma2 semaphore(%arg13 : memref<!tpu.dma_semaphore, #tpu.memory_space<semaphore_mem>>) src(%dma_wait3A_99 : memref<200x128xi32, #tpu.memory_space<hbm>>) dst(%arg10 : memref<200x128xi32, #tpu.memory_space<vmem>>)
        %mul3A_100 = arith.constant 200 : i32
        %mul3A_101 = arith.muli %scan3A_45, %mul3A_100 : i32
        %add3A_102 = arith.addi %mul3A_2, %mul3A_101 : i32
        %dma_start3A_103 = arith.constant 0 : i32
        %dma_start3A_104 = arith.constant 0 : i32
        %dma_start3A_105 = tpu.memref_slice %arg6[%dma_start3A_103, %add3A_102, %dma_start3A_104] : memref<2x160000x128xi32, #tpu.memory_space<hbm>> -> memref<1x200x128xi32, #tpu.memory_space<hbm>>
        %dma_start3A_106 = tpu.memref_squeeze %dma_start3A_105 : memref<1x200x128xi32, #tpu.memory_space<hbm>> -> memref<200x128xi32, #tpu.memory_space<hbm>>
        %dma_start3A_107 = arith.constant 0 : i32
        %dma_start3A_108 = tpu.memref_slice %arg6[%dma_start3A_103, %add3A_102, %dma_start3A_107] : memref<2x160000x128xi32, #tpu.memory_space<hbm>> -> memref<1x200x128xi32, #tpu.memory_space<hbm>>
        %dma_start3A_109 = tpu.memref_squeeze %dma_start3A_108 : memref<1x200x128xi32, #tpu.memory_space<hbm>> -> memref<200x128xi32, #tpu.memory_space<hbm>>
        tpu.enqueue_dma source(%arg9 : memref<200x128xi32, #tpu.memory_space<vmem>>) target(%dma_start3A_109 : memref<200x128xi32, #tpu.memory_space<hbm>>) target_semaphore(%arg15 : memref<!tpu.dma_semaphore, #tpu.memory_space<semaphore_mem>>)
        %dma_start3A_110 = arith.constant 1 : i32
        %dma_start3A_111 = arith.constant 0 : i32
        %dma_start3A_112 = tpu.memref_slice %arg6[%dma_start3A_110, %add3A_102, %dma_start3A_111] : memref<2x160000x128xi32, #tpu.memory_space<hbm>> -> memref<1x200x128xi32, #tpu.memory_space<hbm>>
        %dma_start3A_113 = tpu.memref_squeeze %dma_start3A_112 : memref<1x200x128xi32, #tpu.memory_space<hbm>> -> memref<200x128xi32, #tpu.memory_space<hbm>>
        %dma_start3A_114 = arith.constant 0 : i32
        %dma_start3A_115 = tpu.memref_slice %arg6[%dma_start3A_110, %add3A_102, %dma_start3A_114] : memref<2x160000x128xi32, #tpu.memory_space<hbm>> -> memref<1x200x128xi32, #tpu.memory_space<hbm>>
        %dma_start3A_116 = tpu.memref_squeeze %dma_start3A_115 : memref<1x200x128xi32, #tpu.memory_space<hbm>> -> memref<200x128xi32, #tpu.memory_space<hbm>>
        tpu.enqueue_dma source(%arg10 : memref<200x128xi32, #tpu.memory_space<vmem>>) target(%dma_start3A_116 : memref<200x128xi32, #tpu.memory_space<hbm>>) target_semaphore(%arg15 : memref<!tpu.dma_semaphore, #tpu.memory_space<semaphore_mem>>)
      } else {
      }
      %jit3A_59 = arith.constant 2 : i32
      %eq3A_60 = arith.constant 0 : i32
      %eq3A_61 = arith.cmpi eq, %jit3A_59, %eq3A_60 : i32
      %jit3A_62 = arith.constant 1 : i32
      %select_n3A_63 = arith.select %eq3A_61, %jit3A_62, %jit3A_59 : i32
      %rem3A_64 = arith.remsi %scan3A_45, %select_n3A_63 : i32
      %ne3A_65 = arith.constant 0 : i32
      %ne3A_66 = arith.cmpi ne, %rem3A_64, %ne3A_65 : i32
      %lt3A_67 = arith.constant 0 : i32
      %lt3A_68 = arith.cmpi slt, %rem3A_64, %lt3A_67 : i32
      %lt3A_69 = arith.constant 0 : i32
      %lt3A_70 = arith.cmpi slt, %select_n3A_63, %lt3A_69 : i32
      %ne3A_71 = arith.xori %lt3A_68, %lt3A_70 : i1
      %and3A_72 = arith.andi %ne3A_71, %ne3A_66 : i1
      %add3A_73 = arith.addi %rem3A_64, %select_n3A_63 : i32
      %select_n3A_74 = arith.select %and3A_72, %add3A_73, %rem3A_64 : i32
      %eq3A_75 = arith.constant 1 : i32
      %eq3A_76 = arith.cmpi eq, %select_n3A_74, %eq3A_75 : i32
      %convert_element_type3A_77 = arith.extui %eq3A_76 : i1 to i32
      %cond3A_78 = arith.constant 0 : i32
      %cond3A_79 = arith.cmpi ne, %convert_element_type3A_77, %cond3A_78 : i32
      scf.if %cond3A_79 {
        %add3A_81 = arith.constant 1 : i32
        %add3A_82 = arith.addi %scan3A_45, %add3A_81 : i32
        %lt3A_83 = arith.constant 25 : i32
        %lt3A_84 = arith.cmpi slt, %add3A_82, %lt3A_83 : i32
        %convert_element_type3A_85 = arith.extui %lt3A_84 : i1 to i32
        %cond3A_86 = arith.constant 0 : i32
        %cond3A_87 = arith.cmpi ne, %convert_element_type3A_85, %cond3A_86 : i32
        scf.if %cond3A_87 {
          %ge3A = arith.constant 1 : i32
          %ge3A_117 = arith.cmpi sge, %scan3A_45, %ge3A : i32
          %convert_element_type3A_118 = arith.extui %ge3A_117 : i1 to i32
          %cond3A_119 = arith.constant 0 : i32
          %cond3A_120 = arith.cmpi ne, %convert_element_type3A_118, %cond3A_119 : i32
          scf.if %cond3A_120 {
            %dma_wait3A_133 = arith.constant 0 : i32
            %dma_wait3A_134 = arith.constant 0 : i32
            %dma_wait3A_135 = tpu.memref_slice %arg6[%dma_wait3A_133, %mul3A_2, %dma_wait3A_134] : memref<2x160000x128xi32, #tpu.memory_space<hbm>> -> memref<1x200x128xi32, #tpu.memory_space<hbm>>
            %dma_wait3A_136 = tpu.memref_squeeze %dma_wait3A_135 : memref<1x200x128xi32, #tpu.memory_space<hbm>> -> memref<200x128xi32, #tpu.memory_space<hbm>>
            %dma_wait3A_137 = arith.constant 0 : i32
            %dma_wait3A_138 = tpu.memref_slice %arg6[%dma_wait3A_133, %mul3A_2, %dma_wait3A_137] : memref<2x160000x128xi32, #tpu.memory_space<hbm>> -> memref<1x200x128xi32, #tpu.memory_space<hbm>>
            %dma_wait3A_139 = tpu.memref_squeeze %dma_wait3A_138 : memref<1x200x128xi32, #tpu.memory_space<hbm>> -> memref<200x128xi32, #tpu.memory_space<hbm>>
            tpu.wait_dma2 semaphore(%arg15 : memref<!tpu.dma_semaphore, #tpu.memory_space<semaphore_mem>>) src(%arg9 : memref<200x128xi32, #tpu.memory_space<vmem>>) dst(%dma_wait3A_139 : memref<200x128xi32, #tpu.memory_space<hbm>>)
            %dma_wait3A_140 = arith.constant 1 : i32
            %dma_wait3A_141 = arith.constant 0 : i32
            %dma_wait3A_142 = tpu.memref_slice %arg6[%dma_wait3A_140, %mul3A_2, %dma_wait3A_141] : memref<2x160000x128xi32, #tpu.memory_space<hbm>> -> memref<1x200x128xi32, #tpu.memory_space<hbm>>
            %dma_wait3A_143 = tpu.memref_squeeze %dma_wait3A_142 : memref<1x200x128xi32, #tpu.memory_space<hbm>> -> memref<200x128xi32, #tpu.memory_space<hbm>>
            %dma_wait3A_144 = arith.constant 0 : i32
            %dma_wait3A_145 = tpu.memref_slice %arg6[%dma_wait3A_140, %mul3A_2, %dma_wait3A_144] : memref<2x160000x128xi32, #tpu.memory_space<hbm>> -> memref<1x200x128xi32, #tpu.memory_space<hbm>>
            %dma_wait3A_146 = tpu.memref_squeeze %dma_wait3A_145 : memref<1x200x128xi32, #tpu.memory_space<hbm>> -> memref<200x128xi32, #tpu.memory_space<hbm>>
            tpu.wait_dma2 semaphore(%arg15 : memref<!tpu.dma_semaphore, #tpu.memory_space<semaphore_mem>>) src(%arg10 : memref<200x128xi32, #tpu.memory_space<vmem>>) dst(%dma_wait3A_146 : memref<200x128xi32, #tpu.memory_space<hbm>>)
          } else {
          }
          %add3A_121 = arith.constant 1 : i32
          %add3A_122 = arith.addi %scan3A_45, %add3A_121 : i32
          %mul3A_123 = arith.constant 200 : i32
          %mul3A_124 = arith.muli %add3A_122, %mul3A_123 : i32
          %dma_start3A_125 = tpu.memref_slice %arg7[%mul3A_124] : memref<5000xi32, #tpu.memory_space<vmem>> -> memref<200xi32, #tpu.memory_space<vmem>>
          %dma_start3A_126 = arith.constant 0 : i32
          %dma_start3A_127 = arith.constant 0 : i32
          %dma_start3A_128 = tpu.memref_slice %arg2[%dma_start3A_126, %dma_start3A_127] : memref<10000x128xi32, #tpu.memory_space<hbm>> -> memref<10000x128xi32, #tpu.memory_space<hbm>>
          tpu.enqueue_indirect_dma source(%dma_start3A_128 : memref<10000x128xi32, #tpu.memory_space<hbm>>) target(%arg9 : memref<200x128xi32, #tpu.memory_space<vmem>>) offsets(%dma_start3A_125 : memref<200xi32, #tpu.memory_space<vmem>>) semaphore(%arg13 : memref<!tpu.dma_semaphore, #tpu.memory_space<semaphore_mem>>)
          %dma_start3A_129 = tpu.memref_slice %arg8[%mul3A_124] : memref<5000xi32, #tpu.memory_space<vmem>> -> memref<200xi32, #tpu.memory_space<vmem>>
          %dma_start3A_130 = arith.constant 0 : i32
          %dma_start3A_131 = arith.constant 0 : i32
          %dma_start3A_132 = tpu.memref_slice %arg3[%dma_start3A_130, %dma_start3A_131] : memref<10000x128xi32, #tpu.memory_space<hbm>> -> memref<10000x128xi32, #tpu.memory_space<hbm>>
          tpu.enqueue_indirect_dma source(%dma_start3A_132 : memref<10000x128xi32, #tpu.memory_space<hbm>>) target(%arg10 : memref<200x128xi32, #tpu.memory_space<vmem>>) offsets(%dma_start3A_129 : memref<200xi32, #tpu.memory_space<vmem>>) semaphore(%arg13 : memref<!tpu.dma_semaphore, #tpu.memory_space<semaphore_mem>>)
        } else {
        }
        %dma_wait3A_88 = arith.constant 0 : i32
        %dma_wait3A_89 = arith.constant 0 : i32
        %dma_wait3A_90 = tpu.memref_slice %arg2[%dma_wait3A_88, %dma_wait3A_89] : memref<10000x128xi32, #tpu.memory_space<hbm>> -> memref<200x128xi32, #tpu.memory_space<hbm>>
        %dma_wait3A_91 = arith.constant 0 : i32
        %dma_wait3A_92 = arith.constant 0 : i32
        %dma_wait3A_93 = tpu.memref_slice %arg2[%dma_wait3A_91, %dma_wait3A_92] : memref<10000x128xi32, #tpu.memory_space<hbm>> -> memref<200x128xi32, #tpu.memory_space<hbm>>
        tpu.wait_dma2 semaphore(%arg14 : memref<!tpu.dma_semaphore, #tpu.memory_space<semaphore_mem>>) src(%dma_wait3A_93 : memref<200x128xi32, #tpu.memory_space<hbm>>) dst(%arg11 : memref<200x128xi32, #tpu.memory_space<vmem>>)
        %dma_wait3A_94 = arith.constant 0 : i32
        %dma_wait3A_95 = arith.constant 0 : i32
        %dma_wait3A_96 = tpu.memref_slice %arg3[%dma_wait3A_94, %dma_wait3A_95] : memref<10000x128xi32, #tpu.memory_space<hbm>> -> memref<200x128xi32, #tpu.memory_space<hbm>>
        %dma_wait3A_97 = arith.constant 0 : i32
        %dma_wait3A_98 = arith.constant 0 : i32
        %dma_wait3A_99 = tpu.memref_slice %arg3[%dma_wait3A_97, %dma_wait3A_98] : memref<10000x128xi32, #tpu.memory_space<hbm>> -> memref<200x128xi32, #tpu.memory_space<hbm>>
        tpu.wait_dma2 semaphore(%arg14 : memref<!tpu.dma_semaphore, #tpu.memory_space<semaphore_mem>>) src(%dma_wait3A_99 : memref<200x128xi32, #tpu.memory_space<hbm>>) dst(%arg12 : memref<200x128xi32, #tpu.memory_space<vmem>>)
        %mul3A_100 = arith.constant 200 : i32
        %mul3A_101 = arith.muli %scan3A_45, %mul3A_100 : i32
        %add3A_102 = arith.addi %mul3A_2, %mul3A_101 : i32
        %dma_start3A_103 = arith.constant 0 : i32
        %dma_start3A_104 = arith.constant 0 : i32
        %dma_start3A_105 = tpu.memref_slice %arg6[%dma_start3A_103, %add3A_102, %dma_start3A_104] : memref<2x160000x128xi32, #tpu.memory_space<hbm>> -> memref<1x200x128xi32, #tpu.memory_space<hbm>>
        %dma_start3A_106 = tpu.memref_squeeze %dma_start3A_105 : memref<1x200x128xi32, #tpu.memory_space<hbm>> -> memref<200x128xi32, #tpu.memory_space<hbm>>
        %dma_start3A_107 = arith.constant 0 : i32
        %dma_start3A_108 = tpu.memref_slice %arg6[%dma_start3A_103, %add3A_102, %dma_start3A_107] : memref<2x160000x128xi32, #tpu.memory_space<hbm>> -> memref<1x200x128xi32, #tpu.memory_space<hbm>>
        %dma_start3A_109 = tpu.memref_squeeze %dma_start3A_108 : memref<1x200x128xi32, #tpu.memory_space<hbm>> -> memref<200x128xi32, #tpu.memory_space<hbm>>
        tpu.enqueue_dma source(%arg11 : memref<200x128xi32, #tpu.memory_space<vmem>>) target(%dma_start3A_109 : memref<200x128xi32, #tpu.memory_space<hbm>>) target_semaphore(%arg16 : memref<!tpu.dma_semaphore, #tpu.memory_space<semaphore_mem>>)
        %dma_start3A_110 = arith.constant 1 : i32
        %dma_start3A_111 = arith.constant 0 : i32
        %dma_start3A_112 = tpu.memref_slice %arg6[%dma_start3A_110, %add3A_102, %dma_start3A_111] : memref<2x160000x128xi32, #tpu.memory_space<hbm>> -> memref<1x200x128xi32, #tpu.memory_space<hbm>>
        %dma_start3A_113 = tpu.memref_squeeze %dma_start3A_112 : memref<1x200x128xi32, #tpu.memory_space<hbm>> -> memref<200x128xi32, #tpu.memory_space<hbm>>
        %dma_start3A_114 = arith.constant 0 : i32
        %dma_start3A_115 = tpu.memref_slice %arg6[%dma_start3A_110, %add3A_102, %dma_start3A_114] : memref<2x160000x128xi32, #tpu.memory_space<hbm>> -> memref<1x200x128xi32, #tpu.memory_space<hbm>>
        %dma_start3A_116 = tpu.memref_squeeze %dma_start3A_115 : memref<1x200x128xi32, #tpu.memory_space<hbm>> -> memref<200x128xi32, #tpu.memory_space<hbm>>
        tpu.enqueue_dma source(%arg12 : memref<200x128xi32, #tpu.memory_space<vmem>>) target(%dma_start3A_116 : memref<200x128xi32, #tpu.memory_space<hbm>>) target_semaphore(%arg16 : memref<!tpu.dma_semaphore, #tpu.memory_space<semaphore_mem>>)
      } else {
      }
      %scan3A_80 = arith.constant 0 : i32
      scf.yield %scan3A_80 : i32
    }
    %scan3A_17 = arith.constant 25 : i32
    %dma_wait3A = arith.constant 0 : i32
    %dma_wait3A_18 = arith.constant 0 : i32
    %dma_wait3A_19 = tpu.memref_slice %arg6[%dma_wait3A, %mul3A_2, %dma_wait3A_18] : memref<2x160000x128xi32, #tpu.memory_space<hbm>> -> memref<1x200x128xi32, #tpu.memory_space<hbm>>
    %dma_wait3A_20 = tpu.memref_squeeze %dma_wait3A_19 : memref<1x200x128xi32, #tpu.memory_space<hbm>> -> memref<200x128xi32, #tpu.memory_space<hbm>>
    %dma_wait3A_21 = arith.constant 0 : i32
    %dma_wait3A_22 = tpu.memref_slice %arg6[%dma_wait3A, %mul3A_2, %dma_wait3A_21] : memref<2x160000x128xi32, #tpu.memory_space<hbm>> -> memref<1x200x128xi32, #tpu.memory_space<hbm>>
    %dma_wait3A_23 = tpu.memref_squeeze %dma_wait3A_22 : memref<1x200x128xi32, #tpu.memory_space<hbm>> -> memref<200x128xi32, #tpu.memory_space<hbm>>
    tpu.wait_dma2 semaphore(%arg15 : memref<!tpu.dma_semaphore, #tpu.memory_space<semaphore_mem>>) src(%arg9 : memref<200x128xi32, #tpu.memory_space<vmem>>) dst(%dma_wait3A_23 : memref<200x128xi32, #tpu.memory_space<hbm>>)
    %dma_wait3A_24 = arith.constant 1 : i32
    %dma_wait3A_25 = arith.constant 0 : i32
    %dma_wait3A_26 = tpu.memref_slice %arg6[%dma_wait3A_24, %mul3A_2, %dma_wait3A_25] : memref<2x160000x128xi32, #tpu.memory_space<hbm>> -> memref<1x200x128xi32, #tpu.memory_space<hbm>>
    %dma_wait3A_27 = tpu.memref_squeeze %dma_wait3A_26 : memref<1x200x128xi32, #tpu.memory_space<hbm>> -> memref<200x128xi32, #tpu.memory_space<hbm>>
    %dma_wait3A_28 = arith.constant 0 : i32
    %dma_wait3A_29 = tpu.memref_slice %arg6[%dma_wait3A_24, %mul3A_2, %dma_wait3A_28] : memref<2x160000x128xi32, #tpu.memory_space<hbm>> -> memref<1x200x128xi32, #tpu.memory_space<hbm>>
    %dma_wait3A_30 = tpu.memref_squeeze %dma_wait3A_29 : memref<1x200x128xi32, #tpu.memory_space<hbm>> -> memref<200x128xi32, #tpu.memory_space<hbm>>
    tpu.wait_dma2 semaphore(%arg15 : memref<!tpu.dma_semaphore, #tpu.memory_space<semaphore_mem>>) src(%arg10 : memref<200x128xi32, #tpu.memory_space<vmem>>) dst(%dma_wait3A_30 : memref<200x128xi32, #tpu.memory_space<hbm>>)
    %dma_wait3A_31 = arith.constant 0 : i32
    %dma_wait3A_32 = arith.constant 0 : i32
    %dma_wait3A_33 = tpu.memref_slice %arg6[%dma_wait3A_31, %mul3A_2, %dma_wait3A_32] : memref<2x160000x128xi32, #tpu.memory_space<hbm>> -> memref<1x200x128xi32, #tpu.memory_space<hbm>>
    %dma_wait3A_34 = tpu.memref_squeeze %dma_wait3A_33 : memref<1x200x128xi32, #tpu.memory_space<hbm>> -> memref<200x128xi32, #tpu.memory_space<hbm>>
    %dma_wait3A_35 = arith.constant 0 : i32
    %dma_wait3A_36 = tpu.memref_slice %arg6[%dma_wait3A_31, %mul3A_2, %dma_wait3A_35] : memref<2x160000x128xi32, #tpu.memory_space<hbm>> -> memref<1x200x128xi32, #tpu.memory_space<hbm>>
    %dma_wait3A_37 = tpu.memref_squeeze %dma_wait3A_36 : memref<1x200x128xi32, #tpu.memory_space<hbm>> -> memref<200x128xi32, #tpu.memory_space<hbm>>
    tpu.wait_dma2 semaphore(%arg16 : memref<!tpu.dma_semaphore, #tpu.memory_space<semaphore_mem>>) src(%arg11 : memref<200x128xi32, #tpu.memory_space<vmem>>) dst(%dma_wait3A_37 : memref<200x128xi32, #tpu.memory_space<hbm>>)
    %dma_wait3A_38 = arith.constant 1 : i32
    %dma_wait3A_39 = arith.constant 0 : i32
    %dma_wait3A_40 = tpu.memref_slice %arg6[%dma_wait3A_38, %mul3A_2, %dma_wait3A_39] : memref<2x160000x128xi32, #tpu.memory_space<hbm>> -> memref<1x200x128xi32, #tpu.memory_space<hbm>>
    %dma_wait3A_41 = tpu.memref_squeeze %dma_wait3A_40 : memref<1x200x128xi32, #tpu.memory_space<hbm>> -> memref<200x128xi32, #tpu.memory_space<hbm>>
    %dma_wait3A_42 = arith.constant 0 : i32
    %dma_wait3A_43 = tpu.memref_slice %arg6[%dma_wait3A_38, %mul3A_2, %dma_wait3A_42] : memref<2x160000x128xi32, #tpu.memory_space<hbm>> -> memref<1x200x128xi32, #tpu.memory_space<hbm>>
    %dma_wait3A_44 = tpu.memref_squeeze %dma_wait3A_43 : memref<1x200x128xi32, #tpu.memory_space<hbm>> -> memref<200x128xi32, #tpu.memory_space<hbm>>
    tpu.wait_dma2 semaphore(%arg16 : memref<!tpu.dma_semaphore, #tpu.memory_space<semaphore_mem>>) src(%arg12 : memref<200x128xi32, #tpu.memory_space<vmem>>) dst(%dma_wait3A_44 : memref<200x128xi32, #tpu.memory_space<hbm>>)
    return
  }
}

#map = affine_map<(d0, d1) -> (0, 0)>
#map1 = affine_map<(d0, d1) -> (0)>
#map2 = affine_map<(d0, d1) -> (0, 0, 0)>
module attributes {stable_mosaic.version = 14 : i64} {
  func.func @_sc_gather_body(%arg0: i32, %arg1: i32, %arg2: memref<10000x128xi32, #tpu.memory_space<hbm>>, %arg3: memref<10000x128xi32, #tpu.memory_space<hbm>>, %arg4: memref<160000xi32, #tpu.memory_space<hbm>>, %arg5: memref<160000xi32, #tpu.memory_space<hbm>>, %arg6: memref<2x160000x128xi32, #tpu.memory_space<hbm>>, %arg7: memref<5000xi32, #tpu.memory_space<vmem>>, %arg8: memref<5000xi32, #tpu.memory_space<vmem>>, %arg9: memref<200x128xi32, #tpu.memory_space<vmem>>, %arg10: memref<200x128xi32, #tpu.memory_space<vmem>>, %arg11: memref<200x128xi32, #tpu.memory_space<vmem>>, %arg12: memref<200x128xi32, #tpu.memory_space<vmem>>, %arg13: memref<!tpu.dma_semaphore, #tpu.memory_space<semaphore_mem>>, %arg14: memref<!tpu.dma_semaphore, #tpu.memory_space<semaphore_mem>>, %arg15: memref<!tpu.dma_semaphore, #tpu.memory_space<semaphore_mem>>, %arg16: memref<!tpu.dma_semaphore, #tpu.memory_space<semaphore_mem>>) attributes {dimension_semantics = [#tpu.dimension_semantics<core_parallel>, #tpu.dimension_semantics<subcore_parallel>], iteration_bounds = array<i64: 2, 16>, scalar_prefetch = 0 : i64, scratch_operands = 10 : i64, tpu.core_type = #tpu.core_type<sc_vector_subcore>, window_params = [{transform_indices = #map}, {transform_indices = #map}, {transform_indices = #map1}, {transform_indices = #map1}, {transform_indices = #map2}]} {
    %mul3A = arith.constant 2 : i32
    %mul3A_0 = arith.muli %arg1, %mul3A : i32
    %add3A = arith.addi %mul3A_0, %arg0 : i32
    %mul3A_1 = arith.constant 5000 : i32
    %mul3A_2 = arith.muli %add3A, %mul3A_1 : i32
    "tpu.region"() ({
      %run_scoped3A = tpu.sem_alloc : memref<!tpu.dma_semaphore, #tpu.memory_space<semaphore_mem>>
      %dma_start3A_45 = tpu.memref_slice %arg4[%mul3A_2] : memref<160000xi32, #tpu.memory_space<hbm>> -> memref<5000xi32, #tpu.memory_space<hbm>>
      %dma_start3A_46 = tpu.memref_slice %arg4[%mul3A_2] : memref<160000xi32, #tpu.memory_space<hbm>> -> memref<5000xi32, #tpu.memory_space<hbm>>
      tpu.enqueue_dma source(%dma_start3A_46 : memref<5000xi32, #tpu.memory_space<hbm>>) target(%arg7 : memref<5000xi32, #tpu.memory_space<vmem>>) target_semaphore(%run_scoped3A : memref<!tpu.dma_semaphore, #tpu.memory_space<semaphore_mem>>)
      %dma_wait3A_47 = tpu.memref_slice %arg4[%mul3A_2] : memref<160000xi32, #tpu.memory_space<hbm>> -> memref<5000xi32, #tpu.memory_space<hbm>>
      %dma_wait3A_48 = tpu.memref_slice %arg4[%mul3A_2] : memref<160000xi32, #tpu.memory_space<hbm>> -> memref<5000xi32, #tpu.memory_space<hbm>>
      tpu.wait_dma2 semaphore(%run_scoped3A : memref<!tpu.dma_semaphore, #tpu.memory_space<semaphore_mem>>) src(%dma_wait3A_48 : memref<5000xi32, #tpu.memory_space<hbm>>) dst(%arg7 : memref<5000xi32, #tpu.memory_space<vmem>>)
      tpu.yield
    }) : () -> ()
    "tpu.region"() ({
      %run_scoped3A = tpu.sem_alloc : memref<!tpu.dma_semaphore, #tpu.memory_space<semaphore_mem>>
      %dma_start3A_45 = tpu.memref_slice %arg5[%mul3A_2] : memref<160000xi32, #tpu.memory_space<hbm>> -> memref<5000xi32, #tpu.memory_space<hbm>>
      %dma_start3A_46 = tpu.memref_slice %arg5[%mul3A_2] : memref<160000xi32, #tpu.memory_space<hbm>> -> memref<5000xi32, #tpu.memory_space<hbm>>
      tpu.enqueue_dma source(%dma_start3A_46 : memref<5000xi32, #tpu.memory_space<hbm>>) target(%arg8 : memref<5000xi32, #tpu.memory_space<vmem>>) target_semaphore(%run_scoped3A : memref<!tpu.dma_semaphore, #tpu.memory_space<semaphore_mem>>)
      %dma_wait3A_47 = tpu.memref_slice %arg5[%mul3A_2] : memref<160000xi32, #tpu.memory_space<hbm>> -> memref<5000xi32, #tpu.memory_space<hbm>>
      %dma_wait3A_48 = tpu.memref_slice %arg5[%mul3A_2] : memref<160000xi32, #tpu.memory_space<hbm>> -> memref<5000xi32, #tpu.memory_space<hbm>>
      tpu.wait_dma2 semaphore(%run_scoped3A : memref<!tpu.dma_semaphore, #tpu.memory_space<semaphore_mem>>) src(%dma_wait3A_48 : memref<5000xi32, #tpu.memory_space<hbm>>) dst(%arg8 : memref<5000xi32, #tpu.memory_space<vmem>>)
      tpu.yield
    }) : () -> ()
    %dma_start3A = arith.constant 0 : i32
    %dma_start3A_3 = tpu.memref_slice %arg7[%dma_start3A] : memref<5000xi32, #tpu.memory_space<vmem>> -> memref<200xi32, #tpu.memory_space<vmem>>
    %dma_start3A_4 = arith.constant 0 : i32
    %dma_start3A_5 = arith.constant 0 : i32
    %dma_start3A_6 = tpu.memref_slice %arg2[%dma_start3A_4, %dma_start3A_5] : memref<10000x128xi32, #tpu.memory_space<hbm>> -> memref<10000x128xi32, #tpu.memory_space<hbm>>
    tpu.enqueue_indirect_dma source(%dma_start3A_6 : memref<10000x128xi32, #tpu.memory_space<hbm>>) target(%arg9 : memref<200x128xi32, #tpu.memory_space<vmem>>) offsets(%dma_start3A_3 : memref<200xi32, #tpu.memory_space<vmem>>) semaphore(%arg13 : memref<!tpu.dma_semaphore, #tpu.memory_space<semaphore_mem>>)
    %dma_start3A_7 = arith.constant 0 : i32
    %dma_start3A_8 = tpu.memref_slice %arg8[%dma_start3A_7] : memref<5000xi32, #tpu.memory_space<vmem>> -> memref<200xi32, #tpu.memory_space<vmem>>
    %dma_start3A_9 = arith.constant 0 : i32
    %dma_start3A_10 = arith.constant 0 : i32
    %dma_start3A_11 = tpu.memref_slice %arg3[%dma_start3A_9, %dma_start3A_10] : memref<10000x128xi32, #tpu.memory_space<hbm>> -> memref<10000x128xi32, #tpu.memory_space<hbm>>
    tpu.enqueue_indirect_dma source(%dma_start3A_11 : memref<10000x128xi32, #tpu.memory_space<hbm>>) target(%arg10 : memref<200x128xi32, #tpu.memory_space<vmem>>) offsets(%dma_start3A_8 : memref<200xi32, #tpu.memory_space<vmem>>) semaphore(%arg13 : memref<!tpu.dma_semaphore, #tpu.memory_space<semaphore_mem>>)
    %scan3A = arith.constant 0 : i32
    %scan3A_12 = arith.constant 0 : i32
    %scan3A_13 = arith.constant 25 : i32
    %scan3A_14 = arith.addi %scan3A_12, %scan3A_13 : i32
    %scan3A_15 = arith.constant 1 : i32
    %scan3A_16 = scf.for %scan3A_45 = %scan3A_12 to %scan3A_14 step %scan3A_15 iter_args(%scan3A_46 = %scan3A) -> (i32)  : i32 {
      %jit3A = arith.constant 2 : i32
      %eq3A = arith.constant 0 : i32
      %eq3A_47 = arith.cmpi eq, %jit3A, %eq3A : i32
      %jit3A_48 = arith.constant 1 : i32
      %select_n3A = arith.select %eq3A_47, %jit3A_48, %jit3A : i32
      %rem3A = arith.remsi %scan3A_45, %select_n3A : i32
      %ne3A = arith.constant 0 : i32
      %ne3A_49 = arith.cmpi ne, %rem3A, %ne3A : i32
      %lt3A = arith.constant 0 : i32
      %lt3A_50 = arith.cmpi slt, %rem3A, %lt3A : i32
      %lt3A_51 = arith.constant 0 : i32
      %lt3A_52 = arith.cmpi slt, %select_n3A, %lt3A_51 : i32
      %ne3A_53 = arith.xori %lt3A_50, %lt3A_52 : i1
      %and3A = arith.andi %ne3A_53, %ne3A_49 : i1
      %add3A_54 = arith.addi %rem3A, %select_n3A : i32
      %select_n3A_55 = arith.select %and3A, %add3A_54, %rem3A : i32
      %eq3A_56 = arith.constant 0 : i32
      %eq3A_57 = arith.cmpi eq, %select_n3A_55, %eq3A_56 : i32
      %convert_element_type3A = arith.extui %eq3A_57 : i1 to i32
      %cond3A = arith.constant 0 : i32
      %cond3A_58 = arith.cmpi ne, %convert_element_type3A, %cond3A : i32
      scf.if %cond3A_58 {
        %add3A_81 = arith.constant 1 : i32
        %add3A_82 = arith.addi %scan3A_45, %add3A_81 : i32
        %lt3A_83 = arith.constant 25 : i32
        %lt3A_84 = arith.cmpi slt, %add3A_82, %lt3A_83 : i32
        %convert_element_type3A_85 = arith.extui %lt3A_84 : i1 to i32
        %cond3A_86 = arith.constant 0 : i32
        %cond3A_87 = arith.cmpi ne, %convert_element_type3A_85, %cond3A_86 : i32
        scf.if %cond3A_87 {
          %ge3A = arith.constant 1 : i32
          %ge3A_117 = arith.cmpi sge, %scan3A_45, %ge3A : i32
          %convert_element_type3A_118 = arith.extui %ge3A_117 : i1 to i32
          %cond3A_119 = arith.constant 0 : i32
          %cond3A_120 = arith.cmpi ne, %convert_element_type3A_118, %cond3A_119 : i32
          scf.if %cond3A_120 {
            %dma_wait3A_133 = arith.constant 0 : i32
            %dma_wait3A_134 = arith.constant 0 : i32
            %dma_wait3A_135 = tpu.memref_slice %arg6[%dma_wait3A_133, %mul3A_2, %dma_wait3A_134] : memref<2x160000x128xi32, #tpu.memory_space<hbm>> -> memref<1x200x128xi32, #tpu.memory_space<hbm>>
            %dma_wait3A_136 = tpu.memref_squeeze %dma_wait3A_135 : memref<1x200x128xi32, #tpu.memory_space<hbm>> -> memref<200x128xi32, #tpu.memory_space<hbm>>
            %dma_wait3A_137 = arith.constant 0 : i32
            %dma_wait3A_138 = tpu.memref_slice %arg6[%dma_wait3A_133, %mul3A_2, %dma_wait3A_137] : memref<2x160000x128xi32, #tpu.memory_space<hbm>> -> memref<1x200x128xi32, #tpu.memory_space<hbm>>
            %dma_wait3A_139 = tpu.memref_squeeze %dma_wait3A_138 : memref<1x200x128xi32, #tpu.memory_space<hbm>> -> memref<200x128xi32, #tpu.memory_space<hbm>>
            tpu.wait_dma2 semaphore(%arg16 : memref<!tpu.dma_semaphore, #tpu.memory_space<semaphore_mem>>) src(%arg11 : memref<200x128xi32, #tpu.memory_space<vmem>>) dst(%dma_wait3A_139 : memref<200x128xi32, #tpu.memory_space<hbm>>)
            %dma_wait3A_140 = arith.constant 1 : i32
            %dma_wait3A_141 = arith.constant 0 : i32
            %dma_wait3A_142 = tpu.memref_slice %arg6[%dma_wait3A_140, %mul3A_2, %dma_wait3A_141] : memref<2x160000x128xi32, #tpu.memory_space<hbm>> -> memref<1x200x128xi32, #tpu.memory_space<hbm>>
            %dma_wait3A_143 = tpu.memref_squeeze %dma_wait3A_142 : memref<1x200x128xi32, #tpu.memory_space<hbm>> -> memref<200x128xi32, #tpu.memory_space<hbm>>
            %dma_wait3A_144 = arith.constant 0 : i32
            %dma_wait3A_145 = tpu.memref_slice %arg6[%dma_wait3A_140, %mul3A_2, %dma_wait3A_144] : memref<2x160000x128xi32, #tpu.memory_space<hbm>> -> memref<1x200x128xi32, #tpu.memory_space<hbm>>
            %dma_wait3A_146 = tpu.memref_squeeze %dma_wait3A_145 : memref<1x200x128xi32, #tpu.memory_space<hbm>> -> memref<200x128xi32, #tpu.memory_space<hbm>>
            tpu.wait_dma2 semaphore(%arg16 : memref<!tpu.dma_semaphore, #tpu.memory_space<semaphore_mem>>) src(%arg12 : memref<200x128xi32, #tpu.memory_space<vmem>>) dst(%dma_wait3A_146 : memref<200x128xi32, #tpu.memory_space<hbm>>)
          } else {
          }
          %add3A_121 = arith.constant 1 : i32
          %add3A_122 = arith.addi %scan3A_45, %add3A_121 : i32
          %mul3A_123 = arith.constant 200 : i32
          %mul3A_124 = arith.muli %add3A_122, %mul3A_123 : i32
          %dma_start3A_125 = tpu.memref_slice %arg7[%mul3A_124] : memref<5000xi32, #tpu.memory_space<vmem>> -> memref<200xi32, #tpu.memory_space<vmem>>
          %dma_start3A_126 = arith.constant 0 : i32
          %dma_start3A_127 = arith.constant 0 : i32
          %dma_start3A_128 = tpu.memref_slice %arg2[%dma_start3A_126, %dma_start3A_127] : memref<10000x128xi32, #tpu.memory_space<hbm>> -> memref<10000x128xi32, #tpu.memory_space<hbm>>
          tpu.enqueue_indirect_dma source(%dma_start3A_128 : memref<10000x128xi32, #tpu.memory_space<hbm>>) target(%arg11 : memref<200x128xi32, #tpu.memory_space<vmem>>) offsets(%dma_start3A_125 : memref<200xi32, #tpu.memory_space<vmem>>) semaphore(%arg14 : memref<!tpu.dma_semaphore, #tpu.memory_space<semaphore_mem>>)
          %dma_start3A_129 = tpu.memref_slice %arg8[%mul3A_124] : memref<5000xi32, #tpu.memory_space<vmem>> -> memref<200xi32, #tpu.memory_space<vmem>>
          %dma_start3A_130 = arith.constant 0 : i32
          %dma_start3A_131 = arith.constant 0 : i32
          %dma_start3A_132 = tpu.memref_slice %arg3[%dma_start3A_130, %dma_start3A_131] : memref<10000x128xi32, #tpu.memory_space<hbm>> -> memref<10000x128xi32, #tpu.memory_space<hbm>>
          tpu.enqueue_indirect_dma source(%dma_start3A_132 : memref<10000x128xi32, #tpu.memory_space<hbm>>) target(%arg12 : memref<200x128xi32, #tpu.memory_space<vmem>>) offsets(%dma_start3A_129 : memref<200xi32, #tpu.memory_space<vmem>>) semaphore(%arg14 : memref<!tpu.dma_semaphore, #tpu.memory_space<semaphore_mem>>)
        } else {
        }
        %dma_wait3A_88 = arith.constant 0 : i32
        %dma_wait3A_89 = arith.constant 0 : i32
        %dma_wait3A_90 = tpu.memref_slice %arg2[%dma_wait3A_88, %dma_wait3A_89] : memref<10000x128xi32, #tpu.memory_space<hbm>> -> memref<200x128xi32, #tpu.memory_space<hbm>>
        %dma_wait3A_91 = arith.constant 0 : i32
        %dma_wait3A_92 = arith.constant 0 : i32
        %dma_wait3A_93 = tpu.memref_slice %arg2[%dma_wait3A_91, %dma_wait3A_92] : memref<10000x128xi32, #tpu.memory_space<hbm>> -> memref<200x128xi32, #tpu.memory_space<hbm>>
        tpu.wait_dma2 semaphore(%arg13 : memref<!tpu.dma_semaphore, #tpu.memory_space<semaphore_mem>>) src(%dma_wait3A_93 : memref<200x128xi32, #tpu.memory_space<hbm>>) dst(%arg9 : memref<200x128xi32, #tpu.memory_space<vmem>>)
        %dma_wait3A_94 = arith.constant 0 : i32
        %dma_wait3A_95 = arith.constant 0 : i32
        %dma_wait3A_96 = tpu.memref_slice %arg3[%dma_wait3A_94, %dma_wait3A_95] : memref<10000x128xi32, #tpu.memory_space<hbm>> -> memref<200x128xi32, #tpu.memory_space<hbm>>
        %dma_wait3A_97 = arith.constant 0 : i32
        %dma_wait3A_98 = arith.constant 0 : i32
        %dma_wait3A_99 = tpu.memref_slice %arg3[%dma_wait3A_97, %dma_wait3A_98] : memref<10000x128xi32, #tpu.memory_space<hbm>> -> memref<200x128xi32, #tpu.memory_space<hbm>>
        tpu.wait_dma2 semaphore(%arg13 : memref<!tpu.dma_semaphore, #tpu.memory_space<semaphore_mem>>) src(%dma_wait3A_99 : memref<200x128xi32, #tpu.memory_space<hbm>>) dst(%arg10 : memref<200x128xi32, #tpu.memory_space<vmem>>)
        %mul3A_100 = arith.constant 200 : i32
        %mul3A_101 = arith.muli %scan3A_45, %mul3A_100 : i32
        %add3A_102 = arith.addi %mul3A_2, %mul3A_101 : i32
        %dma_start3A_103 = arith.constant 0 : i32
        %dma_start3A_104 = arith.constant 0 : i32
        %dma_start3A_105 = tpu.memref_slice %arg6[%dma_start3A_103, %add3A_102, %dma_start3A_104] : memref<2x160000x128xi32, #tpu.memory_space<hbm>> -> memref<1x200x128xi32, #tpu.memory_space<hbm>>
        %dma_start3A_106 = tpu.memref_squeeze %dma_start3A_105 : memref<1x200x128xi32, #tpu.memory_space<hbm>> -> memref<200x128xi32, #tpu.memory_space<hbm>>
        %dma_start3A_107 = arith.constant 0 : i32
        %dma_start3A_108 = tpu.memref_slice %arg6[%dma_start3A_103, %add3A_102, %dma_start3A_107] : memref<2x160000x128xi32, #tpu.memory_space<hbm>> -> memref<1x200x128xi32, #tpu.memory_space<hbm>>
        %dma_start3A_109 = tpu.memref_squeeze %dma_start3A_108 : memref<1x200x128xi32, #tpu.memory_space<hbm>> -> memref<200x128xi32, #tpu.memory_space<hbm>>
        tpu.enqueue_dma source(%arg9 : memref<200x128xi32, #tpu.memory_space<vmem>>) target(%dma_start3A_109 : memref<200x128xi32, #tpu.memory_space<hbm>>) target_semaphore(%arg15 : memref<!tpu.dma_semaphore, #tpu.memory_space<semaphore_mem>>)
        %dma_start3A_110 = arith.constant 1 : i32
        %dma_start3A_111 = arith.constant 0 : i32
        %dma_start3A_112 = tpu.memref_slice %arg6[%dma_start3A_110, %add3A_102, %dma_start3A_111] : memref<2x160000x128xi32, #tpu.memory_space<hbm>> -> memref<1x200x128xi32, #tpu.memory_space<hbm>>
        %dma_start3A_113 = tpu.memref_squeeze %dma_start3A_112 : memref<1x200x128xi32, #tpu.memory_space<hbm>> -> memref<200x128xi32, #tpu.memory_space<hbm>>
        %dma_start3A_114 = arith.constant 0 : i32
        %dma_start3A_115 = tpu.memref_slice %arg6[%dma_start3A_110, %add3A_102, %dma_start3A_114] : memref<2x160000x128xi32, #tpu.memory_space<hbm>> -> memref<1x200x128xi32, #tpu.memory_space<hbm>>
        %dma_start3A_116 = tpu.memref_squeeze %dma_start3A_115 : memref<1x200x128xi32, #tpu.memory_space<hbm>> -> memref<200x128xi32, #tpu.memory_space<hbm>>
        tpu.enqueue_dma source(%arg10 : memref<200x128xi32, #tpu.memory_space<vmem>>) target(%dma_start3A_116 : memref<200x128xi32, #tpu.memory_space<hbm>>) target_semaphore(%arg15 : memref<!tpu.dma_semaphore, #tpu.memory_space<semaphore_mem>>)
      } else {
      }
      %jit3A_59 = arith.constant 2 : i32
      %eq3A_60 = arith.constant 0 : i32
      %eq3A_61 = arith.cmpi eq, %jit3A_59, %eq3A_60 : i32
      %jit3A_62 = arith.constant 1 : i32
      %select_n3A_63 = arith.select %eq3A_61, %jit3A_62, %jit3A_59 : i32
      %rem3A_64 = arith.remsi %scan3A_45, %select_n3A_63 : i32
      %ne3A_65 = arith.constant 0 : i32
      %ne3A_66 = arith.cmpi ne, %rem3A_64, %ne3A_65 : i32
      %lt3A_67 = arith.constant 0 : i32
      %lt3A_68 = arith.cmpi slt, %rem3A_64, %lt3A_67 : i32
      %lt3A_69 = arith.constant 0 : i32
      %lt3A_70 = arith.cmpi slt, %select_n3A_63, %lt3A_69 : i32
      %ne3A_71 = arith.xori %lt3A_68, %lt3A_70 : i1
      %and3A_72 = arith.andi %ne3A_71, %ne3A_66 : i1
      %add3A_73 = arith.addi %rem3A_64, %select_n3A_63 : i32
      %select_n3A_74 = arith.select %and3A_72, %add3A_73, %rem3A_64 : i32
      %eq3A_75 = arith.constant 1 : i32
      %eq3A_76 = arith.cmpi eq, %select_n3A_74, %eq3A_75 : i32
      %convert_element_type3A_77 = arith.extui %eq3A_76 : i1 to i32
      %cond3A_78 = arith.constant 0 : i32
      %cond3A_79 = arith.cmpi ne, %convert_element_type3A_77, %cond3A_78 : i32
      scf.if %cond3A_79 {
        %add3A_81 = arith.constant 1 : i32
        %add3A_82 = arith.addi %scan3A_45, %add3A_81 : i32
        %lt3A_83 = arith.constant 25 : i32
        %lt3A_84 = arith.cmpi slt, %add3A_82, %lt3A_83 : i32
        %convert_element_type3A_85 = arith.extui %lt3A_84 : i1 to i32
        %cond3A_86 = arith.constant 0 : i32
        %cond3A_87 = arith.cmpi ne, %convert_element_type3A_85, %cond3A_86 : i32
        scf.if %cond3A_87 {
          %ge3A = arith.constant 1 : i32
          %ge3A_117 = arith.cmpi sge, %scan3A_45, %ge3A : i32
          %convert_element_type3A_118 = arith.extui %ge3A_117 : i1 to i32
          %cond3A_119 = arith.constant 0 : i32
          %cond3A_120 = arith.cmpi ne, %convert_element_type3A_118, %cond3A_119 : i32
          scf.if %cond3A_120 {
            %dma_wait3A_133 = arith.constant 0 : i32
            %dma_wait3A_134 = arith.constant 0 : i32
            %dma_wait3A_135 = tpu.memref_slice %arg6[%dma_wait3A_133, %mul3A_2, %dma_wait3A_134] : memref<2x160000x128xi32, #tpu.memory_space<hbm>> -> memref<1x200x128xi32, #tpu.memory_space<hbm>>
            %dma_wait3A_136 = tpu.memref_squeeze %dma_wait3A_135 : memref<1x200x128xi32, #tpu.memory_space<hbm>> -> memref<200x128xi32, #tpu.memory_space<hbm>>
            %dma_wait3A_137 = arith.constant 0 : i32
            %dma_wait3A_138 = tpu.memref_slice %arg6[%dma_wait3A_133, %mul3A_2, %dma_wait3A_137] : memref<2x160000x128xi32, #tpu.memory_space<hbm>> -> memref<1x200x128xi32, #tpu.memory_space<hbm>>
            %dma_wait3A_139 = tpu.memref_squeeze %dma_wait3A_138 : memref<1x200x128xi32, #tpu.memory_space<hbm>> -> memref<200x128xi32, #tpu.memory_space<hbm>>
            tpu.wait_dma2 semaphore(%arg15 : memref<!tpu.dma_semaphore, #tpu.memory_space<semaphore_mem>>) src(%arg9 : memref<200x128xi32, #tpu.memory_space<vmem>>) dst(%dma_wait3A_139 : memref<200x128xi32, #tpu.memory_space<hbm>>)
            %dma_wait3A_140 = arith.constant 1 : i32
            %dma_wait3A_141 = arith.constant 0 : i32
            %dma_wait3A_142 = tpu.memref_slice %arg6[%dma_wait3A_140, %mul3A_2, %dma_wait3A_141] : memref<2x160000x128xi32, #tpu.memory_space<hbm>> -> memref<1x200x128xi32, #tpu.memory_space<hbm>>
            %dma_wait3A_143 = tpu.memref_squeeze %dma_wait3A_142 : memref<1x200x128xi32, #tpu.memory_space<hbm>> -> memref<200x128xi32, #tpu.memory_space<hbm>>
            %dma_wait3A_144 = arith.constant 0 : i32
            %dma_wait3A_145 = tpu.memref_slice %arg6[%dma_wait3A_140, %mul3A_2, %dma_wait3A_144] : memref<2x160000x128xi32, #tpu.memory_space<hbm>> -> memref<1x200x128xi32, #tpu.memory_space<hbm>>
            %dma_wait3A_146 = tpu.memref_squeeze %dma_wait3A_145 : memref<1x200x128xi32, #tpu.memory_space<hbm>> -> memref<200x128xi32, #tpu.memory_space<hbm>>
            tpu.wait_dma2 semaphore(%arg15 : memref<!tpu.dma_semaphore, #tpu.memory_space<semaphore_mem>>) src(%arg10 : memref<200x128xi32, #tpu.memory_space<vmem>>) dst(%dma_wait3A_146 : memref<200x128xi32, #tpu.memory_space<hbm>>)
          } else {
          }
          %add3A_121 = arith.constant 1 : i32
          %add3A_122 = arith.addi %scan3A_45, %add3A_121 : i32
          %mul3A_123 = arith.constant 200 : i32
          %mul3A_124 = arith.muli %add3A_122, %mul3A_123 : i32
          %dma_start3A_125 = tpu.memref_slice %arg7[%mul3A_124] : memref<5000xi32, #tpu.memory_space<vmem>> -> memref<200xi32, #tpu.memory_space<vmem>>
          %dma_start3A_126 = arith.constant 0 : i32
          %dma_start3A_127 = arith.constant 0 : i32
          %dma_start3A_128 = tpu.memref_slice %arg2[%dma_start3A_126, %dma_start3A_127] : memref<10000x128xi32, #tpu.memory_space<hbm>> -> memref<10000x128xi32, #tpu.memory_space<hbm>>
          tpu.enqueue_indirect_dma source(%dma_start3A_128 : memref<10000x128xi32, #tpu.memory_space<hbm>>) target(%arg9 : memref<200x128xi32, #tpu.memory_space<vmem>>) offsets(%dma_start3A_125 : memref<200xi32, #tpu.memory_space<vmem>>) semaphore(%arg13 : memref<!tpu.dma_semaphore, #tpu.memory_space<semaphore_mem>>)
          %dma_start3A_129 = tpu.memref_slice %arg8[%mul3A_124] : memref<5000xi32, #tpu.memory_space<vmem>> -> memref<200xi32, #tpu.memory_space<vmem>>
          %dma_start3A_130 = arith.constant 0 : i32
          %dma_start3A_131 = arith.constant 0 : i32
          %dma_start3A_132 = tpu.memref_slice %arg3[%dma_start3A_130, %dma_start3A_131] : memref<10000x128xi32, #tpu.memory_space<hbm>> -> memref<10000x128xi32, #tpu.memory_space<hbm>>
          tpu.enqueue_indirect_dma source(%dma_start3A_132 : memref<10000x128xi32, #tpu.memory_space<hbm>>) target(%arg10 : memref<200x128xi32, #tpu.memory_space<vmem>>) offsets(%dma_start3A_129 : memref<200xi32, #tpu.memory_space<vmem>>) semaphore(%arg13 : memref<!tpu.dma_semaphore, #tpu.memory_space<semaphore_mem>>)
        } else {
        }
        %dma_wait3A_88 = arith.constant 0 : i32
        %dma_wait3A_89 = arith.constant 0 : i32
        %dma_wait3A_90 = tpu.memref_slice %arg2[%dma_wait3A_88, %dma_wait3A_89] : memref<10000x128xi32, #tpu.memory_space<hbm>> -> memref<200x128xi32, #tpu.memory_space<hbm>>
        %dma_wait3A_91 = arith.constant 0 : i32
        %dma_wait3A_92 = arith.constant 0 : i32
        %dma_wait3A_93 = tpu.memref_slice %arg2[%dma_wait3A_91, %dma_wait3A_92] : memref<10000x128xi32, #tpu.memory_space<hbm>> -> memref<200x128xi32, #tpu.memory_space<hbm>>
        tpu.wait_dma2 semaphore(%arg14 : memref<!tpu.dma_semaphore, #tpu.memory_space<semaphore_mem>>) src(%dma_wait3A_93 : memref<200x128xi32, #tpu.memory_space<hbm>>) dst(%arg11 : memref<200x128xi32, #tpu.memory_space<vmem>>)
        %dma_wait3A_94 = arith.constant 0 : i32
        %dma_wait3A_95 = arith.constant 0 : i32
        %dma_wait3A_96 = tpu.memref_slice %arg3[%dma_wait3A_94, %dma_wait3A_95] : memref<10000x128xi32, #tpu.memory_space<hbm>> -> memref<200x128xi32, #tpu.memory_space<hbm>>
        %dma_wait3A_97 = arith.constant 0 : i32
        %dma_wait3A_98 = arith.constant 0 : i32
        %dma_wait3A_99 = tpu.memref_slice %arg3[%dma_wait3A_97, %dma_wait3A_98] : memref<10000x128xi32, #tpu.memory_space<hbm>> -> memref<200x128xi32, #tpu.memory_space<hbm>>
        tpu.wait_dma2 semaphore(%arg14 : memref<!tpu.dma_semaphore, #tpu.memory_space<semaphore_mem>>) src(%dma_wait3A_99 : memref<200x128xi32, #tpu.memory_space<hbm>>) dst(%arg12 : memref<200x128xi32, #tpu.memory_space<vmem>>)
        %mul3A_100 = arith.constant 200 : i32
        %mul3A_101 = arith.muli %scan3A_45, %mul3A_100 : i32
        %add3A_102 = arith.addi %mul3A_2, %mul3A_101 : i32
        %dma_start3A_103 = arith.constant 0 : i32
        %dma_start3A_104 = arith.constant 0 : i32
        %dma_start3A_105 = tpu.memref_slice %arg6[%dma_start3A_103, %add3A_102, %dma_start3A_104] : memref<2x160000x128xi32, #tpu.memory_space<hbm>> -> memref<1x200x128xi32, #tpu.memory_space<hbm>>
        %dma_start3A_106 = tpu.memref_squeeze %dma_start3A_105 : memref<1x200x128xi32, #tpu.memory_space<hbm>> -> memref<200x128xi32, #tpu.memory_space<hbm>>
        %dma_start3A_107 = arith.constant 0 : i32
        %dma_start3A_108 = tpu.memref_slice %arg6[%dma_start3A_103, %add3A_102, %dma_start3A_107] : memref<2x160000x128xi32, #tpu.memory_space<hbm>> -> memref<1x200x128xi32, #tpu.memory_space<hbm>>
        %dma_start3A_109 = tpu.memref_squeeze %dma_start3A_108 : memref<1x200x128xi32, #tpu.memory_space<hbm>> -> memref<200x128xi32, #tpu.memory_space<hbm>>
        tpu.enqueue_dma source(%arg11 : memref<200x128xi32, #tpu.memory_space<vmem>>) target(%dma_start3A_109 : memref<200x128xi32, #tpu.memory_space<hbm>>) target_semaphore(%arg16 : memref<!tpu.dma_semaphore, #tpu.memory_space<semaphore_mem>>)
        %dma_start3A_110 = arith.constant 1 : i32
        %dma_start3A_111 = arith.constant 0 : i32
        %dma_start3A_112 = tpu.memref_slice %arg6[%dma_start3A_110, %add3A_102, %dma_start3A_111] : memref<2x160000x128xi32, #tpu.memory_space<hbm>> -> memref<1x200x128xi32, #tpu.memory_space<hbm>>
        %dma_start3A_113 = tpu.memref_squeeze %dma_start3A_112 : memref<1x200x128xi32, #tpu.memory_space<hbm>> -> memref<200x128xi32, #tpu.memory_space<hbm>>
        %dma_start3A_114 = arith.constant 0 : i32
        %dma_start3A_115 = tpu.memref_slice %arg6[%dma_start3A_110, %add3A_102, %dma_start3A_114] : memref<2x160000x128xi32, #tpu.memory_space<hbm>> -> memref<1x200x128xi32, #tpu.memory_space<hbm>>
        %dma_start3A_116 = tpu.memref_squeeze %dma_start3A_115 : memref<1x200x128xi32, #tpu.memory_space<hbm>> -> memref<200x128xi32, #tpu.memory_space<hbm>>
        tpu.enqueue_dma source(%arg12 : memref<200x128xi32, #tpu.memory_space<vmem>>) target(%dma_start3A_116 : memref<200x128xi32, #tpu.memory_space<hbm>>) target_semaphore(%arg16 : memref<!tpu.dma_semaphore, #tpu.memory_space<semaphore_mem>>)
      } else {
      }
      %scan3A_80 = arith.constant 0 : i32
      scf.yield %scan3A_80 : i32
    }
    %scan3A_17 = arith.constant 25 : i32
    %dma_wait3A = arith.constant 0 : i32
    %dma_wait3A_18 = arith.constant 0 : i32
    %dma_wait3A_19 = tpu.memref_slice %arg6[%dma_wait3A, %mul3A_2, %dma_wait3A_18] : memref<2x160000x128xi32, #tpu.memory_space<hbm>> -> memref<1x200x128xi32, #tpu.memory_space<hbm>>
    %dma_wait3A_20 = tpu.memref_squeeze %dma_wait3A_19 : memref<1x200x128xi32, #tpu.memory_space<hbm>> -> memref<200x128xi32, #tpu.memory_space<hbm>>
    %dma_wait3A_21 = arith.constant 0 : i32
    %dma_wait3A_22 = tpu.memref_slice %arg6[%dma_wait3A, %mul3A_2, %dma_wait3A_21] : memref<2x160000x128xi32, #tpu.memory_space<hbm>> -> memref<1x200x128xi32, #tpu.memory_space<hbm>>
    %dma_wait3A_23 = tpu.memref_squeeze %dma_wait3A_22 : memref<1x200x128xi32, #tpu.memory_space<hbm>> -> memref<200x128xi32, #tpu.memory_space<hbm>>
    tpu.wait_dma2 semaphore(%arg15 : memref<!tpu.dma_semaphore, #tpu.memory_space<semaphore_mem>>) src(%arg9 : memref<200x128xi32, #tpu.memory_space<vmem>>) dst(%dma_wait3A_23 : memref<200x128xi32, #tpu.memory_space<hbm>>)
    %dma_wait3A_24 = arith.constant 1 : i32
    %dma_wait3A_25 = arith.constant 0 : i32
    %dma_wait3A_26 = tpu.memref_slice %arg6[%dma_wait3A_24, %mul3A_2, %dma_wait3A_25] : memref<2x160000x128xi32, #tpu.memory_space<hbm>> -> memref<1x200x128xi32, #tpu.memory_space<hbm>>
    %dma_wait3A_27 = tpu.memref_squeeze %dma_wait3A_26 : memref<1x200x128xi32, #tpu.memory_space<hbm>> -> memref<200x128xi32, #tpu.memory_space<hbm>>
    %dma_wait3A_28 = arith.constant 0 : i32
    %dma_wait3A_29 = tpu.memref_slice %arg6[%dma_wait3A_24, %mul3A_2, %dma_wait3A_28] : memref<2x160000x128xi32, #tpu.memory_space<hbm>> -> memref<1x200x128xi32, #tpu.memory_space<hbm>>
    %dma_wait3A_30 = tpu.memref_squeeze %dma_wait3A_29 : memref<1x200x128xi32, #tpu.memory_space<hbm>> -> memref<200x128xi32, #tpu.memory_space<hbm>>
    tpu.wait_dma2 semaphore(%arg15 : memref<!tpu.dma_semaphore, #tpu.memory_space<semaphore_mem>>) src(%arg10 : memref<200x128xi32, #tpu.memory_space<vmem>>) dst(%dma_wait3A_30 : memref<200x128xi32, #tpu.memory_space<hbm>>)
    %dma_wait3A_31 = arith.constant 0 : i32
    %dma_wait3A_32 = arith.constant 0 : i32
    %dma_wait3A_33 = tpu.memref_slice %arg6[%dma_wait3A_31, %mul3A_2, %dma_wait3A_32] : memref<2x160000x128xi32, #tpu.memory_space<hbm>> -> memref<1x200x128xi32, #tpu.memory_space<hbm>>
    %dma_wait3A_34 = tpu.memref_squeeze %dma_wait3A_33 : memref<1x200x128xi32, #tpu.memory_space<hbm>> -> memref<200x128xi32, #tpu.memory_space<hbm>>
    %dma_wait3A_35 = arith.constant 0 : i32
    %dma_wait3A_36 = tpu.memref_slice %arg6[%dma_wait3A_31, %mul3A_2, %dma_wait3A_35] : memref<2x160000x128xi32, #tpu.memory_space<hbm>> -> memref<1x200x128xi32, #tpu.memory_space<hbm>>
    %dma_wait3A_37 = tpu.memref_squeeze %dma_wait3A_36 : memref<1x200x128xi32, #tpu.memory_space<hbm>> -> memref<200x128xi32, #tpu.memory_space<hbm>>
    tpu.wait_dma2 semaphore(%arg16 : memref<!tpu.dma_semaphore, #tpu.memory_space<semaphore_mem>>) src(%arg11 : memref<200x128xi32, #tpu.memory_space<vmem>>) dst(%dma_wait3A_37 : memref<200x128xi32, #tpu.memory_space<hbm>>)
    %dma_wait3A_38 = arith.constant 1 : i32
    %dma_wait3A_39 = arith.constant 0 : i32
    %dma_wait3A_40 = tpu.memref_slice %arg6[%dma_wait3A_38, %mul3A_2, %dma_wait3A_39] : memref<2x160000x128xi32, #tpu.memory_space<hbm>> -> memref<1x200x128xi32, #tpu.memory_space<hbm>>
    %dma_wait3A_41 = tpu.memref_squeeze %dma_wait3A_40 : memref<1x200x128xi32, #tpu.memory_space<hbm>> -> memref<200x128xi32, #tpu.memory_space<hbm>>
    %dma_wait3A_42 = arith.constant 0 : i32
    %dma_wait3A_43 = tpu.memref_slice %arg6[%dma_wait3A_38, %mul3A_2, %dma_wait3A_42] : memref<2x160000x128xi32, #tpu.memory_space<hbm>> -> memref<1x200x128xi32, #tpu.memory_space<hbm>>
    %dma_wait3A_44 = tpu.memref_squeeze %dma_wait3A_43 : memref<1x200x128xi32, #tpu.memory_space<hbm>> -> memref<200x128xi32, #tpu.memory_space<hbm>>
    tpu.wait_dma2 semaphore(%arg16 : memref<!tpu.dma_semaphore, #tpu.memory_space<semaphore_mem>>) src(%arg12 : memref<200x128xi32, #tpu.memory_space<vmem>>) dst(%dma_wait3A_44 : memref<200x128xi32, #tpu.memory_space<hbm>>)
    return
  }
}

#map = affine_map<(d0, d1) -> (0, 0)>
#map1 = affine_map<(d0, d1) -> (0)>
#map2 = affine_map<(d0, d1) -> (0, 0, 0)>
module attributes {stable_mosaic.version = 14 : i64} {
  func.func @_sc_scatter_body(%arg0: i32, %arg1: i32, %arg2: memref<160000x128xf32, #tpu.memory_space<hbm>>, %arg3: memref<160000xi32, #tpu.memory_space<hbm>>, %arg4: memref<10000x128xf32, #tpu.memory_space<hbm>>, %arg5: memref<2x10000x128xf32, #tpu.memory_space<hbm>>, %arg6: memref<40xi32, #tpu.memory_space<vmem>>, %arg7: memref<40x128xf32, #tpu.memory_space<vmem>>, %arg8: memref<40xi32, #tpu.memory_space<vmem>>, %arg9: memref<40x128xf32, #tpu.memory_space<vmem>>, %arg10: memref<10000x128xf32, #tpu.memory_space<vmem_shared>>, %arg11: memref<!tpu.dma_semaphore, #tpu.memory_space<semaphore_mem>>, %arg12: memref<!tpu.dma_semaphore, #tpu.memory_space<semaphore_mem>>, %arg13: memref<!tpu.dma_semaphore, #tpu.memory_space<semaphore_mem>>, %arg14: memref<!tpu.dma_semaphore, #tpu.memory_space<semaphore_mem>>) attributes {dimension_semantics = [#tpu.dimension_semantics<core_parallel>, #tpu.dimension_semantics<subcore_parallel>], iteration_bounds = array<i64: 2, 16>, scalar_prefetch = 0 : i64, scratch_operands = 9 : i64, tpu.core_type = #tpu.core_type<sc_vector_subcore>, window_params = [{transform_indices = #map}, {transform_indices = #map1}, {transform_indices = #map}, {transform_indices = #map2}]} {
    %mul3A = arith.constant 624 : i32
    %mul3A_0 = arith.muli %arg1, %mul3A : i32
    %mul3A_1 = arith.constant 80000 : i32
    %mul3A_2 = arith.muli %arg0, %mul3A_1 : i32
    %mul3A_3 = arith.constant 5000 : i32
    %mul3A_4 = arith.muli %arg1, %mul3A_3 : i32
    %add3A = arith.addi %mul3A_2, %mul3A_4 : i32
    %add3A_5 = arith.constant 0 : i32
    %add3A_6 = arith.addi %add3A, %add3A_5 : i32
    %dma_start3A = tpu.memref_slice %arg3[%add3A_6] : memref<160000xi32, #tpu.memory_space<hbm>> -> memref<40xi32, #tpu.memory_space<hbm>>
    %dma_start3A_7 = tpu.memref_slice %arg3[%add3A_6] : memref<160000xi32, #tpu.memory_space<hbm>> -> memref<40xi32, #tpu.memory_space<hbm>>
    tpu.enqueue_dma source(%dma_start3A_7 : memref<40xi32, #tpu.memory_space<hbm>>) target(%arg6 : memref<40xi32, #tpu.memory_space<vmem>>) target_semaphore(%arg11 : memref<!tpu.dma_semaphore, #tpu.memory_space<semaphore_mem>>)
    %dma_start3A_8 = arith.constant 0 : i32
    %dma_start3A_9 = tpu.memref_slice %arg2[%add3A_6, %dma_start3A_8] : memref<160000x128xf32, #tpu.memory_space<hbm>> -> memref<40x128xf32, #tpu.memory_space<hbm>>
    %dma_start3A_10 = arith.constant 0 : i32
    %dma_start3A_11 = tpu.memref_slice %arg2[%add3A_6, %dma_start3A_10] : memref<160000x128xf32, #tpu.memory_space<hbm>> -> memref<40x128xf32, #tpu.memory_space<hbm>>
    tpu.enqueue_dma source(%dma_start3A_11 : memref<40x128xf32, #tpu.memory_space<hbm>>) target(%arg7 : memref<40x128xf32, #tpu.memory_space<vmem>>) target_semaphore(%arg11 : memref<!tpu.dma_semaphore, #tpu.memory_space<semaphore_mem>>)
    "tpu.region"() ({
      %run_scoped3A = tpu.sem_alloc : memref<!tpu.dma_semaphore, #tpu.memory_space<semaphore_mem>>
      %dma_start3A_31 = arith.constant 0 : i32
      %dma_start3A_32 = tpu.memref_slice %arg10[%mul3A_0, %dma_start3A_31] : memref<10000x128xf32, #tpu.memory_space<vmem_shared>> -> memref<624x128xf32, #tpu.memory_space<vmem_shared>>
      %dma_start3A_33 = arith.constant 0 : i32
      %dma_start3A_34 = tpu.memref_slice %arg4[%mul3A_0, %dma_start3A_33] : memref<10000x128xf32, #tpu.memory_space<hbm>> -> memref<624x128xf32, #tpu.memory_space<hbm>>
      tpu.enqueue_dma source(%dma_start3A_34 : memref<624x128xf32, #tpu.memory_space<hbm>>) target(%dma_start3A_32 : memref<624x128xf32, #tpu.memory_space<vmem_shared>>) target_semaphore(%run_scoped3A : memref<!tpu.dma_semaphore, #tpu.memory_space<semaphore_mem>>)
      %dma_wait3A_35 = arith.constant 0 : i32
      %dma_wait3A_36 = tpu.memref_slice %arg10[%mul3A_0, %dma_wait3A_35] : memref<10000x128xf32, #tpu.memory_space<vmem_shared>> -> memref<624x128xf32, #tpu.memory_space<vmem_shared>>
      %dma_wait3A_37 = arith.constant 0 : i32
      %dma_wait3A_38 = tpu.memref_slice %arg4[%mul3A_0, %dma_wait3A_37] : memref<10000x128xf32, #tpu.memory_space<hbm>> -> memref<624x128xf32, #tpu.memory_space<hbm>>
      tpu.wait_dma2 semaphore(%run_scoped3A : memref<!tpu.dma_semaphore, #tpu.memory_space<semaphore_mem>>) src(%dma_wait3A_38 : memref<624x128xf32, #tpu.memory_space<hbm>>) dst(%dma_wait3A_36 : memref<624x128xf32, #tpu.memory_space<vmem_shared>>)
      tpu.yield
    }) : () -> ()
    %eq3A = arith.constant 15 : i32
    %eq3A_12 = arith.cmpi eq, %arg1, %eq3A : i32
    %convert_element_type3A = arith.extui %eq3A_12 : i1 to i32
    %cond3A = arith.constant 0 : i32
    %cond3A_13 = arith.cmpi ne, %convert_element_type3A, %cond3A : i32
    scf.if %cond3A_13 {
      "tpu.region"() ({
        %run_scoped3A = tpu.sem_alloc : memref<!tpu.dma_semaphore, #tpu.memory_space<semaphore_mem>>
        %dma_start3A_31 = arith.constant 9984 : i32
        %dma_start3A_32 = arith.constant 0 : i32
        %dma_start3A_33 = tpu.memref_slice %arg10[%dma_start3A_31, %dma_start3A_32] : memref<10000x128xf32, #tpu.memory_space<vmem_shared>> -> memref<16x128xf32, #tpu.memory_space<vmem_shared>>
        %dma_start3A_34 = arith.constant 9984 : i32
        %dma_start3A_35 = arith.constant 0 : i32
        %dma_start3A_36 = tpu.memref_slice %arg4[%dma_start3A_34, %dma_start3A_35] : memref<10000x128xf32, #tpu.memory_space<hbm>> -> memref<16x128xf32, #tpu.memory_space<hbm>>
        tpu.enqueue_dma source(%dma_start3A_36 : memref<16x128xf32, #tpu.memory_space<hbm>>) target(%dma_start3A_33 : memref<16x128xf32, #tpu.memory_space<vmem_shared>>) target_semaphore(%run_scoped3A : memref<!tpu.dma_semaphore, #tpu.memory_space<semaphore_mem>>)
        %dma_wait3A_37 = arith.constant 9984 : i32
        %dma_wait3A_38 = arith.constant 0 : i32
        %dma_wait3A_39 = tpu.memref_slice %arg10[%dma_wait3A_37, %dma_wait3A_38] : memref<10000x128xf32, #tpu.memory_space<vmem_shared>> -> memref<16x128xf32, #tpu.memory_space<vmem_shared>>
        %dma_wait3A_40 = arith.constant 9984 : i32
        %dma_wait3A_41 = arith.constant 0 : i32
        %dma_wait3A_42 = tpu.memref_slice %arg4[%dma_wait3A_40, %dma_wait3A_41] : memref<10000x128xf32, #tpu.memory_space<hbm>> -> memref<16x128xf32, #tpu.memory_space<hbm>>
        tpu.wait_dma2 semaphore(%run_scoped3A : memref<!tpu.dma_semaphore, #tpu.memory_space<semaphore_mem>>) src(%dma_wait3A_42 : memref<16x128xf32, #tpu.memory_space<hbm>>) dst(%dma_wait3A_39 : memref<16x128xf32, #tpu.memory_space<vmem_shared>>)
        tpu.yield
      }) : () -> ()
    } else {
    }
    %barrier3A = arith.constant 0 : index
    tpu.barrier barrier_id(%barrier3A)
    %scan3A = arith.constant 0 : i32
    %scan3A_14 = arith.constant 0 : i32
    %scan3A_15 = arith.constant 125 : i32
    %scan3A_16 = arith.addi %scan3A_14, %scan3A_15 : i32
    %scan3A_17 = arith.constant 1 : i32
    %scan3A_18 = scf.for %scan3A_31 = %scan3A_14 to %scan3A_16 step %scan3A_17 iter_args(%scan3A_32 = %scan3A) -> (i32)  : i32 {
      %jit3A = arith.constant 2 : i32
      %eq3A_33 = arith.constant 0 : i32
      %eq3A_34 = arith.cmpi eq, %jit3A, %eq3A_33 : i32
      %jit3A_35 = arith.constant 1 : i32
      %select_n3A = arith.select %eq3A_34, %jit3A_35, %jit3A : i32
      %rem3A = arith.remsi %scan3A_31, %select_n3A : i32
      %ne3A = arith.constant 0 : i32
      %ne3A_36 = arith.cmpi ne, %rem3A, %ne3A : i32
      %lt3A = arith.constant 0 : i32
      %lt3A_37 = arith.cmpi slt, %rem3A, %lt3A : i32
      %lt3A_38 = arith.constant 0 : i32
      %lt3A_39 = arith.cmpi slt, %select_n3A, %lt3A_38 : i32
      %ne3A_40 = arith.xori %lt3A_37, %lt3A_39 : i1
      %and3A = arith.andi %ne3A_40, %ne3A_36 : i1
      %add3A_41 = arith.addi %rem3A, %select_n3A : i32
      %select_n3A_42 = arith.select %and3A, %add3A_41, %rem3A : i32
      %eq3A_43 = arith.constant 0 : i32
      %eq3A_44 = arith.cmpi eq, %select_n3A_42, %eq3A_43 : i32
      %convert_element_type3A_45 = arith.extui %eq3A_44 : i1 to i32
      %cond3A_46 = arith.constant 0 : i32
      %cond3A_47 = arith.cmpi ne, %convert_element_type3A_45, %cond3A_46 : i32
      scf.if %cond3A_47 {
        %add3A_70 = arith.constant 1 : i32
        %add3A_71 = arith.addi %scan3A_31, %add3A_70 : i32
        %lt3A_72 = arith.constant 125 : i32
        %lt3A_73 = arith.cmpi slt, %add3A_71, %lt3A_72 : i32
        %convert_element_type3A_74 = arith.extui %lt3A_73 : i1 to i32
        %cond3A_75 = arith.constant 0 : i32
        %cond3A_76 = arith.cmpi ne, %convert_element_type3A_74, %cond3A_75 : i32
        scf.if %cond3A_76 {
          %ge3A = arith.constant 1 : i32
          %ge3A_90 = arith.cmpi sge, %scan3A_31, %ge3A : i32
          %convert_element_type3A_91 = arith.extui %ge3A_90 : i1 to i32
          %cond3A_92 = arith.constant 0 : i32
          %cond3A_93 = arith.cmpi ne, %convert_element_type3A_91, %cond3A_92 : i32
          scf.if %cond3A_93 {
            %dma_wait3A_105 = arith.constant 0 : i32
            %dma_wait3A_106 = arith.constant 0 : i32
            %dma_wait3A_107 = tpu.memref_slice %arg10[%dma_wait3A_105, %dma_wait3A_106] : memref<10000x128xf32, #tpu.memory_space<vmem_shared>> -> memref<10000x128xf32, #tpu.memory_space<vmem_shared>>
            tpu.wait_indirect_dma semaphore(%arg14 : memref<!tpu.dma_semaphore, #tpu.memory_space<semaphore_mem>>) src(%arg9 : memref<40x128xf32, #tpu.memory_space<vmem>>) dst(%dma_wait3A_107 : memref<10000x128xf32, #tpu.memory_space<vmem_shared>>)
          } else {
          }
          %add3A_94 = arith.constant 1 : i32
          %add3A_95 = arith.addi %scan3A_31, %add3A_94 : i32
          %mul3A_96 = arith.constant 40 : i32
          %mul3A_97 = arith.muli %add3A_95, %mul3A_96 : i32
          %add3A_98 = arith.addi %add3A, %mul3A_97 : i32
          %dma_start3A_99 = tpu.memref_slice %arg3[%add3A_98] : memref<160000xi32, #tpu.memory_space<hbm>> -> memref<40xi32, #tpu.memory_space<hbm>>
          %dma_start3A_100 = tpu.memref_slice %arg3[%add3A_98] : memref<160000xi32, #tpu.memory_space<hbm>> -> memref<40xi32, #tpu.memory_space<hbm>>
          tpu.enqueue_dma source(%dma_start3A_100 : memref<40xi32, #tpu.memory_space<hbm>>) target(%arg8 : memref<40xi32, #tpu.memory_space<vmem>>) target_semaphore(%arg12 : memref<!tpu.dma_semaphore, #tpu.memory_space<semaphore_mem>>)
          %dma_start3A_101 = arith.constant 0 : i32
          %dma_start3A_102 = tpu.memref_slice %arg2[%add3A_98, %dma_start3A_101] : memref<160000x128xf32, #tpu.memory_space<hbm>> -> memref<40x128xf32, #tpu.memory_space<hbm>>
          %dma_start3A_103 = arith.constant 0 : i32
          %dma_start3A_104 = tpu.memref_slice %arg2[%add3A_98, %dma_start3A_103] : memref<160000x128xf32, #tpu.memory_space<hbm>> -> memref<40x128xf32, #tpu.memory_space<hbm>>
          tpu.enqueue_dma source(%dma_start3A_104 : memref<40x128xf32, #tpu.memory_space<hbm>>) target(%arg9 : memref<40x128xf32, #tpu.memory_space<vmem>>) target_semaphore(%arg12 : memref<!tpu.dma_semaphore, #tpu.memory_space<semaphore_mem>>)
        } else {
        }
        %dma_wait3A_77 = arith.constant 0 : i32
        %dma_wait3A_78 = tpu.memref_slice %arg3[%dma_wait3A_77] : memref<160000xi32, #tpu.memory_space<hbm>> -> memref<40xi32, #tpu.memory_space<hbm>>
        %dma_wait3A_79 = arith.constant 0 : i32
        %dma_wait3A_80 = tpu.memref_slice %arg3[%dma_wait3A_79] : memref<160000xi32, #tpu.memory_space<hbm>> -> memref<40xi32, #tpu.memory_space<hbm>>
        tpu.wait_dma2 semaphore(%arg11 : memref<!tpu.dma_semaphore, #tpu.memory_space<semaphore_mem>>) src(%dma_wait3A_80 : memref<40xi32, #tpu.memory_space<hbm>>) dst(%arg6 : memref<40xi32, #tpu.memory_space<vmem>>)
        %dma_wait3A_81 = arith.constant 0 : i32
        %dma_wait3A_82 = arith.constant 0 : i32
        %dma_wait3A_83 = tpu.memref_slice %arg2[%dma_wait3A_81, %dma_wait3A_82] : memref<160000x128xf32, #tpu.memory_space<hbm>> -> memref<40x128xf32, #tpu.memory_space<hbm>>
        %dma_wait3A_84 = arith.constant 0 : i32
        %dma_wait3A_85 = arith.constant 0 : i32
        %dma_wait3A_86 = tpu.memref_slice %arg2[%dma_wait3A_84, %dma_wait3A_85] : memref<160000x128xf32, #tpu.memory_space<hbm>> -> memref<40x128xf32, #tpu.memory_space<hbm>>
        tpu.wait_dma2 semaphore(%arg11 : memref<!tpu.dma_semaphore, #tpu.memory_space<semaphore_mem>>) src(%dma_wait3A_86 : memref<40x128xf32, #tpu.memory_space<hbm>>) dst(%arg7 : memref<40x128xf32, #tpu.memory_space<vmem>>)
        %dma_start3A_87 = arith.constant 0 : i32
        %dma_start3A_88 = arith.constant 0 : i32
        %dma_start3A_89 = tpu.memref_slice %arg10[%dma_start3A_87, %dma_start3A_88] : memref<10000x128xf32, #tpu.memory_space<vmem_shared>> -> memref<10000x128xf32, #tpu.memory_space<vmem_shared>>
        tpu.enqueue_indirect_dma source(%arg7 : memref<40x128xf32, #tpu.memory_space<vmem>>) target(%dma_start3A_89 : memref<10000x128xf32, #tpu.memory_space<vmem_shared>>) offsets(%arg6 : memref<40xi32, #tpu.memory_space<vmem>>) semaphore(%arg13 : memref<!tpu.dma_semaphore, #tpu.memory_space<semaphore_mem>>) {add = true}
      } else {
      }
      %jit3A_48 = arith.constant 2 : i32
      %eq3A_49 = arith.constant 0 : i32
      %eq3A_50 = arith.cmpi eq, %jit3A_48, %eq3A_49 : i32
      %jit3A_51 = arith.constant 1 : i32
      %select_n3A_52 = arith.select %eq3A_50, %jit3A_51, %jit3A_48 : i32
      %rem3A_53 = arith.remsi %scan3A_31, %select_n3A_52 : i32
      %ne3A_54 = arith.constant 0 : i32
      %ne3A_55 = arith.cmpi ne, %rem3A_53, %ne3A_54 : i32
      %lt3A_56 = arith.constant 0 : i32
      %lt3A_57 = arith.cmpi slt, %rem3A_53, %lt3A_56 : i32
      %lt3A_58 = arith.constant 0 : i32
      %lt3A_59 = arith.cmpi slt, %select_n3A_52, %lt3A_58 : i32
      %ne3A_60 = arith.xori %lt3A_57, %lt3A_59 : i1
      %and3A_61 = arith.andi %ne3A_60, %ne3A_55 : i1
      %add3A_62 = arith.addi %rem3A_53, %select_n3A_52 : i32
      %select_n3A_63 = arith.select %and3A_61, %add3A_62, %rem3A_53 : i32
      %eq3A_64 = arith.constant 1 : i32
      %eq3A_65 = arith.cmpi eq, %select_n3A_63, %eq3A_64 : i32
      %convert_element_type3A_66 = arith.extui %eq3A_65 : i1 to i32
      %cond3A_67 = arith.constant 0 : i32
      %cond3A_68 = arith.cmpi ne, %convert_element_type3A_66, %cond3A_67 : i32
      scf.if %cond3A_68 {
        %add3A_70 = arith.constant 1 : i32
        %add3A_71 = arith.addi %scan3A_31, %add3A_70 : i32
        %lt3A_72 = arith.constant 125 : i32
        %lt3A_73 = arith.cmpi slt, %add3A_71, %lt3A_72 : i32
        %convert_element_type3A_74 = arith.extui %lt3A_73 : i1 to i32
        %cond3A_75 = arith.constant 0 : i32
        %cond3A_76 = arith.cmpi ne, %convert_element_type3A_74, %cond3A_75 : i32
        scf.if %cond3A_76 {
          %ge3A = arith.constant 1 : i32
          %ge3A_90 = arith.cmpi sge, %scan3A_31, %ge3A : i32
          %convert_element_type3A_91 = arith.extui %ge3A_90 : i1 to i32
          %cond3A_92 = arith.constant 0 : i32
          %cond3A_93 = arith.cmpi ne, %convert_element_type3A_91, %cond3A_92 : i32
          scf.if %cond3A_93 {
            %dma_wait3A_105 = arith.constant 0 : i32
            %dma_wait3A_106 = arith.constant 0 : i32
            %dma_wait3A_107 = tpu.memref_slice %arg10[%dma_wait3A_105, %dma_wait3A_106] : memref<10000x128xf32, #tpu.memory_space<vmem_shared>> -> memref<10000x128xf32, #tpu.memory_space<vmem_shared>>
            tpu.wait_indirect_dma semaphore(%arg13 : memref<!tpu.dma_semaphore, #tpu.memory_space<semaphore_mem>>) src(%arg7 : memref<40x128xf32, #tpu.memory_space<vmem>>) dst(%dma_wait3A_107 : memref<10000x128xf32, #tpu.memory_space<vmem_shared>>)
          } else {
          }
          %add3A_94 = arith.constant 1 : i32
          %add3A_95 = arith.addi %scan3A_31, %add3A_94 : i32
          %mul3A_96 = arith.constant 40 : i32
          %mul3A_97 = arith.muli %add3A_95, %mul3A_96 : i32
          %add3A_98 = arith.addi %add3A, %mul3A_97 : i32
          %dma_start3A_99 = tpu.memref_slice %arg3[%add3A_98] : memref<160000xi32, #tpu.memory_space<hbm>> -> memref<40xi32, #tpu.memory_space<hbm>>
          %dma_start3A_100 = tpu.memref_slice %arg3[%add3A_98] : memref<160000xi32, #tpu.memory_space<hbm>> -> memref<40xi32, #tpu.memory_space<hbm>>
          tpu.enqueue_dma source(%dma_start3A_100 : memref<40xi32, #tpu.memory_space<hbm>>) target(%arg6 : memref<40xi32, #tpu.memory_space<vmem>>) target_semaphore(%arg11 : memref<!tpu.dma_semaphore, #tpu.memory_space<semaphore_mem>>)
          %dma_start3A_101 = arith.constant 0 : i32
          %dma_start3A_102 = tpu.memref_slice %arg2[%add3A_98, %dma_start3A_101] : memref<160000x128xf32, #tpu.memory_space<hbm>> -> memref<40x128xf32, #tpu.memory_space<hbm>>
          %dma_start3A_103 = arith.constant 0 : i32
          %dma_start3A_104 = tpu.memref_slice %arg2[%add3A_98, %dma_start3A_103] : memref<160000x128xf32, #tpu.memory_space<hbm>> -> memref<40x128xf32, #tpu.memory_space<hbm>>
          tpu.enqueue_dma source(%dma_start3A_104 : memref<40x128xf32, #tpu.memory_space<hbm>>) target(%arg7 : memref<40x128xf32, #tpu.memory_space<vmem>>) target_semaphore(%arg11 : memref<!tpu.dma_semaphore, #tpu.memory_space<semaphore_mem>>)
        } else {
        }
        %dma_wait3A_77 = arith.constant 0 : i32
        %dma_wait3A_78 = tpu.memref_slice %arg3[%dma_wait3A_77] : memref<160000xi32, #tpu.memory_space<hbm>> -> memref<40xi32, #tpu.memory_space<hbm>>
        %dma_wait3A_79 = arith.constant 0 : i32
        %dma_wait3A_80 = tpu.memref_slice %arg3[%dma_wait3A_79] : memref<160000xi32, #tpu.memory_space<hbm>> -> memref<40xi32, #tpu.memory_space<hbm>>
        tpu.wait_dma2 semaphore(%arg12 : memref<!tpu.dma_semaphore, #tpu.memory_space<semaphore_mem>>) src(%dma_wait3A_80 : memref<40xi32, #tpu.memory_space<hbm>>) dst(%arg8 : memref<40xi32, #tpu.memory_space<vmem>>)
        %dma_wait3A_81 = arith.constant 0 : i32
        %dma_wait3A_82 = arith.constant 0 : i32
        %dma_wait3A_83 = tpu.memref_slice %arg2[%dma_wait3A_81, %dma_wait3A_82] : memref<160000x128xf32, #tpu.memory_space<hbm>> -> memref<40x128xf32, #tpu.memory_space<hbm>>
        %dma_wait3A_84 = arith.constant 0 : i32
        %dma_wait3A_85 = arith.constant 0 : i32
        %dma_wait3A_86 = tpu.memref_slice %arg2[%dma_wait3A_84, %dma_wait3A_85] : memref<160000x128xf32, #tpu.memory_space<hbm>> -> memref<40x128xf32, #tpu.memory_space<hbm>>
        tpu.wait_dma2 semaphore(%arg12 : memref<!tpu.dma_semaphore, #tpu.memory_space<semaphore_mem>>) src(%dma_wait3A_86 : memref<40x128xf32, #tpu.memory_space<hbm>>) dst(%arg9 : memref<40x128xf32, #tpu.memory_space<vmem>>)
        %dma_start3A_87 = arith.constant 0 : i32
        %dma_start3A_88 = arith.constant 0 : i32
        %dma_start3A_89 = tpu.memref_slice %arg10[%dma_start3A_87, %dma_start3A_88] : memref<10000x128xf32, #tpu.memory_space<vmem_shared>> -> memref<10000x128xf32, #tpu.memory_space<vmem_shared>>
        tpu.enqueue_indirect_dma source(%arg9 : memref<40x128xf32, #tpu.memory_space<vmem>>) target(%dma_start3A_89 : memref<10000x128xf32, #tpu.memory_space<vmem_shared>>) offsets(%arg8 : memref<40xi32, #tpu.memory_space<vmem>>) semaphore(%arg14 : memref<!tpu.dma_semaphore, #tpu.memory_space<semaphore_mem>>) {add = true}
      } else {
      }
      %scan3A_69 = arith.constant 0 : i32
      scf.yield %scan3A_69 : i32
    }
    %scan3A_19 = arith.constant 125 : i32
    %dma_wait3A = arith.constant 0 : i32
    %dma_wait3A_20 = arith.constant 0 : i32
    %dma_wait3A_21 = tpu.memref_slice %arg10[%dma_wait3A, %dma_wait3A_20] : memref<10000x128xf32, #tpu.memory_space<vmem_shared>> -> memref<10000x128xf32, #tpu.memory_space<vmem_shared>>
    tpu.wait_indirect_dma semaphore(%arg13 : memref<!tpu.dma_semaphore, #tpu.memory_space<semaphore_mem>>) src(%arg7 : memref<40x128xf32, #tpu.memory_space<vmem>>) dst(%dma_wait3A_21 : memref<10000x128xf32, #tpu.memory_space<vmem_shared>>)
    %dma_wait3A_22 = arith.constant 0 : i32
    %dma_wait3A_23 = arith.constant 0 : i32
    %dma_wait3A_24 = tpu.memref_slice %arg10[%dma_wait3A_22, %dma_wait3A_23] : memref<10000x128xf32, #tpu.memory_space<vmem_shared>> -> memref<10000x128xf32, #tpu.memory_space<vmem_shared>>
    tpu.wait_indirect_dma semaphore(%arg14 : memref<!tpu.dma_semaphore, #tpu.memory_space<semaphore_mem>>) src(%arg9 : memref<40x128xf32, #tpu.memory_space<vmem>>) dst(%dma_wait3A_24 : memref<10000x128xf32, #tpu.memory_space<vmem_shared>>)
    %barrier3A_25 = arith.constant 0 : index
    tpu.barrier barrier_id(%barrier3A_25)
    "tpu.region"() ({
      %run_scoped3A = tpu.sem_alloc : memref<!tpu.dma_semaphore, #tpu.memory_space<semaphore_mem>>
      %dma_start3A_31 = arith.constant 0 : i32
      %dma_start3A_32 = tpu.memref_slice %arg5[%arg0, %mul3A_0, %dma_start3A_31] : memref<2x10000x128xf32, #tpu.memory_space<hbm>> -> memref<1x624x128xf32, #tpu.memory_space<hbm>>
      %dma_start3A_33 = tpu.memref_squeeze %dma_start3A_32 : memref<1x624x128xf32, #tpu.memory_space<hbm>> -> memref<624x128xf32, #tpu.memory_space<hbm>>
      %dma_start3A_34 = arith.constant 0 : i32
      %dma_start3A_35 = tpu.memref_slice %arg10[%mul3A_0, %dma_start3A_34] : memref<10000x128xf32, #tpu.memory_space<vmem_shared>> -> memref<624x128xf32, #tpu.memory_space<vmem_shared>>
      tpu.enqueue_dma source(%dma_start3A_35 : memref<624x128xf32, #tpu.memory_space<vmem_shared>>) target(%dma_start3A_33 : memref<624x128xf32, #tpu.memory_space<hbm>>) target_semaphore(%run_scoped3A : memref<!tpu.dma_semaphore, #tpu.memory_space<semaphore_mem>>)
      %dma_wait3A_36 = arith.constant 0 : i32
      %dma_wait3A_37 = tpu.memref_slice %arg5[%arg0, %mul3A_0, %dma_wait3A_36] : memref<2x10000x128xf32, #tpu.memory_space<hbm>> -> memref<1x624x128xf32, #tpu.memory_space<hbm>>
      %dma_wait3A_38 = tpu.memref_squeeze %dma_wait3A_37 : memref<1x624x128xf32, #tpu.memory_space<hbm>> -> memref<624x128xf32, #tpu.memory_space<hbm>>
      %dma_wait3A_39 = arith.constant 0 : i32
      %dma_wait3A_40 = tpu.memref_slice %arg10[%mul3A_0, %dma_wait3A_39] : memref<10000x128xf32, #tpu.memory_space<vmem_shared>> -> memref<624x128xf32, #tpu.memory_space<vmem_shared>>
      tpu.wait_dma2 semaphore(%run_scoped3A : memref<!tpu.dma_semaphore, #tpu.memory_space<semaphore_mem>>) src(%dma_wait3A_40 : memref<624x128xf32, #tpu.memory_space<vmem_shared>>) dst(%dma_wait3A_38 : memref<624x128xf32, #tpu.memory_space<hbm>>)
      tpu.yield
    }) : () -> ()
    %eq3A_26 = arith.constant 15 : i32
    %eq3A_27 = arith.cmpi eq, %arg1, %eq3A_26 : i32
    %convert_element_type3A_28 = arith.extui %eq3A_27 : i1 to i32
    %cond3A_29 = arith.constant 0 : i32
    %cond3A_30 = arith.cmpi ne, %convert_element_type3A_28, %cond3A_29 : i32
    scf.if %cond3A_30 {
      "tpu.region"() ({
        %run_scoped3A = tpu.sem_alloc : memref<!tpu.dma_semaphore, #tpu.memory_space<semaphore_mem>>
        %dma_start3A_31 = arith.constant 9984 : i32
        %dma_start3A_32 = arith.constant 0 : i32
        %dma_start3A_33 = tpu.memref_slice %arg5[%arg0, %dma_start3A_31, %dma_start3A_32] : memref<2x10000x128xf32, #tpu.memory_space<hbm>> -> memref<1x16x128xf32, #tpu.memory_space<hbm>>
        %dma_start3A_34 = tpu.memref_squeeze %dma_start3A_33 : memref<1x16x128xf32, #tpu.memory_space<hbm>> -> memref<16x128xf32, #tpu.memory_space<hbm>>
        %dma_start3A_35 = arith.constant 9984 : i32
        %dma_start3A_36 = arith.constant 0 : i32
        %dma_start3A_37 = tpu.memref_slice %arg10[%dma_start3A_35, %dma_start3A_36] : memref<10000x128xf32, #tpu.memory_space<vmem_shared>> -> memref<16x128xf32, #tpu.memory_space<vmem_shared>>
        tpu.enqueue_dma source(%dma_start3A_37 : memref<16x128xf32, #tpu.memory_space<vmem_shared>>) target(%dma_start3A_34 : memref<16x128xf32, #tpu.memory_space<hbm>>) target_semaphore(%run_scoped3A : memref<!tpu.dma_semaphore, #tpu.memory_space<semaphore_mem>>)
        %dma_wait3A_38 = arith.constant 9984 : i32
        %dma_wait3A_39 = arith.constant 0 : i32
        %dma_wait3A_40 = tpu.memref_slice %arg5[%arg0, %dma_wait3A_38, %dma_wait3A_39] : memref<2x10000x128xf32, #tpu.memory_space<hbm>> -> memref<1x16x128xf32, #tpu.memory_space<hbm>>
        %dma_wait3A_41 = tpu.memref_squeeze %dma_wait3A_40 : memref<1x16x128xf32, #tpu.memory_space<hbm>> -> memref<16x128xf32, #tpu.memory_space<hbm>>
        %dma_wait3A_42 = arith.constant 9984 : i32
        %dma_wait3A_43 = arith.constant 0 : i32
        %dma_wait3A_44 = tpu.memref_slice %arg10[%dma_wait3A_42, %dma_wait3A_43] : memref<10000x128xf32, #tpu.memory_space<vmem_shared>> -> memref<16x128xf32, #tpu.memory_space<vmem_shared>>
        tpu.wait_dma2 semaphore(%run_scoped3A : memref<!tpu.dma_semaphore, #tpu.memory_space<semaphore_mem>>) src(%dma_wait3A_44 : memref<16x128xf32, #tpu.memory_space<vmem_shared>>) dst(%dma_wait3A_41 : memref<16x128xf32, #tpu.memory_space<hbm>>)
        tpu.yield
      }) : () -> ()
    } else {
    }
    return
  }
}

module attributes {stable_mosaic.version = 14 : i64} {
  func.func @_prologue_body(%arg0: i32, %arg1: memref<2000x128xf32, #tpu.memory_space<vmem>>, %arg2: memref<128x256xf32, #tpu.memory_space<vmem>>, %arg3: memref<1x256xf32, #tpu.memory_space<vmem>>, %arg4: memref<256x128xf32, #tpu.memory_space<vmem>>, %arg5: memref<1x128xf32, #tpu.memory_space<vmem>>, %arg6: memref<128x256xf32, #tpu.memory_space<vmem>>, %arg7: memref<1x256xf32, #tpu.memory_space<vmem>>, %arg8: memref<128x256xbf16, #tpu.memory_space<vmem>>, %arg9: memref<128x256xbf16, #tpu.memory_space<vmem>>, %arg10: memref<2000x256xf32, #tpu.memory_space<vmem>>, %arg11: memref<2000x128xi32, #tpu.memory_space<vmem>>, %arg12: memref<2000x128xi32, #tpu.memory_space<vmem>>) attributes {dimension_semantics = [#tpu.dimension_semantics<arbitrary>], iteration_bounds = array<i64: 5>, scalar_prefetch = 0 : i64, scratch_operands = 0 : i64, tpu.core_type = #tpu.core_type<tc>, window_params = [{transform_indices = @transform_0, window_bounds = array<i64: 2000, 128>}, {pipeline_mode = #tpu.pipeline_mode<synchronous>, transform_indices = @transform_1, window_bounds = array<i64: 128, 256>}, {pipeline_mode = #tpu.pipeline_mode<synchronous>, transform_indices = @transform_2, window_bounds = array<i64: 1, 256>}, {pipeline_mode = #tpu.pipeline_mode<synchronous>, transform_indices = @transform_3, window_bounds = array<i64: 256, 128>}, {pipeline_mode = #tpu.pipeline_mode<synchronous>, transform_indices = @transform_4, window_bounds = array<i64: 1, 128>}, {pipeline_mode = #tpu.pipeline_mode<synchronous>, transform_indices = @transform_5, window_bounds = array<i64: 128, 256>}, {pipeline_mode = #tpu.pipeline_mode<synchronous>, transform_indices = @transform_6, window_bounds = array<i64: 1, 256>}, {pipeline_mode = #tpu.pipeline_mode<synchronous>, transform_indices = @transform_7, window_bounds = array<i64: 128, 256>}, {pipeline_mode = #tpu.pipeline_mode<synchronous>, transform_indices = @transform_8, window_bounds = array<i64: 128, 256>}, {transform_indices = @transform_9, window_bounds = array<i64: 2000, 256>}, {transform_indices = @transform_10, window_bounds = array<i64: 2000, 128>}, {transform_indices = @transform_11, window_bounds = array<i64: 2000, 128>}]} {
    %get3A = arith.constant 0 : index
    %get3A_0 = arith.constant 0 : index
    %get3A_1 = vector.load %arg1[%get3A, %get3A_0] : memref<2000x128xf32, #tpu.memory_space<vmem>>, vector<2000x128xf32>
    %get3A_2 = arith.constant 0 : index
    %get3A_3 = arith.constant 0 : index
    %get3A_4 = vector.load %arg2[%get3A_2, %get3A_3] : memref<128x256xf32, #tpu.memory_space<vmem>>, vector<128x256xf32>
    %dot_general3A = arith.constant dense<0.000000e+00> : vector<2000x256xf32>
    %dot_general3A_5 = tpu.matmul %get3A_1, %get3A_4, %dot_general3A {dimension_numbers = #tpu.dot_dimension_numbers<[1], [0], [0], [1], [0, 0, 1, 1], [], []>, transpose_lhs_hint = false} : vector<2000x128xf32>, vector<128x256xf32>, vector<2000x256xf32> -> vector<2000x256xf32>
    %get3A_6 = arith.constant 0 : index
    %get3A_7 = arith.constant 0 : index
    %get3A_8 = vector.load %arg3[%get3A_6, %get3A_7] : memref<1x256xf32, #tpu.memory_space<vmem>>, vector<1x256xf32>
    %add3A = vector.broadcast %get3A_8 : vector<1x256xf32> to vector<2000x256xf32>
    %add3A_9 = arith.addf %dot_general3A_5, %add3A : vector<2000x256xf32>
    %max3A = arith.constant 0.000000e+00 : f32
    %max3A_10 = vector.broadcast %max3A : f32 to vector<2000x256xf32>
    %max3A_11 = arith.maximumf %add3A_9, %max3A_10 : vector<2000x256xf32>
    %get3A_12 = arith.constant 0 : index
    %get3A_13 = arith.constant 0 : index
    %get3A_14 = vector.load %arg4[%get3A_12, %get3A_13] : memref<256x128xf32, #tpu.memory_space<vmem>>, vector<256x128xf32>
    %dot_general3A_15 = arith.constant dense<0.000000e+00> : vector<2000x128xf32>
    %dot_general3A_16 = tpu.matmul %max3A_11, %get3A_14, %dot_general3A_15 {dimension_numbers = #tpu.dot_dimension_numbers<[1], [0], [0], [1], [0, 0, 1, 1], [], []>, transpose_lhs_hint = false} : vector<2000x256xf32>, vector<256x128xf32>, vector<2000x128xf32> -> vector<2000x128xf32>
    %get3A_17 = arith.constant 0 : index
    %get3A_18 = arith.constant 0 : index
    %get3A_19 = vector.load %arg5[%get3A_17, %get3A_18] : memref<1x128xf32, #tpu.memory_space<vmem>>, vector<1x128xf32>
    %add3A_20 = vector.broadcast %get3A_19 : vector<1x128xf32> to vector<2000x128xf32>
    %add3A_21 = arith.addf %dot_general3A_16, %add3A_20 : vector<2000x128xf32>
    %get3A_22 = arith.constant 0 : index
    %get3A_23 = arith.constant 0 : index
    %get3A_24 = vector.load %arg6[%get3A_22, %get3A_23] : memref<128x256xf32, #tpu.memory_space<vmem>>, vector<128x256xf32>
    %dot_general3A_25 = arith.constant dense<0.000000e+00> : vector<2000x256xf32>
    %dot_general3A_26 = tpu.matmul %add3A_21, %get3A_24, %dot_general3A_25 {dimension_numbers = #tpu.dot_dimension_numbers<[1], [0], [0], [1], [0, 0, 1, 1], [], []>, transpose_lhs_hint = false} : vector<2000x128xf32>, vector<128x256xf32>, vector<2000x256xf32> -> vector<2000x256xf32>
    %get3A_27 = arith.constant 0 : index
    %get3A_28 = arith.constant 0 : index
    %get3A_29 = vector.load %arg7[%get3A_27, %get3A_28] : memref<1x256xf32, #tpu.memory_space<vmem>>, vector<1x256xf32>
    %add3A_30 = vector.broadcast %get3A_29 : vector<1x256xf32> to vector<2000x256xf32>
    %add3A_31 = arith.addf %dot_general3A_26, %add3A_30 : vector<2000x256xf32>
    %swap3A = arith.constant 0 : index
    %swap3A_32 = arith.constant 0 : index
    %swap3A_33 = vector.load %arg10[%swap3A, %swap3A_32] : memref<2000x256xf32, #tpu.memory_space<vmem>>, vector<2000x256xf32>
    tpu.vector_store %arg10[%swap3A, %swap3A_32], %add3A_31 {strides = array<i32>} : memref<2000x256xf32, #tpu.memory_space<vmem>>, vector<2000x256xf32>,
    %convert_element_type3A = arith.truncf %get3A_1 : vector<2000x128xf32> to vector<2000x128xbf16>
    %get3A_34 = arith.constant 0 : index
    %get3A_35 = arith.constant 0 : index
    %get3A_36 = vector.load %arg8[%get3A_34, %get3A_35] : memref<128x256xbf16, #tpu.memory_space<vmem>>, vector<128x256xbf16>
    %dot_general3A_37 = arith.constant dense<0.000000e+00> : vector<2000x256xf32>
    %dot_general3A_38 = tpu.matmul %convert_element_type3A, %get3A_36, %dot_general3A_37 {dimension_numbers = #tpu.dot_dimension_numbers<[1], [0], [0], [1], [0, 0, 1, 1], [], []>, transpose_lhs_hint = false} : vector<2000x128xbf16>, vector<128x256xbf16>, vector<2000x256xf32> -> vector<2000x256xf32>
    %convert_element_type3A_39 = arith.truncf %dot_general3A_38 : vector<2000x256xf32> to vector<2000x256xbf16>
    %convert_element_type3A_40 = arith.extf %convert_element_type3A_39 : vector<2000x256xbf16> to vector<2000x256xf32>
    %bitcast_convert_type3A = tpu.bitcast %convert_element_type3A_40 : vector<2000x256xf32> -> vector<2000x256xi32>
    %slice3A = vector.extract_strided_slice %bitcast_convert_type3A {offsets = [0, 0], sizes = [2000, 128], strides = [1, 1]} : vector<2000x256xi32> to vector<2000x128xi32>
    %shift_right_logical3A = arith.constant 16 : i32
    %shift_right_logical3A_41 = vector.broadcast %shift_right_logical3A : i32 to vector<2000x128xi32>
    %shift_right_logical3A_42 = arith.shrui %slice3A, %shift_right_logical3A_41 : vector<2000x128xi32>
    %slice3A_43 = vector.extract_strided_slice %bitcast_convert_type3A {offsets = [0, 128], sizes = [2000, 128], strides = [1, 1]} : vector<2000x256xi32> to vector<2000x128xi32>
    %and3A = arith.constant -65536 : i32
    %and3A_44 = vector.broadcast %and3A : i32 to vector<2000x128xi32>
    %and3A_45 = arith.andi %slice3A_43, %and3A_44 : vector<2000x128xi32>
    %or3A = arith.ori %shift_right_logical3A_42, %and3A_45 : vector<2000x128xi32>
    %bitcast_convert_type3A_46 = tpu.bitcast %or3A : vector<2000x128xi32> -> vector<2000x128xi32>
    %swap3A_47 = arith.constant 0 : index
    %swap3A_48 = arith.constant 0 : index
    %swap3A_49 = vector.load %arg11[%swap3A_47, %swap3A_48] : memref<2000x128xi32, #tpu.memory_space<vmem>>, vector<2000x128xi32>
    tpu.vector_store %arg11[%swap3A_47, %swap3A_48], %bitcast_convert_type3A_46 {strides = array<i32>} : memref<2000x128xi32, #tpu.memory_space<vmem>>, vector<2000x128xi32>,
    %get3A_50 = arith.constant 0 : index
    %get3A_51 = arith.constant 0 : index
    %get3A_52 = vector.load %arg9[%get3A_50, %get3A_51] : memref<128x256xbf16, #tpu.memory_space<vmem>>, vector<128x256xbf16>
    %dot_general3A_53 = arith.constant dense<0.000000e+00> : vector<2000x256xf32>
    %dot_general3A_54 = tpu.matmul %convert_element_type3A, %get3A_52, %dot_general3A_53 {dimension_numbers = #tpu.dot_dimension_numbers<[1], [0], [0], [1], [0, 0, 1, 1], [], []>, transpose_lhs_hint = false} : vector<2000x128xbf16>, vector<128x256xbf16>, vector<2000x256xf32> -> vector<2000x256xf32>
    %convert_element_type3A_55 = arith.truncf %dot_general3A_54 : vector<2000x256xf32> to vector<2000x256xbf16>
    %convert_element_type3A_56 = arith.extf %convert_element_type3A_55 : vector<2000x256xbf16> to vector<2000x256xf32>
    %bitcast_convert_type3A_57 = tpu.bitcast %convert_element_type3A_56 : vector<2000x256xf32> -> vector<2000x256xi32>
    %slice3A_58 = vector.extract_strided_slice %bitcast_convert_type3A_57 {offsets = [0, 0], sizes = [2000, 128], strides = [1, 1]} : vector<2000x256xi32> to vector<2000x128xi32>
    %shift_right_logical3A_59 = arith.constant 16 : i32
    %shift_right_logical3A_60 = vector.broadcast %shift_right_logical3A_59 : i32 to vector<2000x128xi32>
    %shift_right_logical3A_61 = arith.shrui %slice3A_58, %shift_right_logical3A_60 : vector<2000x128xi32>
    %slice3A_62 = vector.extract_strided_slice %bitcast_convert_type3A_57 {offsets = [0, 128], sizes = [2000, 128], strides = [1, 1]} : vector<2000x256xi32> to vector<2000x128xi32>
    %and3A_63 = arith.constant -65536 : i32
    %and3A_64 = vector.broadcast %and3A_63 : i32 to vector<2000x128xi32>
    %and3A_65 = arith.andi %slice3A_62, %and3A_64 : vector<2000x128xi32>
    %or3A_66 = arith.ori %shift_right_logical3A_61, %and3A_65 : vector<2000x128xi32>
    %bitcast_convert_type3A_67 = tpu.bitcast %or3A_66 : vector<2000x128xi32> -> vector<2000x128xi32>
    %swap3A_68 = arith.constant 0 : index
    %swap3A_69 = arith.constant 0 : index
    %swap3A_70 = vector.load %arg12[%swap3A_68, %swap3A_69] : memref<2000x128xi32, #tpu.memory_space<vmem>>, vector<2000x128xi32>
    tpu.vector_store %arg12[%swap3A_68, %swap3A_69], %bitcast_convert_type3A_67 {strides = array<i32>} : memref<2000x128xi32, #tpu.memory_space<vmem>>, vector<2000x128xi32>,
    return
  }
  func.func @transform_0(%arg0: i32) -> (i32, i32) {
    %c0_i32 = arith.constant 0 : i32
    %c0_i32_0 = arith.constant 0 : i32
    return %arg0, %c0_i32 : i32, i32
  }
  func.func @transform_1(%arg0: i32) -> (i32, i32) {
    %c0_i32 = arith.constant 0 : i32
    %c0_i32_0 = arith.constant 0 : i32
    %c0_i32_1 = arith.constant 0 : i32
    return %c0_i32, %c0_i32_0 : i32, i32
  }
  func.func @transform_2(%arg0: i32) -> (i32, i32) {
    %c0_i32 = arith.constant 0 : i32
    %c0_i32_0 = arith.constant 0 : i32
    %c0_i32_1 = arith.constant 0 : i32
    return %c0_i32, %c0_i32_0 : i32, i32
  }
  func.func @transform_3(%arg0: i32) -> (i32, i32) {
    %c0_i32 = arith.constant 0 : i32
    %c0_i32_0 = arith.constant 0 : i32
    %c0_i32_1 = arith.constant 0 : i32
    return %c0_i32, %c0_i32_0 : i32, i32
  }
  func.func @transform_4(%arg0: i32) -> (i32, i32) {
    %c0_i32 = arith.constant 0 : i32
    %c0_i32_0 = arith.constant 0 : i32
    %c0_i32_1 = arith.constant 0 : i32
    return %c0_i32, %c0_i32_0 : i32, i32
  }
  func.func @transform_5(%arg0: i32) -> (i32, i32) {
    %c0_i32 = arith.constant 0 : i32
    %c0_i32_0 = arith.constant 0 : i32
    %c0_i32_1 = arith.constant 0 : i32
    return %c0_i32, %c0_i32_0 : i32, i32
  }
  func.func @transform_6(%arg0: i32) -> (i32, i32) {
    %c0_i32 = arith.constant 0 : i32
    %c0_i32_0 = arith.constant 0 : i32
    %c0_i32_1 = arith.constant 0 : i32
    return %c0_i32, %c0_i32_0 : i32, i32
  }
  func.func @transform_7(%arg0: i32) -> (i32, i32) {
    %c0_i32 = arith.constant 0 : i32
    %c0_i32_0 = arith.constant 0 : i32
    %c0_i32_1 = arith.constant 0 : i32
    return %c0_i32, %c0_i32_0 : i32, i32
  }
  func.func @transform_8(%arg0: i32) -> (i32, i32) {
    %c0_i32 = arith.constant 0 : i32
    %c0_i32_0 = arith.constant 0 : i32
    %c0_i32_1 = arith.constant 0 : i32
    return %c0_i32, %c0_i32_0 : i32, i32
  }
  func.func @transform_9(%arg0: i32) -> (i32, i32) {
    %c0_i32 = arith.constant 0 : i32
    %c0_i32_0 = arith.constant 0 : i32
    return %arg0, %c0_i32 : i32, i32
  }
  func.func @transform_10(%arg0: i32) -> (i32, i32) {
    %c0_i32 = arith.constant 0 : i32
    %c0_i32_0 = arith.constant 0 : i32
    return %arg0, %c0_i32 : i32, i32
  }
  func.func @transform_11(%arg0: i32) -> (i32, i32) {
    %c0_i32 = arith.constant 0 : i32
    %c0_i32_0 = arith.constant 0 : i32
    return %arg0, %c0_i32 : i32, i32
  }
}

module attributes {stable_mosaic.version = 14 : i64} {
  func.func @_pass0_body(%arg0: i32, %arg1: memref<2x4000x128xi32, #tpu.memory_space<vmem>>, %arg2: memref<4000x128xf32, #tpu.memory_space<vmem>>, %arg3: memref<128x256xbf16, #tpu.memory_space<vmem>>, %arg4: memref<128x256xbf16, #tpu.memory_space<vmem>>, %arg5: memref<1x256xf32, #tpu.memory_space<vmem>>, %arg6: memref<256x128xbf16, #tpu.memory_space<vmem>>, %arg7: memref<1x128xf32, #tpu.memory_space<vmem>>, %arg8: memref<4000x128xi32, #tpu.memory_space<vmem>>, %arg9: memref<4000x128xf32, #tpu.memory_space<vmem>>) attributes {dimension_semantics = [#tpu.dimension_semantics<arbitrary>], iteration_bounds = array<i64: 40>, scalar_prefetch = 0 : i64, scratch_operands = 0 : i64, tpu.core_type = #tpu.core_type<tc>, window_params = [{transform_indices = @transform_0, window_bounds = array<i64: 2, 4000, 128>}, {transform_indices = @transform_1, window_bounds = array<i64: 4000, 128>}, {pipeline_mode = #tpu.pipeline_mode<synchronous>, transform_indices = @transform_2, window_bounds = array<i64: 128, 256>}, {pipeline_mode = #tpu.pipeline_mode<synchronous>, transform_indices = @transform_3, window_bounds = array<i64: 128, 256>}, {pipeline_mode = #tpu.pipeline_mode<synchronous>, transform_indices = @transform_4, window_bounds = array<i64: 1, 256>}, {pipeline_mode = #tpu.pipeline_mode<synchronous>, transform_indices = @transform_5, window_bounds = array<i64: 256, 128>}, {pipeline_mode = #tpu.pipeline_mode<synchronous>, transform_indices = @transform_6, window_bounds = array<i64: 1, 128>}, {transform_indices = @transform_7, window_bounds = array<i64: 4000, 128>}, {transform_indices = @transform_8, window_bounds = array<i64: 4000, 128>}]} {
    %get3A = arith.constant 0 : index
    %get3A_0 = arith.constant 0 : index
    %get3A_1 = vector.load %arg2[%get3A, %get3A_0] : memref<4000x128xf32, #tpu.memory_space<vmem>>, vector<4000x128xf32>
    %convert_element_type3A = arith.truncf %get3A_1 : vector<4000x128xf32> to vector<4000x128xbf16>
    %get3A_2 = arith.constant 0 : index
    %get3A_3 = arith.constant 0 : index
    %get3A_4 = vector.load %arg3[%get3A_2, %get3A_3] : memref<128x256xbf16, #tpu.memory_space<vmem>>, vector<128x256xbf16>
    %dot_general3A = arith.constant dense<0.000000e+00> : vector<4000x256xf32>
    %dot_general3A_5 = tpu.matmul %convert_element_type3A, %get3A_4, %dot_general3A {dimension_numbers = #tpu.dot_dimension_numbers<[1], [0], [0], [1], [0, 0, 1, 1], [], []>, transpose_lhs_hint = false} : vector<4000x128xbf16>, vector<128x256xbf16>, vector<4000x256xf32> -> vector<4000x256xf32>
    %get3A_6 = arith.constant 0 : index
    %get3A_7 = arith.constant 0 : index
    %get3A_8 = vector.load %arg5[%get3A_6, %get3A_7] : memref<1x256xf32, #tpu.memory_space<vmem>>, vector<1x256xf32>
    %add3A = vector.broadcast %get3A_8 : vector<1x256xf32> to vector<4000x256xf32>
    %add3A_9 = arith.addf %dot_general3A_5, %add3A : vector<4000x256xf32>
    %get3A_10 = arith.constant 0 : index
    %get3A_11 = arith.constant 0 : index
    %get3A_12 = arith.constant 0 : index
    %get3A_13 = vector.load %arg1[%get3A_10, %get3A_11, %get3A_12] : memref<2x4000x128xi32, #tpu.memory_space<vmem>>, vector<1x4000x128xi32>
    %get3A_14 = vector.shape_cast %get3A_13 : vector<1x4000x128xi32> to vector<4000x128xi32>
    %bitcast_convert_type3A = tpu.bitcast %get3A_14 : vector<4000x128xi32> -> vector<4000x128xi32>
    %shift_left3A = arith.constant 16 : i32
    %shift_left3A_15 = vector.broadcast %shift_left3A : i32 to vector<4000x128xi32>
    %shift_left3A_16 = arith.shli %bitcast_convert_type3A, %shift_left3A_15 : vector<4000x128xi32>
    %bitcast_convert_type3A_17 = tpu.bitcast %shift_left3A_16 : vector<4000x128xi32> -> vector<4000x128xf32>
    %and3A = arith.constant -65536 : i32
    %and3A_18 = vector.broadcast %and3A : i32 to vector<4000x128xi32>
    %and3A_19 = arith.andi %bitcast_convert_type3A, %and3A_18 : vector<4000x128xi32>
    %bitcast_convert_type3A_20 = tpu.bitcast %and3A_19 : vector<4000x128xi32> -> vector<4000x128xf32>
    %get3A_21 = arith.constant 1 : index
    %get3A_22 = arith.constant 0 : index
    %get3A_23 = arith.constant 0 : index
    %get3A_24 = vector.load %arg1[%get3A_21, %get3A_22, %get3A_23] : memref<2x4000x128xi32, #tpu.memory_space<vmem>>, vector<1x4000x128xi32>
    %get3A_25 = vector.shape_cast %get3A_24 : vector<1x4000x128xi32> to vector<4000x128xi32>
    %bitcast_convert_type3A_26 = tpu.bitcast %get3A_25 : vector<4000x128xi32> -> vector<4000x128xi32>
    %shift_left3A_27 = arith.constant 16 : i32
    %shift_left3A_28 = vector.broadcast %shift_left3A_27 : i32 to vector<4000x128xi32>
    %shift_left3A_29 = arith.shli %bitcast_convert_type3A_26, %shift_left3A_28 : vector<4000x128xi32>
    %bitcast_convert_type3A_30 = tpu.bitcast %shift_left3A_29 : vector<4000x128xi32> -> vector<4000x128xf32>
    %and3A_31 = arith.constant -65536 : i32
    %and3A_32 = vector.broadcast %and3A_31 : i32 to vector<4000x128xi32>
    %and3A_33 = arith.andi %bitcast_convert_type3A_26, %and3A_32 : vector<4000x128xi32>
    %bitcast_convert_type3A_34 = tpu.bitcast %and3A_33 : vector<4000x128xi32> -> vector<4000x128xf32>
    %slice3A = vector.extract_strided_slice %add3A_9 {offsets = [0, 0], sizes = [4000, 128], strides = [1, 1]} : vector<4000x256xf32> to vector<4000x128xf32>
    %add3A_35 = arith.addf %slice3A, %bitcast_convert_type3A_17 : vector<4000x128xf32>
    %add3A_36 = arith.addf %add3A_35, %bitcast_convert_type3A_30 : vector<4000x128xf32>
    %max3A = arith.constant 0.000000e+00 : f32
    %max3A_37 = vector.broadcast %max3A : f32 to vector<4000x128xf32>
    %max3A_38 = arith.maximumf %add3A_36, %max3A_37 : vector<4000x128xf32>
    %slice3A_39 = vector.extract_strided_slice %add3A_9 {offsets = [0, 128], sizes = [4000, 128], strides = [1, 1]} : vector<4000x256xf32> to vector<4000x128xf32>
    %add3A_40 = arith.addf %slice3A_39, %bitcast_convert_type3A_20 : vector<4000x128xf32>
    %add3A_41 = arith.addf %add3A_40, %bitcast_convert_type3A_34 : vector<4000x128xf32>
    %max3A_42 = arith.constant 0.000000e+00 : f32
    %max3A_43 = vector.broadcast %max3A_42 : f32 to vector<4000x128xf32>
    %max3A_44 = arith.maximumf %add3A_41, %max3A_43 : vector<4000x128xf32>
    %convert_element_type3A_45 = arith.truncf %max3A_38 : vector<4000x128xf32> to vector<4000x128xbf16>
    %get3A_46 = arith.constant 0 : index
    %get3A_47 = arith.constant 0 : index
    %get3A_48 = vector.load %arg6[%get3A_46, %get3A_47] : memref<256x128xbf16, #tpu.memory_space<vmem>>, vector<128x128xbf16>
    %dot_general3A_49 = arith.constant dense<0.000000e+00> : vector<4000x128xf32>
    %dot_general3A_50 = tpu.matmul %convert_element_type3A_45, %get3A_48, %dot_general3A_49 {dimension_numbers = #tpu.dot_dimension_numbers<[1], [0], [0], [1], [0, 0, 1, 1], [], []>, transpose_lhs_hint = false} : vector<4000x128xbf16>, vector<128x128xbf16>, vector<4000x128xf32> -> vector<4000x128xf32>
    %convert_element_type3A_51 = arith.truncf %max3A_44 : vector<4000x128xf32> to vector<4000x128xbf16>
    %get3A_52 = arith.constant 128 : index
    %get3A_53 = arith.constant 0 : index
    %get3A_54 = vector.load %arg6[%get3A_52, %get3A_53] : memref<256x128xbf16, #tpu.memory_space<vmem>>, vector<128x128xbf16>
    %dot_general3A_55 = arith.constant dense<0.000000e+00> : vector<4000x128xf32>
    %dot_general3A_56 = tpu.matmul %convert_element_type3A_51, %get3A_54, %dot_general3A_55 {dimension_numbers = #tpu.dot_dimension_numbers<[1], [0], [0], [1], [0, 0, 1, 1], [], []>, transpose_lhs_hint = false} : vector<4000x128xbf16>, vector<128x128xbf16>, vector<4000x128xf32> -> vector<4000x128xf32>
    %add3A_57 = arith.addf %dot_general3A_50, %dot_general3A_56 : vector<4000x128xf32>
    %get3A_58 = arith.constant 0 : index
    %get3A_59 = arith.constant 0 : index
    %get3A_60 = vector.load %arg7[%get3A_58, %get3A_59] : memref<1x128xf32, #tpu.memory_space<vmem>>, vector<1x128xf32>
    %add3A_61 = vector.broadcast %get3A_60 : vector<1x128xf32> to vector<4000x128xf32>
    %add3A_62 = arith.addf %add3A_57, %add3A_61 : vector<4000x128xf32>
    %convert_element_type3A_63 = arith.truncf %add3A_62 : vector<4000x128xf32> to vector<4000x128xbf16>
    %get3A_64 = arith.constant 0 : index
    %get3A_65 = arith.constant 0 : index
    %get3A_66 = vector.load %arg4[%get3A_64, %get3A_65] : memref<128x256xbf16, #tpu.memory_space<vmem>>, vector<128x256xbf16>
    %dot_general3A_67 = arith.constant dense<0.000000e+00> : vector<4000x256xf32>
    %dot_general3A_68 = tpu.matmul %convert_element_type3A_63, %get3A_66, %dot_general3A_67 {dimension_numbers = #tpu.dot_dimension_numbers<[1], [0], [0], [1], [0, 0, 1, 1], [], []>, transpose_lhs_hint = false} : vector<4000x128xbf16>, vector<128x256xbf16>, vector<4000x256xf32> -> vector<4000x256xf32>
    %get3A_69 = arith.constant 0 : index
    %get3A_70 = arith.constant 0 : index
    %get3A_71 = vector.load %arg5[%get3A_69, %get3A_70] : memref<1x256xf32, #tpu.memory_space<vmem>>, vector<1x256xf32>
    %add3A_72 = vector.broadcast %get3A_71 : vector<1x256xf32> to vector<4000x256xf32>
    %add3A_73 = arith.addf %dot_general3A_68, %add3A_72 : vector<4000x256xf32>
    %convert_element_type3A_74 = arith.truncf %add3A_73 : vector<4000x256xf32> to vector<4000x256xbf16>
    %convert_element_type3A_75 = arith.extf %convert_element_type3A_74 : vector<4000x256xbf16> to vector<4000x256xf32>
    %bitcast_convert_type3A_76 = tpu.bitcast %convert_element_type3A_75 : vector<4000x256xf32> -> vector<4000x256xi32>
    %slice3A_77 = vector.extract_strided_slice %bitcast_convert_type3A_76 {offsets = [0, 0], sizes = [4000, 128], strides = [1, 1]} : vector<4000x256xi32> to vector<4000x128xi32>
    %shift_right_logical3A = arith.constant 16 : i32
    %shift_right_logical3A_78 = vector.broadcast %shift_right_logical3A : i32 to vector<4000x128xi32>
    %shift_right_logical3A_79 = arith.shrui %slice3A_77, %shift_right_logical3A_78 : vector<4000x128xi32>
    %slice3A_80 = vector.extract_strided_slice %bitcast_convert_type3A_76 {offsets = [0, 128], sizes = [4000, 128], strides = [1, 1]} : vector<4000x256xi32> to vector<4000x128xi32>
    %and3A_81 = arith.constant -65536 : i32
    %and3A_82 = vector.broadcast %and3A_81 : i32 to vector<4000x128xi32>
    %and3A_83 = arith.andi %slice3A_80, %and3A_82 : vector<4000x128xi32>
    %or3A = arith.ori %shift_right_logical3A_79, %and3A_83 : vector<4000x128xi32>
    %bitcast_convert_type3A_84 = tpu.bitcast %or3A : vector<4000x128xi32> -> vector<4000x128xi32>
    %swap3A = arith.constant 0 : index
    %swap3A_85 = arith.constant 0 : index
    %swap3A_86 = vector.load %arg8[%swap3A, %swap3A_85] : memref<4000x128xi32, #tpu.memory_space<vmem>>, vector<4000x128xi32>
    tpu.vector_store %arg8[%swap3A, %swap3A_85], %bitcast_convert_type3A_84 {strides = array<i32>} : memref<4000x128xi32, #tpu.memory_space<vmem>>, vector<4000x128xi32>,
    %max3A_87 = arith.constant 0.000000e+00 : f32
    %max3A_88 = vector.broadcast %max3A_87 : f32 to vector<4000x256xf32>
    %max3A_89 = arith.maximumf %add3A_73, %max3A_88 : vector<4000x256xf32>
    %convert_element_type3A_90 = arith.truncf %max3A_89 : vector<4000x256xf32> to vector<4000x256xbf16>
    %get3A_91 = arith.constant 0 : index
    %get3A_92 = arith.constant 0 : index
    %get3A_93 = vector.load %arg6[%get3A_91, %get3A_92] : memref<256x128xbf16, #tpu.memory_space<vmem>>, vector<256x128xbf16>
    %dot_general3A_94 = arith.constant dense<0.000000e+00> : vector<4000x128xf32>
    %dot_general3A_95 = tpu.matmul %convert_element_type3A_90, %get3A_93, %dot_general3A_94 {dimension_numbers = #tpu.dot_dimension_numbers<[1], [0], [0], [1], [0, 0, 1, 1], [], []>, transpose_lhs_hint = false} : vector<4000x256xbf16>, vector<256x128xbf16>, vector<4000x128xf32> -> vector<4000x128xf32>
    %get3A_96 = arith.constant 0 : index
    %get3A_97 = arith.constant 0 : index
    %get3A_98 = vector.load %arg7[%get3A_96, %get3A_97] : memref<1x128xf32, #tpu.memory_space<vmem>>, vector<1x128xf32>
    %add3A_99 = vector.broadcast %get3A_98 : vector<1x128xf32> to vector<4000x128xf32>
    %add3A_100 = arith.addf %dot_general3A_95, %add3A_99 : vector<4000x128xf32>
    %swap3A_101 = arith.constant 0 : index
    %swap3A_102 = arith.constant 0 : index
    %swap3A_103 = vector.load %arg9[%swap3A_101, %swap3A_102] : memref<4000x128xf32, #tpu.memory_space<vmem>>, vector<4000x128xf32>
    tpu.vector_store %arg9[%swap3A_101, %swap3A_102], %add3A_100 {strides = array<i32>} : memref<4000x128xf32, #tpu.memory_space<vmem>>, vector<4000x128xf32>,
    return
  }
  func.func @transform_0(%arg0: i32) -> (i32, i32, i32) {
    %c0_i32 = arith.constant 0 : i32
    %c0_i32_0 = arith.constant 0 : i32
    %c0_i32_1 = arith.constant 0 : i32
    return %c0_i32, %arg0, %c0_i32_0 : i32, i32, i32
  }
  func.func @transform_1(%arg0: i32) -> (i32, i32) {
    %c0_i32 = arith.constant 0 : i32
    %c0_i32_0 = arith.constant 0 : i32
    return %arg0, %c0_i32 : i32, i32
  }
  func.func @transform_2(%arg0: i32) -> (i32, i32) {
    %c0_i32 = arith.constant 0 : i32
    %c0_i32_0 = arith.constant 0 : i32
    %c0_i32_1 = arith.constant 0 : i32
    return %c0_i32, %c0_i32_0 : i32, i32
  }
  func.func @transform_3(%arg0: i32) -> (i32, i32) {
    %c0_i32 = arith.constant 0 : i32
    %c0_i32_0 = arith.constant 0 : i32
    %c0_i32_1 = arith.constant 0 : i32
    return %c0_i32, %c0_i32_0 : i32, i32
  }
  func.func @transform_4(%arg0: i32) -> (i32, i32) {
    %c0_i32 = arith.constant 0 : i32
    %c0_i32_0 = arith.constant 0 : i32
    %c0_i32_1 = arith.constant 0 : i32
    return %c0_i32, %c0_i32_0 : i32, i32
  }
  func.func @transform_5(%arg0: i32) -> (i32, i32) {
    %c0_i32 = arith.constant 0 : i32
    %c0_i32_0 = arith.constant 0 : i32
    %c0_i32_1 = arith.constant 0 : i32
    return %c0_i32, %c0_i32_0 : i32, i32
  }
  func.func @transform_6(%arg0: i32) -> (i32, i32) {
    %c0_i32 = arith.constant 0 : i32
    %c0_i32_0 = arith.constant 0 : i32
    %c0_i32_1 = arith.constant 0 : i32
    return %c0_i32, %c0_i32_0 : i32, i32
  }
  func.func @transform_7(%arg0: i32) -> (i32, i32) {
    %c0_i32 = arith.constant 0 : i32
    %c0_i32_0 = arith.constant 0 : i32
    return %arg0, %c0_i32 : i32, i32
  }
  func.func @transform_8(%arg0: i32) -> (i32, i32) {
    %c0_i32 = arith.constant 0 : i32
    %c0_i32_0 = arith.constant 0 : i32
    return %arg0, %c0_i32 : i32, i32
  }
}

module attributes {stable_mosaic.version = 14 : i64} {
  func.func @_node_body(%arg0: i32, %arg1: memref<2000x256xf32, #tpu.memory_space<vmem>>, %arg2: memref<2x2000x128xf32, #tpu.memory_space<vmem>>, %arg3: memref<2000x128xf32, #tpu.memory_space<vmem>>, %arg4: memref<256x256xf32, #tpu.memory_space<vmem>>, %arg5: memref<256x128xf32, #tpu.memory_space<vmem>>, %arg6: memref<1x128xf32, #tpu.memory_space<vmem>>, %arg7: memref<128x256xbf16, #tpu.memory_space<vmem>>, %arg8: memref<128x256xbf16, #tpu.memory_space<vmem>>, %arg9: memref<2000x128xf32, #tpu.memory_space<vmem>>, %arg10: memref<2000x128xi32, #tpu.memory_space<vmem>>, %arg11: memref<2000x128xi32, #tpu.memory_space<vmem>>) attributes {dimension_semantics = [#tpu.dimension_semantics<arbitrary>], iteration_bounds = array<i64: 5>, scalar_prefetch = 0 : i64, scratch_operands = 0 : i64, tpu.core_type = #tpu.core_type<tc>, window_params = [{transform_indices = @transform_0, window_bounds = array<i64: 2000, 256>}, {transform_indices = @transform_1, window_bounds = array<i64: 2, 2000, 128>}, {transform_indices = @transform_2, window_bounds = array<i64: 2000, 128>}, {pipeline_mode = #tpu.pipeline_mode<synchronous>, transform_indices = @transform_3, window_bounds = array<i64: 256, 256>}, {pipeline_mode = #tpu.pipeline_mode<synchronous>, transform_indices = @transform_4, window_bounds = array<i64: 256, 128>}, {pipeline_mode = #tpu.pipeline_mode<synchronous>, transform_indices = @transform_5, window_bounds = array<i64: 1, 128>}, {pipeline_mode = #tpu.pipeline_mode<synchronous>, transform_indices = @transform_6, window_bounds = array<i64: 128, 256>}, {pipeline_mode = #tpu.pipeline_mode<synchronous>, transform_indices = @transform_7, window_bounds = array<i64: 128, 256>}, {transform_indices = @transform_8, window_bounds = array<i64: 2000, 128>}, {transform_indices = @transform_9, window_bounds = array<i64: 2000, 128>}, {transform_indices = @transform_10, window_bounds = array<i64: 2000, 128>}]} {
    %get3A = arith.constant 0 : index
    %get3A_0 = arith.constant 0 : index
    %get3A_1 = arith.constant 0 : index
    %get3A_2 = vector.load %arg2[%get3A, %get3A_0, %get3A_1] : memref<2x2000x128xf32, #tpu.memory_space<vmem>>, vector<1x2000x128xf32>
    %get3A_3 = vector.shape_cast %get3A_2 : vector<1x2000x128xf32> to vector<2000x128xf32>
    %get3A_4 = arith.constant 1 : index
    %get3A_5 = arith.constant 0 : index
    %get3A_6 = arith.constant 0 : index
    %get3A_7 = vector.load %arg2[%get3A_4, %get3A_5, %get3A_6] : memref<2x2000x128xf32, #tpu.memory_space<vmem>>, vector<1x2000x128xf32>
    %get3A_8 = vector.shape_cast %get3A_7 : vector<1x2000x128xf32> to vector<2000x128xf32>
    %add3A = arith.addf %get3A_3, %get3A_8 : vector<2000x128xf32>
    %get3A_9 = arith.constant 0 : index
    %get3A_10 = arith.constant 0 : index
    %get3A_11 = vector.load %arg1[%get3A_9, %get3A_10] : memref<2000x256xf32, #tpu.memory_space<vmem>>, vector<2000x256xf32>
    %get3A_12 = arith.constant 0 : index
    %get3A_13 = arith.constant 0 : index
    %get3A_14 = vector.load %arg4[%get3A_12, %get3A_13] : memref<256x256xf32, #tpu.memory_space<vmem>>, vector<128x256xf32>
    %dot_general3A = arith.constant dense<0.000000e+00> : vector<2000x256xf32>
    %dot_general3A_15 = tpu.matmul %add3A, %get3A_14, %dot_general3A {dimension_numbers = #tpu.dot_dimension_numbers<[1], [0], [0], [1], [0, 0, 1, 1], [], []>, transpose_lhs_hint = false} : vector<2000x128xf32>, vector<128x256xf32>, vector<2000x256xf32> -> vector<2000x256xf32>
    %add3A_16 = arith.addf %get3A_11, %dot_general3A_15 : vector<2000x256xf32>
    %max3A = arith.constant 0.000000e+00 : f32
    %max3A_17 = vector.broadcast %max3A : f32 to vector<2000x256xf32>
    %max3A_18 = arith.maximumf %add3A_16, %max3A_17 : vector<2000x256xf32>
    %get3A_19 = arith.constant 0 : index
    %get3A_20 = arith.constant 0 : index
    %get3A_21 = vector.load %arg5[%get3A_19, %get3A_20] : memref<256x128xf32, #tpu.memory_space<vmem>>, vector<256x128xf32>
    %dot_general3A_22 = arith.constant dense<0.000000e+00> : vector<2000x128xf32>
    %dot_general3A_23 = tpu.matmul %max3A_18, %get3A_21, %dot_general3A_22 {dimension_numbers = #tpu.dot_dimension_numbers<[1], [0], [0], [1], [0, 0, 1, 1], [], []>, transpose_lhs_hint = false} : vector<2000x256xf32>, vector<256x128xf32>, vector<2000x128xf32> -> vector<2000x128xf32>
    %get3A_24 = arith.constant 0 : index
    %get3A_25 = arith.constant 0 : index
    %get3A_26 = vector.load %arg6[%get3A_24, %get3A_25] : memref<1x128xf32, #tpu.memory_space<vmem>>, vector<1x128xf32>
    %add3A_27 = vector.broadcast %get3A_26 : vector<1x128xf32> to vector<2000x128xf32>
    %add3A_28 = arith.addf %dot_general3A_23, %add3A_27 : vector<2000x128xf32>
    %swap3A = arith.constant 0 : index
    %swap3A_29 = arith.constant 0 : index
    %swap3A_30 = vector.load %arg9[%swap3A, %swap3A_29] : memref<2000x128xf32, #tpu.memory_space<vmem>>, vector<2000x128xf32>
    tpu.vector_store %arg9[%swap3A, %swap3A_29], %add3A_28 {strides = array<i32>} : memref<2000x128xf32, #tpu.memory_space<vmem>>, vector<2000x128xf32>,
    %convert_element_type3A = arith.truncf %add3A_28 : vector<2000x128xf32> to vector<2000x128xbf16>
    %get3A_31 = arith.constant 0 : index
    %get3A_32 = arith.constant 0 : index
    %get3A_33 = vector.load %arg7[%get3A_31, %get3A_32] : memref<128x256xbf16, #tpu.memory_space<vmem>>, vector<128x256xbf16>
    %dot_general3A_34 = arith.constant dense<0.000000e+00> : vector<2000x256xf32>
    %dot_general3A_35 = tpu.matmul %convert_element_type3A, %get3A_33, %dot_general3A_34 {dimension_numbers = #tpu.dot_dimension_numbers<[1], [0], [0], [1], [0, 0, 1, 1], [], []>, transpose_lhs_hint = false} : vector<2000x128xbf16>, vector<128x256xbf16>, vector<2000x256xf32> -> vector<2000x256xf32>
    %convert_element_type3A_36 = arith.truncf %dot_general3A_35 : vector<2000x256xf32> to vector<2000x256xbf16>
    %convert_element_type3A_37 = arith.extf %convert_element_type3A_36 : vector<2000x256xbf16> to vector<2000x256xf32>
    %bitcast_convert_type3A = tpu.bitcast %convert_element_type3A_37 : vector<2000x256xf32> -> vector<2000x256xi32>
    %slice3A = vector.extract_strided_slice %bitcast_convert_type3A {offsets = [0, 0], sizes = [2000, 128], strides = [1, 1]} : vector<2000x256xi32> to vector<2000x128xi32>
    %shift_right_logical3A = arith.constant 16 : i32
    %shift_right_logical3A_38 = vector.broadcast %shift_right_logical3A : i32 to vector<2000x128xi32>
    %shift_right_logical3A_39 = arith.shrui %slice3A, %shift_right_logical3A_38 : vector<2000x128xi32>
    %slice3A_40 = vector.extract_strided_slice %bitcast_convert_type3A {offsets = [0, 128], sizes = [2000, 128], strides = [1, 1]} : vector<2000x256xi32> to vector<2000x128xi32>
    %and3A = arith.constant -65536 : i32
    %and3A_41 = vector.broadcast %and3A : i32 to vector<2000x128xi32>
    %and3A_42 = arith.andi %slice3A_40, %and3A_41 : vector<2000x128xi32>
    %or3A = arith.ori %shift_right_logical3A_39, %and3A_42 : vector<2000x128xi32>
    %bitcast_convert_type3A_43 = tpu.bitcast %or3A : vector<2000x128xi32> -> vector<2000x128xi32>
    %swap3A_44 = arith.constant 0 : index
    %swap3A_45 = arith.constant 0 : index
    %swap3A_46 = vector.load %arg10[%swap3A_44, %swap3A_45] : memref<2000x128xi32, #tpu.memory_space<vmem>>, vector<2000x128xi32>
    tpu.vector_store %arg10[%swap3A_44, %swap3A_45], %bitcast_convert_type3A_43 {strides = array<i32>} : memref<2000x128xi32, #tpu.memory_space<vmem>>, vector<2000x128xi32>,
    %get3A_47 = arith.constant 0 : index
    %get3A_48 = arith.constant 0 : index
    %get3A_49 = vector.load %arg8[%get3A_47, %get3A_48] : memref<128x256xbf16, #tpu.memory_space<vmem>>, vector<128x256xbf16>
    %dot_general3A_50 = arith.constant dense<0.000000e+00> : vector<2000x256xf32>
    %dot_general3A_51 = tpu.matmul %convert_element_type3A, %get3A_49, %dot_general3A_50 {dimension_numbers = #tpu.dot_dimension_numbers<[1], [0], [0], [1], [0, 0, 1, 1], [], []>, transpose_lhs_hint = false} : vector<2000x128xbf16>, vector<128x256xbf16>, vector<2000x256xf32> -> vector<2000x256xf32>
    %convert_element_type3A_52 = arith.truncf %dot_general3A_51 : vector<2000x256xf32> to vector<2000x256xbf16>
    %convert_element_type3A_53 = arith.extf %convert_element_type3A_52 : vector<2000x256xbf16> to vector<2000x256xf32>
    %bitcast_convert_type3A_54 = tpu.bitcast %convert_element_type3A_53 : vector<2000x256xf32> -> vector<2000x256xi32>
    %slice3A_55 = vector.extract_strided_slice %bitcast_convert_type3A_54 {offsets = [0, 0], sizes = [2000, 128], strides = [1, 1]} : vector<2000x256xi32> to vector<2000x128xi32>
    %shift_right_logical3A_56 = arith.constant 16 : i32
    %shift_right_logical3A_57 = vector.broadcast %shift_right_logical3A_56 : i32 to vector<2000x128xi32>
    %shift_right_logical3A_58 = arith.shrui %slice3A_55, %shift_right_logical3A_57 : vector<2000x128xi32>
    %slice3A_59 = vector.extract_strided_slice %bitcast_convert_type3A_54 {offsets = [0, 128], sizes = [2000, 128], strides = [1, 1]} : vector<2000x256xi32> to vector<2000x128xi32>
    %and3A_60 = arith.constant -65536 : i32
    %and3A_61 = vector.broadcast %and3A_60 : i32 to vector<2000x128xi32>
    %and3A_62 = arith.andi %slice3A_59, %and3A_61 : vector<2000x128xi32>
    %or3A_63 = arith.ori %shift_right_logical3A_58, %and3A_62 : vector<2000x128xi32>
    %bitcast_convert_type3A_64 = tpu.bitcast %or3A_63 : vector<2000x128xi32> -> vector<2000x128xi32>
    %swap3A_65 = arith.constant 0 : index
    %swap3A_66 = arith.constant 0 : index
    %swap3A_67 = vector.load %arg11[%swap3A_65, %swap3A_66] : memref<2000x128xi32, #tpu.memory_space<vmem>>, vector<2000x128xi32>
    tpu.vector_store %arg11[%swap3A_65, %swap3A_66], %bitcast_convert_type3A_64 {strides = array<i32>} : memref<2000x128xi32, #tpu.memory_space<vmem>>, vector<2000x128xi32>,
    return
  }
  func.func @transform_0(%arg0: i32) -> (i32, i32) {
    %c0_i32 = arith.constant 0 : i32
    %c0_i32_0 = arith.constant 0 : i32
    return %arg0, %c0_i32 : i32, i32
  }
  func.func @transform_1(%arg0: i32) -> (i32, i32, i32) {
    %c0_i32 = arith.constant 0 : i32
    %c0_i32_0 = arith.constant 0 : i32
    %c0_i32_1 = arith.constant 0 : i32
    return %c0_i32, %arg0, %c0_i32_0 : i32, i32, i32
  }
  func.func @transform_2(%arg0: i32) -> (i32, i32) {
    %c0_i32 = arith.constant 0 : i32
    %c0_i32_0 = arith.constant 0 : i32
    return %arg0, %c0_i32 : i32, i32
  }
  func.func @transform_3(%arg0: i32) -> (i32, i32) {
    %c0_i32 = arith.constant 0 : i32
    %c0_i32_0 = arith.constant 0 : i32
    %c0_i32_1 = arith.constant 0 : i32
    return %c0_i32, %c0_i32_0 : i32, i32
  }
  func.func @transform_4(%arg0: i32) -> (i32, i32) {
    %c0_i32 = arith.constant 0 : i32
    %c0_i32_0 = arith.constant 0 : i32
    %c0_i32_1 = arith.constant 0 : i32
    return %c0_i32, %c0_i32_0 : i32, i32
  }
  func.func @transform_5(%arg0: i32) -> (i32, i32) {
    %c0_i32 = arith.constant 0 : i32
    %c0_i32_0 = arith.constant 0 : i32
    %c0_i32_1 = arith.constant 0 : i32
    return %c0_i32, %c0_i32_0 : i32, i32
  }
  func.func @transform_6(%arg0: i32) -> (i32, i32) {
    %c0_i32 = arith.constant 0 : i32
    %c0_i32_0 = arith.constant 0 : i32
    %c0_i32_1 = arith.constant 0 : i32
    return %c0_i32, %c0_i32_0 : i32, i32
  }
  func.func @transform_7(%arg0: i32) -> (i32, i32) {
    %c0_i32 = arith.constant 0 : i32
    %c0_i32_0 = arith.constant 0 : i32
    %c0_i32_1 = arith.constant 0 : i32
    return %c0_i32, %c0_i32_0 : i32, i32
  }
  func.func @transform_8(%arg0: i32) -> (i32, i32) {
    %c0_i32 = arith.constant 0 : i32
    %c0_i32_0 = arith.constant 0 : i32
    return %arg0, %c0_i32 : i32, i32
  }
  func.func @transform_9(%arg0: i32) -> (i32, i32) {
    %c0_i32 = arith.constant 0 : i32
    %c0_i32_0 = arith.constant 0 : i32
    return %arg0, %c0_i32 : i32, i32
  }
  func.func @transform_10(%arg0: i32) -> (i32, i32) {
    %c0_i32 = arith.constant 0 : i32
    %c0_i32_0 = arith.constant 0 : i32
    return %arg0, %c0_i32 : i32, i32
  }
}

module attributes {stable_mosaic.version = 14 : i64} {
  func.func @_edge_body(%arg0: i32, %arg1: memref<4000x128xi32, #tpu.memory_space<vmem>>, %arg2: memref<2x4000x128xi32, #tpu.memory_space<vmem>>, %arg3: memref<256x128xbf16, #tpu.memory_space<vmem>>, %arg4: memref<1x128xf32, #tpu.memory_space<vmem>>, %arg5: memref<4000x128xf32, #tpu.memory_space<vmem>>) attributes {dimension_semantics = [#tpu.dimension_semantics<arbitrary>], iteration_bounds = array<i64: 40>, scalar_prefetch = 0 : i64, scratch_operands = 0 : i64, tpu.core_type = #tpu.core_type<tc>, window_params = [{transform_indices = @transform_0, window_bounds = array<i64: 4000, 128>}, {transform_indices = @transform_1, window_bounds = array<i64: 2, 4000, 128>}, {pipeline_mode = #tpu.pipeline_mode<synchronous>, transform_indices = @transform_2, window_bounds = array<i64: 256, 128>}, {pipeline_mode = #tpu.pipeline_mode<synchronous>, transform_indices = @transform_3, window_bounds = array<i64: 1, 128>}, {transform_indices = @transform_4, window_bounds = array<i64: 4000, 128>}]} {
    %get3A = arith.constant 0 : index
    %get3A_0 = arith.constant 0 : index
    %get3A_1 = arith.constant 0 : index
    %get3A_2 = vector.load %arg2[%get3A, %get3A_0, %get3A_1] : memref<2x4000x128xi32, #tpu.memory_space<vmem>>, vector<1x4000x128xi32>
    %get3A_3 = vector.shape_cast %get3A_2 : vector<1x4000x128xi32> to vector<4000x128xi32>
    %bitcast_convert_type3A = tpu.bitcast %get3A_3 : vector<4000x128xi32> -> vector<4000x128xi32>
    %shift_left3A = arith.constant 16 : i32
    %shift_left3A_4 = vector.broadcast %shift_left3A : i32 to vector<4000x128xi32>
    %shift_left3A_5 = arith.shli %bitcast_convert_type3A, %shift_left3A_4 : vector<4000x128xi32>
    %bitcast_convert_type3A_6 = tpu.bitcast %shift_left3A_5 : vector<4000x128xi32> -> vector<4000x128xf32>
    %and3A = arith.constant -65536 : i32
    %and3A_7 = vector.broadcast %and3A : i32 to vector<4000x128xi32>
    %and3A_8 = arith.andi %bitcast_convert_type3A, %and3A_7 : vector<4000x128xi32>
    %bitcast_convert_type3A_9 = tpu.bitcast %and3A_8 : vector<4000x128xi32> -> vector<4000x128xf32>
    %get3A_10 = arith.constant 1 : index
    %get3A_11 = arith.constant 0 : index
    %get3A_12 = arith.constant 0 : index
    %get3A_13 = vector.load %arg2[%get3A_10, %get3A_11, %get3A_12] : memref<2x4000x128xi32, #tpu.memory_space<vmem>>, vector<1x4000x128xi32>
    %get3A_14 = vector.shape_cast %get3A_13 : vector<1x4000x128xi32> to vector<4000x128xi32>
    %bitcast_convert_type3A_15 = tpu.bitcast %get3A_14 : vector<4000x128xi32> -> vector<4000x128xi32>
    %shift_left3A_16 = arith.constant 16 : i32
    %shift_left3A_17 = vector.broadcast %shift_left3A_16 : i32 to vector<4000x128xi32>
    %shift_left3A_18 = arith.shli %bitcast_convert_type3A_15, %shift_left3A_17 : vector<4000x128xi32>
    %bitcast_convert_type3A_19 = tpu.bitcast %shift_left3A_18 : vector<4000x128xi32> -> vector<4000x128xf32>
    %and3A_20 = arith.constant -65536 : i32
    %and3A_21 = vector.broadcast %and3A_20 : i32 to vector<4000x128xi32>
    %and3A_22 = arith.andi %bitcast_convert_type3A_15, %and3A_21 : vector<4000x128xi32>
    %bitcast_convert_type3A_23 = tpu.bitcast %and3A_22 : vector<4000x128xi32> -> vector<4000x128xf32>
    %get3A_24 = arith.constant 0 : index
    %get3A_25 = arith.constant 0 : index
    %get3A_26 = vector.load %arg1[%get3A_24, %get3A_25] : memref<4000x128xi32, #tpu.memory_space<vmem>>, vector<4000x128xi32>
    %bitcast_convert_type3A_27 = tpu.bitcast %get3A_26 : vector<4000x128xi32> -> vector<4000x128xi32>
    %shift_left3A_28 = arith.constant 16 : i32
    %shift_left3A_29 = vector.broadcast %shift_left3A_28 : i32 to vector<4000x128xi32>
    %shift_left3A_30 = arith.shli %bitcast_convert_type3A_27, %shift_left3A_29 : vector<4000x128xi32>
    %bitcast_convert_type3A_31 = tpu.bitcast %shift_left3A_30 : vector<4000x128xi32> -> vector<4000x128xf32>
    %and3A_32 = arith.constant -65536 : i32
    %and3A_33 = vector.broadcast %and3A_32 : i32 to vector<4000x128xi32>
    %and3A_34 = arith.andi %bitcast_convert_type3A_27, %and3A_33 : vector<4000x128xi32>
    %bitcast_convert_type3A_35 = tpu.bitcast %and3A_34 : vector<4000x128xi32> -> vector<4000x128xf32>
    %add3A = arith.addf %bitcast_convert_type3A_31, %bitcast_convert_type3A_6 : vector<4000x128xf32>
    %add3A_36 = arith.addf %add3A, %bitcast_convert_type3A_19 : vector<4000x128xf32>
    %max3A = arith.constant 0.000000e+00 : f32
    %max3A_37 = vector.broadcast %max3A : f32 to vector<4000x128xf32>
    %max3A_38 = arith.maximumf %add3A_36, %max3A_37 : vector<4000x128xf32>
    %add3A_39 = arith.addf %bitcast_convert_type3A_35, %bitcast_convert_type3A_9 : vector<4000x128xf32>
    %add3A_40 = arith.addf %add3A_39, %bitcast_convert_type3A_23 : vector<4000x128xf32>
    %max3A_41 = arith.constant 0.000000e+00 : f32
    %max3A_42 = vector.broadcast %max3A_41 : f32 to vector<4000x128xf32>
    %max3A_43 = arith.maximumf %add3A_40, %max3A_42 : vector<4000x128xf32>
    %convert_element_type3A = arith.truncf %max3A_38 : vector<4000x128xf32> to vector<4000x128xbf16>
    %get3A_44 = arith.constant 0 : index
    %get3A_45 = arith.constant 0 : index
    %get3A_46 = vector.load %arg3[%get3A_44, %get3A_45] : memref<256x128xbf16, #tpu.memory_space<vmem>>, vector<128x128xbf16>
    %dot_general3A = arith.constant dense<0.000000e+00> : vector<4000x128xf32>
    %dot_general3A_47 = tpu.matmul %convert_element_type3A, %get3A_46, %dot_general3A {dimension_numbers = #tpu.dot_dimension_numbers<[1], [0], [0], [1], [0, 0, 1, 1], [], []>, transpose_lhs_hint = false} : vector<4000x128xbf16>, vector<128x128xbf16>, vector<4000x128xf32> -> vector<4000x128xf32>
    %convert_element_type3A_48 = arith.truncf %max3A_43 : vector<4000x128xf32> to vector<4000x128xbf16>
    %get3A_49 = arith.constant 128 : index
    %get3A_50 = arith.constant 0 : index
    %get3A_51 = vector.load %arg3[%get3A_49, %get3A_50] : memref<256x128xbf16, #tpu.memory_space<vmem>>, vector<128x128xbf16>
    %dot_general3A_52 = arith.constant dense<0.000000e+00> : vector<4000x128xf32>
    %dot_general3A_53 = tpu.matmul %convert_element_type3A_48, %get3A_51, %dot_general3A_52 {dimension_numbers = #tpu.dot_dimension_numbers<[1], [0], [0], [1], [0, 0, 1, 1], [], []>, transpose_lhs_hint = false} : vector<4000x128xbf16>, vector<128x128xbf16>, vector<4000x128xf32> -> vector<4000x128xf32>
    %add3A_54 = arith.addf %dot_general3A_47, %dot_general3A_53 : vector<4000x128xf32>
    %get3A_55 = arith.constant 0 : index
    %get3A_56 = arith.constant 0 : index
    %get3A_57 = vector.load %arg4[%get3A_55, %get3A_56] : memref<1x128xf32, #tpu.memory_space<vmem>>, vector<1x128xf32>
    %add3A_58 = vector.broadcast %get3A_57 : vector<1x128xf32> to vector<4000x128xf32>
    %add3A_59 = arith.addf %add3A_54, %add3A_58 : vector<4000x128xf32>
    %swap3A = arith.constant 0 : index
    %swap3A_60 = arith.constant 0 : index
    %swap3A_61 = vector.load %arg5[%swap3A, %swap3A_60] : memref<4000x128xf32, #tpu.memory_space<vmem>>, vector<4000x128xf32>
    tpu.vector_store %arg5[%swap3A, %swap3A_60], %add3A_59 {strides = array<i32>} : memref<4000x128xf32, #tpu.memory_space<vmem>>, vector<4000x128xf32>,
    return
  }
  func.func @transform_0(%arg0: i32) -> (i32, i32) {
    %c0_i32 = arith.constant 0 : i32
    %c0_i32_0 = arith.constant 0 : i32
    return %arg0, %c0_i32 : i32, i32
  }
  func.func @transform_1(%arg0: i32) -> (i32, i32, i32) {
    %c0_i32 = arith.constant 0 : i32
    %c0_i32_0 = arith.constant 0 : i32
    %c0_i32_1 = arith.constant 0 : i32
    return %c0_i32, %arg0, %c0_i32_0 : i32, i32, i32
  }
  func.func @transform_2(%arg0: i32) -> (i32, i32) {
    %c0_i32 = arith.constant 0 : i32
    %c0_i32_0 = arith.constant 0 : i32
    %c0_i32_1 = arith.constant 0 : i32
    return %c0_i32, %c0_i32_0 : i32, i32
  }
  func.func @transform_3(%arg0: i32) -> (i32, i32) {
    %c0_i32 = arith.constant 0 : i32
    %c0_i32_0 = arith.constant 0 : i32
    %c0_i32_1 = arith.constant 0 : i32
    return %c0_i32, %c0_i32_0 : i32, i32
  }
  func.func @transform_4(%arg0: i32) -> (i32, i32) {
    %c0_i32 = arith.constant 0 : i32
    %c0_i32_0 = arith.constant 0 : i32
    return %arg0, %c0_i32 : i32, i32
  }
}

module attributes {stable_mosaic.version = 14 : i64} {
  func.func @_node_body(%arg0: i32, %arg1: memref<2000x256xf32, #tpu.memory_space<vmem>>, %arg2: memref<2x2000x128xf32, #tpu.memory_space<vmem>>, %arg3: memref<2000x128xf32, #tpu.memory_space<vmem>>, %arg4: memref<256x256xf32, #tpu.memory_space<vmem>>, %arg5: memref<256x128xf32, #tpu.memory_space<vmem>>, %arg6: memref<1x128xf32, #tpu.memory_space<vmem>>, %arg7: memref<128x256xbf16, #tpu.memory_space<vmem>>, %arg8: memref<128x256xbf16, #tpu.memory_space<vmem>>, %arg9: memref<2000x128xf32, #tpu.memory_space<vmem>>, %arg10: memref<2000x128xi32, #tpu.memory_space<vmem>>, %arg11: memref<2000x128xi32, #tpu.memory_space<vmem>>) attributes {dimension_semantics = [#tpu.dimension_semantics<arbitrary>], iteration_bounds = array<i64: 5>, scalar_prefetch = 0 : i64, scratch_operands = 0 : i64, tpu.core_type = #tpu.core_type<tc>, window_params = [{transform_indices = @transform_0, window_bounds = array<i64: 2000, 256>}, {transform_indices = @transform_1, window_bounds = array<i64: 2, 2000, 128>}, {transform_indices = @transform_2, window_bounds = array<i64: 2000, 128>}, {pipeline_mode = #tpu.pipeline_mode<synchronous>, transform_indices = @transform_3, window_bounds = array<i64: 256, 256>}, {pipeline_mode = #tpu.pipeline_mode<synchronous>, transform_indices = @transform_4, window_bounds = array<i64: 256, 128>}, {pipeline_mode = #tpu.pipeline_mode<synchronous>, transform_indices = @transform_5, window_bounds = array<i64: 1, 128>}, {pipeline_mode = #tpu.pipeline_mode<synchronous>, transform_indices = @transform_6, window_bounds = array<i64: 128, 256>}, {pipeline_mode = #tpu.pipeline_mode<synchronous>, transform_indices = @transform_7, window_bounds = array<i64: 128, 256>}, {transform_indices = @transform_8, window_bounds = array<i64: 2000, 128>}, {transform_indices = @transform_9, window_bounds = array<i64: 2000, 128>}, {transform_indices = @transform_10, window_bounds = array<i64: 2000, 128>}]} {
    %get3A = arith.constant 0 : index
    %get3A_0 = arith.constant 0 : index
    %get3A_1 = arith.constant 0 : index
    %get3A_2 = vector.load %arg2[%get3A, %get3A_0, %get3A_1] : memref<2x2000x128xf32, #tpu.memory_space<vmem>>, vector<1x2000x128xf32>
    %get3A_3 = vector.shape_cast %get3A_2 : vector<1x2000x128xf32> to vector<2000x128xf32>
    %get3A_4 = arith.constant 1 : index
    %get3A_5 = arith.constant 0 : index
    %get3A_6 = arith.constant 0 : index
    %get3A_7 = vector.load %arg2[%get3A_4, %get3A_5, %get3A_6] : memref<2x2000x128xf32, #tpu.memory_space<vmem>>, vector<1x2000x128xf32>
    %get3A_8 = vector.shape_cast %get3A_7 : vector<1x2000x128xf32> to vector<2000x128xf32>
    %add3A = arith.addf %get3A_3, %get3A_8 : vector<2000x128xf32>
    %get3A_9 = arith.constant 0 : index
    %get3A_10 = arith.constant 0 : index
    %get3A_11 = vector.load %arg1[%get3A_9, %get3A_10] : memref<2000x256xf32, #tpu.memory_space<vmem>>, vector<2000x256xf32>
    %get3A_12 = arith.constant 0 : index
    %get3A_13 = arith.constant 0 : index
    %get3A_14 = vector.load %arg4[%get3A_12, %get3A_13] : memref<256x256xf32, #tpu.memory_space<vmem>>, vector<128x256xf32>
    %dot_general3A = arith.constant dense<0.000000e+00> : vector<2000x256xf32>
    %dot_general3A_15 = tpu.matmul %add3A, %get3A_14, %dot_general3A {dimension_numbers = #tpu.dot_dimension_numbers<[1], [0], [0], [1], [0, 0, 1, 1], [], []>, transpose_lhs_hint = false} : vector<2000x128xf32>, vector<128x256xf32>, vector<2000x256xf32> -> vector<2000x256xf32>
    %add3A_16 = arith.addf %get3A_11, %dot_general3A_15 : vector<2000x256xf32>
    %get3A_17 = arith.constant 0 : index
    %get3A_18 = arith.constant 0 : index
    %get3A_19 = vector.load %arg3[%get3A_17, %get3A_18] : memref<2000x128xf32, #tpu.memory_space<vmem>>, vector<2000x128xf32>
    %get3A_20 = arith.constant 128 : index
    %get3A_21 = arith.constant 0 : index
    %get3A_22 = vector.load %arg4[%get3A_20, %get3A_21] : memref<256x256xf32, #tpu.memory_space<vmem>>, vector<128x256xf32>
    %dot_general3A_23 = arith.constant dense<0.000000e+00> : vector<2000x256xf32>
    %dot_general3A_24 = tpu.matmul %get3A_19, %get3A_22, %dot_general3A_23 {dimension_numbers = #tpu.dot_dimension_numbers<[1], [0], [0], [1], [0, 0, 1, 1], [], []>, transpose_lhs_hint = false} : vector<2000x128xf32>, vector<128x256xf32>, vector<2000x256xf32> -> vector<2000x256xf32>
    %add3A_25 = arith.addf %add3A_16, %dot_general3A_24 : vector<2000x256xf32>
    %max3A = arith.constant 0.000000e+00 : f32
    %max3A_26 = vector.broadcast %max3A : f32 to vector<2000x256xf32>
    %max3A_27 = arith.maximumf %add3A_25, %max3A_26 : vector<2000x256xf32>
    %get3A_28 = arith.constant 0 : index
    %get3A_29 = arith.constant 0 : index
    %get3A_30 = vector.load %arg5[%get3A_28, %get3A_29] : memref<256x128xf32, #tpu.memory_space<vmem>>, vector<256x128xf32>
    %dot_general3A_31 = arith.constant dense<0.000000e+00> : vector<2000x128xf32>
    %dot_general3A_32 = tpu.matmul %max3A_27, %get3A_30, %dot_general3A_31 {dimension_numbers = #tpu.dot_dimension_numbers<[1], [0], [0], [1], [0, 0, 1, 1], [], []>, transpose_lhs_hint = false} : vector<2000x256xf32>, vector<256x128xf32>, vector<2000x128xf32> -> vector<2000x128xf32>
    %get3A_33 = arith.constant 0 : index
    %get3A_34 = arith.constant 0 : index
    %get3A_35 = vector.load %arg6[%get3A_33, %get3A_34] : memref<1x128xf32, #tpu.memory_space<vmem>>, vector<1x128xf32>
    %add3A_36 = vector.broadcast %get3A_35 : vector<1x128xf32> to vector<2000x128xf32>
    %add3A_37 = arith.addf %dot_general3A_32, %add3A_36 : vector<2000x128xf32>
    %swap3A = arith.constant 0 : index
    %swap3A_38 = arith.constant 0 : index
    %swap3A_39 = vector.load %arg9[%swap3A, %swap3A_38] : memref<2000x128xf32, #tpu.memory_space<vmem>>, vector<2000x128xf32>
    tpu.vector_store %arg9[%swap3A, %swap3A_38], %add3A_37 {strides = array<i32>} : memref<2000x128xf32, #tpu.memory_space<vmem>>, vector<2000x128xf32>,
    %convert_element_type3A = arith.truncf %add3A_37 : vector<2000x128xf32> to vector<2000x128xbf16>
    %get3A_40 = arith.constant 0 : index
    %get3A_41 = arith.constant 0 : index
    %get3A_42 = vector.load %arg7[%get3A_40, %get3A_41] : memref<128x256xbf16, #tpu.memory_space<vmem>>, vector<128x256xbf16>
    %dot_general3A_43 = arith.constant dense<0.000000e+00> : vector<2000x256xf32>
    %dot_general3A_44 = tpu.matmul %convert_element_type3A, %get3A_42, %dot_general3A_43 {dimension_numbers = #tpu.dot_dimension_numbers<[1], [0], [0], [1], [0, 0, 1, 1], [], []>, transpose_lhs_hint = false} : vector<2000x128xbf16>, vector<128x256xbf16>, vector<2000x256xf32> -> vector<2000x256xf32>
    %convert_element_type3A_45 = arith.truncf %dot_general3A_44 : vector<2000x256xf32> to vector<2000x256xbf16>
    %convert_element_type3A_46 = arith.extf %convert_element_type3A_45 : vector<2000x256xbf16> to vector<2000x256xf32>
    %bitcast_convert_type3A = tpu.bitcast %convert_element_type3A_46 : vector<2000x256xf32> -> vector<2000x256xi32>
    %slice3A = vector.extract_strided_slice %bitcast_convert_type3A {offsets = [0, 0], sizes = [2000, 128], strides = [1, 1]} : vector<2000x256xi32> to vector<2000x128xi32>
    %shift_right_logical3A = arith.constant 16 : i32
    %shift_right_logical3A_47 = vector.broadcast %shift_right_logical3A : i32 to vector<2000x128xi32>
    %shift_right_logical3A_48 = arith.shrui %slice3A, %shift_right_logical3A_47 : vector<2000x128xi32>
    %slice3A_49 = vector.extract_strided_slice %bitcast_convert_type3A {offsets = [0, 128], sizes = [2000, 128], strides = [1, 1]} : vector<2000x256xi32> to vector<2000x128xi32>
    %and3A = arith.constant -65536 : i32
    %and3A_50 = vector.broadcast %and3A : i32 to vector<2000x128xi32>
    %and3A_51 = arith.andi %slice3A_49, %and3A_50 : vector<2000x128xi32>
    %or3A = arith.ori %shift_right_logical3A_48, %and3A_51 : vector<2000x128xi32>
    %bitcast_convert_type3A_52 = tpu.bitcast %or3A : vector<2000x128xi32> -> vector<2000x128xi32>
    %swap3A_53 = arith.constant 0 : index
    %swap3A_54 = arith.constant 0 : index
    %swap3A_55 = vector.load %arg10[%swap3A_53, %swap3A_54] : memref<2000x128xi32, #tpu.memory_space<vmem>>, vector<2000x128xi32>
    tpu.vector_store %arg10[%swap3A_53, %swap3A_54], %bitcast_convert_type3A_52 {strides = array<i32>} : memref<2000x128xi32, #tpu.memory_space<vmem>>, vector<2000x128xi32>,
    %get3A_56 = arith.constant 0 : index
    %get3A_57 = arith.constant 0 : index
    %get3A_58 = vector.load %arg8[%get3A_56, %get3A_57] : memref<128x256xbf16, #tpu.memory_space<vmem>>, vector<128x256xbf16>
    %dot_general3A_59 = arith.constant dense<0.000000e+00> : vector<2000x256xf32>
    %dot_general3A_60 = tpu.matmul %convert_element_type3A, %get3A_58, %dot_general3A_59 {dimension_numbers = #tpu.dot_dimension_numbers<[1], [0], [0], [1], [0, 0, 1, 1], [], []>, transpose_lhs_hint = false} : vector<2000x128xbf16>, vector<128x256xbf16>, vector<2000x256xf32> -> vector<2000x256xf32>
    %convert_element_type3A_61 = arith.truncf %dot_general3A_60 : vector<2000x256xf32> to vector<2000x256xbf16>
    %convert_element_type3A_62 = arith.extf %convert_element_type3A_61 : vector<2000x256xbf16> to vector<2000x256xf32>
    %bitcast_convert_type3A_63 = tpu.bitcast %convert_element_type3A_62 : vector<2000x256xf32> -> vector<2000x256xi32>
    %slice3A_64 = vector.extract_strided_slice %bitcast_convert_type3A_63 {offsets = [0, 0], sizes = [2000, 128], strides = [1, 1]} : vector<2000x256xi32> to vector<2000x128xi32>
    %shift_right_logical3A_65 = arith.constant 16 : i32
    %shift_right_logical3A_66 = vector.broadcast %shift_right_logical3A_65 : i32 to vector<2000x128xi32>
    %shift_right_logical3A_67 = arith.shrui %slice3A_64, %shift_right_logical3A_66 : vector<2000x128xi32>
    %slice3A_68 = vector.extract_strided_slice %bitcast_convert_type3A_63 {offsets = [0, 128], sizes = [2000, 128], strides = [1, 1]} : vector<2000x256xi32> to vector<2000x128xi32>
    %and3A_69 = arith.constant -65536 : i32
    %and3A_70 = vector.broadcast %and3A_69 : i32 to vector<2000x128xi32>
    %and3A_71 = arith.andi %slice3A_68, %and3A_70 : vector<2000x128xi32>
    %or3A_72 = arith.ori %shift_right_logical3A_67, %and3A_71 : vector<2000x128xi32>
    %bitcast_convert_type3A_73 = tpu.bitcast %or3A_72 : vector<2000x128xi32> -> vector<2000x128xi32>
    %swap3A_74 = arith.constant 0 : index
    %swap3A_75 = arith.constant 0 : index
    %swap3A_76 = vector.load %arg11[%swap3A_74, %swap3A_75] : memref<2000x128xi32, #tpu.memory_space<vmem>>, vector<2000x128xi32>
    tpu.vector_store %arg11[%swap3A_74, %swap3A_75], %bitcast_convert_type3A_73 {strides = array<i32>} : memref<2000x128xi32, #tpu.memory_space<vmem>>, vector<2000x128xi32>,
    return
  }
  func.func @transform_0(%arg0: i32) -> (i32, i32) {
    %c0_i32 = arith.constant 0 : i32
    %c0_i32_0 = arith.constant 0 : i32
    return %arg0, %c0_i32 : i32, i32
  }
  func.func @transform_1(%arg0: i32) -> (i32, i32, i32) {
    %c0_i32 = arith.constant 0 : i32
    %c0_i32_0 = arith.constant 0 : i32
    %c0_i32_1 = arith.constant 0 : i32
    return %c0_i32, %arg0, %c0_i32_0 : i32, i32, i32
  }
  func.func @transform_2(%arg0: i32) -> (i32, i32) {
    %c0_i32 = arith.constant 0 : i32
    %c0_i32_0 = arith.constant 0 : i32
    return %arg0, %c0_i32 : i32, i32
  }
  func.func @transform_3(%arg0: i32) -> (i32, i32) {
    %c0_i32 = arith.constant 0 : i32
    %c0_i32_0 = arith.constant 0 : i32
    %c0_i32_1 = arith.constant 0 : i32
    return %c0_i32, %c0_i32_0 : i32, i32
  }
  func.func @transform_4(%arg0: i32) -> (i32, i32) {
    %c0_i32 = arith.constant 0 : i32
    %c0_i32_0 = arith.constant 0 : i32
    %c0_i32_1 = arith.constant 0 : i32
    return %c0_i32, %c0_i32_0 : i32, i32
  }
  func.func @transform_5(%arg0: i32) -> (i32, i32) {
    %c0_i32 = arith.constant 0 : i32
    %c0_i32_0 = arith.constant 0 : i32
    %c0_i32_1 = arith.constant 0 : i32
    return %c0_i32, %c0_i32_0 : i32, i32
  }
  func.func @transform_6(%arg0: i32) -> (i32, i32) {
    %c0_i32 = arith.constant 0 : i32
    %c0_i32_0 = arith.constant 0 : i32
    %c0_i32_1 = arith.constant 0 : i32
    return %c0_i32, %c0_i32_0 : i32, i32
  }
  func.func @transform_7(%arg0: i32) -> (i32, i32) {
    %c0_i32 = arith.constant 0 : i32
    %c0_i32_0 = arith.constant 0 : i32
    %c0_i32_1 = arith.constant 0 : i32
    return %c0_i32, %c0_i32_0 : i32, i32
  }
  func.func @transform_8(%arg0: i32) -> (i32, i32) {
    %c0_i32 = arith.constant 0 : i32
    %c0_i32_0 = arith.constant 0 : i32
    return %arg0, %c0_i32 : i32, i32
  }
  func.func @transform_9(%arg0: i32) -> (i32, i32) {
    %c0_i32 = arith.constant 0 : i32
    %c0_i32_0 = arith.constant 0 : i32
    return %arg0, %c0_i32 : i32, i32
  }
  func.func @transform_10(%arg0: i32) -> (i32, i32) {
    %c0_i32 = arith.constant 0 : i32
    %c0_i32_0 = arith.constant 0 : i32
    return %arg0, %c0_i32 : i32, i32
  }
}

module attributes {stable_mosaic.version = 14 : i64} {
  func.func @_node_final_body(%arg0: i32, %arg1: memref<2000x256xf32, #tpu.memory_space<vmem>>, %arg2: memref<2x2000x128xf32, #tpu.memory_space<vmem>>, %arg3: memref<2000x128xf32, #tpu.memory_space<vmem>>, %arg4: memref<256x256xf32, #tpu.memory_space<vmem>>, %arg5: memref<256x128xf32, #tpu.memory_space<vmem>>, %arg6: memref<1x128xf32, #tpu.memory_space<vmem>>, %arg7: memref<128x256xf32, #tpu.memory_space<vmem>>, %arg8: memref<1x256xf32, #tpu.memory_space<vmem>>, %arg9: memref<256x128xf32, #tpu.memory_space<vmem>>, %arg10: memref<1x128xf32, #tpu.memory_space<vmem>>, %arg11: memref<2000x128xf32, #tpu.memory_space<vmem>>) attributes {dimension_semantics = [#tpu.dimension_semantics<arbitrary>], iteration_bounds = array<i64: 5>, scalar_prefetch = 0 : i64, scratch_operands = 0 : i64, tpu.core_type = #tpu.core_type<tc>, window_params = [{transform_indices = @transform_0, window_bounds = array<i64: 2000, 256>}, {transform_indices = @transform_1, window_bounds = array<i64: 2, 2000, 128>}, {transform_indices = @transform_2, window_bounds = array<i64: 2000, 128>}, {pipeline_mode = #tpu.pipeline_mode<synchronous>, transform_indices = @transform_3, window_bounds = array<i64: 256, 256>}, {pipeline_mode = #tpu.pipeline_mode<synchronous>, transform_indices = @transform_4, window_bounds = array<i64: 256, 128>}, {pipeline_mode = #tpu.pipeline_mode<synchronous>, transform_indices = @transform_5, window_bounds = array<i64: 1, 128>}, {pipeline_mode = #tpu.pipeline_mode<synchronous>, transform_indices = @transform_6, window_bounds = array<i64: 128, 256>}, {pipeline_mode = #tpu.pipeline_mode<synchronous>, transform_indices = @transform_7, window_bounds = array<i64: 1, 256>}, {pipeline_mode = #tpu.pipeline_mode<synchronous>, transform_indices = @transform_8, window_bounds = array<i64: 256, 128>}, {pipeline_mode = #tpu.pipeline_mode<synchronous>, transform_indices = @transform_9, window_bounds = array<i64: 1, 128>}, {transform_indices = @transform_10, window_bounds = array<i64: 2000, 128>}]} {
    %get3A = arith.constant 0 : index
    %get3A_0 = arith.constant 0 : index
    %get3A_1 = arith.constant 0 : index
    %get3A_2 = vector.load %arg2[%get3A, %get3A_0, %get3A_1] : memref<2x2000x128xf32, #tpu.memory_space<vmem>>, vector<1x2000x128xf32>
    %get3A_3 = vector.shape_cast %get3A_2 : vector<1x2000x128xf32> to vector<2000x128xf32>
    %get3A_4 = arith.constant 1 : index
    %get3A_5 = arith.constant 0 : index
    %get3A_6 = arith.constant 0 : index
    %get3A_7 = vector.load %arg2[%get3A_4, %get3A_5, %get3A_6] : memref<2x2000x128xf32, #tpu.memory_space<vmem>>, vector<1x2000x128xf32>
    %get3A_8 = vector.shape_cast %get3A_7 : vector<1x2000x128xf32> to vector<2000x128xf32>
    %add3A = arith.addf %get3A_3, %get3A_8 : vector<2000x128xf32>
    %get3A_9 = arith.constant 0 : index
    %get3A_10 = arith.constant 0 : index
    %get3A_11 = vector.load %arg1[%get3A_9, %get3A_10] : memref<2000x256xf32, #tpu.memory_space<vmem>>, vector<2000x256xf32>
    %get3A_12 = arith.constant 0 : index
    %get3A_13 = arith.constant 0 : index
    %get3A_14 = vector.load %arg4[%get3A_12, %get3A_13] : memref<256x256xf32, #tpu.memory_space<vmem>>, vector<128x256xf32>
    %dot_general3A = arith.constant dense<0.000000e+00> : vector<2000x256xf32>
    %dot_general3A_15 = tpu.matmul %add3A, %get3A_14, %dot_general3A {dimension_numbers = #tpu.dot_dimension_numbers<[1], [0], [0], [1], [0, 0, 1, 1], [], []>, transpose_lhs_hint = false} : vector<2000x128xf32>, vector<128x256xf32>, vector<2000x256xf32> -> vector<2000x256xf32>
    %add3A_16 = arith.addf %get3A_11, %dot_general3A_15 : vector<2000x256xf32>
    %get3A_17 = arith.constant 0 : index
    %get3A_18 = arith.constant 0 : index
    %get3A_19 = vector.load %arg3[%get3A_17, %get3A_18] : memref<2000x128xf32, #tpu.memory_space<vmem>>, vector<2000x128xf32>
    %get3A_20 = arith.constant 128 : index
    %get3A_21 = arith.constant 0 : index
    %get3A_22 = vector.load %arg4[%get3A_20, %get3A_21] : memref<256x256xf32, #tpu.memory_space<vmem>>, vector<128x256xf32>
    %dot_general3A_23 = arith.constant dense<0.000000e+00> : vector<2000x256xf32>
    %dot_general3A_24 = tpu.matmul %get3A_19, %get3A_22, %dot_general3A_23 {dimension_numbers = #tpu.dot_dimension_numbers<[1], [0], [0], [1], [0, 0, 1, 1], [], []>, transpose_lhs_hint = false} : vector<2000x128xf32>, vector<128x256xf32>, vector<2000x256xf32> -> vector<2000x256xf32>
    %add3A_25 = arith.addf %add3A_16, %dot_general3A_24 : vector<2000x256xf32>
    %max3A = arith.constant 0.000000e+00 : f32
    %max3A_26 = vector.broadcast %max3A : f32 to vector<2000x256xf32>
    %max3A_27 = arith.maximumf %add3A_25, %max3A_26 : vector<2000x256xf32>
    %get3A_28 = arith.constant 0 : index
    %get3A_29 = arith.constant 0 : index
    %get3A_30 = vector.load %arg5[%get3A_28, %get3A_29] : memref<256x128xf32, #tpu.memory_space<vmem>>, vector<256x128xf32>
    %dot_general3A_31 = arith.constant dense<0.000000e+00> : vector<2000x128xf32>
    %dot_general3A_32 = tpu.matmul %max3A_27, %get3A_30, %dot_general3A_31 {dimension_numbers = #tpu.dot_dimension_numbers<[1], [0], [0], [1], [0, 0, 1, 1], [], []>, transpose_lhs_hint = false} : vector<2000x256xf32>, vector<256x128xf32>, vector<2000x128xf32> -> vector<2000x128xf32>
    %get3A_33 = arith.constant 0 : index
    %get3A_34 = arith.constant 0 : index
    %get3A_35 = vector.load %arg6[%get3A_33, %get3A_34] : memref<1x128xf32, #tpu.memory_space<vmem>>, vector<1x128xf32>
    %add3A_36 = vector.broadcast %get3A_35 : vector<1x128xf32> to vector<2000x128xf32>
    %add3A_37 = arith.addf %dot_general3A_32, %add3A_36 : vector<2000x128xf32>
    %get3A_38 = arith.constant 0 : index
    %get3A_39 = arith.constant 0 : index
    %get3A_40 = vector.load %arg7[%get3A_38, %get3A_39] : memref<128x256xf32, #tpu.memory_space<vmem>>, vector<128x256xf32>
    %dot_general3A_41 = arith.constant dense<0.000000e+00> : vector<2000x256xf32>
    %dot_general3A_42 = tpu.matmul %add3A_37, %get3A_40, %dot_general3A_41 {dimension_numbers = #tpu.dot_dimension_numbers<[1], [0], [0], [1], [0, 0, 1, 1], [], []>, transpose_lhs_hint = false} : vector<2000x128xf32>, vector<128x256xf32>, vector<2000x256xf32> -> vector<2000x256xf32>
    %get3A_43 = arith.constant 0 : index
    %get3A_44 = arith.constant 0 : index
    %get3A_45 = vector.load %arg8[%get3A_43, %get3A_44] : memref<1x256xf32, #tpu.memory_space<vmem>>, vector<1x256xf32>
    %add3A_46 = vector.broadcast %get3A_45 : vector<1x256xf32> to vector<2000x256xf32>
    %add3A_47 = arith.addf %dot_general3A_42, %add3A_46 : vector<2000x256xf32>
    %max3A_48 = arith.constant 0.000000e+00 : f32
    %max3A_49 = vector.broadcast %max3A_48 : f32 to vector<2000x256xf32>
    %max3A_50 = arith.maximumf %add3A_47, %max3A_49 : vector<2000x256xf32>
    %get3A_51 = arith.constant 0 : index
    %get3A_52 = arith.constant 0 : index
    %get3A_53 = vector.load %arg9[%get3A_51, %get3A_52] : memref<256x128xf32, #tpu.memory_space<vmem>>, vector<256x128xf32>
    %dot_general3A_54 = arith.constant dense<0.000000e+00> : vector<2000x128xf32>
    %dot_general3A_55 = tpu.matmul %max3A_50, %get3A_53, %dot_general3A_54 {dimension_numbers = #tpu.dot_dimension_numbers<[1], [0], [0], [1], [0, 0, 1, 1], [], []>, transpose_lhs_hint = false} : vector<2000x256xf32>, vector<256x128xf32>, vector<2000x128xf32> -> vector<2000x128xf32>
    %get3A_56 = arith.constant 0 : index
    %get3A_57 = arith.constant 0 : index
    %get3A_58 = vector.load %arg10[%get3A_56, %get3A_57] : memref<1x128xf32, #tpu.memory_space<vmem>>, vector<1x128xf32>
    %add3A_59 = vector.broadcast %get3A_58 : vector<1x128xf32> to vector<2000x128xf32>
    %add3A_60 = arith.addf %dot_general3A_55, %add3A_59 : vector<2000x128xf32>
    %swap3A = arith.constant 0 : index
    %swap3A_61 = arith.constant 0 : index
    %swap3A_62 = vector.load %arg11[%swap3A, %swap3A_61] : memref<2000x128xf32, #tpu.memory_space<vmem>>, vector<2000x128xf32>
    tpu.vector_store %arg11[%swap3A, %swap3A_61], %add3A_60 {strides = array<i32>} : memref<2000x128xf32, #tpu.memory_space<vmem>>, vector<2000x128xf32>,
    return
  }
  func.func @transform_0(%arg0: i32) -> (i32, i32) {
    %c0_i32 = arith.constant 0 : i32
    %c0_i32_0 = arith.constant 0 : i32
    return %arg0, %c0_i32 : i32, i32
  }
  func.func @transform_1(%arg0: i32) -> (i32, i32, i32) {
    %c0_i32 = arith.constant 0 : i32
    %c0_i32_0 = arith.constant 0 : i32
    %c0_i32_1 = arith.constant 0 : i32
    return %c0_i32, %arg0, %c0_i32_0 : i32, i32, i32
  }
  func.func @transform_2(%arg0: i32) -> (i32, i32) {
    %c0_i32 = arith.constant 0 : i32
    %c0_i32_0 = arith.constant 0 : i32
    return %arg0, %c0_i32 : i32, i32
  }
  func.func @transform_3(%arg0: i32) -> (i32, i32) {
    %c0_i32 = arith.constant 0 : i32
    %c0_i32_0 = arith.constant 0 : i32
    %c0_i32_1 = arith.constant 0 : i32
    return %c0_i32, %c0_i32_0 : i32, i32
  }
  func.func @transform_4(%arg0: i32) -> (i32, i32) {
    %c0_i32 = arith.constant 0 : i32
    %c0_i32_0 = arith.constant 0 : i32
    %c0_i32_1 = arith.constant 0 : i32
    return %c0_i32, %c0_i32_0 : i32, i32
  }
  func.func @transform_5(%arg0: i32) -> (i32, i32) {
    %c0_i32 = arith.constant 0 : i32
    %c0_i32_0 = arith.constant 0 : i32
    %c0_i32_1 = arith.constant 0 : i32
    return %c0_i32, %c0_i32_0 : i32, i32
  }
  func.func @transform_6(%arg0: i32) -> (i32, i32) {
    %c0_i32 = arith.constant 0 : i32
    %c0_i32_0 = arith.constant 0 : i32
    %c0_i32_1 = arith.constant 0 : i32
    return %c0_i32, %c0_i32_0 : i32, i32
  }
  func.func @transform_7(%arg0: i32) -> (i32, i32) {
    %c0_i32 = arith.constant 0 : i32
    %c0_i32_0 = arith.constant 0 : i32
    %c0_i32_1 = arith.constant 0 : i32
    return %c0_i32, %c0_i32_0 : i32, i32
  }
  func.func @transform_8(%arg0: i32) -> (i32, i32) {
    %c0_i32 = arith.constant 0 : i32
    %c0_i32_0 = arith.constant 0 : i32
    %c0_i32_1 = arith.constant 0 : i32
    return %c0_i32, %c0_i32_0 : i32, i32
  }
  func.func @transform_9(%arg0: i32) -> (i32, i32) {
    %c0_i32 = arith.constant 0 : i32
    %c0_i32_0 = arith.constant 0 : i32
    %c0_i32_1 = arith.constant 0 : i32
    return %c0_i32, %c0_i32_0 : i32, i32
  }
  func.func @transform_10(%arg0: i32) -> (i32, i32) {
    %c0_i32 = arith.constant 0 : i32
    %c0_i32_0 = arith.constant 0 : i32
    return %arg0, %c0_i32 : i32, i32
  }
}

</mosaic_0001>

<sc_bundles>
// kernel: kernel.15.cloned.1.call-start
scs
__scs_entry_jumppad:
0x0: {  	(pc) =	sbr.rel $0x88, $3  }
0x1: {  	(tag) =	ssettag $0x0;
	lr =	simm.s32 $0x1  }
0x2: {  	[smem:$0x3F8D] =	sst lr;
	_ =	strace $0xD0000000  }
0x3: {  	_ = 	snop  }
0x4: {  	_ = 	snop  }
0x5: {  	_ = 	snop  }
0x6: {  	_ = 	snop  }
0x7: {  	_ = 	snop  }
__scs_overlays_trampoline_lowered:
0x8: {  	[smem:$0x3F9C] =	sst s0  }
0x9: {  	[smem:$0x3F9D] =	sst s1  }
0xa: {  	[smem:$0x3F9E] =	sst s2  }
0xb: {  	[smem:$0x3F9F] =	sst s3  }
0xc: {  	[smem:$0x3FA0] =	sst s4  }
0xd: {  	[smem:$0x3FA1] =	sst s5  }
0xe: {  	[smem:$0x3FA2] =	sst s6  }
0xf: {  	[smem:$0x3FA3] =	sst s7  }
0x10: {  	[smem:$0x3FA4] =	sst s8  }
0x11: {  	[smem:$0x3FA5] =	sst s9;
	s0 =	simm.s32 @!p0 $0x0  }
0x12: {  	s1 =	sld [smem:$0x3F8B];
	s0 =	simm.s32 @p0 $0x1  }
0x13: {  	[smem:$0x3FA6] =	sst s0;
	s0 =	simm.s32 @!p1 $0x0  }
0x14: {  	s2 =	sld [smem:$0x3F8A];
	s0 =	simm.s32 @p1 $0x1  }
0x15: {  	[smem:$0x3FA7] =	sst s0;
	s0 =	simm.s32 @!p2 $0x0  }
0x16: {  	s3 =	sld [smem:$0x3FDB];
	s0 =	simm.s32 @p2 $0x1  }
0x17: {  	s4 =	simm.s32 $0x1BF5;
	[smem:$0x3FA9] =	sst s0  }
0x18: {  	s0 =	sld [smem:$0x3F8C];
	_ =	swait.ge [sflag:s4], $0x0  }
0x19: {  	s7 =	sld [smem:$0x3F8D]  }
0x1a: {  	s8 =	sadd.s32 $0xFFFFE003, lr  }
0x1b: {  	s9 =	sadd.s32 $0xFFFFFEF7, lr;
	s5 =	simm.s32 $0xFFFFFFFF;
	p2 =	slt.u32 s8, $0xFFFFF086  }
0x1c: {  	p1 =	slt.u32 s9, $0xF7A;
	s5 =	simm.s32 @!p2 $0x0  }
0x1d: {  	s5 =	simm.s32 @p1 $0x1;
	p0 =	seq.s32 s7, s2  }
0x1e: {  	s7 =	smul.u32 @!p0 $0xF7A, s2;
	p2 =	seq.s32 @!p0 s5, $0x0  }
0x1f: {  	s9 =	smul.u32 $0xF7A, s1;
	s8 =	simm.s32 @!p0 $0x1BF5;
	p2 =	por !p2, p0  }
0x20: {  	[sflag:s8] =	ssyncset.s32 @!p0 $0xFFFFF086;
	s6 =	sadd.s32 @!p0 s3, s7;
	s7 =	simm.s32 @!p0 $0x108  }
0x21: {  	s3 =	sadd.s32 s3, s9;
	s6 =	sadd.s32 @!p0 $0x88, s6;
	s7 =	simm.s32 @p2 $0x1082  }
0x22: {  	[simem:s7], [sflag:s8] =	dma.local @!p0 [hbm:s6], $0xF7A  }
0x23: {  	s9 =	sor.u32 $0xD0000000, s2;
	s6 =	simm.s32 $0x108;
	_ =	swait.ge @!p0 [sflag:s8], $0x0  }
0x24: {  	s3 =	sadd.s32 $0x88, s3;
	s6 =	simm.s32 @!p1 $0x1082;
	[sflag:s4] =	ssyncset.s32 $0xFFFFF086  }
0x25: {  	[simem:s6], [sflag:s4] =	dma.local [hbm:s3], $0xF7A  }
0x26: {  	[smem:$0x3F8D] =	sst s1;
	(tag) =	ssettag s2;
	_ =	strace s9  }
0x27: {  	s1 =	sld [smem:$0x3F9D]  }
0x28: {  	s2 =	sld [smem:$0x3F9E]  }
0x29: {  	s4 =	sld [smem:$0x3FA0]  }
0x2a: {  	p0 =	seq.s32 s5, $0x0;
	s5 =	sld [smem:$0x3FA1]  }
0x2b: {  	s6 =	sld [smem:$0x3FA2]  }
0x2c: {  	s7 =	sld [smem:$0x3FA3]  }
0x2d: {  	s3 =	simm.s32 $0x108;
	s8 =	sld [smem:$0x3FA4]  }
0x2e: {  	s3 =	simm.s32 @!p0 $0x1082;
	s9 =	sld [smem:$0x3FA5]  }
0x2f: {  	lr =	sadd.s32 s0, s3;
	s0 =	sld [smem:$0x3F9C]  }
0x30: {  	s3 =	sld [smem:$0x3F9F]  }
0x31: {  	[smem:$0x3FA8] =	sst s10  }
0x32: {  	s10 =	sld [smem:$0x3FA6];
	_ =	sdelay $0x3  }
0x33: {  	p0 =	seq.s32 s10, $0x1;
	s10 =	sld [smem:$0x3FA8];
	_ =	sdelay $0x3  }
0x34: {  	[smem:$0x3FA8] =	sst s10  }
0x35: {  	s10 =	sld [smem:$0x3FA7];
	_ =	sdelay $0x3  }
0x36: {  	p1 =	seq.s32 s10, $0x1;
	s10 =	sld [smem:$0x3FA8];
	_ =	sdelay $0x3  }
0x37: {  	[smem:$0x3FA8] =	sst s10  }
0x38: {  	s10 =	sld [smem:$0x3FA9]  }
0x39: {  	_ = 	snop;
	(pc) =	sbr.ind lr, $3  }
0x3a: {  	_ = 	snop  }
0x3b: {  	_ = 	snop  }
0x3c: {  	p2 =	seq.s32 s10, $0x1;
	s10 =	sld [smem:$0x3FA8]  }
0x3d: {  	_ =	shalt  }
0x3e: {  	_ =	shalt  }
0x3f: {  	_ =	shalt  }
0x40: {  	_ =	shalt  }
0x41: {  	_ =	shalt  }
0x42: {  	_ =	shalt  }
0x43: {  	_ =	shalt  }
0x44: {  	_ =	shalt  }
0x45: {  	_ =	shalt  }
0x46: {  	_ =	shalt  }
0x47: {  	_ =	shalt  }
0x48: {  	_ =	shalt  }
0x49: {  	_ =	shalt  }
0x4a: {  	_ =	shalt  }
0x4b: {  	_ =	shalt  }
0x4c: {  	_ =	shalt  }
0x4d: {  	_ =	shalt  }
0x4e: {  	_ =	shalt  }
0x4f: {  	_ =	shalt  }
0x50: {  	_ =	shalt  }
0x51: {  	_ =	shalt  }
0x52: {  	_ =	shalt  }
0x53: {  	_ =	shalt  }
0x54: {  	_ =	shalt  }
0x55: {  	_ =	shalt  }
0x56: {  	_ =	shalt  }
0x57: {  	_ =	shalt  }
0x58: {  	_ =	shalt  }
0x59: {  	_ =	shalt  }
0x5a: {  	_ =	shalt  }
0x5b: {  	_ =	shalt  }
0x5c: {  	_ =	shalt  }
0x5d: {  	_ =	shalt  }
0x5e: {  	_ =	shalt  }
0x5f: {  	_ =	shalt  }
0x60: {  	_ =	shalt  }
0x61: {  	_ =	shalt  }
0x62: {  	_ =	shalt  }
0x63: {  	_ =	shalt  }
0x64: {  	_ =	shalt  }
0x65: {  	_ =	shalt  }
0x66: {  	_ =	shalt  }
0x67: {  	_ =	shalt  }
0x68: {  	_ =	shalt  }
0x69: {  	_ =	shalt  }
0x6a: {  	_ =	shalt  }
0x6b: {  	_ =	shalt  }
0x6c: {  	_ =	shalt  }
0x6d: {  	_ =	shalt  }
0x6e: {  	_ =	shalt  }
0x6f: {  	_ =	shalt  }
0x70: {  	_ =	shalt  }
0x71: {  	_ =	shalt  }
0x72: {  	_ =	shalt  }
0x73: {  	_ =	shalt  }
0x74: {  	_ =	shalt  }
0x75: {  	_ =	shalt  }
0x76: {  	_ =	shalt  }
0x77: {  	_ =	shalt  }
0x78: {  	_ =	shalt  }
0x79: {  	_ =	shalt  }
0x7a: {  	_ =	shalt  }
0x7b: {  	_ =	shalt  }
0x7c: {  	_ =	shalt  }
0x7d: {  	_ =	shalt  }
0x7e: {  	_ =	shalt  }
0x7f: {  	_ =	shalt  }
0x80: {  	_ =	shalt  }
0x81: {  	_ =	shalt  }
0x82: {  	_ =	shalt  }
0x83: {  	_ =	shalt  }
0x84: {  	_ =	shalt  }
0x85: {  	_ =	shalt  }
0x86: {  	_ =	shalt  }
0x87: {  	_ =	shalt  }
.Lfunc_end0:
.L_simem_size_0:
called_computation_lowered:
.L_overlay_start_0:
0x88: {  	s2 =	sld [smem:$0x3FD9]  }
0x89: {  	s3 =	sld [smem:$0x3FFE];
	_ =	sdelay $0x1  }
0x8a: {  	s1 =	srdreg.scid  }
0x8b: {  	s0 =	sand.u32 $0x1, s1  }
0x8c: {  	s17 =	sshll.u32 s0, $0xA;
	s2 =	sadd.s32 s3, s2  }
0x8d: {  	s2 =	sadd.s32 s2, s17  }
0x8e: {  	[smem:$0x3FB4] =	sst s2  }
0x8f: {  	_ = 	snop  }
0x90: {  	s2 =	sld [smem:$0x3FC7]  }
0x91: {  	s18 =	sld [smem:$0x3FC6]  }
0x92: {  	s4 =	sld [smem:$0x3FD0];
	(tm) =	ssettm $0x1  }
0x93: {  	s5 =	sld [smem:$0x3FFB];
	_ =	sdelay $0x3  }
0x94: {  	_ =	strace s5  }
0x95: {  	s5 =	sld [smem:$0x3FFC];
	_ =	sdelay $0x3  }
0x96: {  	_ =	strace s5  }
0x97: {  	s5 =	sld [smem:$0x3FFD];
	_ =	sdelay $0x3  }
0x98: {  	_ =	strace s5  }
0x99: {  	_ =	strace $0x8FFFFFFF  }
0x9a: {  	s19 =	sld [smem:$0x3FDB];
	_ =	sdelay $0x1  }
0x9b: {  	s6 =	simm.s32 $_scs_section_size  }
0x9c: {  	s7 =	simm.s32 $_size__tile_overlayer_lowered;
	s8 =	simm.s32 $_tile_overlayer_lowered  }
0x9d: {  	s22 =	simm.s32 $0x1BFF;
	s21 =	sshll.u32 s8, $0x1;
	s5 =	sadd.s32 s6, s19  }
0x9e: {  	s9 =	simm.s32 $0x0;
	s20 =	sshll.u32 s7, $0x1;
	s7 =	sadd.s32 s21, s5  }
0x9f: {  	[timem:s9], [sflag:s22] =	dma.local [hbm:s7], s20  }
0xa0: {  	_ =	swait.ge [sflag:s22], s20  }
0xa1: {  	s6 =	ssub.s32 $0x0, s20;
	[sflag:s22] =	ssyncset.done $0x0  }
0xa2: {  	[sflag:s22] =	ssyncadd.s32 s6;
	_ =	sdelay $0x1  }
0xa3: {  	s23 =	simm.s32 $0x1B8B  }
0xa4: {  	_ =	swait.ge [sflag:s23], $0x1  }
0xa5: {  	[sflag:s23] =	ssyncset.done $0x0  }
0xa6: {  	s25 =	simm.s32 $0x1B8E;
	s24 =	sld [smem:$0x3FFE];
	[sflag:s23] =	ssyncadd.s32 $0xFFFFFFFF  }
0xa7: {  	s26 =	simm.s32 $execute0_lowered;
	[smem:$0x3FD2] =	sst s25  }
0xa8: {  	s7 =	sshll.u32 s26, $0x1;
	_ =	strace $0x80000046;
	[dreg:$0x1] =	wrdreg $0xFFFFFFFF  }
0xa9: {  	s28 =	simm.s32 $_size_execute0_lowered;
	s5 =	sadd.s32 s5, s7;
	[dreg:$0x0] =	wrdreg $0x0  }
0xaa: {  	s7 =	sshll.u32 s28, $0x1;
	[dreg:$0x2] =	wrdreg s5  }
0xab: {  	[dreg:$0x3] =	wrdreg s7  }
0xac: {  	[dreg:$0x4] =	wrdreg $0xC0  }
0xad: {  	_ =	task [dreg:s9], $0x5FFFF  }
0xae: {  	[dreg:$0x1] =	wrdreg $0xFFFFFFFF  }
0xaf: {  	[dreg:$0x0] =	wrdreg $0x60  }
0xb0: {  	[dreg:$0x2] =	wrdreg s4  }
0xb1: {  	[dreg:$0x3] =	wrdreg s24  }
0xb2: {  	[dreg:$0x4] =	wrdreg s2  }
0xb3: {  	[dreg:$0x5] =	wrdreg s18  }
0xb4: {  	[dreg:$0x6] =	wrdreg $0x9  }
0xb5: {  	_ =	task.clear_ibuf [dreg:s9], $0x7FFFF;
	_ =	strace $0x90000046  }
0xb6: {  	s29 =	simm.s32 $0x9;
	_ =	strace $0x80000048  }
0xb7: {  	_ =	swait.ge [sflag:s29], $0x1  }
0xb8: {  	[sflag:s29] =	ssyncadd.s32 $0xFFFFFFFF  }
0xb9: {  	_ =	strace $0x90000048  }
0xba: {  	_ =	sfence  }
0xbb: {  	s30 =	sld [smem:$0x0];
	_ =	sdelay $0x2  }
0xbc: {  	s31 =	sshll.u32 s1, $0xD;
	s1 =	sshrl.u32 s1, $0x2  }
0xbd: {  	s3 =	sand.u32 $0x4000, s31;
	s1 =	sadd.s32 s1, s30  }
0xbe: {  	s0 =	sor.u32 s3, s0;
	s1 =	sshll.u32 s1, $0x11  }
0xbf: {  	s0 =	sor.u32 s1, s0  }
0xc0: {  	s0 =	sadd.s32 $0x8F2B, s0  }
0xc1: {  	[sflag:s0] =	ssyncadd.remote.s32 $0x1  }
0xc2: {  	_ =	sfence.sel $0xFFFF  }
0xc3: {  	[dreg:$0x0] =	wrdreg $0xFFFFFFFF;
	(pc) =	sbr.abs _section_cstart, $3  }
0xc4: {  	[dreg:$0x1] =	wrdreg $0xFFFFFFFF  }
0xc5: {  	_ =	task.clear_ibuf [dreg:s9], $0x2FFFF;
	_ =	strace $0x9FFFFFFF  }
0xc6: {  	(tm) =	ssettm $0x7FFFFFFF  }
0xc7: {  	_ =	shalt  }
tec
execute0_lowered:
.L_overlay_start_1:
0x0: {  	(tag) =	ssettag $0x1  }
0x1: {  	s1 =	rddreg [dreg:$0x0]  }
0x2: {  	s0 =	rddreg [dreg:$0x1]  }
0x3: {  	s8 =	rddreg [dreg:$0x2]  }
0x4: {  	s9 =	rddreg [dreg:$0x3]  }
0x5: {  	s3 =	simm.s32 $0x0;
	s4 =	srdreg.scid;
	s2 =	stileid.u32  }
0x6: {  	s15 =	simm.s32 $0x2800;
	s16 =	simm.s32 $0x8C00;
	s17 =	simm.s32 $0x3  }
0x7: {  	s18 =	simm.s32 $0xC8;
	s19 =	simm.s32 $0x2;
	s20 =	simm.s32 $0xF000  }
0x8: {  	s21 =	simm.s32 $0x15400;
	s22 =	simm.s32 $0x1;
	s23 =	simm.s32 $0x4  }
0x9: {  	s24 =	simm.s32 $0x0;
	[smem:$0x7FF] =	sst s3;
	s10 =	sand.u32 $0x1, s4  }
0xa: {  	s29 =	sshll.u32 s2, $0x1;
	s5 =	sadd.s32 $0x57A00, s0;
	s13 =	smul.u32 $0x27100, s2  }
0xb: {  	s7 =	sadd.s32 $0x7EC00, s0;
	_ =	strace $0x80000047;
	s14 =	smul.u32 $0x13880, s10  }
.Ltmp0:
0xc: {  	s4 =	sor.u32 s10, s29;
	s11 =	ssub.s32 $0x2, s10;
	(pc) =	sbr.rel .LBB2_1-.Ltmp0, $4  }
0xd: {  	s10 =	sadd.s32 $0x2EFC00, s0;
	s6 =	smul.u32 $0x1388, s4;
	s12 =	sshrl.u32 s11, $0x1  }
0xe: {  	s31 =	sadd.s32 s13, s7;
	s13 =	simm.s32 $0x5;
	s11 =	ssub.s32 s11, s12  }
0xf: {  	s12 =	sadd.s32 s14, s31;
	s14 =	simm.s32 $0x1400;
	s30 =	sshrl.u32 s6, $0x3  }
0x10: {  	s11 =	smax.u32 s11, $0x1;
	s8 =	sadd.s32 s8, s30;
	s9 =	sadd.s32 s9, s30  }
.LBB2_10:
0x11: {  	_ =	swait.ge [sflag:s22], $0x6400  }
0x12: {  	[sflag:s22] =	ssyncset.done $0x0  }
0x13: {  	s0 =	smul.u32 $0x13880, s4;
	[sflag:s22] =	ssyncadd.s32 $0xFFFF9C00  }
0x14: {  	_ =	swait.ge [sflag:s22], $0x6400  }
0x15: {  	s0 =	sadd.s32 $0x12C00, s0;
	[sflag:s22] =	ssyncset.done $0x0  }
0x16: {  	s2 =	sadd.s32 s7, s0;
	[sflag:s22] =	ssyncadd.s32 $0xFFFF9C00  }
0x17: {  	[hbm4b:s2+s3] =	stream.linear.scatter [tilespmem:s15], [sflag:$0x3], $0x6400, $0x38;
	[tilespmem:$0x1B800] =	vst v63  }
0x18: {  	s0 =	sadd.s32 s0, s10  }
0x19: {  	[hbm4b:s0+s3] =	stream.linear.scatter [tilespmem:s16], [sflag:$0x3], $0x6400, $0x38;
	[tilespmem:$0x1B800] =	vst v63  }
0x1a: {  	_ =	swait.ge [sflag:s17], $0x6400  }
0x1b: {  	[sflag:s17] =	ssyncset.done $0x0  }
0x1c: {  	[sflag:s17] =	ssyncadd.s32 $0xFFFF9C00  }
0x1d: {  	_ =	swait.ge [sflag:s17], $0x6400  }
0x1e: {  	[sflag:s17] =	ssyncset.done $0x0  }
0x1f: {  	s24 =	sadd.s32 $0x1, s24;
	[sflag:s17] =	ssyncadd.s32 $0xFFFF9C00  }
0x20: {  	p0 =	sne.s32 s24, s11;
	_ =	swait.ge [sflag:s23], $0x6400  }
.Ltmp1:
0x21: {  	[sflag:s23] =	ssyncset.done $0x0;
	(pc) =	sbr.rel @!p0 .LBB2_11-.Ltmp1, $4  }
0x22: {  	[sflag:s23] =	ssyncadd.s32 $0xFFFF9C00  }
0x23: {  	_ =	swait.ge [sflag:s23], $0x6400  }
0x24: {  	[sflag:s23] =	ssyncset.done $0x0  }
0x25: {  	[sflag:s23] =	ssyncadd.s32 $0xFFFF9C00  }
.LBB2_1:
0x26: {  	[tilespmem:s3], [sflag:$0x5] =	stream.linear.gather [hbm4b:s8+s3], $0x1388, $0x38;
	[tilespmem:$0x1B800] =	vst v63  }
0x27: {  	_ =	swait.ge [sflag:s13], $0x1388  }
0x28: {  	[sflag:s13] =	ssyncset.done $0x0  }
0x29: {  	[sflag:s13] =	ssyncadd.s32 $0xFFFFEC78  }
0x2a: {  	[tilespmem:s14], [sflag:$0x5] =	stream.linear.gather [hbm4b:s9+s3], $0x1388, $0x38;
	[tilespmem:$0x1B800] =	vst v63  }
0x2b: {  	_ =	swait.ge [sflag:s13], $0x1388  }
.Ltmp2:
0x2c: {  	[sflag:s13] =	ssyncset.done $0x0;
	(pc) =	sbr.rel .LBB2_2-.Ltmp2, $4  }
0x2d: {  	s25 =	simm.s32 $0x14C8;
	s26 =	simm.s32 $0x0;
	[sflag:s13] =	ssyncadd.s32 $0xFFFFEC78  }
0x2e: {  	[tilespmem:s15], [sflag:$0x1] =	stream.indirect.gather [hbm4b:s1+s18], $0x80, s3, s18, $0xb8;
	[tilespmem:$0x1B800] =	vst v63  }
0x2f: {  	s28 =	simm.s32 $0xC8;
	s29 =	simm.s32 $0x0;
	s30 =	simm.s32 $0x0  }
0x30: {  	[tilespmem:s16], [sflag:$0x1] =	stream.indirect.gather [hbm4b:s5+s18], $0x80, s14, s18, $0xb8;
	[tilespmem:$0x1B800] =	vst v63  }
.LBB2_8:
0x31: {  	_ =	swait.ge [sflag:s17], $0x6400  }
0x32: {  	[sflag:s17] =	ssyncset.done $0x0  }
0x33: {  	[sflag:s17] =	ssyncadd.s32 $0xFFFF9C00  }
0x34: {  	_ =	swait.ge [sflag:s17], $0x6400  }
0x35: {  	[sflag:s17] =	ssyncset.done $0x0  }
0x36: {  	[sflag:s17] =	ssyncadd.s32 $0xFFFF9C00  }
0x37: {  	[tilespmem:s15], [sflag:$0x1] =	stream.indirect.gather [hbm4b:s1+s18], $0x80, s28, s18, $0xb8;
	[tilespmem:$0x1B800] =	vst v63  }
0x38: {  	_ = 	snop  }
0x39: {  	[tilespmem:s16], [sflag:$0x1] =	stream.indirect.gather [hbm4b:s5+s18], $0x80, s25, s18, $0xb8;
	[tilespmem:$0x1B800] =	vst v63  }
0x3a: {  	_ =	swait.ge [sflag:s19], $0x6400  }
0x3b: {  	[sflag:s19] =	ssyncset.done $0x0  }
0x3c: {  	[sflag:s19] =	ssyncadd.s32 $0xFFFF9C00  }
0x3d: {  	_ =	swait.ge [sflag:s19], $0x6400  }
0x3e: {  	[sflag:s19] =	ssyncset.done $0x0  }
0x3f: {  	s0 =	sadd.s32 s29, s12;
	[sflag:s19] =	ssyncadd.s32 $0xFFFF9C00  }
0x40: {  	[hbm4b:s0+s3] =	stream.linear.scatter [tilespmem:s20], [sflag:$0x4], $0x6400, $0x38;
	[tilespmem:$0x1B800] =	vst v63  }
0x41: {  	s0 =	sadd.s32 $0x271000, s0  }
0x42: {  	[hbm4b:s0+s3] =	stream.linear.scatter [tilespmem:s21], [sflag:$0x4], $0x6400, $0x38;
	[tilespmem:$0x1B800] =	vst v63  }
.LBB2_9:
0x43: {  	s29 =	sadd.s32 $0xC80, s29  }
0x44: {  	p0 =	sne.s32 s29, $0x12C00  }
.Ltmp3:
0x45: {  	_ = 	snop;
	(pc) =	sbr.rel @!p0 .LBB2_10-.Ltmp3, $3  }
0x46: {  	_ =	sdelay $0x1  }
0x47: {  	s30 =	sadd.s32 $0x1, s30  }
0x48: {  	s28 =	sadd.s32 $0xC8, s28;
	s25 =	sadd.s32 $0xC8, s25;
	s26 =	sadd.s32 $0xC8, s26  }
.LBB2_2:
0x49: {  	s31 =	sand.u32 $0x1, s30  }
0x4a: {  	p0 =	seq.s32 s31, $0x1  }
.Ltmp4:
0x4b: {  	_ = 	snop;
	(pc) =	sbr.rel @p0 .LBB2_8-.Ltmp4, $1  }
0x4c: {  	_ =	sdelay $0x3  }
0x4d: {  	p0 =	seq.s32 s30, $0x0  }
.Ltmp5:
0x4e: {  	_ = 	snop;
	(pc) =	sbr.rel @p0 .LBB2_6-.Ltmp5, $1  }
0x4f: {  	_ =	sdelay $0x3  }
0x50: {  	p0 =	seq.s32 s30, $0x18  }
.Ltmp6:
0x51: {  	_ = 	snop;
	(pc) =	sbr.rel @p0 .LBB2_7-.Ltmp6, $2  }
0x52: {  	_ =	sdelay $0x2  }
0x53: {  	s0 =	simm.s32 $0x12C0  }
0x54: {  	_ =	swait.ge [sflag:s23], $0x6400  }
0x55: {  	[sflag:s23] =	ssyncset.done $0x0  }
0x56: {  	[sflag:s23] =	ssyncadd.s32 $0xFFFF9C00  }
0x57: {  	_ =	swait.ge [sflag:s23], $0x6400  }
0x58: {  	[sflag:s23] =	ssyncset.done $0x0  }
0x59: {  	[sflag:s23] =	ssyncadd.s32 $0xFFFF9C00  }
.LBB2_6:
0x5a: {  	[tilespmem:s20], [sflag:$0x2] =	stream.indirect.gather [hbm4b:s1+s18], $0x80, s28, s18, $0xb8;
	[tilespmem:$0x1B800] =	vst v63  }
0x5b: {  	s0 =	smov.u32 s26  }
0x5c: {  	[tilespmem:s21], [sflag:$0x2] =	stream.indirect.gather [hbm4b:s5+s18], $0x80, s25, s18, $0xb8;
	[tilespmem:$0x1B800] =	vst v63  }
.LBB2_7:
0x5d: {  	_ =	swait.ge [sflag:s22], $0x6400  }
0x5e: {  	[sflag:s22] =	ssyncset.done $0x0  }
0x5f: {  	[sflag:s22] =	ssyncadd.s32 $0xFFFF9C00  }
0x60: {  	s0 =	sadd.s32 s6, s0;
	p0 =	seq.s32 s31, $0x0;
	_ =	swait.ge [sflag:s22], $0x6400  }
.Ltmp7:
0x61: {  	s0 =	sshll.u32 s0, $0x4;
	[sflag:s22] =	ssyncset.done $0x0;
	(pc) =	sbr.rel @p0 .LBB2_9-.Ltmp7, $4  }
.Ltmp8:
0x62: {  	s2 =	sadd.s32 s7, s0;
	[sflag:s22] =	ssyncadd.s32 $0xFFFF9C00;
	(pc) =	sbr.rel @!p0 .LBB2_8-.Ltmp8, $4  }
0x63: {  	[hbm4b:s2+s3] =	stream.linear.scatter [tilespmem:s15], [sflag:$0x3], $0x6400, $0x38;
	[tilespmem:$0x1B800] =	vst v63  }
0x64: {  	s0 =	sadd.s32 s0, s10  }
0x65: {  	[hbm4b:s0+s3] =	stream.linear.scatter [tilespmem:s16], [sflag:$0x3], $0x6400, $0x38;
	[tilespmem:$0x1B800] =	vst v63  }
0x66: {  	_ = 	snop  }
.LBB2_11:
0x67: {  	_ =	sfence.sel $0x180000  }
0x68: {  	[bflag:$0x0] =	sbarrier.arrive $0xFFFF  }
0x69: {  	_ =	strace $0x90000047  }
0x6a: {  	s0 =	stileid.u32;
	[bflag:$0x2] =	sbarrier.arrive $0xFFFF  }
0x6b: {  	p0 =	sne.s32 s0, $0x0;
	s0 =	rddreg [dreg:$0x4]  }
0x6c: {  	s0 =	sadd.s32 @!p0 $0x100000, s0  }
0x6d: {  	[sflag:s0] =	ssyncadd.tile.s32 @!p0 $0x1;
	_ =	shalt  }
.Lfunc_end2:
_tile_overlayer_lowered:
.L_overlay_start_2:
0x6e: {  	(tag) =	ssettag $0x2  }
0x6f: {  	s0 =	rddreg [dreg:$0x0];
	s2 =	stileid.u32  }
0x70: {  	s1 =	rddreg [dreg:$0x1];
	p0 =	sne.s32 s2, $0x0  }
0x71: {  	s3 =	rddreg [dreg:$0x2];
	[bflag:$0x3] =	sbarrier.arrive $0xFFFF;
	s2 =	simm.s32 @!p0 $0x1C05  }
0x72: {  	[timem:s3], [sflag:s2] =	dma.local @!p0 [hbm:s0], s1  }
0x73: {  	s0 =	simm.s32 @!p0 $0x5  }
0x74: {  	_ =	swait.ge @!p0 [sflag:s0], s1  }
0x75: {  	s1 =	ssub.s32 @!p0 $0x0, s1;
	[sflag:s0] =	ssyncset.done @!p0 $0x0  }
0x76: {  	[sflag:s0] =	ssyncadd.s32 @!p0 s1  }
0x77: {  	[bflag:$0x3] =	sbarrier.arrive $0xFFFF  }
0x78: {  	_ =	shalt  }

// kernel: kernel.18.cloned.1.call-start
scs
__scs_entry_jumppad:
0x0: {  	(pc) =	sbr.rel $0x88, $3  }
0x1: {  	(tag) =	ssettag $0x0;
	lr =	simm.s32 $0x1  }
0x2: {  	[smem:$0x3F8D] =	sst lr;
	_ =	strace $0xD0000000  }
0x3: {  	_ = 	snop  }
0x4: {  	_ = 	snop  }
0x5: {  	_ = 	snop  }
0x6: {  	_ = 	snop  }
0x7: {  	_ = 	snop  }
__scs_overlays_trampoline_lowered:
0x8: {  	[smem:$0x3F9C] =	sst s0  }
0x9: {  	[smem:$0x3F9D] =	sst s1  }
0xa: {  	[smem:$0x3F9E] =	sst s2  }
0xb: {  	[smem:$0x3F9F] =	sst s3  }
0xc: {  	[smem:$0x3FA0] =	sst s4  }
0xd: {  	[smem:$0x3FA1] =	sst s5  }
0xe: {  	[smem:$0x3FA2] =	sst s6  }
0xf: {  	[smem:$0x3FA3] =	sst s7  }
0x10: {  	[smem:$0x3FA4] =	sst s8  }
0x11: {  	[smem:$0x3FA5] =	sst s9;
	s0 =	simm.s32 @!p0 $0x0  }
0x12: {  	s1 =	sld [smem:$0x3F8B];
	s0 =	simm.s32 @p0 $0x1  }
0x13: {  	[smem:$0x3FA6] =	sst s0;
	s0 =	simm.s32 @!p1 $0x0  }
0x14: {  	s2 =	sld [smem:$0x3F8A];
	s0 =	simm.s32 @p1 $0x1  }
0x15: {  	[smem:$0x3FA7] =	sst s0;
	s0 =	simm.s32 @!p2 $0x0  }
0x16: {  	s3 =	sld [smem:$0x3FDB];
	s0 =	simm.s32 @p2 $0x1  }
0x17: {  	s4 =	simm.s32 $0x1BF5;
	[smem:$0x3FA9] =	sst s0  }
0x18: {  	s0 =	sld [smem:$0x3F8C];
	_ =	swait.ge [sflag:s4], $0x0  }
0x19: {  	s7 =	sld [smem:$0x3F8D]  }
0x1a: {  	s8 =	sadd.s32 $0xFFFFE003, lr  }
0x1b: {  	s9 =	sadd.s32 $0xFFFFFEF7, lr;
	s5 =	simm.s32 $0xFFFFFFFF;
	p2 =	slt.u32 s8, $0xFFFFF086  }
0x1c: {  	p1 =	slt.u32 s9, $0xF7A;
	s5 =	simm.s32 @!p2 $0x0  }
0x1d: {  	s5 =	simm.s32 @p1 $0x1;
	p0 =	seq.s32 s7, s2  }
0x1e: {  	s7 =	smul.u32 @!p0 $0xF7A, s2;
	p2 =	seq.s32 @!p0 s5, $0x0  }
0x1f: {  	s9 =	smul.u32 $0xF7A, s1;
	s8 =	simm.s32 @!p0 $0x1BF5;
	p2 =	por !p2, p0  }
0x20: {  	[sflag:s8] =	ssyncset.s32 @!p0 $0xFFFFF086;
	s6 =	sadd.s32 @!p0 s3, s7;
	s7 =	simm.s32 @!p0 $0x108  }
0x21: {  	s3 =	sadd.s32 s3, s9;
	s6 =	sadd.s32 @!p0 $0x88, s6;
	s7 =	simm.s32 @p2 $0x1082  }
0x22: {  	[simem:s7], [sflag:s8] =	dma.local @!p0 [hbm:s6], $0xF7A  }
0x23: {  	s9 =	sor.u32 $0xD0000000, s2;
	s6 =	simm.s32 $0x108;
	_ =	swait.ge @!p0 [sflag:s8], $0x0  }
0x24: {  	s3 =	sadd.s32 $0x88, s3;
	s6 =	simm.s32 @!p1 $0x1082;
	[sflag:s4] =	ssyncset.s32 $0xFFFFF086  }
0x25: {  	[simem:s6], [sflag:s4] =	dma.local [hbm:s3], $0xF7A  }
0x26: {  	[smem:$0x3F8D] =	sst s1;
	(tag) =	ssettag s2;
	_ =	strace s9  }
0x27: {  	s1 =	sld [smem:$0x3F9D]  }
0x28: {  	s2 =	sld [smem:$0x3F9E]  }
0x29: {  	s4 =	sld [smem:$0x3FA0]  }
0x2a: {  	p0 =	seq.s32 s5, $0x0;
	s5 =	sld [smem:$0x3FA1]  }
0x2b: {  	s6 =	sld [smem:$0x3FA2]  }
0x2c: {  	s7 =	sld [smem:$0x3FA3]  }
0x2d: {  	s3 =	simm.s32 $0x108;
	s8 =	sld [smem:$0x3FA4]  }
0x2e: {  	s3 =	simm.s32 @!p0 $0x1082;
	s9 =	sld [smem:$0x3FA5]  }
0x2f: {  	lr =	sadd.s32 s0, s3;
	s0 =	sld [smem:$0x3F9C]  }
0x30: {  	s3 =	sld [smem:$0x3F9F]  }
0x31: {  	[smem:$0x3FA8] =	sst s10  }
0x32: {  	s10 =	sld [smem:$0x3FA6];
	_ =	sdelay $0x3  }
0x33: {  	p0 =	seq.s32 s10, $0x1;
	s10 =	sld [smem:$0x3FA8];
	_ =	sdelay $0x3  }
0x34: {  	[smem:$0x3FA8] =	sst s10  }
0x35: {  	s10 =	sld [smem:$0x3FA7];
	_ =	sdelay $0x3  }
0x36: {  	p1 =	seq.s32 s10, $0x1;
	s10 =	sld [smem:$0x3FA8];
	_ =	sdelay $0x3  }
0x37: {  	[smem:$0x3FA8] =	sst s10  }
0x38: {  	s10 =	sld [smem:$0x3FA9]  }
0x39: {  	_ = 	snop;
	(pc) =	sbr.ind lr, $3  }
0x3a: {  	_ = 	snop  }
0x3b: {  	_ = 	snop  }
0x3c: {  	p2 =	seq.s32 s10, $0x1;
	s10 =	sld [smem:$0x3FA8]  }
0x3d: {  	_ =	shalt  }
0x3e: {  	_ =	shalt  }
0x3f: {  	_ =	shalt  }
0x40: {  	_ =	shalt  }
0x41: {  	_ =	shalt  }
0x42: {  	_ =	shalt  }
0x43: {  	_ =	shalt  }
0x44: {  	_ =	shalt  }
0x45: {  	_ =	shalt  }
0x46: {  	_ =	shalt  }
0x47: {  	_ =	shalt  }
0x48: {  	_ =	shalt  }
0x49: {  	_ =	shalt  }
0x4a: {  	_ =	shalt  }
0x4b: {  	_ =	shalt  }
0x4c: {  	_ =	shalt  }
0x4d: {  	_ =	shalt  }
0x4e: {  	_ =	shalt  }
0x4f: {  	_ =	shalt  }
0x50: {  	_ =	shalt  }
0x51: {  	_ =	shalt  }
0x52: {  	_ =	shalt  }
0x53: {  	_ =	shalt  }
0x54: {  	_ =	shalt  }
0x55: {  	_ =	shalt  }
0x56: {  	_ =	shalt  }
0x57: {  	_ =	shalt  }
0x58: {  	_ =	shalt  }
0x59: {  	_ =	shalt  }
0x5a: {  	_ =	shalt  }
0x5b: {  	_ =	shalt  }
0x5c: {  	_ =	shalt  }
0x5d: {  	_ =	shalt  }
0x5e: {  	_ =	shalt  }
0x5f: {  	_ =	shalt  }
0x60: {  	_ =	shalt  }
0x61: {  	_ =	shalt  }
0x62: {  	_ =	shalt  }
0x63: {  	_ =	shalt  }
0x64: {  	_ =	shalt  }
0x65: {  	_ =	shalt  }
0x66: {  	_ =	shalt  }
0x67: {  	_ =	shalt  }
0x68: {  	_ =	shalt  }
0x69: {  	_ =	shalt  }
0x6a: {  	_ =	shalt  }
0x6b: {  	_ =	shalt  }
0x6c: {  	_ =	shalt  }
0x6d: {  	_ =	shalt  }
0x6e: {  	_ =	shalt  }
0x6f: {  	_ =	shalt  }
0x70: {  	_ =	shalt  }
0x71: {  	_ =	shalt  }
0x72: {  	_ =	shalt  }
0x73: {  	_ =	shalt  }
0x74: {  	_ =	shalt  }
0x75: {  	_ =	shalt  }
0x76: {  	_ =	shalt  }
0x77: {  	_ =	shalt  }
0x78: {  	_ =	shalt  }
0x79: {  	_ =	shalt  }
0x7a: {  	_ =	shalt  }
0x7b: {  	_ =	shalt  }
0x7c: {  	_ =	shalt  }
0x7d: {  	_ =	shalt  }
0x7e: {  	_ =	shalt  }
0x7f: {  	_ =	shalt  }
0x80: {  	_ =	shalt  }
0x81: {  	_ =	shalt  }
0x82: {  	_ =	shalt  }
0x83: {  	_ =	shalt  }
0x84: {  	_ =	shalt  }
0x85: {  	_ =	shalt  }
0x86: {  	_ =	shalt  }
0x87: {  	_ =	shalt  }
.Lfunc_end0:
.L_simem_size_0:
called_computation.1_lowered:
.L_overlay_start_0:
0x88: {  	s2 =	sld [smem:$0x3FD9]  }
0x89: {  	s3 =	sld [smem:$0x3FFE];
	_ =	sdelay $0x1  }
0x8a: {  	s1 =	srdreg.scid  }
0x8b: {  	s0 =	sand.u32 $0x1, s1  }
0x8c: {  	s17 =	sshll.u32 s0, $0xA;
	s2 =	sadd.s32 s3, s2  }
0x8d: {  	s2 =	sadd.s32 s2, s17  }
0x8e: {  	[smem:$0x3FB4] =	sst s2  }
0x8f: {  	_ = 	snop  }
0x90: {  	s2 =	sld [smem:$0x3FC6]  }
0x91: {  	s18 =	sld [smem:$0x3FD0];
	(tm) =	ssettm $0x1  }
0x92: {  	s4 =	sld [smem:$0x3FFB];
	_ =	sdelay $0x3  }
0x93: {  	_ =	strace s4  }
0x94: {  	s4 =	sld [smem:$0x3FFC];
	_ =	sdelay $0x3  }
0x95: {  	_ =	strace s4  }
0x96: {  	s4 =	sld [smem:$0x3FFD];
	_ =	sdelay $0x3  }
0x97: {  	_ =	strace s4  }
0x98: {  	_ =	strace $0x8FFFFFFF  }
0x99: {  	s19 =	sld [smem:$0x3FDB];
	_ =	sdelay $0x1  }
0x9a: {  	s5 =	simm.s32 $_scs_section_size  }
0x9b: {  	s6 =	simm.s32 $_size__tile_overlayer_lowered;
	s7 =	simm.s32 $_tile_overlayer_lowered  }
0x9c: {  	s22 =	simm.s32 $0x1BFF;
	s21 =	sshll.u32 s7, $0x1;
	s4 =	sadd.s32 s5, s19  }
0x9d: {  	s8 =	simm.s32 $0x0;
	s20 =	sshll.u32 s6, $0x1;
	s6 =	sadd.s32 s21, s4  }
0x9e: {  	[timem:s8], [sflag:s22] =	dma.local [hbm:s6], s20  }
0x9f: {  	_ =	swait.ge [sflag:s22], s20  }
0xa0: {  	s5 =	ssub.s32 $0x0, s20;
	[sflag:s22] =	ssyncset.done $0x0  }
0xa1: {  	[sflag:s22] =	ssyncadd.s32 s5;
	_ =	sdelay $0x1  }
0xa2: {  	s23 =	simm.s32 $0x1B8B  }
0xa3: {  	_ =	swait.ge [sflag:s23], $0x1  }
0xa4: {  	[sflag:s23] =	ssyncset.done $0x0  }
0xa5: {  	s25 =	simm.s32 $0x1B8E;
	s24 =	sld [smem:$0x3FFE];
	[sflag:s23] =	ssyncadd.s32 $0xFFFFFFFF  }
0xa6: {  	s26 =	simm.s32 $execute0_lowered;
	[smem:$0x3FD2] =	sst s25  }
0xa7: {  	s6 =	sshll.u32 s26, $0x1;
	_ =	strace $0x80000049;
	[dreg:$0x1] =	wrdreg $0xFFFFFFFF  }
0xa8: {  	s28 =	simm.s32 $_size_execute0_lowered;
	s4 =	sadd.s32 s4, s6;
	[dreg:$0x0] =	wrdreg $0x0  }
0xa9: {  	s6 =	sshll.u32 s28, $0x1;
	[dreg:$0x2] =	wrdreg s4  }
0xaa: {  	[dreg:$0x3] =	wrdreg s6  }
0xab: {  	[dreg:$0x4] =	wrdreg $0xC0  }
0xac: {  	_ =	task [dreg:s8], $0x5FFFF  }
0xad: {  	[dreg:$0x1] =	wrdreg $0xFFFFFFFF  }
0xae: {  	[dreg:$0x0] =	wrdreg $0x60  }
0xaf: {  	[dreg:$0x2] =	wrdreg s24  }
0xb0: {  	[dreg:$0x3] =	wrdreg s2  }
0xb1: {  	[dreg:$0x4] =	wrdreg s18  }
0xb2: {  	[dreg:$0x5] =	wrdreg $0x29000  }
0xb3: {  	[dreg:$0x6] =	wrdreg $0x9  }
0xb4: {  	_ =	task.clear_ibuf [dreg:s8], $0x7FFFF;
	_ =	strace $0x90000049  }
0xb5: {  	s29 =	simm.s32 $0x9;
	_ =	strace $0x8000004B  }
0xb6: {  	_ =	swait.ge [sflag:s29], $0x1  }
0xb7: {  	[sflag:s29] =	ssyncadd.s32 $0xFFFFFFFF  }
0xb8: {  	_ =	strace $0x9000004B  }
0xb9: {  	_ =	sfence  }
0xba: {  	s30 =	sld [smem:$0x0];
	_ =	sdelay $0x2  }
0xbb: {  	s31 =	sshll.u32 s1, $0xD;
	s1 =	sshrl.u32 s1, $0x2  }
0xbc: {  	s3 =	sand.u32 $0x4000, s31;
	s1 =	sadd.s32 s1, s30  }
0xbd: {  	s0 =	sor.u32 s3, s0;
	s1 =	sshll.u32 s1, $0x11  }
0xbe: {  	s0 =	sor.u32 s1, s0  }
0xbf: {  	s0 =	sadd.s32 $0x8F2B, s0  }
0xc0: {  	[sflag:s0] =	ssyncadd.remote.s32 $0x1  }
0xc1: {  	_ =	sfence.sel $0xFFFF  }
0xc2: {  	[dreg:$0x0] =	wrdreg $0xFFFFFFFF;
	(pc) =	sbr.abs _section_cstart, $3  }
0xc3: {  	[dreg:$0x1] =	wrdreg $0xFFFFFFFF  }
0xc4: {  	_ =	task.clear_ibuf [dreg:s8], $0x2FFFF;
	_ =	strace $0x9FFFFFFF  }
0xc5: {  	(tm) =	ssettm $0x7FFFFFFF  }
tec
execute0_lowered:
.L_overlay_start_1:
0x0: {  	(tag) =	ssettag $0x1  }
0x1: {  	s5 =	rddreg [dreg:$0x0]  }
0x2: {  	s1 =	rddreg [dreg:$0x1]  }
0x3: {  	s9 =	rddreg [dreg:$0x2]  }
0x4: {  	s2 =	rddreg [dreg:$0x3];
	s3 =	srdreg.scid  }
0x5: {  	s4 =	simm.s32 $0x0;
	s20 =	simm.s32 $0x2;
	s7 =	sand.u32 $0x1, s3  }
0x6: {  	s21 =	simm.s32 $0x28;
	s3 =	stileid.u32;
	s6 =	smul.u32 $0x13880, s7  }
0x7: {  	s22 =	simm.s32 $0x1480;
	[smem:$0x7FF] =	sst s4;
	s10 =	smul.u32 $0x1388, s3  }
0x8: {  	s11 =	sadd.s32 $0x561400, s5;
	s12 =	sadd.s32 $0x57A00, s5;
	s24 =	smul.u32 $0x4E000, s3  }
0x9: {  	s19 =	sadd.s32 $0x138000, s2;
	_ =	strace $0x8000004A;
	s26 =	smul.u32 $0x13800, s3  }
0xa: {  	s8 =	ssub.s32 $0x2, s7;
	s16 =	sshll.u32 s3, $0x6;
	s17 =	smul.u32 $0x138800, s7  }
0xb: {  	s29 =	smul.u32 $0x13880, s3;
	p0 =	sne.s32 s3, $0xF;
	s23 =	sshrl.u32 s8, $0x1  }
0xc: {  	s13 =	ssub.s32 s8, s23;
	s14 =	sadd.s32 s10, s6;
	s8 =	sshrl.u32 s24, $0x2  }
0xd: {  	s15 =	sshrl.u32 s26, $0x3;
	s10 =	sadd.s32 s26, s17;
	s28 =	sshrl.u32 s17, $0x3  }
0xe: {  	s30 =	sadd.s32 s17, s11;
	s17 =	simm.s32 $0x5;
	s23 =	simm.s32 $0x1500  }
0xf: {  	s24 =	simm.s32 $0x1;
	s26 =	simm.s32 $0x0;
	s25 =	sshrl.u32 s14, $0x3  }
0x10: {  	s6 =	sshll.u32 s14, $0x4;
	s18 =	sadd.s32 s8, s2;
	s7 =	sadd.s32 s9, s15  }
0x11: {  	s8 =	sor.u32 $0x1C05, s16;
	s9 =	sadd.s32 $0x27000, s9;
	s10 =	sshrl.u32 s10, $0x3  }
.Ltmp0:
0x12: {  	s31 =	sadd.s32 s29, s30;
	s14 =	sadd.s32 $0x28, s14;
	(pc) =	sbr.rel .LBB2_1-.Ltmp0, $4  }
0x13: {  	s15 =	simm.s32 $0x80;
	s5 =	sadd.s32 s1, s25;
	s6 =	sadd.s32 s11, s6  }
0x14: {  	s10 =	sadd.s32 s12, s10;
	s12 =	sadd.s32 s12, s28;
	s16 =	sshrl.u32 s18, $0x3  }
0x15: {  	s18 =	sshrl.u32 @!p0 s19, $0x3;
	s19 =	simm.s32 $0x3;
	s25 =	simm.s32 $0x4  }
0x16: {  	s11 =	sadd.s32 $0x27000, s12;
	s12 =	smax.u32 s13, $0x1;
	s13 =	sadd.s32 $0x280, s31  }
.LBB2_10:
0x17: {  	_ =	swait.ge [sflag:s24], $0x28  }
0x18: {  	[sflag:s24] =	ssyncset.done $0x0  }
0x19: {  	[sflag:s24] =	ssyncadd.s32 $0xFFFFFFD8  }
0x1a: {  	_ =	swait.ge [sflag:s24], $0x1400  }
0x1b: {  	[sflag:s24] =	ssyncset.done $0x0  }
0x1c: {  	[sflag:s24] =	ssyncadd.s32 $0xFFFFEC00  }
0x1d: {  	[spmem:s2] =	stream.indirect.scatter.add.f32 [tilespmem:s15], [sflag:$0x3], $0x80, s4, s21, $0xb8;
	[tilespmem:$0x16180] =	vst v63  }
0x1e: {  	_ =	swait.ge [sflag:s19], $0x1400  }
0x1f: {  	[sflag:s19] =	ssyncset.done $0x0  }
0x20: {  	[sflag:s19] =	ssyncadd.s32 $0xFFFFEC00  }
0x21: {  	_ =	swait.ge [sflag:s25], $0x1400  }
0x22: {  	[sflag:s25] =	ssyncset.done $0x0  }
0x23: {  	[sflag:s25] =	ssyncadd.s32 $0xFFFFEC00  }
0x24: {  	[bflag:$0x0] =	sbarrier.arrive $0xFFFF  }
0x25: {  	[hbm:s10], [sflag:s8] =	dma.local [spmem:s16], $0x2700  }
0x26: {  	s26 =	sadd.s32 $0x1, s26;
	_ =	swait.ge [sflag:s17], $0x2700  }
0x27: {  	p1 =	sne.s32 s26, s12;
	[sflag:s17] =	ssyncset.done $0x0  }
.Ltmp1:
0x28: {  	s0 =	simm.s32 @!p0 $0x5;
	[sflag:s17] =	ssyncadd.s32 $0xFFFFD900;
	(pc) =	sbr.rel @!p1 .LBB2_11-.Ltmp1, $4  }
0x29: {  	[hbm:s11], [sflag:s8] =	dma.local @!p0 [spmem:s18], $0x100  }
0x2a: {  	_ =	swait.ge @!p0 [sflag:s0], $0x100  }
0x2b: {  	[sflag:s0] =	ssyncset.done @!p0 $0x0  }
0x2c: {  	[sflag:s0] =	ssyncadd.s32 @!p0 $0xFFFFFF00  }
.LBB2_1:
0x2d: {  	[tilespmem:s4], [sflag:$0x1] =	stream.linear.gather [hbm4b:s5+s4], $0x28, $0x38;
	[tilespmem:$0x16180] =	vst v63  }
0x2e: {  	_ = 	snop  }
0x2f: {  	[tilespmem:s15], [sflag:$0x1] =	stream.linear.gather [hbm4b:s6+s4], $0x1400, $0x38;
	[tilespmem:$0x16180] =	vst v63  }
0x30: {  	[spmem:s16], [sflag:s8] =	dma.local [hbm:s7], $0x2700  }
0x31: {  	_ =	swait.ge [sflag:s17], $0x2700  }
0x32: {  	[sflag:s17] =	ssyncset.done $0x0  }
0x33: {  	s28 =	simm.s32 @!p0 $0x5;
	[sflag:s17] =	ssyncadd.s32 $0xFFFFD900  }
0x34: {  	[spmem:s18], [sflag:s8] =	dma.local @!p0 [hbm:s9], $0x100  }
.Ltmp2:
0x35: {  	_ =	swait.ge @!p0 [sflag:s28], $0x100;
	(pc) =	sbr.rel .LBB2_2-.Ltmp2, $4  }
0x36: {  	[sflag:s28] =	ssyncset.done @!p0 $0x0  }
0x37: {  	[sflag:s28] =	ssyncadd.s32 @!p0 $0xFFFFFF00  }
0x38: {  	[bflag:$0x0] =	sbarrier.arrive $0xFFFF  }
0x39: {  	s29 =	smov.u32 s13;
	s30 =	simm.s32 $0x0;
	s28 =	smov.u32 s14  }
.LBB2_8:
0x3a: {  	_ =	swait.ge [sflag:s19], $0x1400  }
0x3b: {  	s0 =	sshrl.u32 s28, $0x3;
	[sflag:s19] =	ssyncset.done $0x0  }
0x3c: {  	s0 =	sadd.s32 s1, s0;
	[sflag:s19] =	ssyncadd.s32 $0xFFFFEC00  }
0x3d: {  	[tilespmem:s4], [sflag:$0x1] =	stream.linear.gather [hbm4b:s0+s4], $0x28, $0x38;
	[tilespmem:$0x16180] =	vst v63  }
0x3e: {  	_ = 	snop  }
0x3f: {  	[tilespmem:s15], [sflag:$0x1] =	stream.linear.gather [hbm4b:s29+s4], $0x1400, $0x38;
	[tilespmem:$0x16180] =	vst v63  }
0x40: {  	_ =	swait.ge [sflag:s20], $0x28  }
0x41: {  	[sflag:s20] =	ssyncset.done $0x0  }
0x42: {  	[sflag:s20] =	ssyncadd.s32 $0xFFFFFFD8  }
0x43: {  	_ =	swait.ge [sflag:s20], $0x1400  }
0x44: {  	[sflag:s20] =	ssyncset.done $0x0  }
0x45: {  	[sflag:s20] =	ssyncadd.s32 $0xFFFFEC00  }
0x46: {  	[spmem:s2] =	stream.indirect.scatter.add.f32 [tilespmem:s23], [sflag:$0x4], $0x80, s22, s21, $0xb8;
	[tilespmem:$0x16180] =	vst v63  }
.LBB2_9:
0x47: {  	s30 =	sadd.s32 $0x1, s30  }
0x48: {  	p1 =	sne.s32 s30, $0x7C  }
.Ltmp3:
0x49: {  	_ = 	snop;
	(pc) =	sbr.rel @!p1 .LBB2_10-.Ltmp3, $2  }
0x4a: {  	_ =	sdelay $0x2  }
0x4b: {  	s29 =	sadd.s32 $0x280, s29;
	s28 =	sadd.s32 $0x28, s28  }
.LBB2_2:
0x4c: {  	s31 =	sand.u32 $0x1, s30  }
0x4d: {  	p1 =	seq.s32 s31, $0x1  }
.Ltmp4:
0x4e: {  	_ = 	snop;
	(pc) =	sbr.rel @p1 .LBB2_8-.Ltmp4, $1  }
0x4f: {  	_ =	sdelay $0x3  }
0x50: {  	p1 =	seq.s32 s30, $0x0  }
.Ltmp5:
0x51: {  	_ = 	snop;
	(pc) =	sbr.rel @p1 .LBB2_6-.Ltmp5, $1  }
0x52: {  	_ =	sdelay $0x3  }
0x53: {  	p1 =	seq.s32 s30, $0x7C  }
.Ltmp6:
0x54: {  	_ = 	snop;
	(pc) =	sbr.rel @p1 .LBB2_7-.Ltmp6, $1  }
0x55: {  	_ =	sdelay $0x3  }
0x56: {  	_ =	swait.ge [sflag:s25], $0x1400  }
0x57: {  	[sflag:s25] =	ssyncset.done $0x0  }
0x58: {  	[sflag:s25] =	ssyncadd.s32 $0xFFFFEC00  }
.LBB2_6:
0x59: {  	s0 =	sshrl.u32 s28, $0x3  }
0x5a: {  	s0 =	sadd.s32 s1, s0  }
0x5b: {  	[tilespmem:s22], [sflag:$0x2] =	stream.linear.gather [hbm4b:s0+s4], $0x28, $0x38;
	[tilespmem:$0x16180] =	vst v63  }
0x5c: {  	_ = 	snop  }
0x5d: {  	[tilespmem:s23], [sflag:$0x2] =	stream.linear.gather [hbm4b:s29+s4], $0x1400, $0x38;
	[tilespmem:$0x16180] =	vst v63  }
.LBB2_7:
0x5e: {  	_ =	swait.ge [sflag:s24], $0x28  }
0x5f: {  	p1 =	seq.s32 s31, $0x0;
	[sflag:s24] =	ssyncset.done $0x0  }
.Ltmp7:
0x60: {  	[sflag:s24] =	ssyncadd.s32 $0xFFFFFFD8;
	(pc) =	sbr.rel @p1 .LBB2_9-.Ltmp7, $4  }
.Ltmp8:
0x61: {  	_ =	swait.ge [sflag:s24], $0x1400;
	(pc) =	sbr.rel @!p1 .LBB2_8-.Ltmp8, $4  }
0x62: {  	[sflag:s24] =	ssyncset.done $0x0  }
0x63: {  	[sflag:s24] =	ssyncadd.s32 $0xFFFFEC00  }
0x64: {  	[spmem:s2] =	stream.indirect.scatter.add.f32 [tilespmem:s15], [sflag:$0x3], $0x80, s4, s21, $0xb8;
	[tilespmem:$0x16180] =	vst v63  }
0x65: {  	_ = 	snop  }
.LBB2_11:
0x66: {  	_ =	sfence.sel $0x180000  }
0x67: {  	[bflag:$0x0] =	sbarrier.arrive $0xFFFF  }
0x68: {  	_ =	strace $0x9000004A  }
0x69: {  	[bflag:$0x2] =	sbarrier.arrive $0xFFFF  }
0x6a: {  	p0 =	sne.s32 s3, $0x0;
	s0 =	rddreg [dreg:$0x4]  }
0x6b: {  	s0 =	sadd.s32 @!p0 $0x100000, s0  }
0x6c: {  	[sflag:s0] =	ssyncadd.tile.s32 @!p0 $0x1;
	_ =	shalt  }
.Lfunc_end2:
_tile_overlayer_lowered:
.L_overlay_start_2:
0x6d: {  	(tag) =	ssettag $0x2  }
0x6e: {  	s0 =	rddreg [dreg:$0x0];
	s2 =	stileid.u32  }
0x6f: {  	s1 =	rddreg [dreg:$0x1];
	p0 =	sne.s32 s2, $0x0  }
0x70: {  	s3 =	rddreg [dreg:$0x2];
	[bflag:$0x3] =	sbarrier.arrive $0xFFFF;
	s2 =	simm.s32 @!p0 $0x1C05  }
0x71: {  	[timem:s3], [sflag:s2] =	dma.local @!p0 [hbm:s0], s1  }
0x72: {  	s0 =	simm.s32 @!p0 $0x5  }
0x73: {  	_ =	swait.ge @!p0 [sflag:s0], s1  }
0x74: {  	s1 =	ssub.s32 @!p0 $0x0, s1;
	[sflag:s0] =	ssyncset.done @!p0 $0x0  }
0x75: {  	[sflag:s0] =	ssyncadd.s32 @!p0 s1  }
0x76: {  	[bflag:$0x3] =	sbarrier.arrive $0xFFFF  }
0x77: {  	_ =	shalt  }

// kernel: kernel.21.cloned.1.call-start
scs
__scs_entry_jumppad:
0x0: {  	(pc) =	sbr.rel $0x88, $3  }
0x1: {  	(tag) =	ssettag $0x0;
	lr =	simm.s32 $0x1  }
0x2: {  	[smem:$0x3F8D] =	sst lr;
	_ =	strace $0xD0000000  }
0x3: {  	_ = 	snop  }
0x4: {  	_ = 	snop  }
0x5: {  	_ = 	snop  }
0x6: {  	_ = 	snop  }
0x7: {  	_ = 	snop  }
__scs_overlays_trampoline_lowered:
0x8: {  	[smem:$0x3F9C] =	sst s0  }
0x9: {  	[smem:$0x3F9D] =	sst s1  }
0xa: {  	[smem:$0x3F9E] =	sst s2  }
0xb: {  	[smem:$0x3F9F] =	sst s3  }
0xc: {  	[smem:$0x3FA0] =	sst s4  }
0xd: {  	[smem:$0x3FA1] =	sst s5  }
0xe: {  	[smem:$0x3FA2] =	sst s6  }
0xf: {  	[smem:$0x3FA3] =	sst s7  }
0x10: {  	[smem:$0x3FA4] =	sst s8  }
0x11: {  	[smem:$0x3FA5] =	sst s9;
	s0 =	simm.s32 @!p0 $0x0  }
0x12: {  	s1 =	sld [smem:$0x3F8B];
	s0 =	simm.s32 @p0 $0x1  }
0x13: {  	[smem:$0x3FA6] =	sst s0;
	s0 =	simm.s32 @!p1 $0x0  }
0x14: {  	s2 =	sld [smem:$0x3F8A];
	s0 =	simm.s32 @p1 $0x1  }
0x15: {  	[smem:$0x3FA7] =	sst s0;
	s0 =	simm.s32 @!p2 $0x0  }
0x16: {  	s3 =	sld [smem:$0x3FDB];
	s0 =	simm.s32 @p2 $0x1  }
0x17: {  	s4 =	simm.s32 $0x1BF5;
	[smem:$0x3FA9] =	sst s0  }
0x18: {  	s0 =	sld [smem:$0x3F8C];
	_ =	swait.ge [sflag:s4], $0x0  }
0x19: {  	s7 =	sld [smem:$0x3F8D]  }
0x1a: {  	s8 =	sadd.s32 $0xFFFFE003, lr  }
0x1b: {  	s9 =	sadd.s32 $0xFFFFFEF7, lr;
	s5 =	simm.s32 $0xFFFFFFFF;
	p2 =	slt.u32 s8, $0xFFFFF086  }
0x1c: {  	p1 =	slt.u32 s9, $0xF7A;
	s5 =	simm.s32 @!p2 $0x0  }
0x1d: {  	s5 =	simm.s32 @p1 $0x1;
	p0 =	seq.s32 s7, s2  }
0x1e: {  	s7 =	smul.u32 @!p0 $0xF7A, s2;
	p2 =	seq.s32 @!p0 s5, $0x0  }
0x1f: {  	s9 =	smul.u32 $0xF7A, s1;
	s8 =	simm.s32 @!p0 $0x1BF5;
	p2 =	por !p2, p0  }
0x20: {  	[sflag:s8] =	ssyncset.s32 @!p0 $0xFFFFF086;
	s6 =	sadd.s32 @!p0 s3, s7;
	s7 =	simm.s32 @!p0 $0x108  }
0x21: {  	s3 =	sadd.s32 s3, s9;
	s6 =	sadd.s32 @!p0 $0x88, s6;
	s7 =	simm.s32 @p2 $0x1082  }
0x22: {  	[simem:s7], [sflag:s8] =	dma.local @!p0 [hbm:s6], $0xF7A  }
0x23: {  	s9 =	sor.u32 $0xD0000000, s2;
	s6 =	simm.s32 $0x108;
	_ =	swait.ge @!p0 [sflag:s8], $0x0  }
0x24: {  	s3 =	sadd.s32 $0x88, s3;
	s6 =	simm.s32 @!p1 $0x1082;
	[sflag:s4] =	ssyncset.s32 $0xFFFFF086  }
0x25: {  	[simem:s6], [sflag:s4] =	dma.local [hbm:s3], $0xF7A  }
0x26: {  	[smem:$0x3F8D] =	sst s1;
	(tag) =	ssettag s2;
	_ =	strace s9  }
0x27: {  	s1 =	sld [smem:$0x3F9D]  }
0x28: {  	s2 =	sld [smem:$0x3F9E]  }
0x29: {  	s4 =	sld [smem:$0x3FA0]  }
0x2a: {  	p0 =	seq.s32 s5, $0x0;
	s5 =	sld [smem:$0x3FA1]  }
0x2b: {  	s6 =	sld [smem:$0x3FA2]  }
0x2c: {  	s7 =	sld [smem:$0x3FA3]  }
0x2d: {  	s3 =	simm.s32 $0x108;
	s8 =	sld [smem:$0x3FA4]  }
0x2e: {  	s3 =	simm.s32 @!p0 $0x1082;
	s9 =	sld [smem:$0x3FA5]  }
0x2f: {  	lr =	sadd.s32 s0, s3;
	s0 =	sld [smem:$0x3F9C]  }
0x30: {  	s3 =	sld [smem:$0x3F9F]  }
0x31: {  	[smem:$0x3FA8] =	sst s10  }
0x32: {  	s10 =	sld [smem:$0x3FA6];
	_ =	sdelay $0x3  }
0x33: {  	p0 =	seq.s32 s10, $0x1;
	s10 =	sld [smem:$0x3FA8];
	_ =	sdelay $0x3  }
0x34: {  	[smem:$0x3FA8] =	sst s10  }
0x35: {  	s10 =	sld [smem:$0x3FA7];
	_ =	sdelay $0x3  }
0x36: {  	p1 =	seq.s32 s10, $0x1;
	s10 =	sld [smem:$0x3FA8];
	_ =	sdelay $0x3  }
0x37: {  	[smem:$0x3FA8] =	sst s10  }
0x38: {  	s10 =	sld [smem:$0x3FA9]  }
0x39: {  	_ = 	snop;
	(pc) =	sbr.ind lr, $3  }
0x3a: {  	_ = 	snop  }
0x3b: {  	_ = 	snop  }
0x3c: {  	p2 =	seq.s32 s10, $0x1;
	s10 =	sld [smem:$0x3FA8]  }
0x3d: {  	_ =	shalt  }
0x3e: {  	_ =	shalt  }
0x3f: {  	_ =	shalt  }
0x40: {  	_ =	shalt  }
0x41: {  	_ =	shalt  }
0x42: {  	_ =	shalt  }
0x43: {  	_ =	shalt  }
0x44: {  	_ =	shalt  }
0x45: {  	_ =	shalt  }
0x46: {  	_ =	shalt  }
0x47: {  	_ =	shalt  }
0x48: {  	_ =	shalt  }
0x49: {  	_ =	shalt  }
0x4a: {  	_ =	shalt  }
0x4b: {  	_ =	shalt  }
0x4c: {  	_ =	shalt  }
0x4d: {  	_ =	shalt  }
0x4e: {  	_ =	shalt  }
0x4f: {  	_ =	shalt  }
0x50: {  	_ =	shalt  }
0x51: {  	_ =	shalt  }
0x52: {  	_ =	shalt  }
0x53: {  	_ =	shalt  }
0x54: {  	_ =	shalt  }
0x55: {  	_ =	shalt  }
0x56: {  	_ =	shalt  }
0x57: {  	_ =	shalt  }
0x58: {  	_ =	shalt  }
0x59: {  	_ =	shalt  }
0x5a: {  	_ =	shalt  }
0x5b: {  	_ =	shalt  }
0x5c: {  	_ =	shalt  }
0x5d: {  	_ =	shalt  }
0x5e: {  	_ =	shalt  }
0x5f: {  	_ =	shalt  }
0x60: {  	_ =	shalt  }
0x61: {  	_ =	shalt  }
0x62: {  	_ =	shalt  }
0x63: {  	_ =	shalt  }
0x64: {  	_ =	shalt  }
0x65: {  	_ =	shalt  }
0x66: {  	_ =	shalt  }
0x67: {  	_ =	shalt  }
0x68: {  	_ =	shalt  }
0x69: {  	_ =	shalt  }
0x6a: {  	_ =	shalt  }
0x6b: {  	_ =	shalt  }
0x6c: {  	_ =	shalt  }
0x6d: {  	_ =	shalt  }
0x6e: {  	_ =	shalt  }
0x6f: {  	_ =	shalt  }
0x70: {  	_ =	shalt  }
0x71: {  	_ =	shalt  }
0x72: {  	_ =	shalt  }
0x73: {  	_ =	shalt  }
0x74: {  	_ =	shalt  }
0x75: {  	_ =	shalt  }
0x76: {  	_ =	shalt  }
0x77: {  	_ =	shalt  }
0x78: {  	_ =	shalt  }
0x79: {  	_ =	shalt  }
0x7a: {  	_ =	shalt  }
0x7b: {  	_ =	shalt  }
0x7c: {  	_ =	shalt  }
0x7d: {  	_ =	shalt  }
0x7e: {  	_ =	shalt  }
0x7f: {  	_ =	shalt  }
0x80: {  	_ =	shalt  }
0x81: {  	_ =	shalt  }
0x82: {  	_ =	shalt  }
0x83: {  	_ =	shalt  }
0x84: {  	_ =	shalt  }
0x85: {  	_ =	shalt  }
0x86: {  	_ =	shalt  }
0x87: {  	_ =	shalt  }
.Lfunc_end0:
.L_simem_size_0:
called_computation.2_lowered:
.L_overlay_start_0:
0x88: {  	s2 =	sld [smem:$0x3FD9]  }
0x89: {  	s3 =	sld [smem:$0x3FFE];
	_ =	sdelay $0x1  }
0x8a: {  	s1 =	srdreg.scid  }
0x8b: {  	s0 =	sand.u32 $0x1, s1  }
0x8c: {  	s17 =	sshll.u32 s0, $0xA;
	s2 =	sadd.s32 s3, s2  }
0x8d: {  	s2 =	sadd.s32 s2, s17  }
0x8e: {  	[smem:$0x3FB4] =	sst s2  }
0x8f: {  	_ = 	snop  }
0x90: {  	s2 =	sld [smem:$0x3FC7]  }
0x91: {  	s18 =	sld [smem:$0x3FC6];
	(tm) =	ssettm $0x1  }
0x92: {  	s4 =	sld [smem:$0x3FFB];
	_ =	sdelay $0x3  }
0x93: {  	_ =	strace s4  }
0x94: {  	s4 =	sld [smem:$0x3FFC];
	_ =	sdelay $0x3  }
0x95: {  	_ =	strace s4  }
0x96: {  	s4 =	sld [smem:$0x3FFD];
	_ =	sdelay $0x3  }
0x97: {  	_ =	strace s4  }
0x98: {  	_ =	strace $0x8FFFFFFF  }
0x99: {  	s19 =	sld [smem:$0x3FDB];
	_ =	sdelay $0x1  }
0x9a: {  	s5 =	simm.s32 $_scs_section_size  }
0x9b: {  	s6 =	simm.s32 $_size__tile_overlayer_lowered;
	s7 =	simm.s32 $_tile_overlayer_lowered  }
0x9c: {  	s22 =	simm.s32 $0x1BFF;
	s21 =	sshll.u32 s7, $0x1;
	s4 =	sadd.s32 s5, s19  }
0x9d: {  	s8 =	simm.s32 $0x0;
	s20 =	sshll.u32 s6, $0x1;
	s6 =	sadd.s32 s21, s4  }
0x9e: {  	[timem:s8], [sflag:s22] =	dma.local [hbm:s6], s20  }
0x9f: {  	_ =	swait.ge [sflag:s22], s20  }
0xa0: {  	s5 =	ssub.s32 $0x0, s20;
	[sflag:s22] =	ssyncset.done $0x0  }
0xa1: {  	[sflag:s22] =	ssyncadd.s32 s5;
	_ =	sdelay $0x1  }
0xa2: {  	s23 =	simm.s32 $0x1B8B  }
0xa3: {  	_ =	swait.ge [sflag:s23], $0x1  }
0xa4: {  	[sflag:s23] =	ssyncset.done $0x0  }
0xa5: {  	s25 =	simm.s32 $0x1B8E;
	s24 =	sld [smem:$0x3FFE];
	[sflag:s23] =	ssyncadd.s32 $0xFFFFFFFF  }
0xa6: {  	s26 =	simm.s32 $execute0_lowered;
	[smem:$0x3FD2] =	sst s25  }
0xa7: {  	s6 =	sshll.u32 s26, $0x1;
	_ =	strace $0x8000004C;
	[dreg:$0x1] =	wrdreg $0xFFFFFFFF  }
0xa8: {  	s28 =	simm.s32 $_size_execute0_lowered;
	s4 =	sadd.s32 s4, s6;
	[dreg:$0x0] =	wrdreg $0x0  }
0xa9: {  	s6 =	sshll.u32 s28, $0x1;
	[dreg:$0x2] =	wrdreg s4  }
0xaa: {  	[dreg:$0x3] =	wrdreg s6  }
0xab: {  	[dreg:$0x4] =	wrdreg $0xC0  }
0xac: {  	_ =	task [dreg:s8], $0x5FFFF  }
0xad: {  	[dreg:$0x1] =	wrdreg $0xFFFFFFFF  }
0xae: {  	[dreg:$0x0] =	wrdreg $0x60  }
0xaf: {  	[dreg:$0x2] =	wrdreg s24  }
0xb0: {  	[dreg:$0x3] =	wrdreg s2  }
0xb1: {  	[dreg:$0x4] =	wrdreg s18  }
0xb2: {  	[dreg:$0x5] =	wrdreg $0x9  }
0xb3: {  	_ =	task.clear_ibuf [dreg:s8], $0x6FFFF;
	_ =	strace $0x9000004C  }
0xb4: {  	s29 =	simm.s32 $0x9;
	_ =	strace $0x8000004E  }
0xb5: {  	_ =	swait.ge [sflag:s29], $0x1  }
0xb6: {  	[sflag:s29] =	ssyncadd.s32 $0xFFFFFFFF  }
0xb7: {  	_ =	strace $0x9000004E  }
0xb8: {  	_ =	sfence  }
0xb9: {  	s30 =	sld [smem:$0x0];
	_ =	sdelay $0x2  }
0xba: {  	s31 =	sshll.u32 s1, $0xD;
	s1 =	sshrl.u32 s1, $0x2  }
0xbb: {  	s3 =	sand.u32 $0x4000, s31;
	s1 =	sadd.s32 s1, s30  }
0xbc: {  	s0 =	sor.u32 s3, s0;
	s1 =	sshll.u32 s1, $0x11  }
0xbd: {  	s0 =	sor.u32 s1, s0  }
0xbe: {  	s0 =	sadd.s32 $0x8F2B, s0  }
0xbf: {  	[sflag:s0] =	ssyncadd.remote.s32 $0x1  }
0xc0: {  	_ =	sfence.sel $0xFFFF  }
0xc1: {  	[dreg:$0x0] =	wrdreg $0xFFFFFFFF;
	(pc) =	sbr.abs _section_cstart, $3  }
0xc2: {  	[dreg:$0x1] =	wrdreg $0xFFFFFFFF  }
0xc3: {  	_ =	task.clear_ibuf [dreg:s8], $0x2FFFF;
	_ =	strace $0x9FFFFFFF  }
0xc4: {  	(tm) =	ssettm $0x7FFFFFFF  }
0xc5: {  	_ =	shalt  }
tec
execute0_lowered:
.L_overlay_start_1:
0x0: {  	(tag) =	ssettag $0x1  }
0x1: {  	s0 =	rddreg [dreg:$0x0]  }
0x2: {  	s8 =	rddreg [dreg:$0x1]  }
0x3: {  	s9 =	rddreg [dreg:$0x2];
	s2 =	simm.s32 $0x0  }
0x4: {  	s3 =	srdreg.scid;
	s1 =	stileid.u32;
	s15 =	simm.s32 $0x2800  }
0x5: {  	s16 =	simm.s32 $0x8C00;
	s17 =	simm.s32 $0x3;
	s18 =	simm.s32 $0xC8  }
0x6: {  	s19 =	simm.s32 $0x2;
	s20 =	simm.s32 $0xF000;
	s21 =	simm.s32 $0x15400  }
0x7: {  	s22 =	simm.s32 $0x1;
	s23 =	simm.s32 $0x4;
	s24 =	simm.s32 $0x0  }
0x8: {  	[smem:$0x7FF] =	sst s2;
	s10 =	sand.u32 $0x1, s3;
	s5 =	sadd.s32 $0x561400, s0  }
0x9: {  	s4 =	sshll.u32 s1, $0x1;
	s7 =	sadd.s32 $0xA43400, s0;
	s13 =	smul.u32 $0x27100, s1  }
0xa: {  	s3 =	sadd.s32 $0x57A00, s0;
	_ =	strace $0x8000004D;
	s14 =	smul.u32 $0x13880, s10  }
.Ltmp0:
0xb: {  	s4 =	sor.u32 s10, s4;
	s11 =	ssub.s32 $0x2, s10;
	(pc) =	sbr.rel .LBB2_1-.Ltmp0, $4  }
0xc: {  	s10 =	sadd.s32 $0xCB4400, s0;
	s6 =	smul.u32 $0x1388, s4;
	s12 =	sshrl.u32 s11, $0x1  }
0xd: {  	s31 =	sadd.s32 s13, s7;
	s13 =	simm.s32 $0x5;
	s11 =	ssub.s32 s11, s12  }
0xe: {  	s12 =	sadd.s32 s14, s31;
	s14 =	simm.s32 $0x1400;
	s30 =	sshrl.u32 s6, $0x3  }
0xf: {  	s11 =	smax.u32 s11, $0x1;
	s8 =	sadd.s32 s8, s30;
	s9 =	sadd.s32 s9, s30  }
.LBB2_10:
0x10: {  	_ =	swait.ge [sflag:s22], $0x6400  }
0x11: {  	[sflag:s22] =	ssyncset.done $0x0  }
0x12: {  	s0 =	smul.u32 $0x13880, s4;
	[sflag:s22] =	ssyncadd.s32 $0xFFFF9C00  }
0x13: {  	_ =	swait.ge [sflag:s22], $0x6400  }
0x14: {  	s0 =	sadd.s32 $0x12C00, s0;
	[sflag:s22] =	ssyncset.done $0x0  }
0x15: {  	s1 =	sadd.s32 s7, s0;
	[sflag:s22] =	ssyncadd.s32 $0xFFFF9C00  }
0x16: {  	[hbm4b:s1+s2] =	stream.linear.scatter [tilespmem:s15], [sflag:$0x3], $0x6400, $0x38;
	[tilespmem:$0x1B800] =	vst v63  }
0x17: {  	s0 =	sadd.s32 s0, s10  }
0x18: {  	[hbm4b:s0+s2] =	stream.linear.scatter [tilespmem:s16], [sflag:$0x3], $0x6400, $0x38;
	[tilespmem:$0x1B800] =	vst v63  }
0x19: {  	_ =	swait.ge [sflag:s17], $0x6400  }
0x1a: {  	[sflag:s17] =	ssyncset.done $0x0  }
0x1b: {  	[sflag:s17] =	ssyncadd.s32 $0xFFFF9C00  }
0x1c: {  	_ =	swait.ge [sflag:s17], $0x6400  }
0x1d: {  	[sflag:s17] =	ssyncset.done $0x0  }
0x1e: {  	s24 =	sadd.s32 $0x1, s24;
	[sflag:s17] =	ssyncadd.s32 $0xFFFF9C00  }
0x1f: {  	p0 =	sne.s32 s24, s11;
	_ =	swait.ge [sflag:s23], $0x6400  }
.Ltmp1:
0x20: {  	[sflag:s23] =	ssyncset.done $0x0;
	(pc) =	sbr.rel @!p0 .LBB2_11-.Ltmp1, $4  }
0x21: {  	[sflag:s23] =	ssyncadd.s32 $0xFFFF9C00  }
0x22: {  	_ =	swait.ge [sflag:s23], $0x6400  }
0x23: {  	[sflag:s23] =	ssyncset.done $0x0  }
0x24: {  	[sflag:s23] =	ssyncadd.s32 $0xFFFF9C00  }
.LBB2_1:
0x25: {  	[tilespmem:s2], [sflag:$0x5] =	stream.linear.gather [hbm4b:s8+s2], $0x1388, $0x38;
	[tilespmem:$0x1B800] =	vst v63  }
0x26: {  	_ =	swait.ge [sflag:s13], $0x1388  }
0x27: {  	[sflag:s13] =	ssyncset.done $0x0  }
0x28: {  	[sflag:s13] =	ssyncadd.s32 $0xFFFFEC78  }
0x29: {  	[tilespmem:s14], [sflag:$0x5] =	stream.linear.gather [hbm4b:s9+s2], $0x1388, $0x38;
	[tilespmem:$0x1B800] =	vst v63  }
0x2a: {  	_ =	swait.ge [sflag:s13], $0x1388  }
.Ltmp2:
0x2b: {  	[sflag:s13] =	ssyncset.done $0x0;
	(pc) =	sbr.rel .LBB2_2-.Ltmp2, $4  }
0x2c: {  	s25 =	simm.s32 $0x14C8;
	s26 =	simm.s32 $0x0;
	[sflag:s13] =	ssyncadd.s32 $0xFFFFEC78  }
0x2d: {  	[tilespmem:s15], [sflag:$0x1] =	stream.indirect.gather [hbm4b:s3+s18], $0x80, s2, s18, $0xb8;
	[tilespmem:$0x1B800] =	vst v63  }
0x2e: {  	s28 =	simm.s32 $0xC8;
	s29 =	simm.s32 $0x0;
	s30 =	simm.s32 $0x0  }
0x2f: {  	[tilespmem:s16], [sflag:$0x1] =	stream.indirect.gather [hbm4b:s5+s18], $0x80, s14, s18, $0xb8;
	[tilespmem:$0x1B800] =	vst v63  }
.LBB2_8:
0x30: {  	_ =	swait.ge [sflag:s17], $0x6400  }
0x31: {  	[sflag:s17] =	ssyncset.done $0x0  }
0x32: {  	[sflag:s17] =	ssyncadd.s32 $0xFFFF9C00  }
0x33: {  	_ =	swait.ge [sflag:s17], $0x6400  }
0x34: {  	[sflag:s17] =	ssyncset.done $0x0  }
0x35: {  	[sflag:s17] =	ssyncadd.s32 $0xFFFF9C00  }
0x36: {  	[tilespmem:s15], [sflag:$0x1] =	stream.indirect.gather [hbm4b:s3+s18], $0x80, s28, s18, $0xb8;
	[tilespmem:$0x1B800] =	vst v63  }
0x37: {  	_ = 	snop  }
0x38: {  	[tilespmem:s16], [sflag:$0x1] =	stream.indirect.gather [hbm4b:s5+s18], $0x80, s25, s18, $0xb8;
	[tilespmem:$0x1B800] =	vst v63  }
0x39: {  	_ =	swait.ge [sflag:s19], $0x6400  }
0x3a: {  	[sflag:s19] =	ssyncset.done $0x0  }
0x3b: {  	[sflag:s19] =	ssyncadd.s32 $0xFFFF9C00  }
0x3c: {  	_ =	swait.ge [sflag:s19], $0x6400  }
0x3d: {  	[sflag:s19] =	ssyncset.done $0x0  }
0x3e: {  	s0 =	sadd.s32 s29, s12;
	[sflag:s19] =	ssyncadd.s32 $0xFFFF9C00  }
0x3f: {  	[hbm4b:s0+s2] =	stream.linear.scatter [tilespmem:s20], [sflag:$0x4], $0x6400, $0x38;
	[tilespmem:$0x1B800] =	vst v63  }
0x40: {  	s0 =	sadd.s32 $0x271000, s0  }
0x41: {  	[hbm4b:s0+s2] =	stream.linear.scatter [tilespmem:s21], [sflag:$0x4], $0x6400, $0x38;
	[tilespmem:$0x1B800] =	vst v63  }
.LBB2_9:
0x42: {  	s29 =	sadd.s32 $0xC80, s29  }
0x43: {  	p0 =	sne.s32 s29, $0x12C00  }
.Ltmp3:
0x44: {  	_ = 	snop;
	(pc) =	sbr.rel @!p0 .LBB2_10-.Ltmp3, $3  }
0x45: {  	_ =	sdelay $0x1  }
0x46: {  	s30 =	sadd.s32 $0x1, s30  }
0x47: {  	s28 =	sadd.s32 $0xC8, s28;
	s25 =	sadd.s32 $0xC8, s25;
	s26 =	sadd.s32 $0xC8, s26  }
.LBB2_2:
0x48: {  	s31 =	sand.u32 $0x1, s30  }
0x49: {  	p0 =	seq.s32 s31, $0x1  }
.Ltmp4:
0x4a: {  	_ = 	snop;
	(pc) =	sbr.rel @p0 .LBB2_8-.Ltmp4, $1  }
0x4b: {  	_ =	sdelay $0x3  }
0x4c: {  	p0 =	seq.s32 s30, $0x0  }
.Ltmp5:
0x4d: {  	_ = 	snop;
	(pc) =	sbr.rel @p0 .LBB2_6-.Ltmp5, $1  }
0x4e: {  	_ =	sdelay $0x3  }
0x4f: {  	p0 =	seq.s32 s30, $0x18  }
.Ltmp6:
0x50: {  	_ = 	snop;
	(pc) =	sbr.rel @p0 .LBB2_7-.Ltmp6, $2  }
0x51: {  	_ =	sdelay $0x2  }
0x52: {  	s0 =	simm.s32 $0x12C0  }
0x53: {  	_ =	swait.ge [sflag:s23], $0x6400  }
0x54: {  	[sflag:s23] =	ssyncset.done $0x0  }
0x55: {  	[sflag:s23] =	ssyncadd.s32 $0xFFFF9C00  }
0x56: {  	_ =	swait.ge [sflag:s23], $0x6400  }
0x57: {  	[sflag:s23] =	ssyncset.done $0x0  }
0x58: {  	[sflag:s23] =	ssyncadd.s32 $0xFFFF9C00  }
.LBB2_6:
0x59: {  	[tilespmem:s20], [sflag:$0x2] =	stream.indirect.gather [hbm4b:s3+s18], $0x80, s28, s18, $0xb8;
	[tilespmem:$0x1B800] =	vst v63  }
0x5a: {  	s0 =	smov.u32 s26  }
0x5b: {  	[tilespmem:s21], [sflag:$0x2] =	stream.indirect.gather [hbm4b:s5+s18], $0x80, s25, s18, $0xb8;
	[tilespmem:$0x1B800] =	vst v63  }
.LBB2_7:
0x5c: {  	_ =	swait.ge [sflag:s22], $0x6400  }
0x5d: {  	[sflag:s22] =	ssyncset.done $0x0  }
0x5e: {  	[sflag:s22] =	ssyncadd.s32 $0xFFFF9C00  }
0x5f: {  	s0 =	sadd.s32 s6, s0;
	p0 =	seq.s32 s31, $0x0;
	_ =	swait.ge [sflag:s22], $0x6400  }
.Ltmp7:
0x60: {  	s0 =	sshll.u32 s0, $0x4;
	[sflag:s22] =	ssyncset.done $0x0;
	(pc) =	sbr.rel @p0 .LBB2_9-.Ltmp7, $4  }
.Ltmp8:
0x61: {  	s1 =	sadd.s32 s7, s0;
	[sflag:s22] =	ssyncadd.s32 $0xFFFF9C00;
	(pc) =	sbr.rel @!p0 .LBB2_8-.Ltmp8, $4  }
0x62: {  	[hbm4b:s1+s2] =	stream.linear.scatter [tilespmem:s15], [sflag:$0x3], $0x6400, $0x38;
	[tilespmem:$0x1B800] =	vst v63  }
0x63: {  	s0 =	sadd.s32 s0, s10  }
0x64: {  	[hbm4b:s0+s2] =	stream.linear.scatter [tilespmem:s16], [sflag:$0x3], $0x6400, $0x38;
	[tilespmem:$0x1B800] =	vst v63  }
0x65: {  	_ = 	snop  }
.LBB2_11:
0x66: {  	_ =	sfence.sel $0x180000  }
0x67: {  	[bflag:$0x0] =	sbarrier.arrive $0xFFFF  }
0x68: {  	_ =	strace $0x9000004D  }
0x69: {  	s0 =	stileid.u32;
	[bflag:$0x2] =	sbarrier.arrive $0xFFFF  }
0x6a: {  	p0 =	sne.s32 s0, $0x0;
	s0 =	rddreg [dreg:$0x3]  }
0x6b: {  	s0 =	sadd.s32 @!p0 $0x100000, s0  }
0x6c: {  	[sflag:s0] =	ssyncadd.tile.s32 @!p0 $0x1;
	_ =	shalt  }
.Lfunc_end2:
_tile_overlayer_lowered:
.L_overlay_start_2:
0x6d: {  	(tag) =	ssettag $0x2  }
0x6e: {  	s0 =	rddreg [dreg:$0x0];
	s2 =	stileid.u32  }
0x6f: {  	s1 =	rddreg [dreg:$0x1];
	p0 =	sne.s32 s2, $0x0  }
0x70: {  	s3 =	rddreg [dreg:$0x2];
	[bflag:$0x3] =	sbarrier.arrive $0xFFFF;
	s2 =	simm.s32 @!p0 $0x1C05  }
0x71: {  	[timem:s3], [sflag:s2] =	dma.local @!p0 [hbm:s0], s1  }
0x72: {  	s0 =	simm.s32 @!p0 $0x5  }
0x73: {  	_ =	swait.ge @!p0 [sflag:s0], s1  }
0x74: {  	s1 =	ssub.s32 @!p0 $0x0, s1;
	[sflag:s0] =	ssyncset.done @!p0 $0x0  }
0x75: {  	[sflag:s0] =	ssyncadd.s32 @!p0 s1  }
0x76: {  	[bflag:$0x3] =	sbarrier.arrive $0xFFFF  }
0x77: {  	_ =	shalt  }

// kernel: kernel.24.cloned.1.call-start
scs
__scs_entry_jumppad:
0x0: {  	(pc) =	sbr.rel $0x88, $3  }
0x1: {  	(tag) =	ssettag $0x0;
	lr =	simm.s32 $0x1  }
0x2: {  	[smem:$0x3F8D] =	sst lr;
	_ =	strace $0xD0000000  }
0x3: {  	_ = 	snop  }
0x4: {  	_ = 	snop  }
0x5: {  	_ = 	snop  }
0x6: {  	_ = 	snop  }
0x7: {  	_ = 	snop  }
__scs_overlays_trampoline_lowered:
0x8: {  	[smem:$0x3F9C] =	sst s0  }
0x9: {  	[smem:$0x3F9D] =	sst s1  }
0xa: {  	[smem:$0x3F9E] =	sst s2  }
0xb: {  	[smem:$0x3F9F] =	sst s3  }
0xc: {  	[smem:$0x3FA0] =	sst s4  }
0xd: {  	[smem:$0x3FA1] =	sst s5  }
0xe: {  	[smem:$0x3FA2] =	sst s6  }
0xf: {  	[smem:$0x3FA3] =	sst s7  }
0x10: {  	[smem:$0x3FA4] =	sst s8  }
0x11: {  	[smem:$0x3FA5] =	sst s9;
	s0 =	simm.s32 @!p0 $0x0  }
0x12: {  	s1 =	sld [smem:$0x3F8B];
	s0 =	simm.s32 @p0 $0x1  }
0x13: {  	[smem:$0x3FA6] =	sst s0;
	s0 =	simm.s32 @!p1 $0x0  }
0x14: {  	s2 =	sld [smem:$0x3F8A];
	s0 =	simm.s32 @p1 $0x1  }
0x15: {  	[smem:$0x3FA7] =	sst s0;
	s0 =	simm.s32 @!p2 $0x0  }
0x16: {  	s3 =	sld [smem:$0x3FDB];
	s0 =	simm.s32 @p2 $0x1  }
0x17: {  	s4 =	simm.s32 $0x1BF5;
	[smem:$0x3FA9] =	sst s0  }
0x18: {  	s0 =	sld [smem:$0x3F8C];
	_ =	swait.ge [sflag:s4], $0x0  }
0x19: {  	s7 =	sld [smem:$0x3F8D]  }
0x1a: {  	s8 =	sadd.s32 $0xFFFFE003, lr  }
0x1b: {  	s9 =	sadd.s32 $0xFFFFFEF7, lr;
	s5 =	simm.s32 $0xFFFFFFFF;
	p2 =	slt.u32 s8, $0xFFFFF086  }
0x1c: {  	p1 =	slt.u32 s9, $0xF7A;
	s5 =	simm.s32 @!p2 $0x0  }
0x1d: {  	s5 =	simm.s32 @p1 $0x1;
	p0 =	seq.s32 s7, s2  }
0x1e: {  	s7 =	smul.u32 @!p0 $0xF7A, s2;
	p2 =	seq.s32 @!p0 s5, $0x0  }
0x1f: {  	s9 =	smul.u32 $0xF7A, s1;
	s8 =	simm.s32 @!p0 $0x1BF5;
	p2 =	por !p2, p0  }
0x20: {  	[sflag:s8] =	ssyncset.s32 @!p0 $0xFFFFF086;
	s6 =	sadd.s32 @!p0 s3, s7;
	s7 =	simm.s32 @!p0 $0x108  }
0x21: {  	s3 =	sadd.s32 s3, s9;
	s6 =	sadd.s32 @!p0 $0x88, s6;
	s7 =	simm.s32 @p2 $0x1082  }
0x22: {  	[simem:s7], [sflag:s8] =	dma.local @!p0 [hbm:s6], $0xF7A  }
0x23: {  	s9 =	sor.u32 $0xD0000000, s2;
	s6 =	simm.s32 $0x108;
	_ =	swait.ge @!p0 [sflag:s8], $0x0  }
0x24: {  	s3 =	sadd.s32 $0x88, s3;
	s6 =	simm.s32 @!p1 $0x1082;
	[sflag:s4] =	ssyncset.s32 $0xFFFFF086  }
0x25: {  	[simem:s6], [sflag:s4] =	dma.local [hbm:s3], $0xF7A  }
0x26: {  	[smem:$0x3F8D] =	sst s1;
	(tag) =	ssettag s2;
	_ =	strace s9  }
0x27: {  	s1 =	sld [smem:$0x3F9D]  }
0x28: {  	s2 =	sld [smem:$0x3F9E]  }
0x29: {  	s4 =	sld [smem:$0x3FA0]  }
0x2a: {  	p0 =	seq.s32 s5, $0x0;
	s5 =	sld [smem:$0x3FA1]  }
0x2b: {  	s6 =	sld [smem:$0x3FA2]  }
0x2c: {  	s7 =	sld [smem:$0x3FA3]  }
0x2d: {  	s3 =	simm.s32 $0x108;
	s8 =	sld [smem:$0x3FA4]  }
0x2e: {  	s3 =	simm.s32 @!p0 $0x1082;
	s9 =	sld [smem:$0x3FA5]  }
0x2f: {  	lr =	sadd.s32 s0, s3;
	s0 =	sld [smem:$0x3F9C]  }
0x30: {  	s3 =	sld [smem:$0x3F9F]  }
0x31: {  	[smem:$0x3FA8] =	sst s10  }
0x32: {  	s10 =	sld [smem:$0x3FA6];
	_ =	sdelay $0x3  }
0x33: {  	p0 =	seq.s32 s10, $0x1;
	s10 =	sld [smem:$0x3FA8];
	_ =	sdelay $0x3  }
0x34: {  	[smem:$0x3FA8] =	sst s10  }
0x35: {  	s10 =	sld [smem:$0x3FA7];
	_ =	sdelay $0x3  }
0x36: {  	p1 =	seq.s32 s10, $0x1;
	s10 =	sld [smem:$0x3FA8];
	_ =	sdelay $0x3  }
0x37: {  	[smem:$0x3FA8] =	sst s10  }
0x38: {  	s10 =	sld [smem:$0x3FA9]  }
0x39: {  	_ = 	snop;
	(pc) =	sbr.ind lr, $3  }
0x3a: {  	_ = 	snop  }
0x3b: {  	_ = 	snop  }
0x3c: {  	p2 =	seq.s32 s10, $0x1;
	s10 =	sld [smem:$0x3FA8]  }
0x3d: {  	_ =	shalt  }
0x3e: {  	_ =	shalt  }
0x3f: {  	_ =	shalt  }
0x40: {  	_ =	shalt  }
0x41: {  	_ =	shalt  }
0x42: {  	_ =	shalt  }
0x43: {  	_ =	shalt  }
0x44: {  	_ =	shalt  }
0x45: {  	_ =	shalt  }
0x46: {  	_ =	shalt  }
0x47: {  	_ =	shalt  }
0x48: {  	_ =	shalt  }
0x49: {  	_ =	shalt  }
0x4a: {  	_ =	shalt  }
0x4b: {  	_ =	shalt  }
0x4c: {  	_ =	shalt  }
0x4d: {  	_ =	shalt  }
0x4e: {  	_ =	shalt  }
0x4f: {  	_ =	shalt  }
0x50: {  	_ =	shalt  }
0x51: {  	_ =	shalt  }
0x52: {  	_ =	shalt  }
0x53: {  	_ =	shalt  }
0x54: {  	_ =	shalt  }
0x55: {  	_ =	shalt  }
0x56: {  	_ =	shalt  }
0x57: {  	_ =	shalt  }
0x58: {  	_ =	shalt  }
0x59: {  	_ =	shalt  }
0x5a: {  	_ =	shalt  }
0x5b: {  	_ =	shalt  }
0x5c: {  	_ =	shalt  }
0x5d: {  	_ =	shalt  }
0x5e: {  	_ =	shalt  }
0x5f: {  	_ =	shalt  }
0x60: {  	_ =	shalt  }
0x61: {  	_ =	shalt  }
0x62: {  	_ =	shalt  }
0x63: {  	_ =	shalt  }
0x64: {  	_ =	shalt  }
0x65: {  	_ =	shalt  }
0x66: {  	_ =	shalt  }
0x67: {  	_ =	shalt  }
0x68: {  	_ =	shalt  }
0x69: {  	_ =	shalt  }
0x6a: {  	_ =	shalt  }
0x6b: {  	_ =	shalt  }
0x6c: {  	_ =	shalt  }
0x6d: {  	_ =	shalt  }
0x6e: {  	_ =	shalt  }
0x6f: {  	_ =	shalt  }
0x70: {  	_ =	shalt  }
0x71: {  	_ =	shalt  }
0x72: {  	_ =	shalt  }
0x73: {  	_ =	shalt  }
0x74: {  	_ =	shalt  }
0x75: {  	_ =	shalt  }
0x76: {  	_ =	shalt  }
0x77: {  	_ =	shalt  }
0x78: {  	_ =	shalt  }
0x79: {  	_ =	shalt  }
0x7a: {  	_ =	shalt  }
0x7b: {  	_ =	shalt  }
0x7c: {  	_ =	shalt  }
0x7d: {  	_ =	shalt  }
0x7e: {  	_ =	shalt  }
0x7f: {  	_ =	shalt  }
0x80: {  	_ =	shalt  }
0x81: {  	_ =	shalt  }
0x82: {  	_ =	shalt  }
0x83: {  	_ =	shalt  }
0x84: {  	_ =	shalt  }
0x85: {  	_ =	shalt  }
0x86: {  	_ =	shalt  }
0x87: {  	_ =	shalt  }
.Lfunc_end0:
.L_simem_size_0:
called_computation.3_lowered:
.L_overlay_start_0:
0x88: {  	s2 =	sld [smem:$0x3FD9]  }
0x89: {  	s3 =	sld [smem:$0x3FFE];
	_ =	sdelay $0x1  }
0x8a: {  	s1 =	srdreg.scid  }
0x8b: {  	s0 =	sand.u32 $0x1, s1  }
0x8c: {  	s17 =	sshll.u32 s0, $0xA;
	s2 =	sadd.s32 s3, s2  }
0x8d: {  	s2 =	sadd.s32 s2, s17  }
0x8e: {  	[smem:$0x3FB4] =	sst s2  }
0x8f: {  	_ = 	snop  }
0x90: {  	s2 =	sld [smem:$0x3FC6]  }
0x91: {  	s18 =	sld [smem:$0x3FD0];
	(tm) =	ssettm $0x1  }
0x92: {  	s4 =	sld [smem:$0x3FFB];
	_ =	sdelay $0x3  }
0x93: {  	_ =	strace s4  }
0x94: {  	s4 =	sld [smem:$0x3FFC];
	_ =	sdelay $0x3  }
0x95: {  	_ =	strace s4  }
0x96: {  	s4 =	sld [smem:$0x3FFD];
	_ =	sdelay $0x3  }
0x97: {  	_ =	strace s4  }
0x98: {  	_ =	strace $0x8FFFFFFF  }
0x99: {  	s19 =	sld [smem:$0x3FDB];
	_ =	sdelay $0x1  }
0x9a: {  	s5 =	simm.s32 $_scs_section_size  }
0x9b: {  	s6 =	simm.s32 $_size__tile_overlayer_lowered;
	s7 =	simm.s32 $_tile_overlayer_lowered  }
0x9c: {  	s22 =	simm.s32 $0x1BFF;
	s21 =	sshll.u32 s7, $0x1;
	s4 =	sadd.s32 s5, s19  }
0x9d: {  	s8 =	simm.s32 $0x0;
	s20 =	sshll.u32 s6, $0x1;
	s6 =	sadd.s32 s21, s4  }
0x9e: {  	[timem:s8], [sflag:s22] =	dma.local [hbm:s6], s20  }
0x9f: {  	_ =	swait.ge [sflag:s22], s20  }
0xa0: {  	s5 =	ssub.s32 $0x0, s20;
	[sflag:s22] =	ssyncset.done $0x0  }
0xa1: {  	[sflag:s22] =	ssyncadd.s32 s5;
	_ =	sdelay $0x1  }
0xa2: {  	s23 =	simm.s32 $0x1B8B  }
0xa3: {  	_ =	swait.ge [sflag:s23], $0x1  }
0xa4: {  	[sflag:s23] =	ssyncset.done $0x0  }
0xa5: {  	s25 =	simm.s32 $0x1B8E;
	s24 =	sld [smem:$0x3FFE];
	[sflag:s23] =	ssyncadd.s32 $0xFFFFFFFF  }
0xa6: {  	s26 =	simm.s32 $execute0_lowered;
	[smem:$0x3FD2] =	sst s25  }
0xa7: {  	s6 =	sshll.u32 s26, $0x1;
	_ =	strace $0x8000004F;
	[dreg:$0x1] =	wrdreg $0xFFFFFFFF  }
0xa8: {  	s28 =	simm.s32 $_size_execute0_lowered;
	s4 =	sadd.s32 s4, s6;
	[dreg:$0x0] =	wrdreg $0x0  }
0xa9: {  	s6 =	sshll.u32 s28, $0x1;
	[dreg:$0x2] =	wrdreg s4  }
0xaa: {  	[dreg:$0x3] =	wrdreg s6  }
0xab: {  	[dreg:$0x4] =	wrdreg $0xC0  }
0xac: {  	_ =	task [dreg:s8], $0x5FFFF  }
0xad: {  	[dreg:$0x1] =	wrdreg $0xFFFFFFFF  }
0xae: {  	[dreg:$0x0] =	wrdreg $0x60  }
0xaf: {  	[dreg:$0x2] =	wrdreg s24  }
0xb0: {  	[dreg:$0x3] =	wrdreg s2  }
0xb1: {  	[dreg:$0x4] =	wrdreg s18  }
0xb2: {  	[dreg:$0x5] =	wrdreg $0x29000  }
0xb3: {  	[dreg:$0x6] =	wrdreg $0x9  }
0xb4: {  	_ =	task.clear_ibuf [dreg:s8], $0x7FFFF;
	_ =	strace $0x9000004F  }
0xb5: {  	s29 =	simm.s32 $0x9;
	_ =	strace $0x80000051  }
0xb6: {  	_ =	swait.ge [sflag:s29], $0x1  }
0xb7: {  	[sflag:s29] =	ssyncadd.s32 $0xFFFFFFFF  }
0xb8: {  	_ =	strace $0x90000051  }
0xb9: {  	_ =	sfence  }
0xba: {  	s30 =	sld [smem:$0x0];
	_ =	sdelay $0x2  }
0xbb: {  	s31 =	sshll.u32 s1, $0xD;
	s1 =	sshrl.u32 s1, $0x2  }
0xbc: {  	s3 =	sand.u32 $0x4000, s31;
	s1 =	sadd.s32 s1, s30  }
0xbd: {  	s0 =	sor.u32 s3, s0;
	s1 =	sshll.u32 s1, $0x11  }
0xbe: {  	s0 =	sor.u32 s1, s0  }
0xbf: {  	s0 =	sadd.s32 $0x8F2B, s0  }
0xc0: {  	[sflag:s0] =	ssyncadd.remote.s32 $0x1  }
0xc1: {  	_ =	sfence.sel $0xFFFF  }
0xc2: {  	[dreg:$0x0] =	wrdreg $0xFFFFFFFF;
	(pc) =	sbr.abs _section_cstart, $3  }
0xc3: {  	[dreg:$0x1] =	wrdreg $0xFFFFFFFF  }
0xc4: {  	_ =	task.clear_ibuf [dreg:s8], $0x2FFFF;
	_ =	strace $0x9FFFFFFF  }
0xc5: {  	(tm) =	ssettm $0x7FFFFFFF  }
tec
execute0_lowered:
.L_overlay_start_1:
0x0: {  	(tag) =	ssettag $0x1  }
0x1: {  	s5 =	rddreg [dreg:$0x0]  }
0x2: {  	s1 =	rddreg [dreg:$0x1]  }
0x3: {  	s9 =	rddreg [dreg:$0x2]  }
0x4: {  	s2 =	rddreg [dreg:$0x3];
	s3 =	srdreg.scid  }
0x5: {  	s4 =	simm.s32 $0x0;
	s20 =	simm.s32 $0x2;
	s7 =	sand.u32 $0x1, s3  }
0x6: {  	s21 =	simm.s32 $0x28;
	s3 =	stileid.u32;
	s6 =	smul.u32 $0x13880, s7  }
0x7: {  	s22 =	simm.s32 $0x1480;
	[smem:$0x7FF] =	sst s4;
	s10 =	smul.u32 $0x1388, s3  }
0x8: {  	s11 =	sadd.s32 $0xA7C00, s5;
	s12 =	sadd.s32 $0x57A00, s5;
	s24 =	smul.u32 $0x4E000, s3  }
0x9: {  	s19 =	sadd.s32 $0x138000, s2;
	_ =	strace $0x80000050;
	s26 =	smul.u32 $0x13800, s3  }
0xa: {  	s8 =	ssub.s32 $0x2, s7;
	s16 =	sshll.u32 s3, $0x6;
	s17 =	smul.u32 $0x138800, s7  }
0xb: {  	s29 =	smul.u32 $0x13880, s3;
	p0 =	sne.s32 s3, $0xF;
	s23 =	sshrl.u32 s8, $0x1  }
0xc: {  	s13 =	ssub.s32 s8, s23;
	s14 =	sadd.s32 s10, s6;
	s8 =	sshrl.u32 s24, $0x2  }
0xd: {  	s15 =	sshrl.u32 s26, $0x3;
	s10 =	sadd.s32 s26, s17;
	s28 =	sshrl.u32 s17, $0x3  }
0xe: {  	s30 =	sadd.s32 s17, s11;
	s17 =	simm.s32 $0x5;
	s23 =	simm.s32 $0x1500  }
0xf: {  	s24 =	simm.s32 $0x1;
	s26 =	simm.s32 $0x0;
	s25 =	sshrl.u32 s14, $0x3  }
0x10: {  	s6 =	sshll.u32 s14, $0x4;
	s18 =	sadd.s32 s8, s2;
	s7 =	sadd.s32 s9, s15  }
0x11: {  	s8 =	sor.u32 $0x1C05, s16;
	s9 =	sadd.s32 $0x27000, s9;
	s10 =	sshrl.u32 s10, $0x3  }
.Ltmp0:
0x12: {  	s31 =	sadd.s32 s29, s30;
	s14 =	sadd.s32 $0x28, s14;
	(pc) =	sbr.rel .LBB2_1-.Ltmp0, $4  }
0x13: {  	s15 =	simm.s32 $0x80;
	s5 =	sadd.s32 s1, s25;
	s6 =	sadd.s32 s11, s6  }
0x14: {  	s10 =	sadd.s32 s12, s10;
	s12 =	sadd.s32 s12, s28;
	s16 =	sshrl.u32 s18, $0x3  }
0x15: {  	s18 =	sshrl.u32 @!p0 s19, $0x3;
	s19 =	simm.s32 $0x3;
	s25 =	simm.s32 $0x4  }
0x16: {  	s11 =	sadd.s32 $0x27000, s12;
	s12 =	smax.u32 s13, $0x1;
	s13 =	sadd.s32 $0x280, s31  }
.LBB2_10:
0x17: {  	_ =	swait.ge [sflag:s24], $0x28  }
0x18: {  	[sflag:s24] =	ssyncset.done $0x0  }
0x19: {  	[sflag:s24] =	ssyncadd.s32 $0xFFFFFFD8  }
0x1a: {  	_ =	swait.ge [sflag:s24], $0x1400  }
0x1b: {  	[sflag:s24] =	ssyncset.done $0x0  }
0x1c: {  	[sflag:s24] =	ssyncadd.s32 $0xFFFFEC00  }
0x1d: {  	[spmem:s2] =	stream.indirect.scatter.add.f32 [tilespmem:s15], [sflag:$0x3], $0x80, s4, s21, $0xb8;
	[tilespmem:$0x16180] =	vst v63  }
0x1e: {  	_ =	swait.ge [sflag:s19], $0x1400  }
0x1f: {  	[sflag:s19] =	ssyncset.done $0x0  }
0x20: {  	[sflag:s19] =	ssyncadd.s32 $0xFFFFEC00  }
0x21: {  	_ =	swait.ge [sflag:s25], $0x1400  }
0x22: {  	[sflag:s25] =	ssyncset.done $0x0  }
0x23: {  	[sflag:s25] =	ssyncadd.s32 $0xFFFFEC00  }
0x24: {  	[bflag:$0x0] =	sbarrier.arrive $0xFFFF  }
0x25: {  	[hbm:s10], [sflag:s8] =	dma.local [spmem:s16], $0x2700  }
0x26: {  	s26 =	sadd.s32 $0x1, s26;
	_ =	swait.ge [sflag:s17], $0x2700  }
0x27: {  	p1 =	sne.s32 s26, s12;
	[sflag:s17] =	ssyncset.done $0x0  }
.Ltmp1:
0x28: {  	s0 =	simm.s32 @!p0 $0x5;
	[sflag:s17] =	ssyncadd.s32 $0xFFFFD900;
	(pc) =	sbr.rel @!p1 .LBB2_11-.Ltmp1, $4  }
0x29: {  	[hbm:s11], [sflag:s8] =	dma.local @!p0 [spmem:s18], $0x100  }
0x2a: {  	_ =	swait.ge @!p0 [sflag:s0], $0x100  }
0x2b: {  	[sflag:s0] =	ssyncset.done @!p0 $0x0  }
0x2c: {  	[sflag:s0] =	ssyncadd.s32 @!p0 $0xFFFFFF00  }
.LBB2_1:
0x2d: {  	[tilespmem:s4], [sflag:$0x1] =	stream.linear.gather [hbm4b:s5+s4], $0x28, $0x38;
	[tilespmem:$0x16180] =	vst v63  }
0x2e: {  	_ = 	snop  }
0x2f: {  	[tilespmem:s15], [sflag:$0x1] =	stream.linear.gather [hbm4b:s6+s4], $0x1400, $0x38;
	[tilespmem:$0x16180] =	vst v63  }
0x30: {  	[spmem:s16], [sflag:s8] =	dma.local [hbm:s7], $0x2700  }
0x31: {  	_ =	swait.ge [sflag:s17], $0x2700  }
0x32: {  	[sflag:s17] =	ssyncset.done $0x0  }
0x33: {  	s28 =	simm.s32 @!p0 $0x5;
	[sflag:s17] =	ssyncadd.s32 $0xFFFFD900  }
0x34: {  	[spmem:s18], [sflag:s8] =	dma.local @!p0 [hbm:s9], $0x100  }
.Ltmp2:
0x35: {  	_ =	swait.ge @!p0 [sflag:s28], $0x100;
	(pc) =	sbr.rel .LBB2_2-.Ltmp2, $4  }
0x36: {  	[sflag:s28] =	ssyncset.done @!p0 $0x0  }
0x37: {  	[sflag:s28] =	ssyncadd.s32 @!p0 $0xFFFFFF00  }
0x38: {  	[bflag:$0x0] =	sbarrier.arrive $0xFFFF  }
0x39: {  	s29 =	smov.u32 s13;
	s30 =	simm.s32 $0x0;
	s28 =	smov.u32 s14  }
.LBB2_8:
0x3a: {  	_ =	swait.ge [sflag:s19], $0x1400  }
0x3b: {  	s0 =	sshrl.u32 s28, $0x3;
	[sflag:s19] =	ssyncset.done $0x0  }
0x3c: {  	s0 =	sadd.s32 s1, s0;
	[sflag:s19] =	ssyncadd.s32 $0xFFFFEC00  }
0x3d: {  	[tilespmem:s4], [sflag:$0x1] =	stream.linear.gather [hbm4b:s0+s4], $0x28, $0x38;
	[tilespmem:$0x16180] =	vst v63  }
0x3e: {  	_ = 	snop  }
0x3f: {  	[tilespmem:s15], [sflag:$0x1] =	stream.linear.gather [hbm4b:s29+s4], $0x1400, $0x38;
	[tilespmem:$0x16180] =	vst v63  }
0x40: {  	_ =	swait.ge [sflag:s20], $0x28  }
0x41: {  	[sflag:s20] =	ssyncset.done $0x0  }
0x42: {  	[sflag:s20] =	ssyncadd.s32 $0xFFFFFFD8  }
0x43: {  	_ =	swait.ge [sflag:s20], $0x1400  }
0x44: {  	[sflag:s20] =	ssyncset.done $0x0  }
0x45: {  	[sflag:s20] =	ssyncadd.s32 $0xFFFFEC00  }
0x46: {  	[spmem:s2] =	stream.indirect.scatter.add.f32 [tilespmem:s23], [sflag:$0x4], $0x80, s22, s21, $0xb8;
	[tilespmem:$0x16180] =	vst v63  }
.LBB2_9:
0x47: {  	s30 =	sadd.s32 $0x1, s30  }
0x48: {  	p1 =	sne.s32 s30, $0x7C  }
.Ltmp3:
0x49: {  	_ = 	snop;
	(pc) =	sbr.rel @!p1 .LBB2_10-.Ltmp3, $2  }
0x4a: {  	_ =	sdelay $0x2  }
0x4b: {  	s29 =	sadd.s32 $0x280, s29;
	s28 =	sadd.s32 $0x28, s28  }
.LBB2_2:
0x4c: {  	s31 =	sand.u32 $0x1, s30  }
0x4d: {  	p1 =	seq.s32 s31, $0x1  }
.Ltmp4:
0x4e: {  	_ = 	snop;
	(pc) =	sbr.rel @p1 .LBB2_8-.Ltmp4, $1  }
0x4f: {  	_ =	sdelay $0x3  }
0x50: {  	p1 =	seq.s32 s30, $0x0  }
.Ltmp5:
0x51: {  	_ = 	snop;
	(pc) =	sbr.rel @p1 .LBB2_6-.Ltmp5, $1  }
0x52: {  	_ =	sdelay $0x3  }
0x53: {  	p1 =	seq.s32 s30, $0x7C  }
.Ltmp6:
0x54: {  	_ = 	snop;
	(pc) =	sbr.rel @p1 .LBB2_7-.Ltmp6, $1  }
0x55: {  	_ =	sdelay $0x3  }
0x56: {  	_ =	swait.ge [sflag:s25], $0x1400  }
0x57: {  	[sflag:s25] =	ssyncset.done $0x0  }
0x58: {  	[sflag:s25] =	ssyncadd.s32 $0xFFFFEC00  }
.LBB2_6:
0x59: {  	s0 =	sshrl.u32 s28, $0x3  }
0x5a: {  	s0 =	sadd.s32 s1, s0  }
0x5b: {  	[tilespmem:s22], [sflag:$0x2] =	stream.linear.gather [hbm4b:s0+s4], $0x28, $0x38;
	[tilespmem:$0x16180] =	vst v63  }
0x5c: {  	_ = 	snop  }
0x5d: {  	[tilespmem:s23], [sflag:$0x2] =	stream.linear.gather [hbm4b:s29+s4], $0x1400, $0x38;
	[tilespmem:$0x16180] =	vst v63  }
.LBB2_7:
0x5e: {  	_ =	swait.ge [sflag:s24], $0x28  }
0x5f: {  	p1 =	seq.s32 s31, $0x0;
	[sflag:s24] =	ssyncset.done $0x0  }
.Ltmp7:
0x60: {  	[sflag:s24] =	ssyncadd.s32 $0xFFFFFFD8;
	(pc) =	sbr.rel @p1 .LBB2_9-.Ltmp7, $4  }
.Ltmp8:
0x61: {  	_ =	swait.ge [sflag:s24], $0x1400;
	(pc) =	sbr.rel @!p1 .LBB2_8-.Ltmp8, $4  }
0x62: {  	[sflag:s24] =	ssyncset.done $0x0  }
0x63: {  	[sflag:s24] =	ssyncadd.s32 $0xFFFFEC00  }
0x64: {  	[spmem:s2] =	stream.indirect.scatter.add.f32 [tilespmem:s15], [sflag:$0x3], $0x80, s4, s21, $0xb8;
	[tilespmem:$0x16180] =	vst v63  }
0x65: {  	_ = 	snop  }
.LBB2_11:
0x66: {  	_ =	sfence.sel $0x180000  }
0x67: {  	[bflag:$0x0] =	sbarrier.arrive $0xFFFF  }
0x68: {  	_ =	strace $0x90000050  }
0x69: {  	[bflag:$0x2] =	sbarrier.arrive $0xFFFF  }
0x6a: {  	p0 =	sne.s32 s3, $0x0;
	s0 =	rddreg [dreg:$0x4]  }
0x6b: {  	s0 =	sadd.s32 @!p0 $0x100000, s0  }
0x6c: {  	[sflag:s0] =	ssyncadd.tile.s32 @!p0 $0x1;
	_ =	shalt  }
.Lfunc_end2:
_tile_overlayer_lowered:
.L_overlay_start_2:
0x6d: {  	(tag) =	ssettag $0x2  }
0x6e: {  	s0 =	rddreg [dreg:$0x0];
	s2 =	stileid.u32  }
0x6f: {  	s1 =	rddreg [dreg:$0x1];
	p0 =	sne.s32 s2, $0x0  }
0x70: {  	s3 =	rddreg [dreg:$0x2];
	[bflag:$0x3] =	sbarrier.arrive $0xFFFF;
	s2 =	simm.s32 @!p0 $0x1C05  }
0x71: {  	[timem:s3], [sflag:s2] =	dma.local @!p0 [hbm:s0], s1  }
0x72: {  	s0 =	simm.s32 @!p0 $0x5  }
0x73: {  	_ =	swait.ge @!p0 [sflag:s0], s1  }
0x74: {  	s1 =	ssub.s32 @!p0 $0x0, s1;
	[sflag:s0] =	ssyncset.done @!p0 $0x0  }
0x75: {  	[sflag:s0] =	ssyncadd.s32 @!p0 s1  }
0x76: {  	[bflag:$0x3] =	sbarrier.arrive $0xFFFF  }
0x77: {  	_ =	shalt  }

// kernel: kernel.27.cloned.1.call-start
scs
__scs_entry_jumppad:
0x0: {  	(pc) =	sbr.rel $0x88, $3  }
0x1: {  	(tag) =	ssettag $0x0;
	lr =	simm.s32 $0x1  }
0x2: {  	[smem:$0x3F8D] =	sst lr;
	_ =	strace $0xD0000000  }
0x3: {  	_ = 	snop  }
0x4: {  	_ = 	snop  }
0x5: {  	_ = 	snop  }
0x6: {  	_ = 	snop  }
0x7: {  	_ = 	snop  }
__scs_overlays_trampoline_lowered:
0x8: {  	[smem:$0x3F9C] =	sst s0  }
0x9: {  	[smem:$0x3F9D] =	sst s1  }
0xa: {  	[smem:$0x3F9E] =	sst s2  }
0xb: {  	[smem:$0x3F9F] =	sst s3  }
0xc: {  	[smem:$0x3FA0] =	sst s4  }
0xd: {  	[smem:$0x3FA1] =	sst s5  }
0xe: {  	[smem:$0x3FA2] =	sst s6  }
0xf: {  	[smem:$0x3FA3] =	sst s7  }
0x10: {  	[smem:$0x3FA4] =	sst s8  }
0x11: {  	[smem:$0x3FA5] =	sst s9;
	s0 =	simm.s32 @!p0 $0x0  }
0x12: {  	s1 =	sld [smem:$0x3F8B];
	s0 =	simm.s32 @p0 $0x1  }
0x13: {  	[smem:$0x3FA6] =	sst s0;
	s0 =	simm.s32 @!p1 $0x0  }
0x14: {  	s2 =	sld [smem:$0x3F8A];
	s0 =	simm.s32 @p1 $0x1  }
0x15: {  	[smem:$0x3FA7] =	sst s0;
	s0 =	simm.s32 @!p2 $0x0  }
0x16: {  	s3 =	sld [smem:$0x3FDB];
	s0 =	simm.s32 @p2 $0x1  }
0x17: {  	s4 =	simm.s32 $0x1BF5;
	[smem:$0x3FA9] =	sst s0  }
0x18: {  	s0 =	sld [smem:$0x3F8C];
	_ =	swait.ge [sflag:s4], $0x0  }
0x19: {  	s7 =	sld [smem:$0x3F8D]  }
0x1a: {  	s8 =	sadd.s32 $0xFFFFE003, lr  }
0x1b: {  	s9 =	sadd.s32 $0xFFFFFEF7, lr;
	s5 =	simm.s32 $0xFFFFFFFF;
	p2 =	slt.u32 s8, $0xFFFFF086  }
0x1c: {  	p1 =	slt.u32 s9, $0xF7A;
	s5 =	simm.s32 @!p2 $0x0  }
0x1d: {  	s5 =	simm.s32 @p1 $0x1;
	p0 =	seq.s32 s7, s2  }
0x1e: {  	s7 =	smul.u32 @!p0 $0xF7A, s2;
	p2 =	seq.s32 @!p0 s5, $0x0  }
0x1f: {  	s9 =	smul.u32 $0xF7A, s1;
	s8 =	simm.s32 @!p0 $0x1BF5;
	p2 =	por !p2, p0  }
0x20: {  	[sflag:s8] =	ssyncset.s32 @!p0 $0xFFFFF086;
	s6 =	sadd.s32 @!p0 s3, s7;
	s7 =	simm.s32 @!p0 $0x108  }
0x21: {  	s3 =	sadd.s32 s3, s9;
	s6 =	sadd.s32 @!p0 $0x88, s6;
	s7 =	simm.s32 @p2 $0x1082  }
0x22: {  	[simem:s7], [sflag:s8] =	dma.local @!p0 [hbm:s6], $0xF7A  }
0x23: {  	s9 =	sor.u32 $0xD0000000, s2;
	s6 =	simm.s32 $0x108;
	_ =	swait.ge @!p0 [sflag:s8], $0x0  }
0x24: {  	s3 =	sadd.s32 $0x88, s3;
	s6 =	simm.s32 @!p1 $0x1082;
	[sflag:s4] =	ssyncset.s32 $0xFFFFF086  }
0x25: {  	[simem:s6], [sflag:s4] =	dma.local [hbm:s3], $0xF7A  }
0x26: {  	[smem:$0x3F8D] =	sst s1;
	(tag) =	ssettag s2;
	_ =	strace s9  }
0x27: {  	s1 =	sld [smem:$0x3F9D]  }
0x28: {  	s2 =	sld [smem:$0x3F9E]  }
0x29: {  	s4 =	sld [smem:$0x3FA0]  }
0x2a: {  	p0 =	seq.s32 s5, $0x0;
	s5 =	sld [smem:$0x3FA1]  }
0x2b: {  	s6 =	sld [smem:$0x3FA2]  }
0x2c: {  	s7 =	sld [smem:$0x3FA3]  }
0x2d: {  	s3 =	simm.s32 $0x108;
	s8 =	sld [smem:$0x3FA4]  }
0x2e: {  	s3 =	simm.s32 @!p0 $0x1082;
	s9 =	sld [smem:$0x3FA5]  }
0x2f: {  	lr =	sadd.s32 s0, s3;
	s0 =	sld [smem:$0x3F9C]  }
0x30: {  	s3 =	sld [smem:$0x3F9F]  }
0x31: {  	[smem:$0x3FA8] =	sst s10  }
0x32: {  	s10 =	sld [smem:$0x3FA6];
	_ =	sdelay $0x3  }
0x33: {  	p0 =	seq.s32 s10, $0x1;
	s10 =	sld [smem:$0x3FA8];
	_ =	sdelay $0x3  }
0x34: {  	[smem:$0x3FA8] =	sst s10  }
0x35: {  	s10 =	sld [smem:$0x3FA7];
	_ =	sdelay $0x3  }
0x36: {  	p1 =	seq.s32 s10, $0x1;
	s10 =	sld [smem:$0x3FA8];
	_ =	sdelay $0x3  }
0x37: {  	[smem:$0x3FA8] =	sst s10  }
0x38: {  	s10 =	sld [smem:$0x3FA9]  }
0x39: {  	_ = 	snop;
	(pc) =	sbr.ind lr, $3  }
0x3a: {  	_ = 	snop  }
0x3b: {  	_ = 	snop  }
0x3c: {  	p2 =	seq.s32 s10, $0x1;
	s10 =	sld [smem:$0x3FA8]  }
0x3d: {  	_ =	shalt  }
0x3e: {  	_ =	shalt  }
0x3f: {  	_ =	shalt  }
0x40: {  	_ =	shalt  }
0x41: {  	_ =	shalt  }
0x42: {  	_ =	shalt  }
0x43: {  	_ =	shalt  }
0x44: {  	_ =	shalt  }
0x45: {  	_ =	shalt  }
0x46: {  	_ =	shalt  }
0x47: {  	_ =	shalt  }
0x48: {  	_ =	shalt  }
0x49: {  	_ =	shalt  }
0x4a: {  	_ =	shalt  }
0x4b: {  	_ =	shalt  }
0x4c: {  	_ =	shalt  }
0x4d: {  	_ =	shalt  }
0x4e: {  	_ =	shalt  }
0x4f: {  	_ =	shalt  }
0x50: {  	_ =	shalt  }
0x51: {  	_ =	shalt  }
0x52: {  	_ =	shalt  }
0x53: {  	_ =	shalt  }
0x54: {  	_ =	shalt  }
0x55: {  	_ =	shalt  }
0x56: {  	_ =	shalt  }
0x57: {  	_ =	shalt  }
0x58: {  	_ =	shalt  }
0x59: {  	_ =	shalt  }
0x5a: {  	_ =	shalt  }
0x5b: {  	_ =	shalt  }
0x5c: {  	_ =	shalt  }
0x5d: {  	_ =	shalt  }
0x5e: {  	_ =	shalt  }
0x5f: {  	_ =	shalt  }
0x60: {  	_ =	shalt  }
0x61: {  	_ =	shalt  }
0x62: {  	_ =	shalt  }
0x63: {  	_ =	shalt  }
0x64: {  	_ =	shalt  }
0x65: {  	_ =	shalt  }
0x66: {  	_ =	shalt  }
0x67: {  	_ =	shalt  }
0x68: {  	_ =	shalt  }
0x69: {  	_ =	shalt  }
0x6a: {  	_ =	shalt  }
0x6b: {  	_ =	shalt  }
0x6c: {  	_ =	shalt  }
0x6d: {  	_ =	shalt  }
0x6e: {  	_ =	shalt  }
0x6f: {  	_ =	shalt  }
0x70: {  	_ =	shalt  }
0x71: {  	_ =	shalt  }
0x72: {  	_ =	shalt  }
0x73: {  	_ =	shalt  }
0x74: {  	_ =	shalt  }
0x75: {  	_ =	shalt  }
0x76: {  	_ =	shalt  }
0x77: {  	_ =	shalt  }
0x78: {  	_ =	shalt  }
0x79: {  	_ =	shalt  }
0x7a: {  	_ =	shalt  }
0x7b: {  	_ =	shalt  }
0x7c: {  	_ =	shalt  }
0x7d: {  	_ =	shalt  }
0x7e: {  	_ =	shalt  }
0x7f: {  	_ =	shalt  }
0x80: {  	_ =	shalt  }
0x81: {  	_ =	shalt  }
0x82: {  	_ =	shalt  }
0x83: {  	_ =	shalt  }
0x84: {  	_ =	shalt  }
0x85: {  	_ =	shalt  }
0x86: {  	_ =	shalt  }
0x87: {  	_ =	shalt  }
.Lfunc_end0:
.L_simem_size_0:
called_computation.4_lowered:
.L_overlay_start_0:
0x88: {  	s2 =	sld [smem:$0x3FD9]  }
0x89: {  	s3 =	sld [smem:$0x3FFE];
	_ =	sdelay $0x1  }
0x8a: {  	s1 =	srdreg.scid  }
0x8b: {  	s0 =	sand.u32 $0x1, s1  }
0x8c: {  	s17 =	sshll.u32 s0, $0xA;
	s2 =	sadd.s32 s3, s2  }
0x8d: {  	s2 =	sadd.s32 s2, s17  }
0x8e: {  	[smem:$0x3FB4] =	sst s2  }
0x8f: {  	_ = 	snop  }
0x90: {  	s2 =	sld [smem:$0x3FC7]  }
0x91: {  	s18 =	sld [smem:$0x3FC6];
	(tm) =	ssettm $0x1  }
0x92: {  	s4 =	sld [smem:$0x3FFB];
	_ =	sdelay $0x3  }
0x93: {  	_ =	strace s4  }
0x94: {  	s4 =	sld [smem:$0x3FFC];
	_ =	sdelay $0x3  }
0x95: {  	_ =	strace s4  }
0x96: {  	s4 =	sld [smem:$0x3FFD];
	_ =	sdelay $0x3  }
0x97: {  	_ =	strace s4  }
0x98: {  	_ =	strace $0x8FFFFFFF  }
0x99: {  	s19 =	sld [smem:$0x3FDB];
	_ =	sdelay $0x1  }
0x9a: {  	s5 =	simm.s32 $_scs_section_size  }
0x9b: {  	s6 =	simm.s32 $_size__tile_overlayer_lowered;
	s7 =	simm.s32 $_tile_overlayer_lowered  }
0x9c: {  	s22 =	simm.s32 $0x1BFF;
	s21 =	sshll.u32 s7, $0x1;
	s4 =	sadd.s32 s5, s19  }
0x9d: {  	s8 =	simm.s32 $0x0;
	s20 =	sshll.u32 s6, $0x1;
	s6 =	sadd.s32 s21, s4  }
0x9e: {  	[timem:s8], [sflag:s22] =	dma.local [hbm:s6], s20  }
0x9f: {  	_ =	swait.ge [sflag:s22], s20  }
0xa0: {  	s5 =	ssub.s32 $0x0, s20;
	[sflag:s22] =	ssyncset.done $0x0  }
0xa1: {  	[sflag:s22] =	ssyncadd.s32 s5;
	_ =	sdelay $0x1  }
0xa2: {  	s23 =	simm.s32 $0x1B8B  }
0xa3: {  	_ =	swait.ge [sflag:s23], $0x1  }
0xa4: {  	[sflag:s23] =	ssyncset.done $0x0  }
0xa5: {  	s25 =	simm.s32 $0x1B8E;
	s24 =	sld [smem:$0x3FFE];
	[sflag:s23] =	ssyncadd.s32 $0xFFFFFFFF  }
0xa6: {  	s26 =	simm.s32 $execute0_lowered;
	[smem:$0x3FD2] =	sst s25  }
0xa7: {  	s6 =	sshll.u32 s26, $0x1;
	_ =	strace $0x80000052;
	[dreg:$0x1] =	wrdreg $0xFFFFFFFF  }
0xa8: {  	s28 =	simm.s32 $_size_execute0_lowered;
	s4 =	sadd.s32 s4, s6;
	[dreg:$0x0] =	wrdreg $0x0  }
0xa9: {  	s6 =	sshll.u32 s28, $0x1;
	[dreg:$0x2] =	wrdreg s4  }
0xaa: {  	[dreg:$0x3] =	wrdreg s6  }
0xab: {  	[dreg:$0x4] =	wrdreg $0xC0  }
0xac: {  	_ =	task [dreg:s8], $0x5FFFF  }
0xad: {  	[dreg:$0x1] =	wrdreg $0xFFFFFFFF  }
0xae: {  	[dreg:$0x0] =	wrdreg $0x60  }
0xaf: {  	[dreg:$0x2] =	wrdreg s24  }
0xb0: {  	[dreg:$0x3] =	wrdreg s2  }
0xb1: {  	[dreg:$0x4] =	wrdreg s18  }
0xb2: {  	[dreg:$0x5] =	wrdreg $0x9  }
0xb3: {  	_ =	task.clear_ibuf [dreg:s8], $0x6FFFF;
	_ =	strace $0x90000052  }
0xb4: {  	s29 =	simm.s32 $0x9;
	_ =	strace $0x80000054  }
0xb5: {  	_ =	swait.ge [sflag:s29], $0x1  }
0xb6: {  	[sflag:s29] =	ssyncadd.s32 $0xFFFFFFFF  }
0xb7: {  	_ =	strace $0x90000054  }
0xb8: {  	_ =	sfence  }
0xb9: {  	s30 =	sld [smem:$0x0];
	_ =	sdelay $0x2  }
0xba: {  	s31 =	sshll.u32 s1, $0xD;
	s1 =	sshrl.u32 s1, $0x2  }
0xbb: {  	s3 =	sand.u32 $0x4000, s31;
	s1 =	sadd.s32 s1, s30  }
0xbc: {  	s0 =	sor.u32 s3, s0;
	s1 =	sshll.u32 s1, $0x11  }
0xbd: {  	s0 =	sor.u32 s1, s0  }
0xbe: {  	s0 =	sadd.s32 $0x8F2B, s0  }
0xbf: {  	[sflag:s0] =	ssyncadd.remote.s32 $0x1  }
0xc0: {  	_ =	sfence.sel $0xFFFF  }
0xc1: {  	[dreg:$0x0] =	wrdreg $0xFFFFFFFF;
	(pc) =	sbr.abs _section_cstart, $3  }
0xc2: {  	[dreg:$0x1] =	wrdreg $0xFFFFFFFF  }
0xc3: {  	_ =	task.clear_ibuf [dreg:s8], $0x2FFFF;
	_ =	strace $0x9FFFFFFF  }
0xc4: {  	(tm) =	ssettm $0x7FFFFFFF  }
0xc5: {  	_ =	shalt  }
tec
execute0_lowered:
.L_overlay_start_1:
0x0: {  	(tag) =	ssettag $0x1  }
0x1: {  	s0 =	rddreg [dreg:$0x0]  }
0x2: {  	s8 =	rddreg [dreg:$0x1]  }
0x3: {  	s9 =	rddreg [dreg:$0x2];
	s2 =	simm.s32 $0x0  }
0x4: {  	s3 =	srdreg.scid;
	s1 =	stileid.u32;
	s15 =	simm.s32 $0x2800  }
0x5: {  	s16 =	simm.s32 $0x8C00;
	s17 =	simm.s32 $0x3;
	s18 =	simm.s32 $0xC8  }
0x6: {  	s19 =	simm.s32 $0x2;
	s20 =	simm.s32 $0xF000;
	s21 =	simm.s32 $0x15400  }
0x7: {  	s22 =	simm.s32 $0x1;
	s23 =	simm.s32 $0x4;
	s24 =	simm.s32 $0x0  }
0x8: {  	[smem:$0x7FF] =	sst s2;
	s10 =	sand.u32 $0x1, s3;
	s5 =	sadd.s32 $0x561400, s0  }
0x9: {  	s4 =	sshll.u32 s1, $0x1;
	s7 =	sadd.s32 $0xA43400, s0;
	s13 =	smul.u32 $0x27100, s1  }
0xa: {  	s3 =	sadd.s32 $0x57A00, s0;
	_ =	strace $0x80000053;
	s14 =	smul.u32 $0x13880, s10  }
.Ltmp0:
0xb: {  	s4 =	sor.u32 s10, s4;
	s11 =	ssub.s32 $0x2, s10;
	(pc) =	sbr.rel .LBB2_1-.Ltmp0, $4  }
0xc: {  	s10 =	sadd.s32 $0xCB4400, s0;
	s6 =	smul.u32 $0x1388, s4;
	s12 =	sshrl.u32 s11, $0x1  }
0xd: {  	s31 =	sadd.s32 s13, s7;
	s13 =	simm.s32 $0x5;
	s11 =	ssub.s32 s11, s12  }
0xe: {  	s12 =	sadd.s32 s14, s31;
	s14 =	simm.s32 $0x1400;
	s30 =	sshrl.u32 s6, $0x3  }
0xf: {  	s11 =	smax.u32 s11, $0x1;
	s8 =	sadd.s32 s8, s30;
	s9 =	sadd.s32 s9, s30  }
.LBB2_10:
0x10: {  	_ =	swait.ge [sflag:s22], $0x6400  }
0x11: {  	[sflag:s22] =	ssyncset.done $0x0  }
0x12: {  	s0 =	smul.u32 $0x13880, s4;
	[sflag:s22] =	ssyncadd.s32 $0xFFFF9C00  }
0x13: {  	_ =	swait.ge [sflag:s22], $0x6400  }
0x14: {  	s0 =	sadd.s32 $0x12C00, s0;
	[sflag:s22] =	ssyncset.done $0x0  }
0x15: {  	s1 =	sadd.s32 s7, s0;
	[sflag:s22] =	ssyncadd.s32 $0xFFFF9C00  }
0x16: {  	[hbm4b:s1+s2] =	stream.linear.scatter [tilespmem:s15], [sflag:$0x3], $0x6400, $0x38;
	[tilespmem:$0x1B800] =	vst v63  }
0x17: {  	s0 =	sadd.s32 s0, s10  }
0x18: {  	[hbm4b:s0+s2] =	stream.linear.scatter [tilespmem:s16], [sflag:$0x3], $0x6400, $0x38;
	[tilespmem:$0x1B800] =	vst v63  }
0x19: {  	_ =	swait.ge [sflag:s17], $0x6400  }
0x1a: {  	[sflag:s17] =	ssyncset.done $0x0  }
0x1b: {  	[sflag:s17] =	ssyncadd.s32 $0xFFFF9C00  }
0x1c: {  	_ =	swait.ge [sflag:s17], $0x6400  }
0x1d: {  	[sflag:s17] =	ssyncset.done $0x0  }
0x1e: {  	s24 =	sadd.s32 $0x1, s24;
	[sflag:s17] =	ssyncadd.s32 $0xFFFF9C00  }
0x1f: {  	p0 =	sne.s32 s24, s11;
	_ =	swait.ge [sflag:s23], $0x6400  }
.Ltmp1:
0x20: {  	[sflag:s23] =	ssyncset.done $0x0;
	(pc) =	sbr.rel @!p0 .LBB2_11-.Ltmp1, $4  }
0x21: {  	[sflag:s23] =	ssyncadd.s32 $0xFFFF9C00  }
0x22: {  	_ =	swait.ge [sflag:s23], $0x6400  }
0x23: {  	[sflag:s23] =	ssyncset.done $0x0  }
0x24: {  	[sflag:s23] =	ssyncadd.s32 $0xFFFF9C00  }
.LBB2_1:
0x25: {  	[tilespmem:s2], [sflag:$0x5] =	stream.linear.gather [hbm4b:s8+s2], $0x1388, $0x38;
	[tilespmem:$0x1B800] =	vst v63  }
0x26: {  	_ =	swait.ge [sflag:s13], $0x1388  }
0x27: {  	[sflag:s13] =	ssyncset.done $0x0  }
0x28: {  	[sflag:s13] =	ssyncadd.s32 $0xFFFFEC78  }
0x29: {  	[tilespmem:s14], [sflag:$0x5] =	stream.linear.gather [hbm4b:s9+s2], $0x1388, $0x38;
	[tilespmem:$0x1B800] =	vst v63  }
0x2a: {  	_ =	swait.ge [sflag:s13], $0x1388  }
.Ltmp2:
0x2b: {  	[sflag:s13] =	ssyncset.done $0x0;
	(pc) =	sbr.rel .LBB2_2-.Ltmp2, $4  }
0x2c: {  	s25 =	simm.s32 $0x14C8;
	s26 =	simm.s32 $0x0;
	[sflag:s13] =	ssyncadd.s32 $0xFFFFEC78  }
0x2d: {  	[tilespmem:s15], [sflag:$0x1] =	stream.indirect.gather [hbm4b:s3+s18], $0x80, s2, s18, $0xb8;
	[tilespmem:$0x1B800] =	vst v63  }
0x2e: {  	s28 =	simm.s32 $0xC8;
	s29 =	simm.s32 $0x0;
	s30 =	simm.s32 $0x0  }
0x2f: {  	[tilespmem:s16], [sflag:$0x1] =	stream.indirect.gather [hbm4b:s5+s18], $0x80, s14, s18, $0xb8;
	[tilespmem:$0x1B800] =	vst v63  }
.LBB2_8:
0x30: {  	_ =	swait.ge [sflag:s17], $0x6400  }
0x31: {  	[sflag:s17] =	ssyncset.done $0x0  }
0x32: {  	[sflag:s17] =	ssyncadd.s32 $0xFFFF9C00  }
0x33: {  	_ =	swait.ge [sflag:s17], $0x6400  }
0x34: {  	[sflag:s17] =	ssyncset.done $0x0  }
0x35: {  	[sflag:s17] =	ssyncadd.s32 $0xFFFF9C00  }
0x36: {  	[tilespmem:s15], [sflag:$0x1] =	stream.indirect.gather [hbm4b:s3+s18], $0x80, s28, s18, $0xb8;
	[tilespmem:$0x1B800] =	vst v63  }
0x37: {  	_ = 	snop  }
0x38: {  	[tilespmem:s16], [sflag:$0x1] =	stream.indirect.gather [hbm4b:s5+s18], $0x80, s25, s18, $0xb8;
	[tilespmem:$0x1B800] =	vst v63  }
0x39: {  	_ =	swait.ge [sflag:s19], $0x6400  }
0x3a: {  	[sflag:s19] =	ssyncset.done $0x0  }
0x3b: {  	[sflag:s19] =	ssyncadd.s32 $0xFFFF9C00  }
0x3c: {  	_ =	swait.ge [sflag:s19], $0x6400  }
0x3d: {  	[sflag:s19] =	ssyncset.done $0x0  }
0x3e: {  	s0 =	sadd.s32 s29, s12;
	[sflag:s19] =	ssyncadd.s32 $0xFFFF9C00  }
0x3f: {  	[hbm4b:s0+s2] =	stream.linear.scatter [tilespmem:s20], [sflag:$0x4], $0x6400, $0x38;
	[tilespmem:$0x1B800] =	vst v63  }
0x40: {  	s0 =	sadd.s32 $0x271000, s0  }
0x41: {  	[hbm4b:s0+s2] =	stream.linear.scatter [tilespmem:s21], [sflag:$0x4], $0x6400, $0x38;
	[tilespmem:$0x1B800] =	vst v63  }
.LBB2_9:
0x42: {  	s29 =	sadd.s32 $0xC80, s29  }
0x43: {  	p0 =	sne.s32 s29, $0x12C00  }
.Ltmp3:
0x44: {  	_ = 	snop;
	(pc) =	sbr.rel @!p0 .LBB2_10-.Ltmp3, $3  }
0x45: {  	_ =	sdelay $0x1  }
0x46: {  	s30 =	sadd.s32 $0x1, s30  }
0x47: {  	s28 =	sadd.s32 $0xC8, s28;
	s25 =	sadd.s32 $0xC8, s25;
	s26 =	sadd.s32 $0xC8, s26  }
.LBB2_2:
0x48: {  	s31 =	sand.u32 $0x1, s30  }
0x49: {  	p0 =	seq.s32 s31, $0x1  }
.Ltmp4:
0x4a: {  	_ = 	snop;
	(pc) =	sbr.rel @p0 .LBB2_8-.Ltmp4, $1  }
0x4b: {  	_ =	sdelay $0x3  }
0x4c: {  	p0 =	seq.s32 s30, $0x0  }
.Ltmp5:
0x4d: {  	_ = 	snop;
	(pc) =	sbr.rel @p0 .LBB2_6-.Ltmp5, $1  }
0x4e: {  	_ =	sdelay $0x3  }
0x4f: {  	p0 =	seq.s32 s30, $0x18  }
.Ltmp6:
0x50: {  	_ = 	snop;
	(pc) =	sbr.rel @p0 .LBB2_7-.Ltmp6, $2  }
0x51: {  	_ =	sdelay $0x2  }
0x52: {  	s0 =	simm.s32 $0x12C0  }
0x53: {  	_ =	swait.ge [sflag:s23], $0x6400  }
0x54: {  	[sflag:s23] =	ssyncset.done $0x0  }
0x55: {  	[sflag:s23] =	ssyncadd.s32 $0xFFFF9C00  }
0x56: {  	_ =	swait.ge [sflag:s23], $0x6400  }
0x57: {  	[sflag:s23] =	ssyncset.done $0x0  }
0x58: {  	[sflag:s23] =	ssyncadd.s32 $0xFFFF9C00  }
.LBB2_6:
0x59: {  	[tilespmem:s20], [sflag:$0x2] =	stream.indirect.gather [hbm4b:s3+s18], $0x80, s28, s18, $0xb8;
	[tilespmem:$0x1B800] =	vst v63  }
0x5a: {  	s0 =	smov.u32 s26  }
0x5b: {  	[tilespmem:s21], [sflag:$0x2] =	stream.indirect.gather [hbm4b:s5+s18], $0x80, s25, s18, $0xb8;
	[tilespmem:$0x1B800] =	vst v63  }
.LBB2_7:
0x5c: {  	_ =	swait.ge [sflag:s22], $0x6400  }
0x5d: {  	[sflag:s22] =	ssyncset.done $0x0  }
0x5e: {  	[sflag:s22] =	ssyncadd.s32 $0xFFFF9C00  }
0x5f: {  	s0 =	sadd.s32 s6, s0;
	p0 =	seq.s32 s31, $0x0;
	_ =	swait.ge [sflag:s22], $0x6400  }
.Ltmp7:
0x60: {  	s0 =	sshll.u32 s0, $0x4;
	[sflag:s22] =	ssyncset.done $0x0;
	(pc) =	sbr.rel @p0 .LBB2_9-.Ltmp7, $4  }
.Ltmp8:
0x61: {  	s1 =	sadd.s32 s7, s0;
	[sflag:s22] =	ssyncadd.s32 $0xFFFF9C00;
	(pc) =	sbr.rel @!p0 .LBB2_8-.Ltmp8, $4  }
0x62: {  	[hbm4b:s1+s2] =	stream.linear.scatter [tilespmem:s15], [sflag:$0x3], $0x6400, $0x38;
	[tilespmem:$0x1B800] =	vst v63  }
0x63: {  	s0 =	sadd.s32 s0, s10  }
0x64: {  	[hbm4b:s0+s2] =	stream.linear.scatter [tilespmem:s16], [sflag:$0x3], $0x6400, $0x38;
	[tilespmem:$0x1B800] =	vst v63  }
0x65: {  	_ = 	snop  }
.LBB2_11:
0x66: {  	_ =	sfence.sel $0x180000  }
0x67: {  	[bflag:$0x0] =	sbarrier.arrive $0xFFFF  }
0x68: {  	_ =	strace $0x90000053  }
0x69: {  	s0 =	stileid.u32;
	[bflag:$0x2] =	sbarrier.arrive $0xFFFF  }
0x6a: {  	p0 =	sne.s32 s0, $0x0;
	s0 =	rddreg [dreg:$0x3]  }
0x6b: {  	s0 =	sadd.s32 @!p0 $0x100000, s0  }
0x6c: {  	[sflag:s0] =	ssyncadd.tile.s32 @!p0 $0x1;
	_ =	shalt  }
.Lfunc_end2:
_tile_overlayer_lowered:
.L_overlay_start_2:
0x6d: {  	(tag) =	ssettag $0x2  }
0x6e: {  	s0 =	rddreg [dreg:$0x0];
	s2 =	stileid.u32  }
0x6f: {  	s1 =	rddreg [dreg:$0x1];
	p0 =	sne.s32 s2, $0x0  }
0x70: {  	s3 =	rddreg [dreg:$0x2];
	[bflag:$0x3] =	sbarrier.arrive $0xFFFF;
	s2 =	simm.s32 @!p0 $0x1C05  }
0x71: {  	[timem:s3], [sflag:s2] =	dma.local @!p0 [hbm:s0], s1  }
0x72: {  	s0 =	simm.s32 @!p0 $0x5  }
0x73: {  	_ =	swait.ge @!p0 [sflag:s0], s1  }
0x74: {  	s1 =	ssub.s32 @!p0 $0x0, s1;
	[sflag:s0] =	ssyncset.done @!p0 $0x0  }
0x75: {  	[sflag:s0] =	ssyncadd.s32 @!p0 s1  }
0x76: {  	[bflag:$0x3] =	sbarrier.arrive $0xFFFF  }
0x77: {  	_ =	shalt  }

// kernel: kernel.30.cloned.1.call-start
scs
__scs_entry_jumppad:
0x0: {  	(pc) =	sbr.rel $0x88, $3  }
0x1: {  	(tag) =	ssettag $0x0;
	lr =	simm.s32 $0x1  }
0x2: {  	[smem:$0x3F8D] =	sst lr;
	_ =	strace $0xD0000000  }
0x3: {  	_ = 	snop  }
0x4: {  	_ = 	snop  }
0x5: {  	_ = 	snop  }
0x6: {  	_ = 	snop  }
0x7: {  	_ = 	snop  }
__scs_overlays_trampoline_lowered:
0x8: {  	[smem:$0x3F9C] =	sst s0  }
0x9: {  	[smem:$0x3F9D] =	sst s1  }
0xa: {  	[smem:$0x3F9E] =	sst s2  }
0xb: {  	[smem:$0x3F9F] =	sst s3  }
0xc: {  	[smem:$0x3FA0] =	sst s4  }
0xd: {  	[smem:$0x3FA1] =	sst s5  }
0xe: {  	[smem:$0x3FA2] =	sst s6  }
0xf: {  	[smem:$0x3FA3] =	sst s7  }
0x10: {  	[smem:$0x3FA4] =	sst s8  }
0x11: {  	[smem:$0x3FA5] =	sst s9;
	s0 =	simm.s32 @!p0 $0x0  }
0x12: {  	s1 =	sld [smem:$0x3F8B];
	s0 =	simm.s32 @p0 $0x1  }
0x13: {  	[smem:$0x3FA6] =	sst s0;
	s0 =	simm.s32 @!p1 $0x0  }
0x14: {  	s2 =	sld [smem:$0x3F8A];
	s0 =	simm.s32 @p1 $0x1  }
0x15: {  	[smem:$0x3FA7] =	sst s0;
	s0 =	simm.s32 @!p2 $0x0  }
0x16: {  	s3 =	sld [smem:$0x3FDB];
	s0 =	simm.s32 @p2 $0x1  }
0x17: {  	s4 =	simm.s32 $0x1BF5;
	[smem:$0x3FA9] =	sst s0  }
0x18: {  	s0 =	sld [smem:$0x3F8C];
	_ =	swait.ge [sflag:s4], $0x0  }
0x19: {  	s7 =	sld [smem:$0x3F8D]  }
0x1a: {  	s8 =	sadd.s32 $0xFFFFE003, lr  }
0x1b: {  	s9 =	sadd.s32 $0xFFFFFEF7, lr;
	s5 =	simm.s32 $0xFFFFFFFF;
	p2 =	slt.u32 s8, $0xFFFFF086  }
0x1c: {  	p1 =	slt.u32 s9, $0xF7A;
	s5 =	simm.s32 @!p2 $0x0  }
0x1d: {  	s5 =	simm.s32 @p1 $0x1;
	p0 =	seq.s32 s7, s2  }
0x1e: {  	s7 =	smul.u32 @!p0 $0xF7A, s2;
	p2 =	seq.s32 @!p0 s5, $0x0  }
0x1f: {  	s9 =	smul.u32 $0xF7A, s1;
	s8 =	simm.s32 @!p0 $0x1BF5;
	p2 =	por !p2, p0  }
0x20: {  	[sflag:s8] =	ssyncset.s32 @!p0 $0xFFFFF086;
	s6 =	sadd.s32 @!p0 s3, s7;
	s7 =	simm.s32 @!p0 $0x108  }
0x21: {  	s3 =	sadd.s32 s3, s9;
	s6 =	sadd.s32 @!p0 $0x88, s6;
	s7 =	simm.s32 @p2 $0x1082  }
0x22: {  	[simem:s7], [sflag:s8] =	dma.local @!p0 [hbm:s6], $0xF7A  }
0x23: {  	s9 =	sor.u32 $0xD0000000, s2;
	s6 =	simm.s32 $0x108;
	_ =	swait.ge @!p0 [sflag:s8], $0x0  }
0x24: {  	s3 =	sadd.s32 $0x88, s3;
	s6 =	simm.s32 @!p1 $0x1082;
	[sflag:s4] =	ssyncset.s32 $0xFFFFF086  }
0x25: {  	[simem:s6], [sflag:s4] =	dma.local [hbm:s3], $0xF7A  }
0x26: {  	[smem:$0x3F8D] =	sst s1;
	(tag) =	ssettag s2;
	_ =	strace s9  }
0x27: {  	s1 =	sld [smem:$0x3F9D]  }
0x28: {  	s2 =	sld [smem:$0x3F9E]  }
0x29: {  	s4 =	sld [smem:$0x3FA0]  }
0x2a: {  	p0 =	seq.s32 s5, $0x0;
	s5 =	sld [smem:$0x3FA1]  }
0x2b: {  	s6 =	sld [smem:$0x3FA2]  }
0x2c: {  	s7 =	sld [smem:$0x3FA3]  }
0x2d: {  	s3 =	simm.s32 $0x108;
	s8 =	sld [smem:$0x3FA4]  }
0x2e: {  	s3 =	simm.s32 @!p0 $0x1082;
	s9 =	sld [smem:$0x3FA5]  }
0x2f: {  	lr =	sadd.s32 s0, s3;
	s0 =	sld [smem:$0x3F9C]  }
0x30: {  	s3 =	sld [smem:$0x3F9F]  }
0x31: {  	[smem:$0x3FA8] =	sst s10  }
0x32: {  	s10 =	sld [smem:$0x3FA6];
	_ =	sdelay $0x3  }
0x33: {  	p0 =	seq.s32 s10, $0x1;
	s10 =	sld [smem:$0x3FA8];
	_ =	sdelay $0x3  }
0x34: {  	[smem:$0x3FA8] =	sst s10  }
0x35: {  	s10 =	sld [smem:$0x3FA7];
	_ =	sdelay $0x3  }
0x36: {  	p1 =	seq.s32 s10, $0x1;
	s10 =	sld [smem:$0x3FA8];
	_ =	sdelay $0x3  }
0x37: {  	[smem:$0x3FA8] =	sst s10  }
0x38: {  	s10 =	sld [smem:$0x3FA9]  }
0x39: {  	_ = 	snop;
	(pc) =	sbr.ind lr, $3  }
0x3a: {  	_ = 	snop  }
0x3b: {  	_ = 	snop  }
0x3c: {  	p2 =	seq.s32 s10, $0x1;
	s10 =	sld [smem:$0x3FA8]  }
0x3d: {  	_ =	shalt  }
0x3e: {  	_ =	shalt  }
0x3f: {  	_ =	shalt  }
0x40: {  	_ =	shalt  }
0x41: {  	_ =	shalt  }
0x42: {  	_ =	shalt  }
0x43: {  	_ =	shalt  }
0x44: {  	_ =	shalt  }
0x45: {  	_ =	shalt  }
0x46: {  	_ =	shalt  }
0x47: {  	_ =	shalt  }
0x48: {  	_ =	shalt  }
0x49: {  	_ =	shalt  }
0x4a: {  	_ =	shalt  }
0x4b: {  	_ =	shalt  }
0x4c: {  	_ =	shalt  }
0x4d: {  	_ =	shalt  }
0x4e: {  	_ =	shalt  }
0x4f: {  	_ =	shalt  }
0x50: {  	_ =	shalt  }
0x51: {  	_ =	shalt  }
0x52: {  	_ =	shalt  }
0x53: {  	_ =	shalt  }
0x54: {  	_ =	shalt  }
0x55: {  	_ =	shalt  }
0x56: {  	_ =	shalt  }
0x57: {  	_ =	shalt  }
0x58: {  	_ =	shalt  }
0x59: {  	_ =	shalt  }
0x5a: {  	_ =	shalt  }
0x5b: {  	_ =	shalt  }
0x5c: {  	_ =	shalt  }
0x5d: {  	_ =	shalt  }
0x5e: {  	_ =	shalt  }
0x5f: {  	_ =	shalt  }
0x60: {  	_ =	shalt  }
0x61: {  	_ =	shalt  }
0x62: {  	_ =	shalt  }
0x63: {  	_ =	shalt  }
0x64: {  	_ =	shalt  }
0x65: {  	_ =	shalt  }
0x66: {  	_ =	shalt  }
0x67: {  	_ =	shalt  }
0x68: {  	_ =	shalt  }
0x69: {  	_ =	shalt  }
0x6a: {  	_ =	shalt  }
0x6b: {  	_ =	shalt  }
0x6c: {  	_ =	shalt  }
0x6d: {  	_ =	shalt  }
0x6e: {  	_ =	shalt  }
0x6f: {  	_ =	shalt  }
0x70: {  	_ =	shalt  }
0x71: {  	_ =	shalt  }
0x72: {  	_ =	shalt  }
0x73: {  	_ =	shalt  }
0x74: {  	_ =	shalt  }
0x75: {  	_ =	shalt  }
0x76: {  	_ =	shalt  }
0x77: {  	_ =	shalt  }
0x78: {  	_ =	shalt  }
0x79: {  	_ =	shalt  }
0x7a: {  	_ =	shalt  }
0x7b: {  	_ =	shalt  }
0x7c: {  	_ =	shalt  }
0x7d: {  	_ =	shalt  }
0x7e: {  	_ =	shalt  }
0x7f: {  	_ =	shalt  }
0x80: {  	_ =	shalt  }
0x81: {  	_ =	shalt  }
0x82: {  	_ =	shalt  }
0x83: {  	_ =	shalt  }
0x84: {  	_ =	shalt  }
0x85: {  	_ =	shalt  }
0x86: {  	_ =	shalt  }
0x87: {  	_ =	shalt  }
.Lfunc_end0:
.L_simem_size_0:
called_computation.5_lowered:
.L_overlay_start_0:
0x88: {  	s2 =	sld [smem:$0x3FD9]  }
0x89: {  	s3 =	sld [smem:$0x3FFE];
	_ =	sdelay $0x1  }
0x8a: {  	s1 =	srdreg.scid  }
0x8b: {  	s0 =	sand.u32 $0x1, s1  }
0x8c: {  	s17 =	sshll.u32 s0, $0xA;
	s2 =	sadd.s32 s3, s2  }
0x8d: {  	s2 =	sadd.s32 s2, s17  }
0x8e: {  	[smem:$0x3FB4] =	sst s2  }
0x8f: {  	_ = 	snop  }
0x90: {  	s2 =	sld [smem:$0x3FC6]  }
0x91: {  	s18 =	sld [smem:$0x3FD0];
	(tm) =	ssettm $0x1  }
0x92: {  	s4 =	sld [smem:$0x3FFB];
	_ =	sdelay $0x3  }
0x93: {  	_ =	strace s4  }
0x94: {  	s4 =	sld [smem:$0x3FFC];
	_ =	sdelay $0x3  }
0x95: {  	_ =	strace s4  }
0x96: {  	s4 =	sld [smem:$0x3FFD];
	_ =	sdelay $0x3  }
0x97: {  	_ =	strace s4  }
0x98: {  	_ =	strace $0x8FFFFFFF  }
0x99: {  	s19 =	sld [smem:$0x3FDB];
	_ =	sdelay $0x1  }
0x9a: {  	s5 =	simm.s32 $_scs_section_size  }
0x9b: {  	s6 =	simm.s32 $_size__tile_overlayer_lowered;
	s7 =	simm.s32 $_tile_overlayer_lowered  }
0x9c: {  	s22 =	simm.s32 $0x1BFF;
	s21 =	sshll.u32 s7, $0x1;
	s4 =	sadd.s32 s5, s19  }
0x9d: {  	s8 =	simm.s32 $0x0;
	s20 =	sshll.u32 s6, $0x1;
	s6 =	sadd.s32 s21, s4  }
0x9e: {  	[timem:s8], [sflag:s22] =	dma.local [hbm:s6], s20  }
0x9f: {  	_ =	swait.ge [sflag:s22], s20  }
0xa0: {  	s5 =	ssub.s32 $0x0, s20;
	[sflag:s22] =	ssyncset.done $0x0  }
0xa1: {  	[sflag:s22] =	ssyncadd.s32 s5;
	_ =	sdelay $0x1  }
0xa2: {  	s23 =	simm.s32 $0x1B8B  }
0xa3: {  	_ =	swait.ge [sflag:s23], $0x1  }
0xa4: {  	[sflag:s23] =	ssyncset.done $0x0  }
0xa5: {  	s25 =	simm.s32 $0x1B8E;
	s24 =	sld [smem:$0x3FFE];
	[sflag:s23] =	ssyncadd.s32 $0xFFFFFFFF  }
0xa6: {  	s26 =	simm.s32 $execute0_lowered;
	[smem:$0x3FD2] =	sst s25  }
0xa7: {  	s6 =	sshll.u32 s26, $0x1;
	_ =	strace $0x80000055;
	[dreg:$0x1] =	wrdreg $0xFFFFFFFF  }
0xa8: {  	s28 =	simm.s32 $_size_execute0_lowered;
	s4 =	sadd.s32 s4, s6;
	[dreg:$0x0] =	wrdreg $0x0  }
0xa9: {  	s6 =	sshll.u32 s28, $0x1;
	[dreg:$0x2] =	wrdreg s4  }
0xaa: {  	[dreg:$0x3] =	wrdreg s6  }
0xab: {  	[dreg:$0x4] =	wrdreg $0xC0  }
0xac: {  	_ =	task [dreg:s8], $0x5FFFF  }
0xad: {  	[dreg:$0x1] =	wrdreg $0xFFFFFFFF  }
0xae: {  	[dreg:$0x0] =	wrdreg $0x60  }
0xaf: {  	[dreg:$0x2] =	wrdreg s24  }
0xb0: {  	[dreg:$0x3] =	wrdreg s2  }
0xb1: {  	[dreg:$0x4] =	wrdreg s18  }
0xb2: {  	[dreg:$0x5] =	wrdreg $0x29000  }
0xb3: {  	[dreg:$0x6] =	wrdreg $0x9  }
0xb4: {  	_ =	task.clear_ibuf [dreg:s8], $0x7FFFF;
	_ =	strace $0x90000055  }
0xb5: {  	s29 =	simm.s32 $0x9;
	_ =	strace $0x80000057  }
0xb6: {  	_ =	swait.ge [sflag:s29], $0x1  }
0xb7: {  	[sflag:s29] =	ssyncadd.s32 $0xFFFFFFFF  }
0xb8: {  	_ =	strace $0x90000057  }
0xb9: {  	_ =	sfence  }
0xba: {  	s30 =	sld [smem:$0x0];
	_ =	sdelay $0x2  }
0xbb: {  	s31 =	sshll.u32 s1, $0xD;
	s1 =	sshrl.u32 s1, $0x2  }
0xbc: {  	s3 =	sand.u32 $0x4000, s31;
	s1 =	sadd.s32 s1, s30  }
0xbd: {  	s0 =	sor.u32 s3, s0;
	s1 =	sshll.u32 s1, $0x11  }
0xbe: {  	s0 =	sor.u32 s1, s0  }
0xbf: {  	s0 =	sadd.s32 $0x8F2B, s0  }
0xc0: {  	[sflag:s0] =	ssyncadd.remote.s32 $0x1  }
0xc1: {  	_ =	sfence.sel $0xFFFF  }
0xc2: {  	[dreg:$0x0] =	wrdreg $0xFFFFFFFF;
	(pc) =	sbr.abs _section_cstart, $3  }
0xc3: {  	[dreg:$0x1] =	wrdreg $0xFFFFFFFF  }
0xc4: {  	_ =	task.clear_ibuf [dreg:s8], $0x2FFFF;
	_ =	strace $0x9FFFFFFF  }
0xc5: {  	(tm) =	ssettm $0x7FFFFFFF  }
tec
execute0_lowered:
.L_overlay_start_1:
0x0: {  	(tag) =	ssettag $0x1  }
0x1: {  	s5 =	rddreg [dreg:$0x0]  }
0x2: {  	s1 =	rddreg [dreg:$0x1]  }
0x3: {  	s9 =	rddreg [dreg:$0x2]  }
0x4: {  	s2 =	rddreg [dreg:$0x3];
	s3 =	srdreg.scid  }
0x5: {  	s4 =	simm.s32 $0x0;
	s20 =	simm.s32 $0x2;
	s7 =	sand.u32 $0x1, s3  }
0x6: {  	s21 =	simm.s32 $0x28;
	s3 =	stileid.u32;
	s6 =	smul.u32 $0x13880, s7  }
0x7: {  	s22 =	simm.s32 $0x1480;
	[smem:$0x7FF] =	sst s4;
	s10 =	smul.u32 $0x1388, s3  }
0x8: {  	s11 =	sadd.s32 $0xA7C00, s5;
	s12 =	sadd.s32 $0x57A00, s5;
	s24 =	smul.u32 $0x4E000, s3  }
0x9: {  	s19 =	sadd.s32 $0x138000, s2;
	_ =	strace $0x80000056;
	s26 =	smul.u32 $0x13800, s3  }
0xa: {  	s8 =	ssub.s32 $0x2, s7;
	s16 =	sshll.u32 s3, $0x6;
	s17 =	smul.u32 $0x138800, s7  }
0xb: {  	s29 =	smul.u32 $0x13880, s3;
	p0 =	sne.s32 s3, $0xF;
	s23 =	sshrl.u32 s8, $0x1  }
0xc: {  	s13 =	ssub.s32 s8, s23;
	s14 =	sadd.s32 s10, s6;
	s8 =	sshrl.u32 s24, $0x2  }
0xd: {  	s15 =	sshrl.u32 s26, $0x3;
	s10 =	sadd.s32 s26, s17;
	s28 =	sshrl.u32 s17, $0x3  }
0xe: {  	s30 =	sadd.s32 s17, s11;
	s17 =	simm.s32 $0x5;
	s23 =	simm.s32 $0x1500  }
0xf: {  	s24 =	simm.s32 $0x1;
	s26 =	simm.s32 $0x0;
	s25 =	sshrl.u32 s14, $0x3  }
0x10: {  	s6 =	sshll.u32 s14, $0x4;
	s18 =	sadd.s32 s8, s2;
	s7 =	sadd.s32 s9, s15  }
0x11: {  	s8 =	sor.u32 $0x1C05, s16;
	s9 =	sadd.s32 $0x27000, s9;
	s10 =	sshrl.u32 s10, $0x3  }
.Ltmp0:
0x12: {  	s31 =	sadd.s32 s29, s30;
	s14 =	sadd.s32 $0x28, s14;
	(pc) =	sbr.rel .LBB2_1-.Ltmp0, $4  }
0x13: {  	s15 =	simm.s32 $0x80;
	s5 =	sadd.s32 s1, s25;
	s6 =	sadd.s32 s11, s6  }
0x14: {  	s10 =	sadd.s32 s12, s10;
	s12 =	sadd.s32 s12, s28;
	s16 =	sshrl.u32 s18, $0x3  }
0x15: {  	s18 =	sshrl.u32 @!p0 s19, $0x3;
	s19 =	simm.s32 $0x3;
	s25 =	simm.s32 $0x4  }
0x16: {  	s11 =	sadd.s32 $0x27000, s12;
	s12 =	smax.u32 s13, $0x1;
	s13 =	sadd.s32 $0x280, s31  }
.LBB2_10:
0x17: {  	_ =	swait.ge [sflag:s24], $0x28  }
0x18: {  	[sflag:s24] =	ssyncset.done $0x0  }
0x19: {  	[sflag:s24] =	ssyncadd.s32 $0xFFFFFFD8  }
0x1a: {  	_ =	swait.ge [sflag:s24], $0x1400  }
0x1b: {  	[sflag:s24] =	ssyncset.done $0x0  }
0x1c: {  	[sflag:s24] =	ssyncadd.s32 $0xFFFFEC00  }
0x1d: {  	[spmem:s2] =	stream.indirect.scatter.add.f32 [tilespmem:s15], [sflag:$0x3], $0x80, s4, s21, $0xb8;
	[tilespmem:$0x16180] =	vst v63  }
0x1e: {  	_ =	swait.ge [sflag:s19], $0x1400  }
0x1f: {  	[sflag:s19] =	ssyncset.done $0x0  }
0x20: {  	[sflag:s19] =	ssyncadd.s32 $0xFFFFEC00  }
0x21: {  	_ =	swait.ge [sflag:s25], $0x1400  }
0x22: {  	[sflag:s25] =	ssyncset.done $0x0  }
0x23: {  	[sflag:s25] =	ssyncadd.s32 $0xFFFFEC00  }
0x24: {  	[bflag:$0x0] =	sbarrier.arrive $0xFFFF  }
0x25: {  	[hbm:s10], [sflag:s8] =	dma.local [spmem:s16], $0x2700  }
0x26: {  	s26 =	sadd.s32 $0x1, s26;
	_ =	swait.ge [sflag:s17], $0x2700  }
0x27: {  	p1 =	sne.s32 s26, s12;
	[sflag:s17] =	ssyncset.done $0x0  }
.Ltmp1:
0x28: {  	s0 =	simm.s32 @!p0 $0x5;
	[sflag:s17] =	ssyncadd.s32 $0xFFFFD900;
	(pc) =	sbr.rel @!p1 .LBB2_11-.Ltmp1, $4  }
0x29: {  	[hbm:s11], [sflag:s8] =	dma.local @!p0 [spmem:s18], $0x100  }
0x2a: {  	_ =	swait.ge @!p0 [sflag:s0], $0x100  }
0x2b: {  	[sflag:s0] =	ssyncset.done @!p0 $0x0  }
0x2c: {  	[sflag:s0] =	ssyncadd.s32 @!p0 $0xFFFFFF00  }
.LBB2_1:
0x2d: {  	[tilespmem:s4], [sflag:$0x1] =	stream.linear.gather [hbm4b:s5+s4], $0x28, $0x38;
	[tilespmem:$0x16180] =	vst v63  }
0x2e: {  	_ = 	snop  }
0x2f: {  	[tilespmem:s15], [sflag:$0x1] =	stream.linear.gather [hbm4b:s6+s4], $0x1400, $0x38;
	[tilespmem:$0x16180] =	vst v63  }
0x30: {  	[spmem:s16], [sflag:s8] =	dma.local [hbm:s7], $0x2700  }
0x31: {  	_ =	swait.ge [sflag:s17], $0x2700  }
0x32: {  	[sflag:s17] =	ssyncset.done $0x0  }
0x33: {  	s28 =	simm.s32 @!p0 $0x5;
	[sflag:s17] =	ssyncadd.s32 $0xFFFFD900  }
0x34: {  	[spmem:s18], [sflag:s8] =	dma.local @!p0 [hbm:s9], $0x100  }
.Ltmp2:
0x35: {  	_ =	swait.ge @!p0 [sflag:s28], $0x100;
	(pc) =	sbr.rel .LBB2_2-.Ltmp2, $4  }
0x36: {  	[sflag:s28] =	ssyncset.done @!p0 $0x0  }
0x37: {  	[sflag:s28] =	ssyncadd.s32 @!p0 $0xFFFFFF00  }
0x38: {  	[bflag:$0x0] =	sbarrier.arrive $0xFFFF  }
0x39: {  	s29 =	smov.u32 s13;
	s30 =	simm.s32 $0x0;
	s28 =	smov.u32 s14  }
.LBB2_8:
0x3a: {  	_ =	swait.ge [sflag:s19], $0x1400  }
0x3b: {  	s0 =	sshrl.u32 s28, $0x3;
	[sflag:s19] =	ssyncset.done $0x0  }
0x3c: {  	s0 =	sadd.s32 s1, s0;
	[sflag:s19] =	ssyncadd.s32 $0xFFFFEC00  }
0x3d: {  	[tilespmem:s4], [sflag:$0x1] =	stream.linear.gather [hbm4b:s0+s4], $0x28, $0x38;
	[tilespmem:$0x16180] =	vst v63  }
0x3e: {  	_ = 	snop  }
0x3f: {  	[tilespmem:s15], [sflag:$0x1] =	stream.linear.gather [hbm4b:s29+s4], $0x1400, $0x38;
	[tilespmem:$0x16180] =	vst v63  }
0x40: {  	_ =	swait.ge [sflag:s20], $0x28  }
0x41: {  	[sflag:s20] =	ssyncset.done $0x0  }
0x42: {  	[sflag:s20] =	ssyncadd.s32 $0xFFFFFFD8  }
0x43: {  	_ =	swait.ge [sflag:s20], $0x1400  }
0x44: {  	[sflag:s20] =	ssyncset.done $0x0  }
0x45: {  	[sflag:s20] =	ssyncadd.s32 $0xFFFFEC00  }
0x46: {  	[spmem:s2] =	stream.indirect.scatter.add.f32 [tilespmem:s23], [sflag:$0x4], $0x80, s22, s21, $0xb8;
	[tilespmem:$0x16180] =	vst v63  }
.LBB2_9:
0x47: {  	s30 =	sadd.s32 $0x1, s30  }
0x48: {  	p1 =	sne.s32 s30, $0x7C  }
.Ltmp3:
0x49: {  	_ = 	snop;
	(pc) =	sbr.rel @!p1 .LBB2_10-.Ltmp3, $2  }
0x4a: {  	_ =	sdelay $0x2  }
0x4b: {  	s29 =	sadd.s32 $0x280, s29;
	s28 =	sadd.s32 $0x28, s28  }
.LBB2_2:
0x4c: {  	s31 =	sand.u32 $0x1, s30  }
0x4d: {  	p1 =	seq.s32 s31, $0x1  }
.Ltmp4:
0x4e: {  	_ = 	snop;
	(pc) =	sbr.rel @p1 .LBB2_8-.Ltmp4, $1  }
0x4f: {  	_ =	sdelay $0x3  }
0x50: {  	p1 =	seq.s32 s30, $0x0  }
.Ltmp5:
0x51: {  	_ = 	snop;
	(pc) =	sbr.rel @p1 .LBB2_6-.Ltmp5, $1  }
0x52: {  	_ =	sdelay $0x3  }
0x53: {  	p1 =	seq.s32 s30, $0x7C  }
.Ltmp6:
0x54: {  	_ = 	snop;
	(pc) =	sbr.rel @p1 .LBB2_7-.Ltmp6, $1  }
0x55: {  	_ =	sdelay $0x3  }
0x56: {  	_ =	swait.ge [sflag:s25], $0x1400  }
0x57: {  	[sflag:s25] =	ssyncset.done $0x0  }
0x58: {  	[sflag:s25] =	ssyncadd.s32 $0xFFFFEC00  }
.LBB2_6:
0x59: {  	s0 =	sshrl.u32 s28, $0x3  }
0x5a: {  	s0 =	sadd.s32 s1, s0  }
0x5b: {  	[tilespmem:s22], [sflag:$0x2] =	stream.linear.gather [hbm4b:s0+s4], $0x28, $0x38;
	[tilespmem:$0x16180] =	vst v63  }
0x5c: {  	_ = 	snop  }
0x5d: {  	[tilespmem:s23], [sflag:$0x2] =	stream.linear.gather [hbm4b:s29+s4], $0x1400, $0x38;
	[tilespmem:$0x16180] =	vst v63  }
.LBB2_7:
0x5e: {  	_ =	swait.ge [sflag:s24], $0x28  }
0x5f: {  	p1 =	seq.s32 s31, $0x0;
	[sflag:s24] =	ssyncset.done $0x0  }
.Ltmp7:
0x60: {  	[sflag:s24] =	ssyncadd.s32 $0xFFFFFFD8;
	(pc) =	sbr.rel @p1 .LBB2_9-.Ltmp7, $4  }
.Ltmp8:
0x61: {  	_ =	swait.ge [sflag:s24], $0x1400;
	(pc) =	sbr.rel @!p1 .LBB2_8-.Ltmp8, $4  }
0x62: {  	[sflag:s24] =	ssyncset.done $0x0  }
0x63: {  	[sflag:s24] =	ssyncadd.s32 $0xFFFFEC00  }
0x64: {  	[spmem:s2] =	stream.indirect.scatter.add.f32 [tilespmem:s15], [sflag:$0x3], $0x80, s4, s21, $0xb8;
	[tilespmem:$0x16180] =	vst v63  }
0x65: {  	_ = 	snop  }
.LBB2_11:
0x66: {  	_ =	sfence.sel $0x180000  }
0x67: {  	[bflag:$0x0] =	sbarrier.arrive $0xFFFF  }
0x68: {  	_ =	strace $0x90000056  }
0x69: {  	[bflag:$0x2] =	sbarrier.arrive $0xFFFF  }
0x6a: {  	p0 =	sne.s32 s3, $0x0;
	s0 =	rddreg [dreg:$0x4]  }
0x6b: {  	s0 =	sadd.s32 @!p0 $0x100000, s0  }
0x6c: {  	[sflag:s0] =	ssyncadd.tile.s32 @!p0 $0x1;
	_ =	shalt  }
.Lfunc_end2:
_tile_overlayer_lowered:
.L_overlay_start_2:
0x6d: {  	(tag) =	ssettag $0x2  }
0x6e: {  	s0 =	rddreg [dreg:$0x0];
	s2 =	stileid.u32  }
0x6f: {  	s1 =	rddreg [dreg:$0x1];
	p0 =	sne.s32 s2, $0x0  }
0x70: {  	s3 =	rddreg [dreg:$0x2];
	[bflag:$0x3] =	sbarrier.arrive $0xFFFF;
	s2 =	simm.s32 @!p0 $0x1C05  }
0x71: {  	[timem:s3], [sflag:s2] =	dma.local @!p0 [hbm:s0], s1  }
0x72: {  	s0 =	simm.s32 @!p0 $0x5  }
0x73: {  	_ =	swait.ge @!p0 [sflag:s0], s1  }
0x74: {  	s1 =	ssub.s32 @!p0 $0x0, s1;
	[sflag:s0] =	ssyncset.done @!p0 $0x0  }
0x75: {  	[sflag:s0] =	ssyncadd.s32 @!p0 s1  }
0x76: {  	[bflag:$0x3] =	sbarrier.arrive $0xFFFF  }
0x77: {  	_ =	shalt  }

</sc_bundles>
